<compile_context>
chip_gen: v7x
topology: tpu7x:2x2x1
jax: 0.10.2.dev20260603
libtpu: 0.0.44.dev20260713+nightly
codegen_flags: <defaults>
</compile_context>

<pallas_src>
import functools

import jax
import jax.numpy as jnp
from jax import lax
from jax.experimental import pallas as pl
from jax.experimental.pallas import tpu as pltpu
from jax.experimental.pallas import tpu_sc as plsc

NC = 2
NS = 16
NW = NC * NS

NROW = 16384
RL = 50
D = 32
IB = 128
NBPW = NROW // (IB * NW)
L = 16
DEPTH = 5
NG = RL // DEPTH

_mesh = plsc.VectorSubcoreMesh(core_axis_name="c", subcore_axis_name="s")


@functools.partial(
    pl.kernel,
    mesh=_mesh,
    compiler_params=pltpu.CompilerParams(use_tc_tiling_on_sc=False,
                                         needs_layout_passes=False),
    out_type=jax.ShapeDtypeStruct((RL, D // 8, NROW // IB, 8, IB), jnp.float32),
    scratch_types=(
        [pltpu.VMEM((IB, RL), jnp.int32),
         pltpu.VMEM((RL, IB), jnp.int32)]
        + [pltpu.VMEM((IB, D), jnp.float32)] * DEPTH
        + [pltpu.VMEM((D, IB + 9), jnp.float32)] * DEPTH
        + [pltpu.SemaphoreType.DMA] * (2 * DEPTH)
    ),
)
def _embed(idx_hbm, tbl_hbm, out_hbm, xv, idxt, *rest):
    gbufs = rest[:DEPTH]
    tbufs = rest[DEPTH:2 * DEPTH]
    gsems = rest[2 * DEPTH:3 * DEPTH]
    osems = rest[3 * DEPTH:4 * DEPTH]

    wid = lax.axis_index("s") * NC + lax.axis_index("c")

    iota = lax.iota(jnp.int32, L)
    cvecs = [c0 + iota for c0 in (0, L)]
    zero = iota - iota

    def transpose_rows(gb, tb):
        def trow(i1, carry):
            ivec = zero + i1
            for h in range(2):
                vals = gb[i1, pl.ds(h * L, L)]
                plsc.store_scatter(tb, [cvecs[h], ivec], vals)
            return carry
        lax.fori_loop(0, IB, trow, 0, unroll=8)

    def issue_gather(j, p):
        pltpu.async_copy(tbl_hbm.at[idxt.at[j]], gbufs[p], gsems[p])

    def drain_gather(p):
        pltpu.make_async_copy(tbl_hbm.at[pl.ds(0, IB), :], gbufs[p],
                              gsems[p]).wait()

    def start_write(j, ibg, p):
        for cb in range(D // 8):
            pltpu.async_copy(tbufs[p].at[pl.ds(cb * 8, 8), pl.ds(0, IB)],
                             out_hbm.at[j, cb, ibg], osems[p])

    def wait_write(p):
        for cb in range(D // 8):
            pltpu.make_async_copy(tbufs[p].at[pl.ds(cb * 8, 8), pl.ds(0, IB)],
                                  out_hbm.at[0, cb, 0], osems[p]).wait()

    def block(b, carry):
        i0 = (wid * NBPW + b) * IB
        ibg = wid * NBPW + b
        pltpu.sync_copy(idx_hbm.at[pl.ds(i0, IB), :], xv)

        def tj(j, carry2):
            for ch in range(IB // L):
                vals = plsc.load_gather(xv, [iota + ch * L, zero + j])
                idxt[j, pl.ds(ch * L, L)] = vals
            return carry2
        lax.fori_loop(0, RL, tj, 0)

        for p in range(DEPTH):
            issue_gather(p, p)

        def group(g, carry2):
            for p in range(DEPTH):
                j = g * DEPTH + p
                drain_gather(p)

                @pl.when(g > 0)
                def _():
                    wait_write(p)

                transpose_rows(gbufs[p], tbufs[p])
                start_write(j, ibg, p)

                @pl.when(g < NG - 1)
                def _():
                    issue_gather(j + DEPTH, p)
            return carry2

        lax.fori_loop(0, NG, group, 0)
        for p in range(DEPTH):
            wait_write(p)
        return carry

    lax.fori_loop(0, NBPW, block, 0)


def kernel(x, weight):
    res5 = _embed(x.astype(jnp.int32), weight)
    return res5.transpose((2, 4, 0, 1, 3)).reshape((NROW, RL, D))

# --- scband reference (transcript-rebuilt; emitter-appended) ---
"""Pipeline reference for scband-embedding-3985729650807 (READ-ONLY COPY).

The authoritative reference and input builder live on the scoring server;
editing this copy changes nothing except your own understanding.
"""

import jax, jax.numpy as jnp
import numpy as np


def setup_inputs(seed: int = 0) -> dict:
    key = jax.random.key(seed)
    k1, k2 = jax.random.split(key)
    x = jax.random.randint(k1, (16384, 50), 0, 1000000, dtype=jnp.int64) if jax.config.jax_enable_x64 else jax.random.randint(k1, (16384, 50), 0, 1000000, dtype=jnp.int32)
    # learned parameter: embedding table (trunc normal approximated via clipped normal)
    w = jax.random.truncated_normal(k2, -3.0, 3.0, (1000000, 32), dtype=jnp.float32)
    return {"x": x, "weight": w}


def reference(x, weight):
    # Faithful translation of: return self.weight[x]
    return jnp.take(weight, x, axis=0)

if __name__ == "__main__":
    import jax
    _d = setup_inputs()
    print(jax.jit(kernel)(*tuple(_d.values())))

</pallas_src>

<mosaic_0001>
#map = affine_map<(d0, d1) -> (0, 0)>
#map1 = affine_map<(d0, d1) -> (0, 0, 0, 0, 0)>
module attributes {stable_mosaic.version = 14 : i64} {
  func.func @_embed(%arg0: i32, %arg1: i32, %arg2: memref<16384x50xi32, #tpu.memory_space<hbm>>, %arg3: memref<1000000x32xf32, #tpu.memory_space<hbm>>, %arg4: memref<50x4x128x8x128xf32, #tpu.memory_space<hbm>>, %arg5: memref<128x50xi32, #tpu.memory_space<vmem>>, %arg6: memref<50x128xi32, #tpu.memory_space<vmem>>, %arg7: memref<128x32xf32, #tpu.memory_space<vmem>>, %arg8: memref<128x32xf32, #tpu.memory_space<vmem>>, %arg9: memref<128x32xf32, #tpu.memory_space<vmem>>, %arg10: memref<128x32xf32, #tpu.memory_space<vmem>>, %arg11: memref<128x32xf32, #tpu.memory_space<vmem>>, %arg12: memref<32x137xf32, #tpu.memory_space<vmem>>, %arg13: memref<32x137xf32, #tpu.memory_space<vmem>>, %arg14: memref<32x137xf32, #tpu.memory_space<vmem>>, %arg15: memref<32x137xf32, #tpu.memory_space<vmem>>, %arg16: memref<32x137xf32, #tpu.memory_space<vmem>>, %arg17: memref<!tpu.dma_semaphore, #tpu.memory_space<semaphore_mem>>, %arg18: memref<!tpu.dma_semaphore, #tpu.memory_space<semaphore_mem>>, %arg19: memref<!tpu.dma_semaphore, #tpu.memory_space<semaphore_mem>>, %arg20: memref<!tpu.dma_semaphore, #tpu.memory_space<semaphore_mem>>, %arg21: memref<!tpu.dma_semaphore, #tpu.memory_space<semaphore_mem>>, %arg22: memref<!tpu.dma_semaphore, #tpu.memory_space<semaphore_mem>>, %arg23: memref<!tpu.dma_semaphore, #tpu.memory_space<semaphore_mem>>, %arg24: memref<!tpu.dma_semaphore, #tpu.memory_space<semaphore_mem>>, %arg25: memref<!tpu.dma_semaphore, #tpu.memory_space<semaphore_mem>>, %arg26: memref<!tpu.dma_semaphore, #tpu.memory_space<semaphore_mem>>) attributes {dimension_semantics = [#tpu.dimension_semantics<core_parallel>, #tpu.dimension_semantics<subcore_parallel>], iteration_bounds = array<i64: 2, 16>, scalar_prefetch = 0 : i64, scratch_operands = 22 : i64, tpu.core_type = #tpu.core_type<sc_vector_subcore>, window_params = [{transform_indices = #map}, {transform_indices = #map}, {transform_indices = #map1}]} {
    %mul3A = arith.constant 2 : i32
    %mul3A_0 = arith.muli %arg1, %mul3A : i32
    %add3A = arith.addi %mul3A_0, %arg0 : i32
    %iota3A = tpu.iota {dimensions = array<i32: 0>} : vector<16xi32>
    %add3A_1 = arith.constant 0 : i32
    %add3A_2 = vector.broadcast %add3A_1 : i32 to vector<16xi32>
    %add3A_3 = arith.addi %add3A_2, %iota3A : vector<16xi32>
    %add3A_4 = arith.constant 16 : i32
    %add3A_5 = vector.broadcast %add3A_4 : i32 to vector<16xi32>
    %add3A_6 = arith.addi %add3A_5, %iota3A : vector<16xi32>
    %sub3A = arith.subi %iota3A, %iota3A : vector<16xi32>
    %scan3A = arith.constant 0 : i32
    %scan3A_7 = arith.constant 0 : i32
    %scan3A_8 = arith.constant 4 : i32
    %scan3A_9 = arith.addi %scan3A_7, %scan3A_8 : i32
    %scan3A_10 = arith.constant 1 : i32
    scf.for %scan3A_12 = %scan3A_7 to %scan3A_9 step %scan3A_10  : i32 {
      %mul3A_13 = arith.constant 4 : i32
      %mul3A_14 = arith.muli %add3A, %mul3A_13 : i32
      %add3A_15 = arith.addi %mul3A_14, %scan3A_12 : i32
      %mul3A_16 = arith.constant 128 : i32
      %mul3A_17 = arith.muli %add3A_15, %mul3A_16 : i32
      %mul3A_18 = arith.constant 4 : i32
      %mul3A_19 = arith.muli %add3A, %mul3A_18 : i32
      %add3A_20 = arith.addi %mul3A_19, %scan3A_12 : i32
      "tpu.region"() ({
        %run_scoped3A = tpu.sem_alloc : memref<!tpu.dma_semaphore, #tpu.memory_space<semaphore_mem>>
        %dma_start3A_406 = arith.constant 0 : i32
        %dma_start3A_407 = tpu.memref_slice %arg2[%mul3A_17, %dma_start3A_406] : memref<16384x50xi32, #tpu.memory_space<hbm>> -> memref<128x50xi32, #tpu.memory_space<hbm>>
        %dma_start3A_408 = arith.constant 0 : i32
        %dma_start3A_409 = tpu.memref_slice %arg2[%mul3A_17, %dma_start3A_408] : memref<16384x50xi32, #tpu.memory_space<hbm>> -> memref<128x50xi32, #tpu.memory_space<hbm>>
        tpu.enqueue_dma source(%dma_start3A_409 : memref<128x50xi32, #tpu.memory_space<hbm>>) target(%arg5 : memref<128x50xi32, #tpu.memory_space<vmem>>) target_semaphore(%run_scoped3A : memref<!tpu.dma_semaphore, #tpu.memory_space<semaphore_mem>>)
        %dma_wait3A_410 = arith.constant 0 : i32
        %dma_wait3A_411 = tpu.memref_slice %arg2[%mul3A_17, %dma_wait3A_410] : memref<16384x50xi32, #tpu.memory_space<hbm>> -> memref<128x50xi32, #tpu.memory_space<hbm>>
        %dma_wait3A_412 = arith.constant 0 : i32
        %dma_wait3A_413 = tpu.memref_slice %arg2[%mul3A_17, %dma_wait3A_412] : memref<16384x50xi32, #tpu.memory_space<hbm>> -> memref<128x50xi32, #tpu.memory_space<hbm>>
        tpu.wait_dma2 semaphore(%run_scoped3A : memref<!tpu.dma_semaphore, #tpu.memory_space<semaphore_mem>>) src(%dma_wait3A_413 : memref<128x50xi32, #tpu.memory_space<hbm>>) dst(%arg5 : memref<128x50xi32, #tpu.memory_space<vmem>>)
        tpu.yield
      }) : () -> ()
      %scan3A_21 = arith.constant 0 : i32
      %scan3A_22 = arith.constant 0 : i32
      %scan3A_23 = arith.constant 50 : i32
      %scan3A_24 = arith.addi %scan3A_22, %scan3A_23 : i32
      %scan3A_25 = arith.constant 1 : i32
      scf.for %scan3A_406 = %scan3A_22 to %scan3A_24 step %scan3A_25  : i32 {
        %add3A_407 = arith.constant 0 : i32
        %add3A_408 = vector.broadcast %add3A_407 : i32 to vector<16xi32>
        %add3A_409 = arith.addi %iota3A, %add3A_408 : vector<16xi32>
        %add3A_410 = vector.broadcast %scan3A_406 : i32 to vector<16xi32>
        %add3A_411 = arith.addi %sub3A, %add3A_410 : vector<16xi32>
        %gather3A = tpu.vector_load_idx %arg5[%add3A_409, %add3A_411] : memref<128x50xi32, #tpu.memory_space<vmem>>[vector<16xi32>, vector<16xi32>], vector<16xi32>,
        %swap3A = arith.index_cast %scan3A_406 : i32 to index
        %swap3A_412 = arith.constant 0 : index
        %swap3A_413 = tpu.vector_load %arg6[%swap3A, %swap3A_412] {strides = array<i32>} : memref<50x128xi32, #tpu.memory_space<vmem>>, vector<16xi32>,
        tpu.vector_store %arg6[%swap3A, %swap3A_412], %gather3A {strides = array<i32>} : memref<50x128xi32, #tpu.memory_space<vmem>>, vector<16xi32>,
        %add3A_414 = arith.constant 16 : i32
        %add3A_415 = vector.broadcast %add3A_414 : i32 to vector<16xi32>
        %add3A_416 = arith.addi %iota3A, %add3A_415 : vector<16xi32>
        %add3A_417 = vector.broadcast %scan3A_406 : i32 to vector<16xi32>
        %add3A_418 = arith.addi %sub3A, %add3A_417 : vector<16xi32>
        %gather3A_419 = tpu.vector_load_idx %arg5[%add3A_416, %add3A_418] : memref<128x50xi32, #tpu.memory_space<vmem>>[vector<16xi32>, vector<16xi32>], vector<16xi32>,
        %swap3A_420 = arith.index_cast %scan3A_406 : i32 to index
        %swap3A_421 = arith.constant 16 : index
        %swap3A_422 = tpu.vector_load %arg6[%swap3A_420, %swap3A_421] {strides = array<i32>} : memref<50x128xi32, #tpu.memory_space<vmem>>, vector<16xi32>,
        tpu.vector_store %arg6[%swap3A_420, %swap3A_421], %gather3A_419 {strides = array<i32>} : memref<50x128xi32, #tpu.memory_space<vmem>>, vector<16xi32>,
        %add3A_423 = arith.constant 32 : i32
        %add3A_424 = vector.broadcast %add3A_423 : i32 to vector<16xi32>
        %add3A_425 = arith.addi %iota3A, %add3A_424 : vector<16xi32>
        %add3A_426 = vector.broadcast %scan3A_406 : i32 to vector<16xi32>
        %add3A_427 = arith.addi %sub3A, %add3A_426 : vector<16xi32>
        %gather3A_428 = tpu.vector_load_idx %arg5[%add3A_425, %add3A_427] : memref<128x50xi32, #tpu.memory_space<vmem>>[vector<16xi32>, vector<16xi32>], vector<16xi32>,
        %swap3A_429 = arith.index_cast %scan3A_406 : i32 to index
        %swap3A_430 = arith.constant 32 : index
        %swap3A_431 = tpu.vector_load %arg6[%swap3A_429, %swap3A_430] {strides = array<i32>} : memref<50x128xi32, #tpu.memory_space<vmem>>, vector<16xi32>,
        tpu.vector_store %arg6[%swap3A_429, %swap3A_430], %gather3A_428 {strides = array<i32>} : memref<50x128xi32, #tpu.memory_space<vmem>>, vector<16xi32>,
        %add3A_432 = arith.constant 48 : i32
        %add3A_433 = vector.broadcast %add3A_432 : i32 to vector<16xi32>
        %add3A_434 = arith.addi %iota3A, %add3A_433 : vector<16xi32>
        %add3A_435 = vector.broadcast %scan3A_406 : i32 to vector<16xi32>
        %add3A_436 = arith.addi %sub3A, %add3A_435 : vector<16xi32>
        %gather3A_437 = tpu.vector_load_idx %arg5[%add3A_434, %add3A_436] : memref<128x50xi32, #tpu.memory_space<vmem>>[vector<16xi32>, vector<16xi32>], vector<16xi32>,
        %swap3A_438 = arith.index_cast %scan3A_406 : i32 to index
        %swap3A_439 = arith.constant 48 : index
        %swap3A_440 = tpu.vector_load %arg6[%swap3A_438, %swap3A_439] {strides = array<i32>} : memref<50x128xi32, #tpu.memory_space<vmem>>, vector<16xi32>,
        tpu.vector_store %arg6[%swap3A_438, %swap3A_439], %gather3A_437 {strides = array<i32>} : memref<50x128xi32, #tpu.memory_space<vmem>>, vector<16xi32>,
        %add3A_441 = arith.constant 64 : i32
        %add3A_442 = vector.broadcast %add3A_441 : i32 to vector<16xi32>
        %add3A_443 = arith.addi %iota3A, %add3A_442 : vector<16xi32>
        %add3A_444 = vector.broadcast %scan3A_406 : i32 to vector<16xi32>
        %add3A_445 = arith.addi %sub3A, %add3A_444 : vector<16xi32>
        %gather3A_446 = tpu.vector_load_idx %arg5[%add3A_443, %add3A_445] : memref<128x50xi32, #tpu.memory_space<vmem>>[vector<16xi32>, vector<16xi32>], vector<16xi32>,
        %swap3A_447 = arith.index_cast %scan3A_406 : i32 to index
        %swap3A_448 = arith.constant 64 : index
        %swap3A_449 = tpu.vector_load %arg6[%swap3A_447, %swap3A_448] {strides = array<i32>} : memref<50x128xi32, #tpu.memory_space<vmem>>, vector<16xi32>,
        tpu.vector_store %arg6[%swap3A_447, %swap3A_448], %gather3A_446 {strides = array<i32>} : memref<50x128xi32, #tpu.memory_space<vmem>>, vector<16xi32>,
        %add3A_450 = arith.constant 80 : i32
        %add3A_451 = vector.broadcast %add3A_450 : i32 to vector<16xi32>
        %add3A_452 = arith.addi %iota3A, %add3A_451 : vector<16xi32>
        %add3A_453 = vector.broadcast %scan3A_406 : i32 to vector<16xi32>
        %add3A_454 = arith.addi %sub3A, %add3A_453 : vector<16xi32>
        %gather3A_455 = tpu.vector_load_idx %arg5[%add3A_452, %add3A_454] : memref<128x50xi32, #tpu.memory_space<vmem>>[vector<16xi32>, vector<16xi32>], vector<16xi32>,
        %swap3A_456 = arith.index_cast %scan3A_406 : i32 to index
        %swap3A_457 = arith.constant 80 : index
        %swap3A_458 = tpu.vector_load %arg6[%swap3A_456, %swap3A_457] {strides = array<i32>} : memref<50x128xi32, #tpu.memory_space<vmem>>, vector<16xi32>,
        tpu.vector_store %arg6[%swap3A_456, %swap3A_457], %gather3A_455 {strides = array<i32>} : memref<50x128xi32, #tpu.memory_space<vmem>>, vector<16xi32>,
        %add3A_459 = arith.constant 96 : i32
        %add3A_460 = vector.broadcast %add3A_459 : i32 to vector<16xi32>
        %add3A_461 = arith.addi %iota3A, %add3A_460 : vector<16xi32>
        %add3A_462 = vector.broadcast %scan3A_406 : i32 to vector<16xi32>
        %add3A_463 = arith.addi %sub3A, %add3A_462 : vector<16xi32>
        %gather3A_464 = tpu.vector_load_idx %arg5[%add3A_461, %add3A_463] : memref<128x50xi32, #tpu.memory_space<vmem>>[vector<16xi32>, vector<16xi32>], vector<16xi32>,
        %swap3A_465 = arith.index_cast %scan3A_406 : i32 to index
        %swap3A_466 = arith.constant 96 : index
        %swap3A_467 = tpu.vector_load %arg6[%swap3A_465, %swap3A_466] {strides = array<i32>} : memref<50x128xi32, #tpu.memory_space<vmem>>, vector<16xi32>,
        tpu.vector_store %arg6[%swap3A_465, %swap3A_466], %gather3A_464 {strides = array<i32>} : memref<50x128xi32, #tpu.memory_space<vmem>>, vector<16xi32>,
        %add3A_468 = arith.constant 112 : i32
        %add3A_469 = vector.broadcast %add3A_468 : i32 to vector<16xi32>
        %add3A_470 = arith.addi %iota3A, %add3A_469 : vector<16xi32>
        %add3A_471 = vector.broadcast %scan3A_406 : i32 to vector<16xi32>
        %add3A_472 = arith.addi %sub3A, %add3A_471 : vector<16xi32>
        %gather3A_473 = tpu.vector_load_idx %arg5[%add3A_470, %add3A_472] : memref<128x50xi32, #tpu.memory_space<vmem>>[vector<16xi32>, vector<16xi32>], vector<16xi32>,
        %swap3A_474 = arith.index_cast %scan3A_406 : i32 to index
        %swap3A_475 = arith.constant 112 : index
        %swap3A_476 = tpu.vector_load %arg6[%swap3A_474, %swap3A_475] {strides = array<i32>} : memref<50x128xi32, #tpu.memory_space<vmem>>, vector<16xi32>,
        tpu.vector_store %arg6[%swap3A_474, %swap3A_475], %gather3A_473 {strides = array<i32>} : memref<50x128xi32, #tpu.memory_space<vmem>>, vector<16xi32>,
      }
      %scan3A_26 = arith.constant 50 : i32
      %dma_start3A = arith.constant 0 : i32
      %dma_start3A_27 = arith.constant 0 : i32
      %dma_start3A_28 = tpu.memref_slice %arg6[%dma_start3A, %dma_start3A_27] : memref<50x128xi32, #tpu.memory_space<vmem>> -> memref<1x128xi32, #tpu.memory_space<vmem>>
      %dma_start3A_29 = tpu.memref_squeeze %dma_start3A_28 : memref<1x128xi32, #tpu.memory_space<vmem>> -> memref<128xi32, #tpu.memory_space<vmem>>
      %dma_start3A_30 = arith.constant 0 : i32
      %dma_start3A_31 = arith.constant 0 : i32
      %dma_start3A_32 = tpu.memref_slice %arg3[%dma_start3A_30, %dma_start3A_31] : memref<1000000x32xf32, #tpu.memory_space<hbm>> -> memref<1000000x32xf32, #tpu.memory_space<hbm>>
      tpu.enqueue_indirect_dma source(%dma_start3A_32 : memref<1000000x32xf32, #tpu.memory_space<hbm>>) target(%arg7 : memref<128x32xf32, #tpu.memory_space<vmem>>) offsets(%dma_start3A_29 : memref<128xi32, #tpu.memory_space<vmem>>) semaphore(%arg17 : memref<!tpu.dma_semaphore, #tpu.memory_space<semaphore_mem>>)
      %dma_start3A_33 = arith.constant 1 : i32
      %dma_start3A_34 = arith.constant 0 : i32
      %dma_start3A_35 = tpu.memref_slice %arg6[%dma_start3A_33, %dma_start3A_34] : memref<50x128xi32, #tpu.memory_space<vmem>> -> memref<1x128xi32, #tpu.memory_space<vmem>>
      %dma_start3A_36 = tpu.memref_squeeze %dma_start3A_35 : memref<1x128xi32, #tpu.memory_space<vmem>> -> memref<128xi32, #tpu.memory_space<vmem>>
      %dma_start3A_37 = arith.constant 0 : i32
      %dma_start3A_38 = arith.constant 0 : i32
      %dma_start3A_39 = tpu.memref_slice %arg3[%dma_start3A_37, %dma_start3A_38] : memref<1000000x32xf32, #tpu.memory_space<hbm>> -> memref<1000000x32xf32, #tpu.memory_space<hbm>>
      tpu.enqueue_indirect_dma source(%dma_start3A_39 : memref<1000000x32xf32, #tpu.memory_space<hbm>>) target(%arg8 : memref<128x32xf32, #tpu.memory_space<vmem>>) offsets(%dma_start3A_36 : memref<128xi32, #tpu.memory_space<vmem>>) semaphore(%arg18 : memref<!tpu.dma_semaphore, #tpu.memory_space<semaphore_mem>>)
      %dma_start3A_40 = arith.constant 2 : i32
      %dma_start3A_41 = arith.constant 0 : i32
      %dma_start3A_42 = tpu.memref_slice %arg6[%dma_start3A_40, %dma_start3A_41] : memref<50x128xi32, #tpu.memory_space<vmem>> -> memref<1x128xi32, #tpu.memory_space<vmem>>
      %dma_start3A_43 = tpu.memref_squeeze %dma_start3A_42 : memref<1x128xi32, #tpu.memory_space<vmem>> -> memref<128xi32, #tpu.memory_space<vmem>>
      %dma_start3A_44 = arith.constant 0 : i32
      %dma_start3A_45 = arith.constant 0 : i32
      %dma_start3A_46 = tpu.memref_slice %arg3[%dma_start3A_44, %dma_start3A_45] : memref<1000000x32xf32, #tpu.memory_space<hbm>> -> memref<1000000x32xf32, #tpu.memory_space<hbm>>
      tpu.enqueue_indirect_dma source(%dma_start3A_46 : memref<1000000x32xf32, #tpu.memory_space<hbm>>) target(%arg9 : memref<128x32xf32, #tpu.memory_space<vmem>>) offsets(%dma_start3A_43 : memref<128xi32, #tpu.memory_space<vmem>>) semaphore(%arg19 : memref<!tpu.dma_semaphore, #tpu.memory_space<semaphore_mem>>)
      %dma_start3A_47 = arith.constant 3 : i32
      %dma_start3A_48 = arith.constant 0 : i32
      %dma_start3A_49 = tpu.memref_slice %arg6[%dma_start3A_47, %dma_start3A_48] : memref<50x128xi32, #tpu.memory_space<vmem>> -> memref<1x128xi32, #tpu.memory_space<vmem>>
      %dma_start3A_50 = tpu.memref_squeeze %dma_start3A_49 : memref<1x128xi32, #tpu.memory_space<vmem>> -> memref<128xi32, #tpu.memory_space<vmem>>
      %dma_start3A_51 = arith.constant 0 : i32
      %dma_start3A_52 = arith.constant 0 : i32
      %dma_start3A_53 = tpu.memref_slice %arg3[%dma_start3A_51, %dma_start3A_52] : memref<1000000x32xf32, #tpu.memory_space<hbm>> -> memref<1000000x32xf32, #tpu.memory_space<hbm>>
      tpu.enqueue_indirect_dma source(%dma_start3A_53 : memref<1000000x32xf32, #tpu.memory_space<hbm>>) target(%arg10 : memref<128x32xf32, #tpu.memory_space<vmem>>) offsets(%dma_start3A_50 : memref<128xi32, #tpu.memory_space<vmem>>) semaphore(%arg20 : memref<!tpu.dma_semaphore, #tpu.memory_space<semaphore_mem>>)
      %dma_start3A_54 = arith.constant 4 : i32
      %dma_start3A_55 = arith.constant 0 : i32
      %dma_start3A_56 = tpu.memref_slice %arg6[%dma_start3A_54, %dma_start3A_55] : memref<50x128xi32, #tpu.memory_space<vmem>> -> memref<1x128xi32, #tpu.memory_space<vmem>>
      %dma_start3A_57 = tpu.memref_squeeze %dma_start3A_56 : memref<1x128xi32, #tpu.memory_space<vmem>> -> memref<128xi32, #tpu.memory_space<vmem>>
      %dma_start3A_58 = arith.constant 0 : i32
      %dma_start3A_59 = arith.constant 0 : i32
      %dma_start3A_60 = tpu.memref_slice %arg3[%dma_start3A_58, %dma_start3A_59] : memref<1000000x32xf32, #tpu.memory_space<hbm>> -> memref<1000000x32xf32, #tpu.memory_space<hbm>>
      tpu.enqueue_indirect_dma source(%dma_start3A_60 : memref<1000000x32xf32, #tpu.memory_space<hbm>>) target(%arg11 : memref<128x32xf32, #tpu.memory_space<vmem>>) offsets(%dma_start3A_57 : memref<128xi32, #tpu.memory_space<vmem>>) semaphore(%arg21 : memref<!tpu.dma_semaphore, #tpu.memory_space<semaphore_mem>>)
      %scan3A_61 = arith.constant 0 : i32
      %scan3A_62 = arith.constant 0 : i32
      %scan3A_63 = arith.constant 10 : i32
      %scan3A_64 = arith.addi %scan3A_62, %scan3A_63 : i32
      %scan3A_65 = arith.constant 1 : i32
      scf.for %scan3A_406 = %scan3A_62 to %scan3A_64 step %scan3A_65  : i32 {
        %mul3A_407 = arith.constant 5 : i32
        %mul3A_408 = arith.muli %scan3A_406, %mul3A_407 : i32
        %add3A_409 = arith.constant 0 : i32
        %add3A_410 = arith.addi %mul3A_408, %add3A_409 : i32
        %dma_wait3A_411 = arith.constant 0 : i32
        %dma_wait3A_412 = arith.constant 0 : i32
        %dma_wait3A_413 = tpu.memref_slice %arg3[%dma_wait3A_411, %dma_wait3A_412] : memref<1000000x32xf32, #tpu.memory_space<hbm>> -> memref<128x32xf32, #tpu.memory_space<hbm>>
        %dma_wait3A_414 = arith.constant 0 : i32
        %dma_wait3A_415 = arith.constant 0 : i32
        %dma_wait3A_416 = tpu.memref_slice %arg3[%dma_wait3A_414, %dma_wait3A_415] : memref<1000000x32xf32, #tpu.memory_space<hbm>> -> memref<128x32xf32, #tpu.memory_space<hbm>>
        tpu.wait_dma2 semaphore(%arg17 : memref<!tpu.dma_semaphore, #tpu.memory_space<semaphore_mem>>) src(%dma_wait3A_416 : memref<128x32xf32, #tpu.memory_space<hbm>>) dst(%arg7 : memref<128x32xf32, #tpu.memory_space<vmem>>)
        %gt3A = arith.constant 0 : i32
        %gt3A_417 = arith.cmpi sgt, %scan3A_406, %gt3A : i32
        %convert_element_type3A = arith.extui %gt3A_417 : i1 to i32
        %cond3A = arith.constant 0 : i32
        %cond3A_418 = arith.cmpi ne, %convert_element_type3A, %cond3A : i32
        scf.if %cond3A_418 {
          %dma_wait3A_833 = arith.constant 0 : i32
          %dma_wait3A_834 = arith.constant 0 : i32
          %dma_wait3A_835 = arith.constant 0 : i32
          %dma_wait3A_836 = arith.constant 0 : i32
          %dma_wait3A_837 = arith.constant 0 : i32
          %dma_wait3A_838 = tpu.memref_slice %arg12[%dma_wait3A_836, %dma_wait3A_837] : memref<32x137xf32, #tpu.memory_space<vmem>> -> memref<8x128xf32, #tpu.memory_space<vmem>>
          %dma_wait3A_839 = arith.constant 0 : i32
          %dma_wait3A_840 = arith.constant 0 : i32
          %dma_wait3A_841 = tpu.memref_slice %arg4[%dma_wait3A_833, %dma_wait3A_834, %dma_wait3A_835, %dma_wait3A_839, %dma_wait3A_840] : memref<50x4x128x8x128xf32, #tpu.memory_space<hbm>> -> memref<1x1x1x8x128xf32, #tpu.memory_space<hbm>>
          %dma_wait3A_842 = tpu.memref_squeeze %dma_wait3A_841 : memref<1x1x1x8x128xf32, #tpu.memory_space<hbm>> -> memref<8x128xf32, #tpu.memory_space<hbm>>
          %dma_wait3A_843 = arith.constant 0 : i32
          %dma_wait3A_844 = arith.constant 0 : i32
          %dma_wait3A_845 = tpu.memref_slice %arg4[%dma_wait3A_833, %dma_wait3A_834, %dma_wait3A_835, %dma_wait3A_843, %dma_wait3A_844] : memref<50x4x128x8x128xf32, #tpu.memory_space<hbm>> -> memref<1x1x1x8x128xf32, #tpu.memory_space<hbm>>
          %dma_wait3A_846 = tpu.memref_squeeze %dma_wait3A_845 : memref<1x1x1x8x128xf32, #tpu.memory_space<hbm>> -> memref<8x128xf32, #tpu.memory_space<hbm>>
          %dma_wait3A_847 = arith.constant 0 : i32
          %dma_wait3A_848 = arith.constant 0 : i32
          %dma_wait3A_849 = tpu.memref_slice %arg12[%dma_wait3A_847, %dma_wait3A_848] : memref<32x137xf32, #tpu.memory_space<vmem>> -> memref<8x128xf32, #tpu.memory_space<vmem>>
          tpu.wait_dma2 semaphore(%arg22 : memref<!tpu.dma_semaphore, #tpu.memory_space<semaphore_mem>>) src(%dma_wait3A_849 : memref<8x128xf32, #tpu.memory_space<vmem>>) dst(%dma_wait3A_846 : memref<8x128xf32, #tpu.memory_space<hbm>>)
          %dma_wait3A_850 = arith.constant 0 : i32
          %dma_wait3A_851 = arith.constant 1 : i32
          %dma_wait3A_852 = arith.constant 0 : i32
          %dma_wait3A_853 = arith.constant 8 : i32
          %dma_wait3A_854 = arith.constant 0 : i32
          %dma_wait3A_855 = tpu.memref_slice %arg12[%dma_wait3A_853, %dma_wait3A_854] : memref<32x137xf32, #tpu.memory_space<vmem>> -> memref<8x128xf32, #tpu.memory_space<vmem>>
          %dma_wait3A_856 = arith.constant 0 : i32
          %dma_wait3A_857 = arith.constant 0 : i32
          %dma_wait3A_858 = tpu.memref_slice %arg4[%dma_wait3A_850, %dma_wait3A_851, %dma_wait3A_852, %dma_wait3A_856, %dma_wait3A_857] : memref<50x4x128x8x128xf32, #tpu.memory_space<hbm>> -> memref<1x1x1x8x128xf32, #tpu.memory_space<hbm>>
          %dma_wait3A_859 = tpu.memref_squeeze %dma_wait3A_858 : memref<1x1x1x8x128xf32, #tpu.memory_space<hbm>> -> memref<8x128xf32, #tpu.memory_space<hbm>>
          %dma_wait3A_860 = arith.constant 0 : i32
          %dma_wait3A_861 = arith.constant 0 : i32
          %dma_wait3A_862 = tpu.memref_slice %arg4[%dma_wait3A_850, %dma_wait3A_851, %dma_wait3A_852, %dma_wait3A_860, %dma_wait3A_861] : memref<50x4x128x8x128xf32, #tpu.memory_space<hbm>> -> memref<1x1x1x8x128xf32, #tpu.memory_space<hbm>>
          %dma_wait3A_863 = tpu.memref_squeeze %dma_wait3A_862 : memref<1x1x1x8x128xf32, #tpu.memory_space<hbm>> -> memref<8x128xf32, #tpu.memory_space<hbm>>
          %dma_wait3A_864 = arith.constant 8 : i32
          %dma_wait3A_865 = arith.constant 0 : i32
          %dma_wait3A_866 = tpu.memref_slice %arg12[%dma_wait3A_864, %dma_wait3A_865] : memref<32x137xf32, #tpu.memory_space<vmem>> -> memref<8x128xf32, #tpu.memory_space<vmem>>
          tpu.wait_dma2 semaphore(%arg22 : memref<!tpu.dma_semaphore, #tpu.memory_space<semaphore_mem>>) src(%dma_wait3A_866 : memref<8x128xf32, #tpu.memory_space<vmem>>) dst(%dma_wait3A_863 : memref<8x128xf32, #tpu.memory_space<hbm>>)
          %dma_wait3A_867 = arith.constant 0 : i32
          %dma_wait3A_868 = arith.constant 2 : i32
          %dma_wait3A_869 = arith.constant 0 : i32
          %dma_wait3A_870 = arith.constant 16 : i32
          %dma_wait3A_871 = arith.constant 0 : i32
          %dma_wait3A_872 = tpu.memref_slice %arg12[%dma_wait3A_870, %dma_wait3A_871] : memref<32x137xf32, #tpu.memory_space<vmem>> -> memref<8x128xf32, #tpu.memory_space<vmem>>
          %dma_wait3A_873 = arith.constant 0 : i32
          %dma_wait3A_874 = arith.constant 0 : i32
          %dma_wait3A_875 = tpu.memref_slice %arg4[%dma_wait3A_867, %dma_wait3A_868, %dma_wait3A_869, %dma_wait3A_873, %dma_wait3A_874] : memref<50x4x128x8x128xf32, #tpu.memory_space<hbm>> -> memref<1x1x1x8x128xf32, #tpu.memory_space<hbm>>
          %dma_wait3A_876 = tpu.memref_squeeze %dma_wait3A_875 : memref<1x1x1x8x128xf32, #tpu.memory_space<hbm>> -> memref<8x128xf32, #tpu.memory_space<hbm>>
          %dma_wait3A_877 = arith.constant 0 : i32
          %dma_wait3A_878 = arith.constant 0 : i32
          %dma_wait3A_879 = tpu.memref_slice %arg4[%dma_wait3A_867, %dma_wait3A_868, %dma_wait3A_869, %dma_wait3A_877, %dma_wait3A_878] : memref<50x4x128x8x128xf32, #tpu.memory_space<hbm>> -> memref<1x1x1x8x128xf32, #tpu.memory_space<hbm>>
          %dma_wait3A_880 = tpu.memref_squeeze %dma_wait3A_879 : memref<1x1x1x8x128xf32, #tpu.memory_space<hbm>> -> memref<8x128xf32, #tpu.memory_space<hbm>>
          %dma_wait3A_881 = arith.constant 16 : i32
          %dma_wait3A_882 = arith.constant 0 : i32
          %dma_wait3A_883 = tpu.memref_slice %arg12[%dma_wait3A_881, %dma_wait3A_882] : memref<32x137xf32, #tpu.memory_space<vmem>> -> memref<8x128xf32, #tpu.memory_space<vmem>>
          tpu.wait_dma2 semaphore(%arg22 : memref<!tpu.dma_semaphore, #tpu.memory_space<semaphore_mem>>) src(%dma_wait3A_883 : memref<8x128xf32, #tpu.memory_space<vmem>>) dst(%dma_wait3A_880 : memref<8x128xf32, #tpu.memory_space<hbm>>)
          %dma_wait3A_884 = arith.constant 0 : i32
          %dma_wait3A_885 = arith.constant 3 : i32
          %dma_wait3A_886 = arith.constant 0 : i32
          %dma_wait3A_887 = arith.constant 24 : i32
          %dma_wait3A_888 = arith.constant 0 : i32
          %dma_wait3A_889 = tpu.memref_slice %arg12[%dma_wait3A_887, %dma_wait3A_888] : memref<32x137xf32, #tpu.memory_space<vmem>> -> memref<8x128xf32, #tpu.memory_space<vmem>>
          %dma_wait3A_890 = arith.constant 0 : i32
          %dma_wait3A_891 = arith.constant 0 : i32
          %dma_wait3A_892 = tpu.memref_slice %arg4[%dma_wait3A_884, %dma_wait3A_885, %dma_wait3A_886, %dma_wait3A_890, %dma_wait3A_891] : memref<50x4x128x8x128xf32, #tpu.memory_space<hbm>> -> memref<1x1x1x8x128xf32, #tpu.memory_space<hbm>>
          %dma_wait3A_893 = tpu.memref_squeeze %dma_wait3A_892 : memref<1x1x1x8x128xf32, #tpu.memory_space<hbm>> -> memref<8x128xf32, #tpu.memory_space<hbm>>
          %dma_wait3A_894 = arith.constant 0 : i32
          %dma_wait3A_895 = arith.constant 0 : i32
          %dma_wait3A_896 = tpu.memref_slice %arg4[%dma_wait3A_884, %dma_wait3A_885, %dma_wait3A_886, %dma_wait3A_894, %dma_wait3A_895] : memref<50x4x128x8x128xf32, #tpu.memory_space<hbm>> -> memref<1x1x1x8x128xf32, #tpu.memory_space<hbm>>
          %dma_wait3A_897 = tpu.memref_squeeze %dma_wait3A_896 : memref<1x1x1x8x128xf32, #tpu.memory_space<hbm>> -> memref<8x128xf32, #tpu.memory_space<hbm>>
          %dma_wait3A_898 = arith.constant 24 : i32
          %dma_wait3A_899 = arith.constant 0 : i32
          %dma_wait3A_900 = tpu.memref_slice %arg12[%dma_wait3A_898, %dma_wait3A_899] : memref<32x137xf32, #tpu.memory_space<vmem>> -> memref<8x128xf32, #tpu.memory_space<vmem>>
          tpu.wait_dma2 semaphore(%arg22 : memref<!tpu.dma_semaphore, #tpu.memory_space<semaphore_mem>>) src(%dma_wait3A_900 : memref<8x128xf32, #tpu.memory_space<vmem>>) dst(%dma_wait3A_897 : memref<8x128xf32, #tpu.memory_space<hbm>>)
        } else {
        }
        %scan3A_419 = arith.constant 0 : i32
        %scan3A_420 = arith.constant 0 : i32
        %scan3A_421 = arith.constant 128 : i32
        %scan3A_422 = arith.addi %scan3A_420, %scan3A_421 : i32
        %scan3A_423 = arith.constant 8 : i32
        scf.for %scan3A_833 = %scan3A_420 to %scan3A_422 step %scan3A_423  : i32 {
          %add3A_834 = vector.broadcast %scan3A_833 : i32 to vector<16xi32>
          %add3A_835 = arith.addi %sub3A, %add3A_834 : vector<16xi32>
          %get3A = arith.index_cast %scan3A_833 : i32 to index
          %get3A_836 = arith.constant 0 : index
          %get3A_837 = tpu.vector_load %arg7[%get3A, %get3A_836] {strides = array<i32>} : memref<128x32xf32, #tpu.memory_space<vmem>>, vector<16xf32>,
          tpu.vector_store_idx %arg12[%add3A_3, %add3A_835], %get3A_837 : memref<32x137xf32, #tpu.memory_space<vmem>>[vector<16xi32>, vector<16xi32>], vector<16xf32>,
          %get3A_838 = arith.index_cast %scan3A_833 : i32 to index
          %get3A_839 = arith.constant 16 : index
          %get3A_840 = tpu.vector_load %arg7[%get3A_838, %get3A_839] {strides = array<i32>} : memref<128x32xf32, #tpu.memory_space<vmem>>, vector<16xf32>,
          tpu.vector_store_idx %arg12[%add3A_6, %add3A_835], %get3A_840 : memref<32x137xf32, #tpu.memory_space<vmem>>[vector<16xi32>, vector<16xi32>], vector<16xf32>,
          %scan3A_841 = arith.constant 1 : i32
          %scan3A_842 = arith.addi %scan3A_833, %scan3A_841 : i32
          %add3A_843 = vector.broadcast %scan3A_842 : i32 to vector<16xi32>
          %add3A_844 = arith.addi %sub3A, %add3A_843 : vector<16xi32>
          %get3A_845 = arith.index_cast %scan3A_842 : i32 to index
          %get3A_846 = arith.constant 0 : index
          %get3A_847 = tpu.vector_load %arg7[%get3A_845, %get3A_846] {strides = array<i32>} : memref<128x32xf32, #tpu.memory_space<vmem>>, vector<16xf32>,
          tpu.vector_store_idx %arg12[%add3A_3, %add3A_844], %get3A_847 : memref<32x137xf32, #tpu.memory_space<vmem>>[vector<16xi32>, vector<16xi32>], vector<16xf32>,
          %get3A_848 = arith.index_cast %scan3A_842 : i32 to index
          %get3A_849 = arith.constant 16 : index
          %get3A_850 = tpu.vector_load %arg7[%get3A_848, %get3A_849] {strides = array<i32>} : memref<128x32xf32, #tpu.memory_space<vmem>>, vector<16xf32>,
          tpu.vector_store_idx %arg12[%add3A_6, %add3A_844], %get3A_850 : memref<32x137xf32, #tpu.memory_space<vmem>>[vector<16xi32>, vector<16xi32>], vector<16xf32>,
          %scan3A_851 = arith.constant 2 : i32
          %scan3A_852 = arith.addi %scan3A_833, %scan3A_851 : i32
          %add3A_853 = vector.broadcast %scan3A_852 : i32 to vector<16xi32>
          %add3A_854 = arith.addi %sub3A, %add3A_853 : vector<16xi32>
          %get3A_855 = arith.index_cast %scan3A_852 : i32 to index
          %get3A_856 = arith.constant 0 : index
          %get3A_857 = tpu.vector_load %arg7[%get3A_855, %get3A_856] {strides = array<i32>} : memref<128x32xf32, #tpu.memory_space<vmem>>, vector<16xf32>,
          tpu.vector_store_idx %arg12[%add3A_3, %add3A_854], %get3A_857 : memref<32x137xf32, #tpu.memory_space<vmem>>[vector<16xi32>, vector<16xi32>], vector<16xf32>,
          %get3A_858 = arith.index_cast %scan3A_852 : i32 to index
          %get3A_859 = arith.constant 16 : index
          %get3A_860 = tpu.vector_load %arg7[%get3A_858, %get3A_859] {strides = array<i32>} : memref<128x32xf32, #tpu.memory_space<vmem>>, vector<16xf32>,
          tpu.vector_store_idx %arg12[%add3A_6, %add3A_854], %get3A_860 : memref<32x137xf32, #tpu.memory_space<vmem>>[vector<16xi32>, vector<16xi32>], vector<16xf32>,
          %scan3A_861 = arith.constant 3 : i32
          %scan3A_862 = arith.addi %scan3A_833, %scan3A_861 : i32
          %add3A_863 = vector.broadcast %scan3A_862 : i32 to vector<16xi32>
          %add3A_864 = arith.addi %sub3A, %add3A_863 : vector<16xi32>
          %get3A_865 = arith.index_cast %scan3A_862 : i32 to index
          %get3A_866 = arith.constant 0 : index
          %get3A_867 = tpu.vector_load %arg7[%get3A_865, %get3A_866] {strides = array<i32>} : memref<128x32xf32, #tpu.memory_space<vmem>>, vector<16xf32>,
          tpu.vector_store_idx %arg12[%add3A_3, %add3A_864], %get3A_867 : memref<32x137xf32, #tpu.memory_space<vmem>>[vector<16xi32>, vector<16xi32>], vector<16xf32>,
          %get3A_868 = arith.index_cast %scan3A_862 : i32 to index
          %get3A_869 = arith.constant 16 : index
          %get3A_870 = tpu.vector_load %arg7[%get3A_868, %get3A_869] {strides = array<i32>} : memref<128x32xf32, #tpu.memory_space<vmem>>, vector<16xf32>,
          tpu.vector_store_idx %arg12[%add3A_6, %add3A_864], %get3A_870 : memref<32x137xf32, #tpu.memory_space<vmem>>[vector<16xi32>, vector<16xi32>], vector<16xf32>,
          %scan3A_871 = arith.constant 4 : i32
          %scan3A_872 = arith.addi %scan3A_833, %scan3A_871 : i32
          %add3A_873 = vector.broadcast %scan3A_872 : i32 to vector<16xi32>
          %add3A_874 = arith.addi %sub3A, %add3A_873 : vector<16xi32>
          %get3A_875 = arith.index_cast %scan3A_872 : i32 to index
          %get3A_876 = arith.constant 0 : index
          %get3A_877 = tpu.vector_load %arg7[%get3A_875, %get3A_876] {strides = array<i32>} : memref<128x32xf32, #tpu.memory_space<vmem>>, vector<16xf32>,
          tpu.vector_store_idx %arg12[%add3A_3, %add3A_874], %get3A_877 : memref<32x137xf32, #tpu.memory_space<vmem>>[vector<16xi32>, vector<16xi32>], vector<16xf32>,
          %get3A_878 = arith.index_cast %scan3A_872 : i32 to index
          %get3A_879 = arith.constant 16 : index
          %get3A_880 = tpu.vector_load %arg7[%get3A_878, %get3A_879] {strides = array<i32>} : memref<128x32xf32, #tpu.memory_space<vmem>>, vector<16xf32>,
          tpu.vector_store_idx %arg12[%add3A_6, %add3A_874], %get3A_880 : memref<32x137xf32, #tpu.memory_space<vmem>>[vector<16xi32>, vector<16xi32>], vector<16xf32>,
          %scan3A_881 = arith.constant 5 : i32
          %scan3A_882 = arith.addi %scan3A_833, %scan3A_881 : i32
          %add3A_883 = vector.broadcast %scan3A_882 : i32 to vector<16xi32>
          %add3A_884 = arith.addi %sub3A, %add3A_883 : vector<16xi32>
          %get3A_885 = arith.index_cast %scan3A_882 : i32 to index
          %get3A_886 = arith.constant 0 : index
          %get3A_887 = tpu.vector_load %arg7[%get3A_885, %get3A_886] {strides = array<i32>} : memref<128x32xf32, #tpu.memory_space<vmem>>, vector<16xf32>,
          tpu.vector_store_idx %arg12[%add3A_3, %add3A_884], %get3A_887 : memref<32x137xf32, #tpu.memory_space<vmem>>[vector<16xi32>, vector<16xi32>], vector<16xf32>,
          %get3A_888 = arith.index_cast %scan3A_882 : i32 to index
          %get3A_889 = arith.constant 16 : index
          %get3A_890 = tpu.vector_load %arg7[%get3A_888, %get3A_889] {strides = array<i32>} : memref<128x32xf32, #tpu.memory_space<vmem>>, vector<16xf32>,
          tpu.vector_store_idx %arg12[%add3A_6, %add3A_884], %get3A_890 : memref<32x137xf32, #tpu.memory_space<vmem>>[vector<16xi32>, vector<16xi32>], vector<16xf32>,
          %scan3A_891 = arith.constant 6 : i32
          %scan3A_892 = arith.addi %scan3A_833, %scan3A_891 : i32
          %add3A_893 = vector.broadcast %scan3A_892 : i32 to vector<16xi32>
          %add3A_894 = arith.addi %sub3A, %add3A_893 : vector<16xi32>
          %get3A_895 = arith.index_cast %scan3A_892 : i32 to index
          %get3A_896 = arith.constant 0 : index
          %get3A_897 = tpu.vector_load %arg7[%get3A_895, %get3A_896] {strides = array<i32>} : memref<128x32xf32, #tpu.memory_space<vmem>>, vector<16xf32>,
          tpu.vector_store_idx %arg12[%add3A_3, %add3A_894], %get3A_897 : memref<32x137xf32, #tpu.memory_space<vmem>>[vector<16xi32>, vector<16xi32>], vector<16xf32>,
          %get3A_898 = arith.index_cast %scan3A_892 : i32 to index
          %get3A_899 = arith.constant 16 : index
          %get3A_900 = tpu.vector_load %arg7[%get3A_898, %get3A_899] {strides = array<i32>} : memref<128x32xf32, #tpu.memory_space<vmem>>, vector<16xf32>,
          tpu.vector_store_idx %arg12[%add3A_6, %add3A_894], %get3A_900 : memref<32x137xf32, #tpu.memory_space<vmem>>[vector<16xi32>, vector<16xi32>], vector<16xf32>,
          %scan3A_901 = arith.constant 7 : i32
          %scan3A_902 = arith.addi %scan3A_833, %scan3A_901 : i32
          %add3A_903 = vector.broadcast %scan3A_902 : i32 to vector<16xi32>
          %add3A_904 = arith.addi %sub3A, %add3A_903 : vector<16xi32>
          %get3A_905 = arith.index_cast %scan3A_902 : i32 to index
          %get3A_906 = arith.constant 0 : index
          %get3A_907 = tpu.vector_load %arg7[%get3A_905, %get3A_906] {strides = array<i32>} : memref<128x32xf32, #tpu.memory_space<vmem>>, vector<16xf32>,
          tpu.vector_store_idx %arg12[%add3A_3, %add3A_904], %get3A_907 : memref<32x137xf32, #tpu.memory_space<vmem>>[vector<16xi32>, vector<16xi32>], vector<16xf32>,
          %get3A_908 = arith.index_cast %scan3A_902 : i32 to index
          %get3A_909 = arith.constant 16 : index
          %get3A_910 = tpu.vector_load %arg7[%get3A_908, %get3A_909] {strides = array<i32>} : memref<128x32xf32, #tpu.memory_space<vmem>>, vector<16xf32>,
          tpu.vector_store_idx %arg12[%add3A_6, %add3A_904], %get3A_910 : memref<32x137xf32, #tpu.memory_space<vmem>>[vector<16xi32>, vector<16xi32>], vector<16xf32>,
        }
        %scan3A_424 = arith.constant 128 : i32
        %dma_start3A_425 = arith.constant 0 : i32
        %dma_start3A_426 = arith.constant 0 : i32
        %dma_start3A_427 = arith.constant 0 : i32
        %dma_start3A_428 = tpu.memref_slice %arg12[%dma_start3A_426, %dma_start3A_427] : memref<32x137xf32, #tpu.memory_space<vmem>> -> memref<8x128xf32, #tpu.memory_space<vmem>>
        %dma_start3A_429 = arith.constant 0 : i32
        %dma_start3A_430 = arith.constant 0 : i32
        %dma_start3A_431 = tpu.memref_slice %arg4[%add3A_410, %dma_start3A_425, %add3A_20, %dma_start3A_429, %dma_start3A_430] : memref<50x4x128x8x128xf32, #tpu.memory_space<hbm>> -> memref<1x1x1x8x128xf32, #tpu.memory_space<hbm>>
        %dma_start3A_432 = tpu.memref_squeeze %dma_start3A_431 : memref<1x1x1x8x128xf32, #tpu.memory_space<hbm>> -> memref<8x128xf32, #tpu.memory_space<hbm>>
        %dma_start3A_433 = arith.constant 0 : i32
        %dma_start3A_434 = arith.constant 0 : i32
        %dma_start3A_435 = tpu.memref_slice %arg4[%add3A_410, %dma_start3A_425, %add3A_20, %dma_start3A_433, %dma_start3A_434] : memref<50x4x128x8x128xf32, #tpu.memory_space<hbm>> -> memref<1x1x1x8x128xf32, #tpu.memory_space<hbm>>
        %dma_start3A_436 = tpu.memref_squeeze %dma_start3A_435 : memref<1x1x1x8x128xf32, #tpu.memory_space<hbm>> -> memref<8x128xf32, #tpu.memory_space<hbm>>
        %dma_start3A_437 = arith.constant 0 : i32
        %dma_start3A_438 = arith.constant 0 : i32
        %dma_start3A_439 = tpu.memref_slice %arg12[%dma_start3A_437, %dma_start3A_438] : memref<32x137xf32, #tpu.memory_space<vmem>> -> memref<8x128xf32, #tpu.memory_space<vmem>>
        tpu.enqueue_dma source(%dma_start3A_439 : memref<8x128xf32, #tpu.memory_space<vmem>>) target(%dma_start3A_436 : memref<8x128xf32, #tpu.memory_space<hbm>>) target_semaphore(%arg22 : memref<!tpu.dma_semaphore, #tpu.memory_space<semaphore_mem>>)
        %dma_start3A_440 = arith.constant 1 : i32
        %dma_start3A_441 = arith.constant 8 : i32
        %dma_start3A_442 = arith.constant 0 : i32
        %dma_start3A_443 = tpu.memref_slice %arg12[%dma_start3A_441, %dma_start3A_442] : memref<32x137xf32, #tpu.memory_space<vmem>> -> memref<8x128xf32, #tpu.memory_space<vmem>>
        %dma_start3A_444 = arith.constant 0 : i32
        %dma_start3A_445 = arith.constant 0 : i32
        %dma_start3A_446 = tpu.memref_slice %arg4[%add3A_410, %dma_start3A_440, %add3A_20, %dma_start3A_444, %dma_start3A_445] : memref<50x4x128x8x128xf32, #tpu.memory_space<hbm>> -> memref<1x1x1x8x128xf32, #tpu.memory_space<hbm>>
        %dma_start3A_447 = tpu.memref_squeeze %dma_start3A_446 : memref<1x1x1x8x128xf32, #tpu.memory_space<hbm>> -> memref<8x128xf32, #tpu.memory_space<hbm>>
        %dma_start3A_448 = arith.constant 0 : i32
        %dma_start3A_449 = arith.constant 0 : i32
        %dma_start3A_450 = tpu.memref_slice %arg4[%add3A_410, %dma_start3A_440, %add3A_20, %dma_start3A_448, %dma_start3A_449] : memref<50x4x128x8x128xf32, #tpu.memory_space<hbm>> -> memref<1x1x1x8x128xf32, #tpu.memory_space<hbm>>
        %dma_start3A_451 = tpu.memref_squeeze %dma_start3A_450 : memref<1x1x1x8x128xf32, #tpu.memory_space<hbm>> -> memref<8x128xf32, #tpu.memory_space<hbm>>
        %dma_start3A_452 = arith.constant 8 : i32
        %dma_start3A_453 = arith.constant 0 : i32
        %dma_start3A_454 = tpu.memref_slice %arg12[%dma_start3A_452, %dma_start3A_453] : memref<32x137xf32, #tpu.memory_space<vmem>> -> memref<8x128xf32, #tpu.memory_space<vmem>>
        tpu.enqueue_dma source(%dma_start3A_454 : memref<8x128xf32, #tpu.memory_space<vmem>>) target(%dma_start3A_451 : memref<8x128xf32, #tpu.memory_space<hbm>>) target_semaphore(%arg22 : memref<!tpu.dma_semaphore, #tpu.memory_space<semaphore_mem>>)
        %dma_start3A_455 = arith.constant 2 : i32
        %dma_start3A_456 = arith.constant 16 : i32
        %dma_start3A_457 = arith.constant 0 : i32
        %dma_start3A_458 = tpu.memref_slice %arg12[%dma_start3A_456, %dma_start3A_457] : memref<32x137xf32, #tpu.memory_space<vmem>> -> memref<8x128xf32, #tpu.memory_space<vmem>>
        %dma_start3A_459 = arith.constant 0 : i32
        %dma_start3A_460 = arith.constant 0 : i32
        %dma_start3A_461 = tpu.memref_slice %arg4[%add3A_410, %dma_start3A_455, %add3A_20, %dma_start3A_459, %dma_start3A_460] : memref<50x4x128x8x128xf32, #tpu.memory_space<hbm>> -> memref<1x1x1x8x128xf32, #tpu.memory_space<hbm>>
        %dma_start3A_462 = tpu.memref_squeeze %dma_start3A_461 : memref<1x1x1x8x128xf32, #tpu.memory_space<hbm>> -> memref<8x128xf32, #tpu.memory_space<hbm>>
        %dma_start3A_463 = arith.constant 0 : i32
        %dma_start3A_464 = arith.constant 0 : i32
        %dma_start3A_465 = tpu.memref_slice %arg4[%add3A_410, %dma_start3A_455, %add3A_20, %dma_start3A_463, %dma_start3A_464] : memref<50x4x128x8x128xf32, #tpu.memory_space<hbm>> -> memref<1x1x1x8x128xf32, #tpu.memory_space<hbm>>
        %dma_start3A_466 = tpu.memref_squeeze %dma_start3A_465 : memref<1x1x1x8x128xf32, #tpu.memory_space<hbm>> -> memref<8x128xf32, #tpu.memory_space<hbm>>
        %dma_start3A_467 = arith.constant 16 : i32
        %dma_start3A_468 = arith.constant 0 : i32
        %dma_start3A_469 = tpu.memref_slice %arg12[%dma_start3A_467, %dma_start3A_468] : memref<32x137xf32, #tpu.memory_space<vmem>> -> memref<8x128xf32, #tpu.memory_space<vmem>>
        tpu.enqueue_dma source(%dma_start3A_469 : memref<8x128xf32, #tpu.memory_space<vmem>>) target(%dma_start3A_466 : memref<8x128xf32, #tpu.memory_space<hbm>>) target_semaphore(%arg22 : memref<!tpu.dma_semaphore, #tpu.memory_space<semaphore_mem>>)
        %dma_start3A_470 = arith.constant 3 : i32
        %dma_start3A_471 = arith.constant 24 : i32
        %dma_start3A_472 = arith.constant 0 : i32
        %dma_start3A_473 = tpu.memref_slice %arg12[%dma_start3A_471, %dma_start3A_472] : memref<32x137xf32, #tpu.memory_space<vmem>> -> memref<8x128xf32, #tpu.memory_space<vmem>>
        %dma_start3A_474 = arith.constant 0 : i32
        %dma_start3A_475 = arith.constant 0 : i32
        %dma_start3A_476 = tpu.memref_slice %arg4[%add3A_410, %dma_start3A_470, %add3A_20, %dma_start3A_474, %dma_start3A_475] : memref<50x4x128x8x128xf32, #tpu.memory_space<hbm>> -> memref<1x1x1x8x128xf32, #tpu.memory_space<hbm>>
        %dma_start3A_477 = tpu.memref_squeeze %dma_start3A_476 : memref<1x1x1x8x128xf32, #tpu.memory_space<hbm>> -> memref<8x128xf32, #tpu.memory_space<hbm>>
        %dma_start3A_478 = arith.constant 0 : i32
        %dma_start3A_479 = arith.constant 0 : i32
        %dma_start3A_480 = tpu.memref_slice %arg4[%add3A_410, %dma_start3A_470, %add3A_20, %dma_start3A_478, %dma_start3A_479] : memref<50x4x128x8x128xf32, #tpu.memory_space<hbm>> -> memref<1x1x1x8x128xf32, #tpu.memory_space<hbm>>
        %dma_start3A_481 = tpu.memref_squeeze %dma_start3A_480 : memref<1x1x1x8x128xf32, #tpu.memory_space<hbm>> -> memref<8x128xf32, #tpu.memory_space<hbm>>
        %dma_start3A_482 = arith.constant 24 : i32
        %dma_start3A_483 = arith.constant 0 : i32
        %dma_start3A_484 = tpu.memref_slice %arg12[%dma_start3A_482, %dma_start3A_483] : memref<32x137xf32, #tpu.memory_space<vmem>> -> memref<8x128xf32, #tpu.memory_space<vmem>>
        tpu.enqueue_dma source(%dma_start3A_484 : memref<8x128xf32, #tpu.memory_space<vmem>>) target(%dma_start3A_481 : memref<8x128xf32, #tpu.memory_space<hbm>>) target_semaphore(%arg22 : memref<!tpu.dma_semaphore, #tpu.memory_space<semaphore_mem>>)
        %lt3A = arith.constant 9 : i32
        %lt3A_485 = arith.cmpi slt, %scan3A_406, %lt3A : i32
        %convert_element_type3A_486 = arith.extui %lt3A_485 : i1 to i32
        %cond3A_487 = arith.constant 0 : i32
        %cond3A_488 = arith.cmpi ne, %convert_element_type3A_486, %cond3A_487 : i32
        scf.if %cond3A_488 {
          %add3A_833 = arith.constant 5 : i32
          %add3A_834 = arith.addi %add3A_410, %add3A_833 : i32
          %dma_start3A_835 = arith.constant 0 : i32
          %dma_start3A_836 = tpu.memref_slice %arg6[%add3A_834, %dma_start3A_835] : memref<50x128xi32, #tpu.memory_space<vmem>> -> memref<1x128xi32, #tpu.memory_space<vmem>>
          %dma_start3A_837 = tpu.memref_squeeze %dma_start3A_836 : memref<1x128xi32, #tpu.memory_space<vmem>> -> memref<128xi32, #tpu.memory_space<vmem>>
          %dma_start3A_838 = arith.constant 0 : i32
          %dma_start3A_839 = arith.constant 0 : i32
          %dma_start3A_840 = tpu.memref_slice %arg3[%dma_start3A_838, %dma_start3A_839] : memref<1000000x32xf32, #tpu.memory_space<hbm>> -> memref<1000000x32xf32, #tpu.memory_space<hbm>>
          tpu.enqueue_indirect_dma source(%dma_start3A_840 : memref<1000000x32xf32, #tpu.memory_space<hbm>>) target(%arg7 : memref<128x32xf32, #tpu.memory_space<vmem>>) offsets(%dma_start3A_837 : memref<128xi32, #tpu.memory_space<vmem>>) semaphore(%arg17 : memref<!tpu.dma_semaphore, #tpu.memory_space<semaphore_mem>>)
        } else {
        }
        %mul3A_489 = arith.constant 5 : i32
        %mul3A_490 = arith.muli %scan3A_406, %mul3A_489 : i32
        %add3A_491 = arith.constant 1 : i32
        %add3A_492 = arith.addi %mul3A_490, %add3A_491 : i32
        %dma_wait3A_493 = arith.constant 0 : i32
        %dma_wait3A_494 = arith.constant 0 : i32
        %dma_wait3A_495 = tpu.memref_slice %arg3[%dma_wait3A_493, %dma_wait3A_494] : memref<1000000x32xf32, #tpu.memory_space<hbm>> -> memref<128x32xf32, #tpu.memory_space<hbm>>
        %dma_wait3A_496 = arith.constant 0 : i32
        %dma_wait3A_497 = arith.constant 0 : i32
        %dma_wait3A_498 = tpu.memref_slice %arg3[%dma_wait3A_496, %dma_wait3A_497] : memref<1000000x32xf32, #tpu.memory_space<hbm>> -> memref<128x32xf32, #tpu.memory_space<hbm>>
        tpu.wait_dma2 semaphore(%arg18 : memref<!tpu.dma_semaphore, #tpu.memory_space<semaphore_mem>>) src(%dma_wait3A_498 : memref<128x32xf32, #tpu.memory_space<hbm>>) dst(%arg8 : memref<128x32xf32, #tpu.memory_space<vmem>>)
        %gt3A_499 = arith.constant 0 : i32
        %gt3A_500 = arith.cmpi sgt, %scan3A_406, %gt3A_499 : i32
        %convert_element_type3A_501 = arith.extui %gt3A_500 : i1 to i32
        %cond3A_502 = arith.constant 0 : i32
        %cond3A_503 = arith.cmpi ne, %convert_element_type3A_501, %cond3A_502 : i32
        scf.if %cond3A_503 {
          %dma_wait3A_833 = arith.constant 0 : i32
          %dma_wait3A_834 = arith.constant 0 : i32
          %dma_wait3A_835 = arith.constant 0 : i32
          %dma_wait3A_836 = arith.constant 0 : i32
          %dma_wait3A_837 = arith.constant 0 : i32
          %dma_wait3A_838 = tpu.memref_slice %arg13[%dma_wait3A_836, %dma_wait3A_837] : memref<32x137xf32, #tpu.memory_space<vmem>> -> memref<8x128xf32, #tpu.memory_space<vmem>>
          %dma_wait3A_839 = arith.constant 0 : i32
          %dma_wait3A_840 = arith.constant 0 : i32
          %dma_wait3A_841 = tpu.memref_slice %arg4[%dma_wait3A_833, %dma_wait3A_834, %dma_wait3A_835, %dma_wait3A_839, %dma_wait3A_840] : memref<50x4x128x8x128xf32, #tpu.memory_space<hbm>> -> memref<1x1x1x8x128xf32, #tpu.memory_space<hbm>>
          %dma_wait3A_842 = tpu.memref_squeeze %dma_wait3A_841 : memref<1x1x1x8x128xf32, #tpu.memory_space<hbm>> -> memref<8x128xf32, #tpu.memory_space<hbm>>
          %dma_wait3A_843 = arith.constant 0 : i32
          %dma_wait3A_844 = arith.constant 0 : i32
          %dma_wait3A_845 = tpu.memref_slice %arg4[%dma_wait3A_833, %dma_wait3A_834, %dma_wait3A_835, %dma_wait3A_843, %dma_wait3A_844] : memref<50x4x128x8x128xf32, #tpu.memory_space<hbm>> -> memref<1x1x1x8x128xf32, #tpu.memory_space<hbm>>
          %dma_wait3A_846 = tpu.memref_squeeze %dma_wait3A_845 : memref<1x1x1x8x128xf32, #tpu.memory_space<hbm>> -> memref<8x128xf32, #tpu.memory_space<hbm>>
          %dma_wait3A_847 = arith.constant 0 : i32
          %dma_wait3A_848 = arith.constant 0 : i32
          %dma_wait3A_849 = tpu.memref_slice %arg13[%dma_wait3A_847, %dma_wait3A_848] : memref<32x137xf32, #tpu.memory_space<vmem>> -> memref<8x128xf32, #tpu.memory_space<vmem>>
          tpu.wait_dma2 semaphore(%arg23 : memref<!tpu.dma_semaphore, #tpu.memory_space<semaphore_mem>>) src(%dma_wait3A_849 : memref<8x128xf32, #tpu.memory_space<vmem>>) dst(%dma_wait3A_846 : memref<8x128xf32, #tpu.memory_space<hbm>>)
          %dma_wait3A_850 = arith.constant 0 : i32
          %dma_wait3A_851 = arith.constant 1 : i32
          %dma_wait3A_852 = arith.constant 0 : i32
          %dma_wait3A_853 = arith.constant 8 : i32
          %dma_wait3A_854 = arith.constant 0 : i32
          %dma_wait3A_855 = tpu.memref_slice %arg13[%dma_wait3A_853, %dma_wait3A_854] : memref<32x137xf32, #tpu.memory_space<vmem>> -> memref<8x128xf32, #tpu.memory_space<vmem>>
          %dma_wait3A_856 = arith.constant 0 : i32
          %dma_wait3A_857 = arith.constant 0 : i32
          %dma_wait3A_858 = tpu.memref_slice %arg4[%dma_wait3A_850, %dma_wait3A_851, %dma_wait3A_852, %dma_wait3A_856, %dma_wait3A_857] : memref<50x4x128x8x128xf32, #tpu.memory_space<hbm>> -> memref<1x1x1x8x128xf32, #tpu.memory_space<hbm>>
          %dma_wait3A_859 = tpu.memref_squeeze %dma_wait3A_858 : memref<1x1x1x8x128xf32, #tpu.memory_space<hbm>> -> memref<8x128xf32, #tpu.memory_space<hbm>>
          %dma_wait3A_860 = arith.constant 0 : i32
          %dma_wait3A_861 = arith.constant 0 : i32
          %dma_wait3A_862 = tpu.memref_slice %arg4[%dma_wait3A_850, %dma_wait3A_851, %dma_wait3A_852, %dma_wait3A_860, %dma_wait3A_861] : memref<50x4x128x8x128xf32, #tpu.memory_space<hbm>> -> memref<1x1x1x8x128xf32, #tpu.memory_space<hbm>>
          %dma_wait3A_863 = tpu.memref_squeeze %dma_wait3A_862 : memref<1x1x1x8x128xf32, #tpu.memory_space<hbm>> -> memref<8x128xf32, #tpu.memory_space<hbm>>
          %dma_wait3A_864 = arith.constant 8 : i32
          %dma_wait3A_865 = arith.constant 0 : i32
          %dma_wait3A_866 = tpu.memref_slice %arg13[%dma_wait3A_864, %dma_wait3A_865] : memref<32x137xf32, #tpu.memory_space<vmem>> -> memref<8x128xf32, #tpu.memory_space<vmem>>
          tpu.wait_dma2 semaphore(%arg23 : memref<!tpu.dma_semaphore, #tpu.memory_space<semaphore_mem>>) src(%dma_wait3A_866 : memref<8x128xf32, #tpu.memory_space<vmem>>) dst(%dma_wait3A_863 : memref<8x128xf32, #tpu.memory_space<hbm>>)
          %dma_wait3A_867 = arith.constant 0 : i32
          %dma_wait3A_868 = arith.constant 2 : i32
          %dma_wait3A_869 = arith.constant 0 : i32
          %dma_wait3A_870 = arith.constant 16 : i32
          %dma_wait3A_871 = arith.constant 0 : i32
          %dma_wait3A_872 = tpu.memref_slice %arg13[%dma_wait3A_870, %dma_wait3A_871] : memref<32x137xf32, #tpu.memory_space<vmem>> -> memref<8x128xf32, #tpu.memory_space<vmem>>
          %dma_wait3A_873 = arith.constant 0 : i32
          %dma_wait3A_874 = arith.constant 0 : i32
          %dma_wait3A_875 = tpu.memref_slice %arg4[%dma_wait3A_867, %dma_wait3A_868, %dma_wait3A_869, %dma_wait3A_873, %dma_wait3A_874] : memref<50x4x128x8x128xf32, #tpu.memory_space<hbm>> -> memref<1x1x1x8x128xf32, #tpu.memory_space<hbm>>
          %dma_wait3A_876 = tpu.memref_squeeze %dma_wait3A_875 : memref<1x1x1x8x128xf32, #tpu.memory_space<hbm>> -> memref<8x128xf32, #tpu.memory_space<hbm>>
          %dma_wait3A_877 = arith.constant 0 : i32
          %dma_wait3A_878 = arith.constant 0 : i32
          %dma_wait3A_879 = tpu.memref_slice %arg4[%dma_wait3A_867, %dma_wait3A_868, %dma_wait3A_869, %dma_wait3A_877, %dma_wait3A_878] : memref<50x4x128x8x128xf32, #tpu.memory_space<hbm>> -> memref<1x1x1x8x128xf32, #tpu.memory_space<hbm>>
          %dma_wait3A_880 = tpu.memref_squeeze %dma_wait3A_879 : memref<1x1x1x8x128xf32, #tpu.memory_space<hbm>> -> memref<8x128xf32, #tpu.memory_space<hbm>>
          %dma_wait3A_881 = arith.constant 16 : i32
          %dma_wait3A_882 = arith.constant 0 : i32
          %dma_wait3A_883 = tpu.memref_slice %arg13[%dma_wait3A_881, %dma_wait3A_882] : memref<32x137xf32, #tpu.memory_space<vmem>> -> memref<8x128xf32, #tpu.memory_space<vmem>>
          tpu.wait_dma2 semaphore(%arg23 : memref<!tpu.dma_semaphore, #tpu.memory_space<semaphore_mem>>) src(%dma_wait3A_883 : memref<8x128xf32, #tpu.memory_space<vmem>>) dst(%dma_wait3A_880 : memref<8x128xf32, #tpu.memory_space<hbm>>)
          %dma_wait3A_884 = arith.constant 0 : i32
          %dma_wait3A_885 = arith.constant 3 : i32
          %dma_wait3A_886 = arith.constant 0 : i32
          %dma_wait3A_887 = arith.constant 24 : i32
          %dma_wait3A_888 = arith.constant 0 : i32
          %dma_wait3A_889 = tpu.memref_slice %arg13[%dma_wait3A_887, %dma_wait3A_888] : memref<32x137xf32, #tpu.memory_space<vmem>> -> memref<8x128xf32, #tpu.memory_space<vmem>>
          %dma_wait3A_890 = arith.constant 0 : i32
          %dma_wait3A_891 = arith.constant 0 : i32
          %dma_wait3A_892 = tpu.memref_slice %arg4[%dma_wait3A_884, %dma_wait3A_885, %dma_wait3A_886, %dma_wait3A_890, %dma_wait3A_891] : memref<50x4x128x8x128xf32, #tpu.memory_space<hbm>> -> memref<1x1x1x8x128xf32, #tpu.memory_space<hbm>>
          %dma_wait3A_893 = tpu.memref_squeeze %dma_wait3A_892 : memref<1x1x1x8x128xf32, #tpu.memory_space<hbm>> -> memref<8x128xf32, #tpu.memory_space<hbm>>
          %dma_wait3A_894 = arith.constant 0 : i32
          %dma_wait3A_895 = arith.constant 0 : i32
          %dma_wait3A_896 = tpu.memref_slice %arg4[%dma_wait3A_884, %dma_wait3A_885, %dma_wait3A_886, %dma_wait3A_894, %dma_wait3A_895] : memref<50x4x128x8x128xf32, #tpu.memory_space<hbm>> -> memref<1x1x1x8x128xf32, #tpu.memory_space<hbm>>
          %dma_wait3A_897 = tpu.memref_squeeze %dma_wait3A_896 : memref<1x1x1x8x128xf32, #tpu.memory_space<hbm>> -> memref<8x128xf32, #tpu.memory_space<hbm>>
          %dma_wait3A_898 = arith.constant 24 : i32
          %dma_wait3A_899 = arith.constant 0 : i32
          %dma_wait3A_900 = tpu.memref_slice %arg13[%dma_wait3A_898, %dma_wait3A_899] : memref<32x137xf32, #tpu.memory_space<vmem>> -> memref<8x128xf32, #tpu.memory_space<vmem>>
          tpu.wait_dma2 semaphore(%arg23 : memref<!tpu.dma_semaphore, #tpu.memory_space<semaphore_mem>>) src(%dma_wait3A_900 : memref<8x128xf32, #tpu.memory_space<vmem>>) dst(%dma_wait3A_897 : memref<8x128xf32, #tpu.memory_space<hbm>>)
        } else {
        }
        %scan3A_504 = arith.constant 0 : i32
        %scan3A_505 = arith.constant 0 : i32
        %scan3A_506 = arith.constant 128 : i32
        %scan3A_507 = arith.addi %scan3A_505, %scan3A_506 : i32
        %scan3A_508 = arith.constant 8 : i32
        scf.for %scan3A_833 = %scan3A_505 to %scan3A_507 step %scan3A_508  : i32 {
          %add3A_834 = vector.broadcast %scan3A_833 : i32 to vector<16xi32>
          %add3A_835 = arith.addi %sub3A, %add3A_834 : vector<16xi32>
          %get3A = arith.index_cast %scan3A_833 : i32 to index
          %get3A_836 = arith.constant 0 : index
          %get3A_837 = tpu.vector_load %arg8[%get3A, %get3A_836] {strides = array<i32>} : memref<128x32xf32, #tpu.memory_space<vmem>>, vector<16xf32>,
          tpu.vector_store_idx %arg13[%add3A_3, %add3A_835], %get3A_837 : memref<32x137xf32, #tpu.memory_space<vmem>>[vector<16xi32>, vector<16xi32>], vector<16xf32>,
          %get3A_838 = arith.index_cast %scan3A_833 : i32 to index
          %get3A_839 = arith.constant 16 : index
          %get3A_840 = tpu.vector_load %arg8[%get3A_838, %get3A_839] {strides = array<i32>} : memref<128x32xf32, #tpu.memory_space<vmem>>, vector<16xf32>,
          tpu.vector_store_idx %arg13[%add3A_6, %add3A_835], %get3A_840 : memref<32x137xf32, #tpu.memory_space<vmem>>[vector<16xi32>, vector<16xi32>], vector<16xf32>,
          %scan3A_841 = arith.constant 1 : i32
          %scan3A_842 = arith.addi %scan3A_833, %scan3A_841 : i32
          %add3A_843 = vector.broadcast %scan3A_842 : i32 to vector<16xi32>
          %add3A_844 = arith.addi %sub3A, %add3A_843 : vector<16xi32>
          %get3A_845 = arith.index_cast %scan3A_842 : i32 to index
          %get3A_846 = arith.constant 0 : index
          %get3A_847 = tpu.vector_load %arg8[%get3A_845, %get3A_846] {strides = array<i32>} : memref<128x32xf32, #tpu.memory_space<vmem>>, vector<16xf32>,
          tpu.vector_store_idx %arg13[%add3A_3, %add3A_844], %get3A_847 : memref<32x137xf32, #tpu.memory_space<vmem>>[vector<16xi32>, vector<16xi32>], vector<16xf32>,
          %get3A_848 = arith.index_cast %scan3A_842 : i32 to index
          %get3A_849 = arith.constant 16 : index
          %get3A_850 = tpu.vector_load %arg8[%get3A_848, %get3A_849] {strides = array<i32>} : memref<128x32xf32, #tpu.memory_space<vmem>>, vector<16xf32>,
          tpu.vector_store_idx %arg13[%add3A_6, %add3A_844], %get3A_850 : memref<32x137xf32, #tpu.memory_space<vmem>>[vector<16xi32>, vector<16xi32>], vector<16xf32>,
          %scan3A_851 = arith.constant 2 : i32
          %scan3A_852 = arith.addi %scan3A_833, %scan3A_851 : i32
          %add3A_853 = vector.broadcast %scan3A_852 : i32 to vector<16xi32>
          %add3A_854 = arith.addi %sub3A, %add3A_853 : vector<16xi32>
          %get3A_855 = arith.index_cast %scan3A_852 : i32 to index
          %get3A_856 = arith.constant 0 : index
          %get3A_857 = tpu.vector_load %arg8[%get3A_855, %get3A_856] {strides = array<i32>} : memref<128x32xf32, #tpu.memory_space<vmem>>, vector<16xf32>,
          tpu.vector_store_idx %arg13[%add3A_3, %add3A_854], %get3A_857 : memref<32x137xf32, #tpu.memory_space<vmem>>[vector<16xi32>, vector<16xi32>], vector<16xf32>,
          %get3A_858 = arith.index_cast %scan3A_852 : i32 to index
          %get3A_859 = arith.constant 16 : index
          %get3A_860 = tpu.vector_load %arg8[%get3A_858, %get3A_859] {strides = array<i32>} : memref<128x32xf32, #tpu.memory_space<vmem>>, vector<16xf32>,
          tpu.vector_store_idx %arg13[%add3A_6, %add3A_854], %get3A_860 : memref<32x137xf32, #tpu.memory_space<vmem>>[vector<16xi32>, vector<16xi32>], vector<16xf32>,
          %scan3A_861 = arith.constant 3 : i32
          %scan3A_862 = arith.addi %scan3A_833, %scan3A_861 : i32
          %add3A_863 = vector.broadcast %scan3A_862 : i32 to vector<16xi32>
          %add3A_864 = arith.addi %sub3A, %add3A_863 : vector<16xi32>
          %get3A_865 = arith.index_cast %scan3A_862 : i32 to index
          %get3A_866 = arith.constant 0 : index
          %get3A_867 = tpu.vector_load %arg8[%get3A_865, %get3A_866] {strides = array<i32>} : memref<128x32xf32, #tpu.memory_space<vmem>>, vector<16xf32>,
          tpu.vector_store_idx %arg13[%add3A_3, %add3A_864], %get3A_867 : memref<32x137xf32, #tpu.memory_space<vmem>>[vector<16xi32>, vector<16xi32>], vector<16xf32>,
          %get3A_868 = arith.index_cast %scan3A_862 : i32 to index
          %get3A_869 = arith.constant 16 : index
          %get3A_870 = tpu.vector_load %arg8[%get3A_868, %get3A_869] {strides = array<i32>} : memref<128x32xf32, #tpu.memory_space<vmem>>, vector<16xf32>,
          tpu.vector_store_idx %arg13[%add3A_6, %add3A_864], %get3A_870 : memref<32x137xf32, #tpu.memory_space<vmem>>[vector<16xi32>, vector<16xi32>], vector<16xf32>,
          %scan3A_871 = arith.constant 4 : i32
          %scan3A_872 = arith.addi %scan3A_833, %scan3A_871 : i32
          %add3A_873 = vector.broadcast %scan3A_872 : i32 to vector<16xi32>
          %add3A_874 = arith.addi %sub3A, %add3A_873 : vector<16xi32>
          %get3A_875 = arith.index_cast %scan3A_872 : i32 to index
          %get3A_876 = arith.constant 0 : index
          %get3A_877 = tpu.vector_load %arg8[%get3A_875, %get3A_876] {strides = array<i32>} : memref<128x32xf32, #tpu.memory_space<vmem>>, vector<16xf32>,
          tpu.vector_store_idx %arg13[%add3A_3, %add3A_874], %get3A_877 : memref<32x137xf32, #tpu.memory_space<vmem>>[vector<16xi32>, vector<16xi32>], vector<16xf32>,
          %get3A_878 = arith.index_cast %scan3A_872 : i32 to index
          %get3A_879 = arith.constant 16 : index
          %get3A_880 = tpu.vector_load %arg8[%get3A_878, %get3A_879] {strides = array<i32>} : memref<128x32xf32, #tpu.memory_space<vmem>>, vector<16xf32>,
          tpu.vector_store_idx %arg13[%add3A_6, %add3A_874], %get3A_880 : memref<32x137xf32, #tpu.memory_space<vmem>>[vector<16xi32>, vector<16xi32>], vector<16xf32>,
          %scan3A_881 = arith.constant 5 : i32
          %scan3A_882 = arith.addi %scan3A_833, %scan3A_881 : i32
          %add3A_883 = vector.broadcast %scan3A_882 : i32 to vector<16xi32>
          %add3A_884 = arith.addi %sub3A, %add3A_883 : vector<16xi32>
          %get3A_885 = arith.index_cast %scan3A_882 : i32 to index
          %get3A_886 = arith.constant 0 : index
          %get3A_887 = tpu.vector_load %arg8[%get3A_885, %get3A_886] {strides = array<i32>} : memref<128x32xf32, #tpu.memory_space<vmem>>, vector<16xf32>,
          tpu.vector_store_idx %arg13[%add3A_3, %add3A_884], %get3A_887 : memref<32x137xf32, #tpu.memory_space<vmem>>[vector<16xi32>, vector<16xi32>], vector<16xf32>,
          %get3A_888 = arith.index_cast %scan3A_882 : i32 to index
          %get3A_889 = arith.constant 16 : index
          %get3A_890 = tpu.vector_load %arg8[%get3A_888, %get3A_889] {strides = array<i32>} : memref<128x32xf32, #tpu.memory_space<vmem>>, vector<16xf32>,
          tpu.vector_store_idx %arg13[%add3A_6, %add3A_884], %get3A_890 : memref<32x137xf32, #tpu.memory_space<vmem>>[vector<16xi32>, vector<16xi32>], vector<16xf32>,
          %scan3A_891 = arith.constant 6 : i32
          %scan3A_892 = arith.addi %scan3A_833, %scan3A_891 : i32
          %add3A_893 = vector.broadcast %scan3A_892 : i32 to vector<16xi32>
          %add3A_894 = arith.addi %sub3A, %add3A_893 : vector<16xi32>
          %get3A_895 = arith.index_cast %scan3A_892 : i32 to index
          %get3A_896 = arith.constant 0 : index
          %get3A_897 = tpu.vector_load %arg8[%get3A_895, %get3A_896] {strides = array<i32>} : memref<128x32xf32, #tpu.memory_space<vmem>>, vector<16xf32>,
          tpu.vector_store_idx %arg13[%add3A_3, %add3A_894], %get3A_897 : memref<32x137xf32, #tpu.memory_space<vmem>>[vector<16xi32>, vector<16xi32>], vector<16xf32>,
          %get3A_898 = arith.index_cast %scan3A_892 : i32 to index
          %get3A_899 = arith.constant 16 : index
          %get3A_900 = tpu.vector_load %arg8[%get3A_898, %get3A_899] {strides = array<i32>} : memref<128x32xf32, #tpu.memory_space<vmem>>, vector<16xf32>,
          tpu.vector_store_idx %arg13[%add3A_6, %add3A_894], %get3A_900 : memref<32x137xf32, #tpu.memory_space<vmem>>[vector<16xi32>, vector<16xi32>], vector<16xf32>,
          %scan3A_901 = arith.constant 7 : i32
          %scan3A_902 = arith.addi %scan3A_833, %scan3A_901 : i32
          %add3A_903 = vector.broadcast %scan3A_902 : i32 to vector<16xi32>
          %add3A_904 = arith.addi %sub3A, %add3A_903 : vector<16xi32>
          %get3A_905 = arith.index_cast %scan3A_902 : i32 to index
          %get3A_906 = arith.constant 0 : index
          %get3A_907 = tpu.vector_load %arg8[%get3A_905, %get3A_906] {strides = array<i32>} : memref<128x32xf32, #tpu.memory_space<vmem>>, vector<16xf32>,
          tpu.vector_store_idx %arg13[%add3A_3, %add3A_904], %get3A_907 : memref<32x137xf32, #tpu.memory_space<vmem>>[vector<16xi32>, vector<16xi32>], vector<16xf32>,
          %get3A_908 = arith.index_cast %scan3A_902 : i32 to index
          %get3A_909 = arith.constant 16 : index
          %get3A_910 = tpu.vector_load %arg8[%get3A_908, %get3A_909] {strides = array<i32>} : memref<128x32xf32, #tpu.memory_space<vmem>>, vector<16xf32>,
          tpu.vector_store_idx %arg13[%add3A_6, %add3A_904], %get3A_910 : memref<32x137xf32, #tpu.memory_space<vmem>>[vector<16xi32>, vector<16xi32>], vector<16xf32>,
        }
        %scan3A_509 = arith.constant 128 : i32
        %dma_start3A_510 = arith.constant 0 : i32
        %dma_start3A_511 = arith.constant 0 : i32
        %dma_start3A_512 = arith.constant 0 : i32
        %dma_start3A_513 = tpu.memref_slice %arg13[%dma_start3A_511, %dma_start3A_512] : memref<32x137xf32, #tpu.memory_space<vmem>> -> memref<8x128xf32, #tpu.memory_space<vmem>>
        %dma_start3A_514 = arith.constant 0 : i32
        %dma_start3A_515 = arith.constant 0 : i32
        %dma_start3A_516 = tpu.memref_slice %arg4[%add3A_492, %dma_start3A_510, %add3A_20, %dma_start3A_514, %dma_start3A_515] : memref<50x4x128x8x128xf32, #tpu.memory_space<hbm>> -> memref<1x1x1x8x128xf32, #tpu.memory_space<hbm>>
        %dma_start3A_517 = tpu.memref_squeeze %dma_start3A_516 : memref<1x1x1x8x128xf32, #tpu.memory_space<hbm>> -> memref<8x128xf32, #tpu.memory_space<hbm>>
        %dma_start3A_518 = arith.constant 0 : i32
        %dma_start3A_519 = arith.constant 0 : i32
        %dma_start3A_520 = tpu.memref_slice %arg4[%add3A_492, %dma_start3A_510, %add3A_20, %dma_start3A_518, %dma_start3A_519] : memref<50x4x128x8x128xf32, #tpu.memory_space<hbm>> -> memref<1x1x1x8x128xf32, #tpu.memory_space<hbm>>
        %dma_start3A_521 = tpu.memref_squeeze %dma_start3A_520 : memref<1x1x1x8x128xf32, #tpu.memory_space<hbm>> -> memref<8x128xf32, #tpu.memory_space<hbm>>
        %dma_start3A_522 = arith.constant 0 : i32
        %dma_start3A_523 = arith.constant 0 : i32
        %dma_start3A_524 = tpu.memref_slice %arg13[%dma_start3A_522, %dma_start3A_523] : memref<32x137xf32, #tpu.memory_space<vmem>> -> memref<8x128xf32, #tpu.memory_space<vmem>>
        tpu.enqueue_dma source(%dma_start3A_524 : memref<8x128xf32, #tpu.memory_space<vmem>>) target(%dma_start3A_521 : memref<8x128xf32, #tpu.memory_space<hbm>>) target_semaphore(%arg23 : memref<!tpu.dma_semaphore, #tpu.memory_space<semaphore_mem>>)
        %dma_start3A_525 = arith.constant 1 : i32
        %dma_start3A_526 = arith.constant 8 : i32
        %dma_start3A_527 = arith.constant 0 : i32
        %dma_start3A_528 = tpu.memref_slice %arg13[%dma_start3A_526, %dma_start3A_527] : memref<32x137xf32, #tpu.memory_space<vmem>> -> memref<8x128xf32, #tpu.memory_space<vmem>>
        %dma_start3A_529 = arith.constant 0 : i32
        %dma_start3A_530 = arith.constant 0 : i32
        %dma_start3A_531 = tpu.memref_slice %arg4[%add3A_492, %dma_start3A_525, %add3A_20, %dma_start3A_529, %dma_start3A_530] : memref<50x4x128x8x128xf32, #tpu.memory_space<hbm>> -> memref<1x1x1x8x128xf32, #tpu.memory_space<hbm>>
        %dma_start3A_532 = tpu.memref_squeeze %dma_start3A_531 : memref<1x1x1x8x128xf32, #tpu.memory_space<hbm>> -> memref<8x128xf32, #tpu.memory_space<hbm>>
        %dma_start3A_533 = arith.constant 0 : i32
        %dma_start3A_534 = arith.constant 0 : i32
        %dma_start3A_535 = tpu.memref_slice %arg4[%add3A_492, %dma_start3A_525, %add3A_20, %dma_start3A_533, %dma_start3A_534] : memref<50x4x128x8x128xf32, #tpu.memory_space<hbm>> -> memref<1x1x1x8x128xf32, #tpu.memory_space<hbm>>
        %dma_start3A_536 = tpu.memref_squeeze %dma_start3A_535 : memref<1x1x1x8x128xf32, #tpu.memory_space<hbm>> -> memref<8x128xf32, #tpu.memory_space<hbm>>
        %dma_start3A_537 = arith.constant 8 : i32
        %dma_start3A_538 = arith.constant 0 : i32
        %dma_start3A_539 = tpu.memref_slice %arg13[%dma_start3A_537, %dma_start3A_538] : memref<32x137xf32, #tpu.memory_space<vmem>> -> memref<8x128xf32, #tpu.memory_space<vmem>>
        tpu.enqueue_dma source(%dma_start3A_539 : memref<8x128xf32, #tpu.memory_space<vmem>>) target(%dma_start3A_536 : memref<8x128xf32, #tpu.memory_space<hbm>>) target_semaphore(%arg23 : memref<!tpu.dma_semaphore, #tpu.memory_space<semaphore_mem>>)
        %dma_start3A_540 = arith.constant 2 : i32
        %dma_start3A_541 = arith.constant 16 : i32
        %dma_start3A_542 = arith.constant 0 : i32
        %dma_start3A_543 = tpu.memref_slice %arg13[%dma_start3A_541, %dma_start3A_542] : memref<32x137xf32, #tpu.memory_space<vmem>> -> memref<8x128xf32, #tpu.memory_space<vmem>>
        %dma_start3A_544 = arith.constant 0 : i32
        %dma_start3A_545 = arith.constant 0 : i32
        %dma_start3A_546 = tpu.memref_slice %arg4[%add3A_492, %dma_start3A_540, %add3A_20, %dma_start3A_544, %dma_start3A_545] : memref<50x4x128x8x128xf32, #tpu.memory_space<hbm>> -> memref<1x1x1x8x128xf32, #tpu.memory_space<hbm>>
        %dma_start3A_547 = tpu.memref_squeeze %dma_start3A_546 : memref<1x1x1x8x128xf32, #tpu.memory_space<hbm>> -> memref<8x128xf32, #tpu.memory_space<hbm>>
        %dma_start3A_548 = arith.constant 0 : i32
        %dma_start3A_549 = arith.constant 0 : i32
        %dma_start3A_550 = tpu.memref_slice %arg4[%add3A_492, %dma_start3A_540, %add3A_20, %dma_start3A_548, %dma_start3A_549] : memref<50x4x128x8x128xf32, #tpu.memory_space<hbm>> -> memref<1x1x1x8x128xf32, #tpu.memory_space<hbm>>
        %dma_start3A_551 = tpu.memref_squeeze %dma_start3A_550 : memref<1x1x1x8x128xf32, #tpu.memory_space<hbm>> -> memref<8x128xf32, #tpu.memory_space<hbm>>
        %dma_start3A_552 = arith.constant 16 : i32
        %dma_start3A_553 = arith.constant 0 : i32
        %dma_start3A_554 = tpu.memref_slice %arg13[%dma_start3A_552, %dma_start3A_553] : memref<32x137xf32, #tpu.memory_space<vmem>> -> memref<8x128xf32, #tpu.memory_space<vmem>>
        tpu.enqueue_dma source(%dma_start3A_554 : memref<8x128xf32, #tpu.memory_space<vmem>>) target(%dma_start3A_551 : memref<8x128xf32, #tpu.memory_space<hbm>>) target_semaphore(%arg23 : memref<!tpu.dma_semaphore, #tpu.memory_space<semaphore_mem>>)
        %dma_start3A_555 = arith.constant 3 : i32
        %dma_start3A_556 = arith.constant 24 : i32
        %dma_start3A_557 = arith.constant 0 : i32
        %dma_start3A_558 = tpu.memref_slice %arg13[%dma_start3A_556, %dma_start3A_557] : memref<32x137xf32, #tpu.memory_space<vmem>> -> memref<8x128xf32, #tpu.memory_space<vmem>>
        %dma_start3A_559 = arith.constant 0 : i32
        %dma_start3A_560 = arith.constant 0 : i32
        %dma_start3A_561 = tpu.memref_slice %arg4[%add3A_492, %dma_start3A_555, %add3A_20, %dma_start3A_559, %dma_start3A_560] : memref<50x4x128x8x128xf32, #tpu.memory_space<hbm>> -> memref<1x1x1x8x128xf32, #tpu.memory_space<hbm>>
        %dma_start3A_562 = tpu.memref_squeeze %dma_start3A_561 : memref<1x1x1x8x128xf32, #tpu.memory_space<hbm>> -> memref<8x128xf32, #tpu.memory_space<hbm>>
        %dma_start3A_563 = arith.constant 0 : i32
        %dma_start3A_564 = arith.constant 0 : i32
        %dma_start3A_565 = tpu.memref_slice %arg4[%add3A_492, %dma_start3A_555, %add3A_20, %dma_start3A_563, %dma_start3A_564] : memref<50x4x128x8x128xf32, #tpu.memory_space<hbm>> -> memref<1x1x1x8x128xf32, #tpu.memory_space<hbm>>
        %dma_start3A_566 = tpu.memref_squeeze %dma_start3A_565 : memref<1x1x1x8x128xf32, #tpu.memory_space<hbm>> -> memref<8x128xf32, #tpu.memory_space<hbm>>
        %dma_start3A_567 = arith.constant 24 : i32
        %dma_start3A_568 = arith.constant 0 : i32
        %dma_start3A_569 = tpu.memref_slice %arg13[%dma_start3A_567, %dma_start3A_568] : memref<32x137xf32, #tpu.memory_space<vmem>> -> memref<8x128xf32, #tpu.memory_space<vmem>>
        tpu.enqueue_dma source(%dma_start3A_569 : memref<8x128xf32, #tpu.memory_space<vmem>>) target(%dma_start3A_566 : memref<8x128xf32, #tpu.memory_space<hbm>>) target_semaphore(%arg23 : memref<!tpu.dma_semaphore, #tpu.memory_space<semaphore_mem>>)
        %lt3A_570 = arith.constant 9 : i32
        %lt3A_571 = arith.cmpi slt, %scan3A_406, %lt3A_570 : i32
        %convert_element_type3A_572 = arith.extui %lt3A_571 : i1 to i32
        %cond3A_573 = arith.constant 0 : i32
        %cond3A_574 = arith.cmpi ne, %convert_element_type3A_572, %cond3A_573 : i32
        scf.if %cond3A_574 {
          %add3A_833 = arith.constant 5 : i32
          %add3A_834 = arith.addi %add3A_492, %add3A_833 : i32
          %dma_start3A_835 = arith.constant 0 : i32
          %dma_start3A_836 = tpu.memref_slice %arg6[%add3A_834, %dma_start3A_835] : memref<50x128xi32, #tpu.memory_space<vmem>> -> memref<1x128xi32, #tpu.memory_space<vmem>>
          %dma_start3A_837 = tpu.memref_squeeze %dma_start3A_836 : memref<1x128xi32, #tpu.memory_space<vmem>> -> memref<128xi32, #tpu.memory_space<vmem>>
          %dma_start3A_838 = arith.constant 0 : i32
          %dma_start3A_839 = arith.constant 0 : i32
          %dma_start3A_840 = tpu.memref_slice %arg3[%dma_start3A_838, %dma_start3A_839] : memref<1000000x32xf32, #tpu.memory_space<hbm>> -> memref<1000000x32xf32, #tpu.memory_space<hbm>>
          tpu.enqueue_indirect_dma source(%dma_start3A_840 : memref<1000000x32xf32, #tpu.memory_space<hbm>>) target(%arg8 : memref<128x32xf32, #tpu.memory_space<vmem>>) offsets(%dma_start3A_837 : memref<128xi32, #tpu.memory_space<vmem>>) semaphore(%arg18 : memref<!tpu.dma_semaphore, #tpu.memory_space<semaphore_mem>>)
        } else {
        }
        %mul3A_575 = arith.constant 5 : i32
        %mul3A_576 = arith.muli %scan3A_406, %mul3A_575 : i32
        %add3A_577 = arith.constant 2 : i32
        %add3A_578 = arith.addi %mul3A_576, %add3A_577 : i32
        %dma_wait3A_579 = arith.constant 0 : i32
        %dma_wait3A_580 = arith.constant 0 : i32
        %dma_wait3A_581 = tpu.memref_slice %arg3[%dma_wait3A_579, %dma_wait3A_580] : memref<1000000x32xf32, #tpu.memory_space<hbm>> -> memref<128x32xf32, #tpu.memory_space<hbm>>
        %dma_wait3A_582 = arith.constant 0 : i32
        %dma_wait3A_583 = arith.constant 0 : i32
        %dma_wait3A_584 = tpu.memref_slice %arg3[%dma_wait3A_582, %dma_wait3A_583] : memref<1000000x32xf32, #tpu.memory_space<hbm>> -> memref<128x32xf32, #tpu.memory_space<hbm>>
        tpu.wait_dma2 semaphore(%arg19 : memref<!tpu.dma_semaphore, #tpu.memory_space<semaphore_mem>>) src(%dma_wait3A_584 : memref<128x32xf32, #tpu.memory_space<hbm>>) dst(%arg9 : memref<128x32xf32, #tpu.memory_space<vmem>>)
        %gt3A_585 = arith.constant 0 : i32
        %gt3A_586 = arith.cmpi sgt, %scan3A_406, %gt3A_585 : i32
        %convert_element_type3A_587 = arith.extui %gt3A_586 : i1 to i32
        %cond3A_588 = arith.constant 0 : i32
        %cond3A_589 = arith.cmpi ne, %convert_element_type3A_587, %cond3A_588 : i32
        scf.if %cond3A_589 {
          %dma_wait3A_833 = arith.constant 0 : i32
          %dma_wait3A_834 = arith.constant 0 : i32
          %dma_wait3A_835 = arith.constant 0 : i32
          %dma_wait3A_836 = arith.constant 0 : i32
          %dma_wait3A_837 = arith.constant 0 : i32
          %dma_wait3A_838 = tpu.memref_slice %arg14[%dma_wait3A_836, %dma_wait3A_837] : memref<32x137xf32, #tpu.memory_space<vmem>> -> memref<8x128xf32, #tpu.memory_space<vmem>>
          %dma_wait3A_839 = arith.constant 0 : i32
          %dma_wait3A_840 = arith.constant 0 : i32
          %dma_wait3A_841 = tpu.memref_slice %arg4[%dma_wait3A_833, %dma_wait3A_834, %dma_wait3A_835, %dma_wait3A_839, %dma_wait3A_840] : memref<50x4x128x8x128xf32, #tpu.memory_space<hbm>> -> memref<1x1x1x8x128xf32, #tpu.memory_space<hbm>>
          %dma_wait3A_842 = tpu.memref_squeeze %dma_wait3A_841 : memref<1x1x1x8x128xf32, #tpu.memory_space<hbm>> -> memref<8x128xf32, #tpu.memory_space<hbm>>
          %dma_wait3A_843 = arith.constant 0 : i32
          %dma_wait3A_844 = arith.constant 0 : i32
          %dma_wait3A_845 = tpu.memref_slice %arg4[%dma_wait3A_833, %dma_wait3A_834, %dma_wait3A_835, %dma_wait3A_843, %dma_wait3A_844] : memref<50x4x128x8x128xf32, #tpu.memory_space<hbm>> -> memref<1x1x1x8x128xf32, #tpu.memory_space<hbm>>
          %dma_wait3A_846 = tpu.memref_squeeze %dma_wait3A_845 : memref<1x1x1x8x128xf32, #tpu.memory_space<hbm>> -> memref<8x128xf32, #tpu.memory_space<hbm>>
          %dma_wait3A_847 = arith.constant 0 : i32
          %dma_wait3A_848 = arith.constant 0 : i32
          %dma_wait3A_849 = tpu.memref_slice %arg14[%dma_wait3A_847, %dma_wait3A_848] : memref<32x137xf32, #tpu.memory_space<vmem>> -> memref<8x128xf32, #tpu.memory_space<vmem>>
          tpu.wait_dma2 semaphore(%arg24 : memref<!tpu.dma_semaphore, #tpu.memory_space<semaphore_mem>>) src(%dma_wait3A_849 : memref<8x128xf32, #tpu.memory_space<vmem>>) dst(%dma_wait3A_846 : memref<8x128xf32, #tpu.memory_space<hbm>>)
          %dma_wait3A_850 = arith.constant 0 : i32
          %dma_wait3A_851 = arith.constant 1 : i32
          %dma_wait3A_852 = arith.constant 0 : i32
          %dma_wait3A_853 = arith.constant 8 : i32
          %dma_wait3A_854 = arith.constant 0 : i32
          %dma_wait3A_855 = tpu.memref_slice %arg14[%dma_wait3A_853, %dma_wait3A_854] : memref<32x137xf32, #tpu.memory_space<vmem>> -> memref<8x128xf32, #tpu.memory_space<vmem>>
          %dma_wait3A_856 = arith.constant 0 : i32
          %dma_wait3A_857 = arith.constant 0 : i32
          %dma_wait3A_858 = tpu.memref_slice %arg4[%dma_wait3A_850, %dma_wait3A_851, %dma_wait3A_852, %dma_wait3A_856, %dma_wait3A_857] : memref<50x4x128x8x128xf32, #tpu.memory_space<hbm>> -> memref<1x1x1x8x128xf32, #tpu.memory_space<hbm>>
          %dma_wait3A_859 = tpu.memref_squeeze %dma_wait3A_858 : memref<1x1x1x8x128xf32, #tpu.memory_space<hbm>> -> memref<8x128xf32, #tpu.memory_space<hbm>>
          %dma_wait3A_860 = arith.constant 0 : i32
          %dma_wait3A_861 = arith.constant 0 : i32
          %dma_wait3A_862 = tpu.memref_slice %arg4[%dma_wait3A_850, %dma_wait3A_851, %dma_wait3A_852, %dma_wait3A_860, %dma_wait3A_861] : memref<50x4x128x8x128xf32, #tpu.memory_space<hbm>> -> memref<1x1x1x8x128xf32, #tpu.memory_space<hbm>>
          %dma_wait3A_863 = tpu.memref_squeeze %dma_wait3A_862 : memref<1x1x1x8x128xf32, #tpu.memory_space<hbm>> -> memref<8x128xf32, #tpu.memory_space<hbm>>
          %dma_wait3A_864 = arith.constant 8 : i32
          %dma_wait3A_865 = arith.constant 0 : i32
          %dma_wait3A_866 = tpu.memref_slice %arg14[%dma_wait3A_864, %dma_wait3A_865] : memref<32x137xf32, #tpu.memory_space<vmem>> -> memref<8x128xf32, #tpu.memory_space<vmem>>
          tpu.wait_dma2 semaphore(%arg24 : memref<!tpu.dma_semaphore, #tpu.memory_space<semaphore_mem>>) src(%dma_wait3A_866 : memref<8x128xf32, #tpu.memory_space<vmem>>) dst(%dma_wait3A_863 : memref<8x128xf32, #tpu.memory_space<hbm>>)
          %dma_wait3A_867 = arith.constant 0 : i32
          %dma_wait3A_868 = arith.constant 2 : i32
          %dma_wait3A_869 = arith.constant 0 : i32
          %dma_wait3A_870 = arith.constant 16 : i32
          %dma_wait3A_871 = arith.constant 0 : i32
          %dma_wait3A_872 = tpu.memref_slice %arg14[%dma_wait3A_870, %dma_wait3A_871] : memref<32x137xf32, #tpu.memory_space<vmem>> -> memref<8x128xf32, #tpu.memory_space<vmem>>
          %dma_wait3A_873 = arith.constant 0 : i32
          %dma_wait3A_874 = arith.constant 0 : i32
          %dma_wait3A_875 = tpu.memref_slice %arg4[%dma_wait3A_867, %dma_wait3A_868, %dma_wait3A_869, %dma_wait3A_873, %dma_wait3A_874] : memref<50x4x128x8x128xf32, #tpu.memory_space<hbm>> -> memref<1x1x1x8x128xf32, #tpu.memory_space<hbm>>
          %dma_wait3A_876 = tpu.memref_squeeze %dma_wait3A_875 : memref<1x1x1x8x128xf32, #tpu.memory_space<hbm>> -> memref<8x128xf32, #tpu.memory_space<hbm>>
          %dma_wait3A_877 = arith.constant 0 : i32
          %dma_wait3A_878 = arith.constant 0 : i32
          %dma_wait3A_879 = tpu.memref_slice %arg4[%dma_wait3A_867, %dma_wait3A_868, %dma_wait3A_869, %dma_wait3A_877, %dma_wait3A_878] : memref<50x4x128x8x128xf32, #tpu.memory_space<hbm>> -> memref<1x1x1x8x128xf32, #tpu.memory_space<hbm>>
          %dma_wait3A_880 = tpu.memref_squeeze %dma_wait3A_879 : memref<1x1x1x8x128xf32, #tpu.memory_space<hbm>> -> memref<8x128xf32, #tpu.memory_space<hbm>>
          %dma_wait3A_881 = arith.constant 16 : i32
          %dma_wait3A_882 = arith.constant 0 : i32
          %dma_wait3A_883 = tpu.memref_slice %arg14[%dma_wait3A_881, %dma_wait3A_882] : memref<32x137xf32, #tpu.memory_space<vmem>> -> memref<8x128xf32, #tpu.memory_space<vmem>>
          tpu.wait_dma2 semaphore(%arg24 : memref<!tpu.dma_semaphore, #tpu.memory_space<semaphore_mem>>) src(%dma_wait3A_883 : memref<8x128xf32, #tpu.memory_space<vmem>>) dst(%dma_wait3A_880 : memref<8x128xf32, #tpu.memory_space<hbm>>)
          %dma_wait3A_884 = arith.constant 0 : i32
          %dma_wait3A_885 = arith.constant 3 : i32
          %dma_wait3A_886 = arith.constant 0 : i32
          %dma_wait3A_887 = arith.constant 24 : i32
          %dma_wait3A_888 = arith.constant 0 : i32
          %dma_wait3A_889 = tpu.memref_slice %arg14[%dma_wait3A_887, %dma_wait3A_888] : memref<32x137xf32, #tpu.memory_space<vmem>> -> memref<8x128xf32, #tpu.memory_space<vmem>>
          %dma_wait3A_890 = arith.constant 0 : i32
          %dma_wait3A_891 = arith.constant 0 : i32
          %dma_wait3A_892 = tpu.memref_slice %arg4[%dma_wait3A_884, %dma_wait3A_885, %dma_wait3A_886, %dma_wait3A_890, %dma_wait3A_891] : memref<50x4x128x8x128xf32, #tpu.memory_space<hbm>> -> memref<1x1x1x8x128xf32, #tpu.memory_space<hbm>>
          %dma_wait3A_893 = tpu.memref_squeeze %dma_wait3A_892 : memref<1x1x1x8x128xf32, #tpu.memory_space<hbm>> -> memref<8x128xf32, #tpu.memory_space<hbm>>
          %dma_wait3A_894 = arith.constant 0 : i32
          %dma_wait3A_895 = arith.constant 0 : i32
          %dma_wait3A_896 = tpu.memref_slice %arg4[%dma_wait3A_884, %dma_wait3A_885, %dma_wait3A_886, %dma_wait3A_894, %dma_wait3A_895] : memref<50x4x128x8x128xf32, #tpu.memory_space<hbm>> -> memref<1x1x1x8x128xf32, #tpu.memory_space<hbm>>
          %dma_wait3A_897 = tpu.memref_squeeze %dma_wait3A_896 : memref<1x1x1x8x128xf32, #tpu.memory_space<hbm>> -> memref<8x128xf32, #tpu.memory_space<hbm>>
          %dma_wait3A_898 = arith.constant 24 : i32
          %dma_wait3A_899 = arith.constant 0 : i32
          %dma_wait3A_900 = tpu.memref_slice %arg14[%dma_wait3A_898, %dma_wait3A_899] : memref<32x137xf32, #tpu.memory_space<vmem>> -> memref<8x128xf32, #tpu.memory_space<vmem>>
          tpu.wait_dma2 semaphore(%arg24 : memref<!tpu.dma_semaphore, #tpu.memory_space<semaphore_mem>>) src(%dma_wait3A_900 : memref<8x128xf32, #tpu.memory_space<vmem>>) dst(%dma_wait3A_897 : memref<8x128xf32, #tpu.memory_space<hbm>>)
        } else {
        }
        %scan3A_590 = arith.constant 0 : i32
        %scan3A_591 = arith.constant 0 : i32
        %scan3A_592 = arith.constant 128 : i32
        %scan3A_593 = arith.addi %scan3A_591, %scan3A_592 : i32
        %scan3A_594 = arith.constant 8 : i32
        scf.for %scan3A_833 = %scan3A_591 to %scan3A_593 step %scan3A_594  : i32 {
          %add3A_834 = vector.broadcast %scan3A_833 : i32 to vector<16xi32>
          %add3A_835 = arith.addi %sub3A, %add3A_834 : vector<16xi32>
          %get3A = arith.index_cast %scan3A_833 : i32 to index
          %get3A_836 = arith.constant 0 : index
          %get3A_837 = tpu.vector_load %arg9[%get3A, %get3A_836] {strides = array<i32>} : memref<128x32xf32, #tpu.memory_space<vmem>>, vector<16xf32>,
          tpu.vector_store_idx %arg14[%add3A_3, %add3A_835], %get3A_837 : memref<32x137xf32, #tpu.memory_space<vmem>>[vector<16xi32>, vector<16xi32>], vector<16xf32>,
          %get3A_838 = arith.index_cast %scan3A_833 : i32 to index
          %get3A_839 = arith.constant 16 : index
          %get3A_840 = tpu.vector_load %arg9[%get3A_838, %get3A_839] {strides = array<i32>} : memref<128x32xf32, #tpu.memory_space<vmem>>, vector<16xf32>,
          tpu.vector_store_idx %arg14[%add3A_6, %add3A_835], %get3A_840 : memref<32x137xf32, #tpu.memory_space<vmem>>[vector<16xi32>, vector<16xi32>], vector<16xf32>,
          %scan3A_841 = arith.constant 1 : i32
          %scan3A_842 = arith.addi %scan3A_833, %scan3A_841 : i32
          %add3A_843 = vector.broadcast %scan3A_842 : i32 to vector<16xi32>
          %add3A_844 = arith.addi %sub3A, %add3A_843 : vector<16xi32>
          %get3A_845 = arith.index_cast %scan3A_842 : i32 to index
          %get3A_846 = arith.constant 0 : index
          %get3A_847 = tpu.vector_load %arg9[%get3A_845, %get3A_846] {strides = array<i32>} : memref<128x32xf32, #tpu.memory_space<vmem>>, vector<16xf32>,
          tpu.vector_store_idx %arg14[%add3A_3, %add3A_844], %get3A_847 : memref<32x137xf32, #tpu.memory_space<vmem>>[vector<16xi32>, vector<16xi32>], vector<16xf32>,
          %get3A_848 = arith.index_cast %scan3A_842 : i32 to index
          %get3A_849 = arith.constant 16 : index
          %get3A_850 = tpu.vector_load %arg9[%get3A_848, %get3A_849] {strides = array<i32>} : memref<128x32xf32, #tpu.memory_space<vmem>>, vector<16xf32>,
          tpu.vector_store_idx %arg14[%add3A_6, %add3A_844], %get3A_850 : memref<32x137xf32, #tpu.memory_space<vmem>>[vector<16xi32>, vector<16xi32>], vector<16xf32>,
          %scan3A_851 = arith.constant 2 : i32
          %scan3A_852 = arith.addi %scan3A_833, %scan3A_851 : i32
          %add3A_853 = vector.broadcast %scan3A_852 : i32 to vector<16xi32>
          %add3A_854 = arith.addi %sub3A, %add3A_853 : vector<16xi32>
          %get3A_855 = arith.index_cast %scan3A_852 : i32 to index
          %get3A_856 = arith.constant 0 : index
          %get3A_857 = tpu.vector_load %arg9[%get3A_855, %get3A_856] {strides = array<i32>} : memref<128x32xf32, #tpu.memory_space<vmem>>, vector<16xf32>,
          tpu.vector_store_idx %arg14[%add3A_3, %add3A_854], %get3A_857 : memref<32x137xf32, #tpu.memory_space<vmem>>[vector<16xi32>, vector<16xi32>], vector<16xf32>,
          %get3A_858 = arith.index_cast %scan3A_852 : i32 to index
          %get3A_859 = arith.constant 16 : index
          %get3A_860 = tpu.vector_load %arg9[%get3A_858, %get3A_859] {strides = array<i32>} : memref<128x32xf32, #tpu.memory_space<vmem>>, vector<16xf32>,
          tpu.vector_store_idx %arg14[%add3A_6, %add3A_854], %get3A_860 : memref<32x137xf32, #tpu.memory_space<vmem>>[vector<16xi32>, vector<16xi32>], vector<16xf32>,
          %scan3A_861 = arith.constant 3 : i32
          %scan3A_862 = arith.addi %scan3A_833, %scan3A_861 : i32
          %add3A_863 = vector.broadcast %scan3A_862 : i32 to vector<16xi32>
          %add3A_864 = arith.addi %sub3A, %add3A_863 : vector<16xi32>
          %get3A_865 = arith.index_cast %scan3A_862 : i32 to index
          %get3A_866 = arith.constant 0 : index
          %get3A_867 = tpu.vector_load %arg9[%get3A_865, %get3A_866] {strides = array<i32>} : memref<128x32xf32, #tpu.memory_space<vmem>>, vector<16xf32>,
          tpu.vector_store_idx %arg14[%add3A_3, %add3A_864], %get3A_867 : memref<32x137xf32, #tpu.memory_space<vmem>>[vector<16xi32>, vector<16xi32>], vector<16xf32>,
          %get3A_868 = arith.index_cast %scan3A_862 : i32 to index
          %get3A_869 = arith.constant 16 : index
          %get3A_870 = tpu.vector_load %arg9[%get3A_868, %get3A_869] {strides = array<i32>} : memref<128x32xf32, #tpu.memory_space<vmem>>, vector<16xf32>,
          tpu.vector_store_idx %arg14[%add3A_6, %add3A_864], %get3A_870 : memref<32x137xf32, #tpu.memory_space<vmem>>[vector<16xi32>, vector<16xi32>], vector<16xf32>,
          %scan3A_871 = arith.constant 4 : i32
          %scan3A_872 = arith.addi %scan3A_833, %scan3A_871 : i32
          %add3A_873 = vector.broadcast %scan3A_872 : i32 to vector<16xi32>
          %add3A_874 = arith.addi %sub3A, %add3A_873 : vector<16xi32>
          %get3A_875 = arith.index_cast %scan3A_872 : i32 to index
          %get3A_876 = arith.constant 0 : index
          %get3A_877 = tpu.vector_load %arg9[%get3A_875, %get3A_876] {strides = array<i32>} : memref<128x32xf32, #tpu.memory_space<vmem>>, vector<16xf32>,
          tpu.vector_store_idx %arg14[%add3A_3, %add3A_874], %get3A_877 : memref<32x137xf32, #tpu.memory_space<vmem>>[vector<16xi32>, vector<16xi32>], vector<16xf32>,
          %get3A_878 = arith.index_cast %scan3A_872 : i32 to index
          %get3A_879 = arith.constant 16 : index
          %get3A_880 = tpu.vector_load %arg9[%get3A_878, %get3A_879] {strides = array<i32>} : memref<128x32xf32, #tpu.memory_space<vmem>>, vector<16xf32>,
          tpu.vector_store_idx %arg14[%add3A_6, %add3A_874], %get3A_880 : memref<32x137xf32, #tpu.memory_space<vmem>>[vector<16xi32>, vector<16xi32>], vector<16xf32>,
          %scan3A_881 = arith.constant 5 : i32
          %scan3A_882 = arith.addi %scan3A_833, %scan3A_881 : i32
          %add3A_883 = vector.broadcast %scan3A_882 : i32 to vector<16xi32>
          %add3A_884 = arith.addi %sub3A, %add3A_883 : vector<16xi32>
          %get3A_885 = arith.index_cast %scan3A_882 : i32 to index
          %get3A_886 = arith.constant 0 : index
          %get3A_887 = tpu.vector_load %arg9[%get3A_885, %get3A_886] {strides = array<i32>} : memref<128x32xf32, #tpu.memory_space<vmem>>, vector<16xf32>,
          tpu.vector_store_idx %arg14[%add3A_3, %add3A_884], %get3A_887 : memref<32x137xf32, #tpu.memory_space<vmem>>[vector<16xi32>, vector<16xi32>], vector<16xf32>,
          %get3A_888 = arith.index_cast %scan3A_882 : i32 to index
          %get3A_889 = arith.constant 16 : index
          %get3A_890 = tpu.vector_load %arg9[%get3A_888, %get3A_889] {strides = array<i32>} : memref<128x32xf32, #tpu.memory_space<vmem>>, vector<16xf32>,
          tpu.vector_store_idx %arg14[%add3A_6, %add3A_884], %get3A_890 : memref<32x137xf32, #tpu.memory_space<vmem>>[vector<16xi32>, vector<16xi32>], vector<16xf32>,
          %scan3A_891 = arith.constant 6 : i32
          %scan3A_892 = arith.addi %scan3A_833, %scan3A_891 : i32
          %add3A_893 = vector.broadcast %scan3A_892 : i32 to vector<16xi32>
          %add3A_894 = arith.addi %sub3A, %add3A_893 : vector<16xi32>
          %get3A_895 = arith.index_cast %scan3A_892 : i32 to index
          %get3A_896 = arith.constant 0 : index
          %get3A_897 = tpu.vector_load %arg9[%get3A_895, %get3A_896] {strides = array<i32>} : memref<128x32xf32, #tpu.memory_space<vmem>>, vector<16xf32>,
          tpu.vector_store_idx %arg14[%add3A_3, %add3A_894], %get3A_897 : memref<32x137xf32, #tpu.memory_space<vmem>>[vector<16xi32>, vector<16xi32>], vector<16xf32>,
          %get3A_898 = arith.index_cast %scan3A_892 : i32 to index
          %get3A_899 = arith.constant 16 : index
          %get3A_900 = tpu.vector_load %arg9[%get3A_898, %get3A_899] {strides = array<i32>} : memref<128x32xf32, #tpu.memory_space<vmem>>, vector<16xf32>,
          tpu.vector_store_idx %arg14[%add3A_6, %add3A_894], %get3A_900 : memref<32x137xf32, #tpu.memory_space<vmem>>[vector<16xi32>, vector<16xi32>], vector<16xf32>,
          %scan3A_901 = arith.constant 7 : i32
          %scan3A_902 = arith.addi %scan3A_833, %scan3A_901 : i32
          %add3A_903 = vector.broadcast %scan3A_902 : i32 to vector<16xi32>
          %add3A_904 = arith.addi %sub3A, %add3A_903 : vector<16xi32>
          %get3A_905 = arith.index_cast %scan3A_902 : i32 to index
          %get3A_906 = arith.constant 0 : index
          %get3A_907 = tpu.vector_load %arg9[%get3A_905, %get3A_906] {strides = array<i32>} : memref<128x32xf32, #tpu.memory_space<vmem>>, vector<16xf32>,
          tpu.vector_store_idx %arg14[%add3A_3, %add3A_904], %get3A_907 : memref<32x137xf32, #tpu.memory_space<vmem>>[vector<16xi32>, vector<16xi32>], vector<16xf32>,
          %get3A_908 = arith.index_cast %scan3A_902 : i32 to index
          %get3A_909 = arith.constant 16 : index
          %get3A_910 = tpu.vector_load %arg9[%get3A_908, %get3A_909] {strides = array<i32>} : memref<128x32xf32, #tpu.memory_space<vmem>>, vector<16xf32>,
          tpu.vector_store_idx %arg14[%add3A_6, %add3A_904], %get3A_910 : memref<32x137xf32, #tpu.memory_space<vmem>>[vector<16xi32>, vector<16xi32>], vector<16xf32>,
        }
        %scan3A_595 = arith.constant 128 : i32
        %dma_start3A_596 = arith.constant 0 : i32
        %dma_start3A_597 = arith.constant 0 : i32
        %dma_start3A_598 = arith.constant 0 : i32
        %dma_start3A_599 = tpu.memref_slice %arg14[%dma_start3A_597, %dma_start3A_598] : memref<32x137xf32, #tpu.memory_space<vmem>> -> memref<8x128xf32, #tpu.memory_space<vmem>>
        %dma_start3A_600 = arith.constant 0 : i32
        %dma_start3A_601 = arith.constant 0 : i32
        %dma_start3A_602 = tpu.memref_slice %arg4[%add3A_578, %dma_start3A_596, %add3A_20, %dma_start3A_600, %dma_start3A_601] : memref<50x4x128x8x128xf32, #tpu.memory_space<hbm>> -> memref<1x1x1x8x128xf32, #tpu.memory_space<hbm>>
        %dma_start3A_603 = tpu.memref_squeeze %dma_start3A_602 : memref<1x1x1x8x128xf32, #tpu.memory_space<hbm>> -> memref<8x128xf32, #tpu.memory_space<hbm>>
        %dma_start3A_604 = arith.constant 0 : i32
        %dma_start3A_605 = arith.constant 0 : i32
        %dma_start3A_606 = tpu.memref_slice %arg4[%add3A_578, %dma_start3A_596, %add3A_20, %dma_start3A_604, %dma_start3A_605] : memref<50x4x128x8x128xf32, #tpu.memory_space<hbm>> -> memref<1x1x1x8x128xf32, #tpu.memory_space<hbm>>
        %dma_start3A_607 = tpu.memref_squeeze %dma_start3A_606 : memref<1x1x1x8x128xf32, #tpu.memory_space<hbm>> -> memref<8x128xf32, #tpu.memory_space<hbm>>
        %dma_start3A_608 = arith.constant 0 : i32
        %dma_start3A_609 = arith.constant 0 : i32
        %dma_start3A_610 = tpu.memref_slice %arg14[%dma_start3A_608, %dma_start3A_609] : memref<32x137xf32, #tpu.memory_space<vmem>> -> memref<8x128xf32, #tpu.memory_space<vmem>>
        tpu.enqueue_dma source(%dma_start3A_610 : memref<8x128xf32, #tpu.memory_space<vmem>>) target(%dma_start3A_607 : memref<8x128xf32, #tpu.memory_space<hbm>>) target_semaphore(%arg24 : memref<!tpu.dma_semaphore, #tpu.memory_space<semaphore_mem>>)
        %dma_start3A_611 = arith.constant 1 : i32
        %dma_start3A_612 = arith.constant 8 : i32
        %dma_start3A_613 = arith.constant 0 : i32
        %dma_start3A_614 = tpu.memref_slice %arg14[%dma_start3A_612, %dma_start3A_613] : memref<32x137xf32, #tpu.memory_space<vmem>> -> memref<8x128xf32, #tpu.memory_space<vmem>>
        %dma_start3A_615 = arith.constant 0 : i32
        %dma_start3A_616 = arith.constant 0 : i32
        %dma_start3A_617 = tpu.memref_slice %arg4[%add3A_578, %dma_start3A_611, %add3A_20, %dma_start3A_615, %dma_start3A_616] : memref<50x4x128x8x128xf32, #tpu.memory_space<hbm>> -> memref<1x1x1x8x128xf32, #tpu.memory_space<hbm>>
        %dma_start3A_618 = tpu.memref_squeeze %dma_start3A_617 : memref<1x1x1x8x128xf32, #tpu.memory_space<hbm>> -> memref<8x128xf32, #tpu.memory_space<hbm>>
        %dma_start3A_619 = arith.constant 0 : i32
        %dma_start3A_620 = arith.constant 0 : i32
        %dma_start3A_621 = tpu.memref_slice %arg4[%add3A_578, %dma_start3A_611, %add3A_20, %dma_start3A_619, %dma_start3A_620] : memref<50x4x128x8x128xf32, #tpu.memory_space<hbm>> -> memref<1x1x1x8x128xf32, #tpu.memory_space<hbm>>
        %dma_start3A_622 = tpu.memref_squeeze %dma_start3A_621 : memref<1x1x1x8x128xf32, #tpu.memory_space<hbm>> -> memref<8x128xf32, #tpu.memory_space<hbm>>
        %dma_start3A_623 = arith.constant 8 : i32
        %dma_start3A_624 = arith.constant 0 : i32
        %dma_start3A_625 = tpu.memref_slice %arg14[%dma_start3A_623, %dma_start3A_624] : memref<32x137xf32, #tpu.memory_space<vmem>> -> memref<8x128xf32, #tpu.memory_space<vmem>>
        tpu.enqueue_dma source(%dma_start3A_625 : memref<8x128xf32, #tpu.memory_space<vmem>>) target(%dma_start3A_622 : memref<8x128xf32, #tpu.memory_space<hbm>>) target_semaphore(%arg24 : memref<!tpu.dma_semaphore, #tpu.memory_space<semaphore_mem>>)
        %dma_start3A_626 = arith.constant 2 : i32
        %dma_start3A_627 = arith.constant 16 : i32
        %dma_start3A_628 = arith.constant 0 : i32
        %dma_start3A_629 = tpu.memref_slice %arg14[%dma_start3A_627, %dma_start3A_628] : memref<32x137xf32, #tpu.memory_space<vmem>> -> memref<8x128xf32, #tpu.memory_space<vmem>>
        %dma_start3A_630 = arith.constant 0 : i32
        %dma_start3A_631 = arith.constant 0 : i32
        %dma_start3A_632 = tpu.memref_slice %arg4[%add3A_578, %dma_start3A_626, %add3A_20, %dma_start3A_630, %dma_start3A_631] : memref<50x4x128x8x128xf32, #tpu.memory_space<hbm>> -> memref<1x1x1x8x128xf32, #tpu.memory_space<hbm>>
        %dma_start3A_633 = tpu.memref_squeeze %dma_start3A_632 : memref<1x1x1x8x128xf32, #tpu.memory_space<hbm>> -> memref<8x128xf32, #tpu.memory_space<hbm>>
        %dma_start3A_634 = arith.constant 0 : i32
        %dma_start3A_635 = arith.constant 0 : i32
        %dma_start3A_636 = tpu.memref_slice %arg4[%add3A_578, %dma_start3A_626, %add3A_20, %dma_start3A_634, %dma_start3A_635] : memref<50x4x128x8x128xf32, #tpu.memory_space<hbm>> -> memref<1x1x1x8x128xf32, #tpu.memory_space<hbm>>
        %dma_start3A_637 = tpu.memref_squeeze %dma_start3A_636 : memref<1x1x1x8x128xf32, #tpu.memory_space<hbm>> -> memref<8x128xf32, #tpu.memory_space<hbm>>
        %dma_start3A_638 = arith.constant 16 : i32
        %dma_start3A_639 = arith.constant 0 : i32
        %dma_start3A_640 = tpu.memref_slice %arg14[%dma_start3A_638, %dma_start3A_639] : memref<32x137xf32, #tpu.memory_space<vmem>> -> memref<8x128xf32, #tpu.memory_space<vmem>>
        tpu.enqueue_dma source(%dma_start3A_640 : memref<8x128xf32, #tpu.memory_space<vmem>>) target(%dma_start3A_637 : memref<8x128xf32, #tpu.memory_space<hbm>>) target_semaphore(%arg24 : memref<!tpu.dma_semaphore, #tpu.memory_space<semaphore_mem>>)
        %dma_start3A_641 = arith.constant 3 : i32
        %dma_start3A_642 = arith.constant 24 : i32
        %dma_start3A_643 = arith.constant 0 : i32
        %dma_start3A_644 = tpu.memref_slice %arg14[%dma_start3A_642, %dma_start3A_643] : memref<32x137xf32, #tpu.memory_space<vmem>> -> memref<8x128xf32, #tpu.memory_space<vmem>>
        %dma_start3A_645 = arith.constant 0 : i32
        %dma_start3A_646 = arith.constant 0 : i32
        %dma_start3A_647 = tpu.memref_slice %arg4[%add3A_578, %dma_start3A_641, %add3A_20, %dma_start3A_645, %dma_start3A_646] : memref<50x4x128x8x128xf32, #tpu.memory_space<hbm>> -> memref<1x1x1x8x128xf32, #tpu.memory_space<hbm>>
        %dma_start3A_648 = tpu.memref_squeeze %dma_start3A_647 : memref<1x1x1x8x128xf32, #tpu.memory_space<hbm>> -> memref<8x128xf32, #tpu.memory_space<hbm>>
        %dma_start3A_649 = arith.constant 0 : i32
        %dma_start3A_650 = arith.constant 0 : i32
        %dma_start3A_651 = tpu.memref_slice %arg4[%add3A_578, %dma_start3A_641, %add3A_20, %dma_start3A_649, %dma_start3A_650] : memref<50x4x128x8x128xf32, #tpu.memory_space<hbm>> -> memref<1x1x1x8x128xf32, #tpu.memory_space<hbm>>
        %dma_start3A_652 = tpu.memref_squeeze %dma_start3A_651 : memref<1x1x1x8x128xf32, #tpu.memory_space<hbm>> -> memref<8x128xf32, #tpu.memory_space<hbm>>
        %dma_start3A_653 = arith.constant 24 : i32
        %dma_start3A_654 = arith.constant 0 : i32
        %dma_start3A_655 = tpu.memref_slice %arg14[%dma_start3A_653, %dma_start3A_654] : memref<32x137xf32, #tpu.memory_space<vmem>> -> memref<8x128xf32, #tpu.memory_space<vmem>>
        tpu.enqueue_dma source(%dma_start3A_655 : memref<8x128xf32, #tpu.memory_space<vmem>>) target(%dma_start3A_652 : memref<8x128xf32, #tpu.memory_space<hbm>>) target_semaphore(%arg24 : memref<!tpu.dma_semaphore, #tpu.memory_space<semaphore_mem>>)
        %lt3A_656 = arith.constant 9 : i32
        %lt3A_657 = arith.cmpi slt, %scan3A_406, %lt3A_656 : i32
        %convert_element_type3A_658 = arith.extui %lt3A_657 : i1 to i32
        %cond3A_659 = arith.constant 0 : i32
        %cond3A_660 = arith.cmpi ne, %convert_element_type3A_658, %cond3A_659 : i32
        scf.if %cond3A_660 {
          %add3A_833 = arith.constant 5 : i32
          %add3A_834 = arith.addi %add3A_578, %add3A_833 : i32
          %dma_start3A_835 = arith.constant 0 : i32
          %dma_start3A_836 = tpu.memref_slice %arg6[%add3A_834, %dma_start3A_835] : memref<50x128xi32, #tpu.memory_space<vmem>> -> memref<1x128xi32, #tpu.memory_space<vmem>>
          %dma_start3A_837 = tpu.memref_squeeze %dma_start3A_836 : memref<1x128xi32, #tpu.memory_space<vmem>> -> memref<128xi32, #tpu.memory_space<vmem>>
          %dma_start3A_838 = arith.constant 0 : i32
          %dma_start3A_839 = arith.constant 0 : i32
          %dma_start3A_840 = tpu.memref_slice %arg3[%dma_start3A_838, %dma_start3A_839] : memref<1000000x32xf32, #tpu.memory_space<hbm>> -> memref<1000000x32xf32, #tpu.memory_space<hbm>>
          tpu.enqueue_indirect_dma source(%dma_start3A_840 : memref<1000000x32xf32, #tpu.memory_space<hbm>>) target(%arg9 : memref<128x32xf32, #tpu.memory_space<vmem>>) offsets(%dma_start3A_837 : memref<128xi32, #tpu.memory_space<vmem>>) semaphore(%arg19 : memref<!tpu.dma_semaphore, #tpu.memory_space<semaphore_mem>>)
        } else {
        }
        %mul3A_661 = arith.constant 5 : i32
        %mul3A_662 = arith.muli %scan3A_406, %mul3A_661 : i32
        %add3A_663 = arith.constant 3 : i32
        %add3A_664 = arith.addi %mul3A_662, %add3A_663 : i32
        %dma_wait3A_665 = arith.constant 0 : i32
        %dma_wait3A_666 = arith.constant 0 : i32
        %dma_wait3A_667 = tpu.memref_slice %arg3[%dma_wait3A_665, %dma_wait3A_666] : memref<1000000x32xf32, #tpu.memory_space<hbm>> -> memref<128x32xf32, #tpu.memory_space<hbm>>
        %dma_wait3A_668 = arith.constant 0 : i32
        %dma_wait3A_669 = arith.constant 0 : i32
        %dma_wait3A_670 = tpu.memref_slice %arg3[%dma_wait3A_668, %dma_wait3A_669] : memref<1000000x32xf32, #tpu.memory_space<hbm>> -> memref<128x32xf32, #tpu.memory_space<hbm>>
        tpu.wait_dma2 semaphore(%arg20 : memref<!tpu.dma_semaphore, #tpu.memory_space<semaphore_mem>>) src(%dma_wait3A_670 : memref<128x32xf32, #tpu.memory_space<hbm>>) dst(%arg10 : memref<128x32xf32, #tpu.memory_space<vmem>>)
        %gt3A_671 = arith.constant 0 : i32
        %gt3A_672 = arith.cmpi sgt, %scan3A_406, %gt3A_671 : i32
        %convert_element_type3A_673 = arith.extui %gt3A_672 : i1 to i32
        %cond3A_674 = arith.constant 0 : i32
        %cond3A_675 = arith.cmpi ne, %convert_element_type3A_673, %cond3A_674 : i32
        scf.if %cond3A_675 {
          %dma_wait3A_833 = arith.constant 0 : i32
          %dma_wait3A_834 = arith.constant 0 : i32
          %dma_wait3A_835 = arith.constant 0 : i32
          %dma_wait3A_836 = arith.constant 0 : i32
          %dma_wait3A_837 = arith.constant 0 : i32
          %dma_wait3A_838 = tpu.memref_slice %arg15[%dma_wait3A_836, %dma_wait3A_837] : memref<32x137xf32, #tpu.memory_space<vmem>> -> memref<8x128xf32, #tpu.memory_space<vmem>>
          %dma_wait3A_839 = arith.constant 0 : i32
          %dma_wait3A_840 = arith.constant 0 : i32
          %dma_wait3A_841 = tpu.memref_slice %arg4[%dma_wait3A_833, %dma_wait3A_834, %dma_wait3A_835, %dma_wait3A_839, %dma_wait3A_840] : memref<50x4x128x8x128xf32, #tpu.memory_space<hbm>> -> memref<1x1x1x8x128xf32, #tpu.memory_space<hbm>>
          %dma_wait3A_842 = tpu.memref_squeeze %dma_wait3A_841 : memref<1x1x1x8x128xf32, #tpu.memory_space<hbm>> -> memref<8x128xf32, #tpu.memory_space<hbm>>
          %dma_wait3A_843 = arith.constant 0 : i32
          %dma_wait3A_844 = arith.constant 0 : i32
          %dma_wait3A_845 = tpu.memref_slice %arg4[%dma_wait3A_833, %dma_wait3A_834, %dma_wait3A_835, %dma_wait3A_843, %dma_wait3A_844] : memref<50x4x128x8x128xf32, #tpu.memory_space<hbm>> -> memref<1x1x1x8x128xf32, #tpu.memory_space<hbm>>
          %dma_wait3A_846 = tpu.memref_squeeze %dma_wait3A_845 : memref<1x1x1x8x128xf32, #tpu.memory_space<hbm>> -> memref<8x128xf32, #tpu.memory_space<hbm>>
          %dma_wait3A_847 = arith.constant 0 : i32
          %dma_wait3A_848 = arith.constant 0 : i32
          %dma_wait3A_849 = tpu.memref_slice %arg15[%dma_wait3A_847, %dma_wait3A_848] : memref<32x137xf32, #tpu.memory_space<vmem>> -> memref<8x128xf32, #tpu.memory_space<vmem>>
          tpu.wait_dma2 semaphore(%arg25 : memref<!tpu.dma_semaphore, #tpu.memory_space<semaphore_mem>>) src(%dma_wait3A_849 : memref<8x128xf32, #tpu.memory_space<vmem>>) dst(%dma_wait3A_846 : memref<8x128xf32, #tpu.memory_space<hbm>>)
          %dma_wait3A_850 = arith.constant 0 : i32
          %dma_wait3A_851 = arith.constant 1 : i32
          %dma_wait3A_852 = arith.constant 0 : i32
          %dma_wait3A_853 = arith.constant 8 : i32
          %dma_wait3A_854 = arith.constant 0 : i32
          %dma_wait3A_855 = tpu.memref_slice %arg15[%dma_wait3A_853, %dma_wait3A_854] : memref<32x137xf32, #tpu.memory_space<vmem>> -> memref<8x128xf32, #tpu.memory_space<vmem>>
          %dma_wait3A_856 = arith.constant 0 : i32
          %dma_wait3A_857 = arith.constant 0 : i32
          %dma_wait3A_858 = tpu.memref_slice %arg4[%dma_wait3A_850, %dma_wait3A_851, %dma_wait3A_852, %dma_wait3A_856, %dma_wait3A_857] : memref<50x4x128x8x128xf32, #tpu.memory_space<hbm>> -> memref<1x1x1x8x128xf32, #tpu.memory_space<hbm>>
          %dma_wait3A_859 = tpu.memref_squeeze %dma_wait3A_858 : memref<1x1x1x8x128xf32, #tpu.memory_space<hbm>> -> memref<8x128xf32, #tpu.memory_space<hbm>>
          %dma_wait3A_860 = arith.constant 0 : i32
          %dma_wait3A_861 = arith.constant 0 : i32
          %dma_wait3A_862 = tpu.memref_slice %arg4[%dma_wait3A_850, %dma_wait3A_851, %dma_wait3A_852, %dma_wait3A_860, %dma_wait3A_861] : memref<50x4x128x8x128xf32, #tpu.memory_space<hbm>> -> memref<1x1x1x8x128xf32, #tpu.memory_space<hbm>>
          %dma_wait3A_863 = tpu.memref_squeeze %dma_wait3A_862 : memref<1x1x1x8x128xf32, #tpu.memory_space<hbm>> -> memref<8x128xf32, #tpu.memory_space<hbm>>
          %dma_wait3A_864 = arith.constant 8 : i32
          %dma_wait3A_865 = arith.constant 0 : i32
          %dma_wait3A_866 = tpu.memref_slice %arg15[%dma_wait3A_864, %dma_wait3A_865] : memref<32x137xf32, #tpu.memory_space<vmem>> -> memref<8x128xf32, #tpu.memory_space<vmem>>
          tpu.wait_dma2 semaphore(%arg25 : memref<!tpu.dma_semaphore, #tpu.memory_space<semaphore_mem>>) src(%dma_wait3A_866 : memref<8x128xf32, #tpu.memory_space<vmem>>) dst(%dma_wait3A_863 : memref<8x128xf32, #tpu.memory_space<hbm>>)
          %dma_wait3A_867 = arith.constant 0 : i32
          %dma_wait3A_868 = arith.constant 2 : i32
          %dma_wait3A_869 = arith.constant 0 : i32
          %dma_wait3A_870 = arith.constant 16 : i32
          %dma_wait3A_871 = arith.constant 0 : i32
          %dma_wait3A_872 = tpu.memref_slice %arg15[%dma_wait3A_870, %dma_wait3A_871] : memref<32x137xf32, #tpu.memory_space<vmem>> -> memref<8x128xf32, #tpu.memory_space<vmem>>
          %dma_wait3A_873 = arith.constant 0 : i32
          %dma_wait3A_874 = arith.constant 0 : i32
          %dma_wait3A_875 = tpu.memref_slice %arg4[%dma_wait3A_867, %dma_wait3A_868, %dma_wait3A_869, %dma_wait3A_873, %dma_wait3A_874] : memref<50x4x128x8x128xf32, #tpu.memory_space<hbm>> -> memref<1x1x1x8x128xf32, #tpu.memory_space<hbm>>
          %dma_wait3A_876 = tpu.memref_squeeze %dma_wait3A_875 : memref<1x1x1x8x128xf32, #tpu.memory_space<hbm>> -> memref<8x128xf32, #tpu.memory_space<hbm>>
          %dma_wait3A_877 = arith.constant 0 : i32
          %dma_wait3A_878 = arith.constant 0 : i32
          %dma_wait3A_879 = tpu.memref_slice %arg4[%dma_wait3A_867, %dma_wait3A_868, %dma_wait3A_869, %dma_wait3A_877, %dma_wait3A_878] : memref<50x4x128x8x128xf32, #tpu.memory_space<hbm>> -> memref<1x1x1x8x128xf32, #tpu.memory_space<hbm>>
          %dma_wait3A_880 = tpu.memref_squeeze %dma_wait3A_879 : memref<1x1x1x8x128xf32, #tpu.memory_space<hbm>> -> memref<8x128xf32, #tpu.memory_space<hbm>>
          %dma_wait3A_881 = arith.constant 16 : i32
          %dma_wait3A_882 = arith.constant 0 : i32
          %dma_wait3A_883 = tpu.memref_slice %arg15[%dma_wait3A_881, %dma_wait3A_882] : memref<32x137xf32, #tpu.memory_space<vmem>> -> memref<8x128xf32, #tpu.memory_space<vmem>>
          tpu.wait_dma2 semaphore(%arg25 : memref<!tpu.dma_semaphore, #tpu.memory_space<semaphore_mem>>) src(%dma_wait3A_883 : memref<8x128xf32, #tpu.memory_space<vmem>>) dst(%dma_wait3A_880 : memref<8x128xf32, #tpu.memory_space<hbm>>)
          %dma_wait3A_884 = arith.constant 0 : i32
          %dma_wait3A_885 = arith.constant 3 : i32
          %dma_wait3A_886 = arith.constant 0 : i32
          %dma_wait3A_887 = arith.constant 24 : i32
          %dma_wait3A_888 = arith.constant 0 : i32
          %dma_wait3A_889 = tpu.memref_slice %arg15[%dma_wait3A_887, %dma_wait3A_888] : memref<32x137xf32, #tpu.memory_space<vmem>> -> memref<8x128xf32, #tpu.memory_space<vmem>>
          %dma_wait3A_890 = arith.constant 0 : i32
          %dma_wait3A_891 = arith.constant 0 : i32
          %dma_wait3A_892 = tpu.memref_slice %arg4[%dma_wait3A_884, %dma_wait3A_885, %dma_wait3A_886, %dma_wait3A_890, %dma_wait3A_891] : memref<50x4x128x8x128xf32, #tpu.memory_space<hbm>> -> memref<1x1x1x8x128xf32, #tpu.memory_space<hbm>>
          %dma_wait3A_893 = tpu.memref_squeeze %dma_wait3A_892 : memref<1x1x1x8x128xf32, #tpu.memory_space<hbm>> -> memref<8x128xf32, #tpu.memory_space<hbm>>
          %dma_wait3A_894 = arith.constant 0 : i32
          %dma_wait3A_895 = arith.constant 0 : i32
          %dma_wait3A_896 = tpu.memref_slice %arg4[%dma_wait3A_884, %dma_wait3A_885, %dma_wait3A_886, %dma_wait3A_894, %dma_wait3A_895] : memref<50x4x128x8x128xf32, #tpu.memory_space<hbm>> -> memref<1x1x1x8x128xf32, #tpu.memory_space<hbm>>
          %dma_wait3A_897 = tpu.memref_squeeze %dma_wait3A_896 : memref<1x1x1x8x128xf32, #tpu.memory_space<hbm>> -> memref<8x128xf32, #tpu.memory_space<hbm>>
          %dma_wait3A_898 = arith.constant 24 : i32
          %dma_wait3A_899 = arith.constant 0 : i32
          %dma_wait3A_900 = tpu.memref_slice %arg15[%dma_wait3A_898, %dma_wait3A_899] : memref<32x137xf32, #tpu.memory_space<vmem>> -> memref<8x128xf32, #tpu.memory_space<vmem>>
          tpu.wait_dma2 semaphore(%arg25 : memref<!tpu.dma_semaphore, #tpu.memory_space<semaphore_mem>>) src(%dma_wait3A_900 : memref<8x128xf32, #tpu.memory_space<vmem>>) dst(%dma_wait3A_897 : memref<8x128xf32, #tpu.memory_space<hbm>>)
        } else {
        }
        %scan3A_676 = arith.constant 0 : i32
        %scan3A_677 = arith.constant 0 : i32
        %scan3A_678 = arith.constant 128 : i32
        %scan3A_679 = arith.addi %scan3A_677, %scan3A_678 : i32
        %scan3A_680 = arith.constant 8 : i32
        scf.for %scan3A_833 = %scan3A_677 to %scan3A_679 step %scan3A_680  : i32 {
          %add3A_834 = vector.broadcast %scan3A_833 : i32 to vector<16xi32>
          %add3A_835 = arith.addi %sub3A, %add3A_834 : vector<16xi32>
          %get3A = arith.index_cast %scan3A_833 : i32 to index
          %get3A_836 = arith.constant 0 : index
          %get3A_837 = tpu.vector_load %arg10[%get3A, %get3A_836] {strides = array<i32>} : memref<128x32xf32, #tpu.memory_space<vmem>>, vector<16xf32>,
          tpu.vector_store_idx %arg15[%add3A_3, %add3A_835], %get3A_837 : memref<32x137xf32, #tpu.memory_space<vmem>>[vector<16xi32>, vector<16xi32>], vector<16xf32>,
          %get3A_838 = arith.index_cast %scan3A_833 : i32 to index
          %get3A_839 = arith.constant 16 : index
          %get3A_840 = tpu.vector_load %arg10[%get3A_838, %get3A_839] {strides = array<i32>} : memref<128x32xf32, #tpu.memory_space<vmem>>, vector<16xf32>,
          tpu.vector_store_idx %arg15[%add3A_6, %add3A_835], %get3A_840 : memref<32x137xf32, #tpu.memory_space<vmem>>[vector<16xi32>, vector<16xi32>], vector<16xf32>,
          %scan3A_841 = arith.constant 1 : i32
          %scan3A_842 = arith.addi %scan3A_833, %scan3A_841 : i32
          %add3A_843 = vector.broadcast %scan3A_842 : i32 to vector<16xi32>
          %add3A_844 = arith.addi %sub3A, %add3A_843 : vector<16xi32>
          %get3A_845 = arith.index_cast %scan3A_842 : i32 to index
          %get3A_846 = arith.constant 0 : index
          %get3A_847 = tpu.vector_load %arg10[%get3A_845, %get3A_846] {strides = array<i32>} : memref<128x32xf32, #tpu.memory_space<vmem>>, vector<16xf32>,
          tpu.vector_store_idx %arg15[%add3A_3, %add3A_844], %get3A_847 : memref<32x137xf32, #tpu.memory_space<vmem>>[vector<16xi32>, vector<16xi32>], vector<16xf32>,
          %get3A_848 = arith.index_cast %scan3A_842 : i32 to index
          %get3A_849 = arith.constant 16 : index
          %get3A_850 = tpu.vector_load %arg10[%get3A_848, %get3A_849] {strides = array<i32>} : memref<128x32xf32, #tpu.memory_space<vmem>>, vector<16xf32>,
          tpu.vector_store_idx %arg15[%add3A_6, %add3A_844], %get3A_850 : memref<32x137xf32, #tpu.memory_space<vmem>>[vector<16xi32>, vector<16xi32>], vector<16xf32>,
          %scan3A_851 = arith.constant 2 : i32
          %scan3A_852 = arith.addi %scan3A_833, %scan3A_851 : i32
          %add3A_853 = vector.broadcast %scan3A_852 : i32 to vector<16xi32>
          %add3A_854 = arith.addi %sub3A, %add3A_853 : vector<16xi32>
          %get3A_855 = arith.index_cast %scan3A_852 : i32 to index
          %get3A_856 = arith.constant 0 : index
          %get3A_857 = tpu.vector_load %arg10[%get3A_855, %get3A_856] {strides = array<i32>} : memref<128x32xf32, #tpu.memory_space<vmem>>, vector<16xf32>,
          tpu.vector_store_idx %arg15[%add3A_3, %add3A_854], %get3A_857 : memref<32x137xf32, #tpu.memory_space<vmem>>[vector<16xi32>, vector<16xi32>], vector<16xf32>,
          %get3A_858 = arith.index_cast %scan3A_852 : i32 to index
          %get3A_859 = arith.constant 16 : index
          %get3A_860 = tpu.vector_load %arg10[%get3A_858, %get3A_859] {strides = array<i32>} : memref<128x32xf32, #tpu.memory_space<vmem>>, vector<16xf32>,
          tpu.vector_store_idx %arg15[%add3A_6, %add3A_854], %get3A_860 : memref<32x137xf32, #tpu.memory_space<vmem>>[vector<16xi32>, vector<16xi32>], vector<16xf32>,
          %scan3A_861 = arith.constant 3 : i32
          %scan3A_862 = arith.addi %scan3A_833, %scan3A_861 : i32
          %add3A_863 = vector.broadcast %scan3A_862 : i32 to vector<16xi32>
          %add3A_864 = arith.addi %sub3A, %add3A_863 : vector<16xi32>
          %get3A_865 = arith.index_cast %scan3A_862 : i32 to index
          %get3A_866 = arith.constant 0 : index
          %get3A_867 = tpu.vector_load %arg10[%get3A_865, %get3A_866] {strides = array<i32>} : memref<128x32xf32, #tpu.memory_space<vmem>>, vector<16xf32>,
          tpu.vector_store_idx %arg15[%add3A_3, %add3A_864], %get3A_867 : memref<32x137xf32, #tpu.memory_space<vmem>>[vector<16xi32>, vector<16xi32>], vector<16xf32>,
          %get3A_868 = arith.index_cast %scan3A_862 : i32 to index
          %get3A_869 = arith.constant 16 : index
          %get3A_870 = tpu.vector_load %arg10[%get3A_868, %get3A_869] {strides = array<i32>} : memref<128x32xf32, #tpu.memory_space<vmem>>, vector<16xf32>,
          tpu.vector_store_idx %arg15[%add3A_6, %add3A_864], %get3A_870 : memref<32x137xf32, #tpu.memory_space<vmem>>[vector<16xi32>, vector<16xi32>], vector<16xf32>,
          %scan3A_871 = arith.constant 4 : i32
          %scan3A_872 = arith.addi %scan3A_833, %scan3A_871 : i32
          %add3A_873 = vector.broadcast %scan3A_872 : i32 to vector<16xi32>
          %add3A_874 = arith.addi %sub3A, %add3A_873 : vector<16xi32>
          %get3A_875 = arith.index_cast %scan3A_872 : i32 to index
          %get3A_876 = arith.constant 0 : index
          %get3A_877 = tpu.vector_load %arg10[%get3A_875, %get3A_876] {strides = array<i32>} : memref<128x32xf32, #tpu.memory_space<vmem>>, vector<16xf32>,
          tpu.vector_store_idx %arg15[%add3A_3, %add3A_874], %get3A_877 : memref<32x137xf32, #tpu.memory_space<vmem>>[vector<16xi32>, vector<16xi32>], vector<16xf32>,
          %get3A_878 = arith.index_cast %scan3A_872 : i32 to index
          %get3A_879 = arith.constant 16 : index
          %get3A_880 = tpu.vector_load %arg10[%get3A_878, %get3A_879] {strides = array<i32>} : memref<128x32xf32, #tpu.memory_space<vmem>>, vector<16xf32>,
          tpu.vector_store_idx %arg15[%add3A_6, %add3A_874], %get3A_880 : memref<32x137xf32, #tpu.memory_space<vmem>>[vector<16xi32>, vector<16xi32>], vector<16xf32>,
          %scan3A_881 = arith.constant 5 : i32
          %scan3A_882 = arith.addi %scan3A_833, %scan3A_881 : i32
          %add3A_883 = vector.broadcast %scan3A_882 : i32 to vector<16xi32>
          %add3A_884 = arith.addi %sub3A, %add3A_883 : vector<16xi32>
          %get3A_885 = arith.index_cast %scan3A_882 : i32 to index
          %get3A_886 = arith.constant 0 : index
          %get3A_887 = tpu.vector_load %arg10[%get3A_885, %get3A_886] {strides = array<i32>} : memref<128x32xf32, #tpu.memory_space<vmem>>, vector<16xf32>,
          tpu.vector_store_idx %arg15[%add3A_3, %add3A_884], %get3A_887 : memref<32x137xf32, #tpu.memory_space<vmem>>[vector<16xi32>, vector<16xi32>], vector<16xf32>,
          %get3A_888 = arith.index_cast %scan3A_882 : i32 to index
          %get3A_889 = arith.constant 16 : index
          %get3A_890 = tpu.vector_load %arg10[%get3A_888, %get3A_889] {strides = array<i32>} : memref<128x32xf32, #tpu.memory_space<vmem>>, vector<16xf32>,
          tpu.vector_store_idx %arg15[%add3A_6, %add3A_884], %get3A_890 : memref<32x137xf32, #tpu.memory_space<vmem>>[vector<16xi32>, vector<16xi32>], vector<16xf32>,
          %scan3A_891 = arith.constant 6 : i32
          %scan3A_892 = arith.addi %scan3A_833, %scan3A_891 : i32
          %add3A_893 = vector.broadcast %scan3A_892 : i32 to vector<16xi32>
          %add3A_894 = arith.addi %sub3A, %add3A_893 : vector<16xi32>
          %get3A_895 = arith.index_cast %scan3A_892 : i32 to index
          %get3A_896 = arith.constant 0 : index
          %get3A_897 = tpu.vector_load %arg10[%get3A_895, %get3A_896] {strides = array<i32>} : memref<128x32xf32, #tpu.memory_space<vmem>>, vector<16xf32>,
          tpu.vector_store_idx %arg15[%add3A_3, %add3A_894], %get3A_897 : memref<32x137xf32, #tpu.memory_space<vmem>>[vector<16xi32>, vector<16xi32>], vector<16xf32>,
          %get3A_898 = arith.index_cast %scan3A_892 : i32 to index
          %get3A_899 = arith.constant 16 : index
          %get3A_900 = tpu.vector_load %arg10[%get3A_898, %get3A_899] {strides = array<i32>} : memref<128x32xf32, #tpu.memory_space<vmem>>, vector<16xf32>,
          tpu.vector_store_idx %arg15[%add3A_6, %add3A_894], %get3A_900 : memref<32x137xf32, #tpu.memory_space<vmem>>[vector<16xi32>, vector<16xi32>], vector<16xf32>,
          %scan3A_901 = arith.constant 7 : i32
          %scan3A_902 = arith.addi %scan3A_833, %scan3A_901 : i32
          %add3A_903 = vector.broadcast %scan3A_902 : i32 to vector<16xi32>
          %add3A_904 = arith.addi %sub3A, %add3A_903 : vector<16xi32>
          %get3A_905 = arith.index_cast %scan3A_902 : i32 to index
          %get3A_906 = arith.constant 0 : index
          %get3A_907 = tpu.vector_load %arg10[%get3A_905, %get3A_906] {strides = array<i32>} : memref<128x32xf32, #tpu.memory_space<vmem>>, vector<16xf32>,
          tpu.vector_store_idx %arg15[%add3A_3, %add3A_904], %get3A_907 : memref<32x137xf32, #tpu.memory_space<vmem>>[vector<16xi32>, vector<16xi32>], vector<16xf32>,
          %get3A_908 = arith.index_cast %scan3A_902 : i32 to index
          %get3A_909 = arith.constant 16 : index
          %get3A_910 = tpu.vector_load %arg10[%get3A_908, %get3A_909] {strides = array<i32>} : memref<128x32xf32, #tpu.memory_space<vmem>>, vector<16xf32>,
          tpu.vector_store_idx %arg15[%add3A_6, %add3A_904], %get3A_910 : memref<32x137xf32, #tpu.memory_space<vmem>>[vector<16xi32>, vector<16xi32>], vector<16xf32>,
        }
        %scan3A_681 = arith.constant 128 : i32
        %dma_start3A_682 = arith.constant 0 : i32
        %dma_start3A_683 = arith.constant 0 : i32
        %dma_start3A_684 = arith.constant 0 : i32
        %dma_start3A_685 = tpu.memref_slice %arg15[%dma_start3A_683, %dma_start3A_684] : memref<32x137xf32, #tpu.memory_space<vmem>> -> memref<8x128xf32, #tpu.memory_space<vmem>>
        %dma_start3A_686 = arith.constant 0 : i32
        %dma_start3A_687 = arith.constant 0 : i32
        %dma_start3A_688 = tpu.memref_slice %arg4[%add3A_664, %dma_start3A_682, %add3A_20, %dma_start3A_686, %dma_start3A_687] : memref<50x4x128x8x128xf32, #tpu.memory_space<hbm>> -> memref<1x1x1x8x128xf32, #tpu.memory_space<hbm>>
        %dma_start3A_689 = tpu.memref_squeeze %dma_start3A_688 : memref<1x1x1x8x128xf32, #tpu.memory_space<hbm>> -> memref<8x128xf32, #tpu.memory_space<hbm>>
        %dma_start3A_690 = arith.constant 0 : i32
        %dma_start3A_691 = arith.constant 0 : i32
        %dma_start3A_692 = tpu.memref_slice %arg4[%add3A_664, %dma_start3A_682, %add3A_20, %dma_start3A_690, %dma_start3A_691] : memref<50x4x128x8x128xf32, #tpu.memory_space<hbm>> -> memref<1x1x1x8x128xf32, #tpu.memory_space<hbm>>
        %dma_start3A_693 = tpu.memref_squeeze %dma_start3A_692 : memref<1x1x1x8x128xf32, #tpu.memory_space<hbm>> -> memref<8x128xf32, #tpu.memory_space<hbm>>
        %dma_start3A_694 = arith.constant 0 : i32
        %dma_start3A_695 = arith.constant 0 : i32
        %dma_start3A_696 = tpu.memref_slice %arg15[%dma_start3A_694, %dma_start3A_695] : memref<32x137xf32, #tpu.memory_space<vmem>> -> memref<8x128xf32, #tpu.memory_space<vmem>>
        tpu.enqueue_dma source(%dma_start3A_696 : memref<8x128xf32, #tpu.memory_space<vmem>>) target(%dma_start3A_693 : memref<8x128xf32, #tpu.memory_space<hbm>>) target_semaphore(%arg25 : memref<!tpu.dma_semaphore, #tpu.memory_space<semaphore_mem>>)
        %dma_start3A_697 = arith.constant 1 : i32
        %dma_start3A_698 = arith.constant 8 : i32
        %dma_start3A_699 = arith.constant 0 : i32
        %dma_start3A_700 = tpu.memref_slice %arg15[%dma_start3A_698, %dma_start3A_699] : memref<32x137xf32, #tpu.memory_space<vmem>> -> memref<8x128xf32, #tpu.memory_space<vmem>>
        %dma_start3A_701 = arith.constant 0 : i32
        %dma_start3A_702 = arith.constant 0 : i32
        %dma_start3A_703 = tpu.memref_slice %arg4[%add3A_664, %dma_start3A_697, %add3A_20, %dma_start3A_701, %dma_start3A_702] : memref<50x4x128x8x128xf32, #tpu.memory_space<hbm>> -> memref<1x1x1x8x128xf32, #tpu.memory_space<hbm>>
        %dma_start3A_704 = tpu.memref_squeeze %dma_start3A_703 : memref<1x1x1x8x128xf32, #tpu.memory_space<hbm>> -> memref<8x128xf32, #tpu.memory_space<hbm>>
        %dma_start3A_705 = arith.constant 0 : i32
        %dma_start3A_706 = arith.constant 0 : i32
        %dma_start3A_707 = tpu.memref_slice %arg4[%add3A_664, %dma_start3A_697, %add3A_20, %dma_start3A_705, %dma_start3A_706] : memref<50x4x128x8x128xf32, #tpu.memory_space<hbm>> -> memref<1x1x1x8x128xf32, #tpu.memory_space<hbm>>
        %dma_start3A_708 = tpu.memref_squeeze %dma_start3A_707 : memref<1x1x1x8x128xf32, #tpu.memory_space<hbm>> -> memref<8x128xf32, #tpu.memory_space<hbm>>
        %dma_start3A_709 = arith.constant 8 : i32
        %dma_start3A_710 = arith.constant 0 : i32
        %dma_start3A_711 = tpu.memref_slice %arg15[%dma_start3A_709, %dma_start3A_710] : memref<32x137xf32, #tpu.memory_space<vmem>> -> memref<8x128xf32, #tpu.memory_space<vmem>>
        tpu.enqueue_dma source(%dma_start3A_711 : memref<8x128xf32, #tpu.memory_space<vmem>>) target(%dma_start3A_708 : memref<8x128xf32, #tpu.memory_space<hbm>>) target_semaphore(%arg25 : memref<!tpu.dma_semaphore, #tpu.memory_space<semaphore_mem>>)
        %dma_start3A_712 = arith.constant 2 : i32
        %dma_start3A_713 = arith.constant 16 : i32
        %dma_start3A_714 = arith.constant 0 : i32
        %dma_start3A_715 = tpu.memref_slice %arg15[%dma_start3A_713, %dma_start3A_714] : memref<32x137xf32, #tpu.memory_space<vmem>> -> memref<8x128xf32, #tpu.memory_space<vmem>>
        %dma_start3A_716 = arith.constant 0 : i32
        %dma_start3A_717 = arith.constant 0 : i32
        %dma_start3A_718 = tpu.memref_slice %arg4[%add3A_664, %dma_start3A_712, %add3A_20, %dma_start3A_716, %dma_start3A_717] : memref<50x4x128x8x128xf32, #tpu.memory_space<hbm>> -> memref<1x1x1x8x128xf32, #tpu.memory_space<hbm>>
        %dma_start3A_719 = tpu.memref_squeeze %dma_start3A_718 : memref<1x1x1x8x128xf32, #tpu.memory_space<hbm>> -> memref<8x128xf32, #tpu.memory_space<hbm>>
        %dma_start3A_720 = arith.constant 0 : i32
        %dma_start3A_721 = arith.constant 0 : i32
        %dma_start3A_722 = tpu.memref_slice %arg4[%add3A_664, %dma_start3A_712, %add3A_20, %dma_start3A_720, %dma_start3A_721] : memref<50x4x128x8x128xf32, #tpu.memory_space<hbm>> -> memref<1x1x1x8x128xf32, #tpu.memory_space<hbm>>
        %dma_start3A_723 = tpu.memref_squeeze %dma_start3A_722 : memref<1x1x1x8x128xf32, #tpu.memory_space<hbm>> -> memref<8x128xf32, #tpu.memory_space<hbm>>
        %dma_start3A_724 = arith.constant 16 : i32
        %dma_start3A_725 = arith.constant 0 : i32
        %dma_start3A_726 = tpu.memref_slice %arg15[%dma_start3A_724, %dma_start3A_725] : memref<32x137xf32, #tpu.memory_space<vmem>> -> memref<8x128xf32, #tpu.memory_space<vmem>>
        tpu.enqueue_dma source(%dma_start3A_726 : memref<8x128xf32, #tpu.memory_space<vmem>>) target(%dma_start3A_723 : memref<8x128xf32, #tpu.memory_space<hbm>>) target_semaphore(%arg25 : memref<!tpu.dma_semaphore, #tpu.memory_space<semaphore_mem>>)
        %dma_start3A_727 = arith.constant 3 : i32
        %dma_start3A_728 = arith.constant 24 : i32
        %dma_start3A_729 = arith.constant 0 : i32
        %dma_start3A_730 = tpu.memref_slice %arg15[%dma_start3A_728, %dma_start3A_729] : memref<32x137xf32, #tpu.memory_space<vmem>> -> memref<8x128xf32, #tpu.memory_space<vmem>>
        %dma_start3A_731 = arith.constant 0 : i32
        %dma_start3A_732 = arith.constant 0 : i32
        %dma_start3A_733 = tpu.memref_slice %arg4[%add3A_664, %dma_start3A_727, %add3A_20, %dma_start3A_731, %dma_start3A_732] : memref<50x4x128x8x128xf32, #tpu.memory_space<hbm>> -> memref<1x1x1x8x128xf32, #tpu.memory_space<hbm>>
        %dma_start3A_734 = tpu.memref_squeeze %dma_start3A_733 : memref<1x1x1x8x128xf32, #tpu.memory_space<hbm>> -> memref<8x128xf32, #tpu.memory_space<hbm>>
        %dma_start3A_735 = arith.constant 0 : i32
        %dma_start3A_736 = arith.constant 0 : i32
        %dma_start3A_737 = tpu.memref_slice %arg4[%add3A_664, %dma_start3A_727, %add3A_20, %dma_start3A_735, %dma_start3A_736] : memref<50x4x128x8x128xf32, #tpu.memory_space<hbm>> -> memref<1x1x1x8x128xf32, #tpu.memory_space<hbm>>
        %dma_start3A_738 = tpu.memref_squeeze %dma_start3A_737 : memref<1x1x1x8x128xf32, #tpu.memory_space<hbm>> -> memref<8x128xf32, #tpu.memory_space<hbm>>
        %dma_start3A_739 = arith.constant 24 : i32
        %dma_start3A_740 = arith.constant 0 : i32
        %dma_start3A_741 = tpu.memref_slice %arg15[%dma_start3A_739, %dma_start3A_740] : memref<32x137xf32, #tpu.memory_space<vmem>> -> memref<8x128xf32, #tpu.memory_space<vmem>>
        tpu.enqueue_dma source(%dma_start3A_741 : memref<8x128xf32, #tpu.memory_space<vmem>>) target(%dma_start3A_738 : memref<8x128xf32, #tpu.memory_space<hbm>>) target_semaphore(%arg25 : memref<!tpu.dma_semaphore, #tpu.memory_space<semaphore_mem>>)
        %lt3A_742 = arith.constant 9 : i32
        %lt3A_743 = arith.cmpi slt, %scan3A_406, %lt3A_742 : i32
        %convert_element_type3A_744 = arith.extui %lt3A_743 : i1 to i32
        %cond3A_745 = arith.constant 0 : i32
        %cond3A_746 = arith.cmpi ne, %convert_element_type3A_744, %cond3A_745 : i32
        scf.if %cond3A_746 {
          %add3A_833 = arith.constant 5 : i32
          %add3A_834 = arith.addi %add3A_664, %add3A_833 : i32
          %dma_start3A_835 = arith.constant 0 : i32
          %dma_start3A_836 = tpu.memref_slice %arg6[%add3A_834, %dma_start3A_835] : memref<50x128xi32, #tpu.memory_space<vmem>> -> memref<1x128xi32, #tpu.memory_space<vmem>>
          %dma_start3A_837 = tpu.memref_squeeze %dma_start3A_836 : memref<1x128xi32, #tpu.memory_space<vmem>> -> memref<128xi32, #tpu.memory_space<vmem>>
          %dma_start3A_838 = arith.constant 0 : i32
          %dma_start3A_839 = arith.constant 0 : i32
          %dma_start3A_840 = tpu.memref_slice %arg3[%dma_start3A_838, %dma_start3A_839] : memref<1000000x32xf32, #tpu.memory_space<hbm>> -> memref<1000000x32xf32, #tpu.memory_space<hbm>>
          tpu.enqueue_indirect_dma source(%dma_start3A_840 : memref<1000000x32xf32, #tpu.memory_space<hbm>>) target(%arg10 : memref<128x32xf32, #tpu.memory_space<vmem>>) offsets(%dma_start3A_837 : memref<128xi32, #tpu.memory_space<vmem>>) semaphore(%arg20 : memref<!tpu.dma_semaphore, #tpu.memory_space<semaphore_mem>>)
        } else {
        }
        %mul3A_747 = arith.constant 5 : i32
        %mul3A_748 = arith.muli %scan3A_406, %mul3A_747 : i32
        %add3A_749 = arith.constant 4 : i32
        %add3A_750 = arith.addi %mul3A_748, %add3A_749 : i32
        %dma_wait3A_751 = arith.constant 0 : i32
        %dma_wait3A_752 = arith.constant 0 : i32
        %dma_wait3A_753 = tpu.memref_slice %arg3[%dma_wait3A_751, %dma_wait3A_752] : memref<1000000x32xf32, #tpu.memory_space<hbm>> -> memref<128x32xf32, #tpu.memory_space<hbm>>
        %dma_wait3A_754 = arith.constant 0 : i32
        %dma_wait3A_755 = arith.constant 0 : i32
        %dma_wait3A_756 = tpu.memref_slice %arg3[%dma_wait3A_754, %dma_wait3A_755] : memref<1000000x32xf32, #tpu.memory_space<hbm>> -> memref<128x32xf32, #tpu.memory_space<hbm>>
        tpu.wait_dma2 semaphore(%arg21 : memref<!tpu.dma_semaphore, #tpu.memory_space<semaphore_mem>>) src(%dma_wait3A_756 : memref<128x32xf32, #tpu.memory_space<hbm>>) dst(%arg11 : memref<128x32xf32, #tpu.memory_space<vmem>>)
        %gt3A_757 = arith.constant 0 : i32
        %gt3A_758 = arith.cmpi sgt, %scan3A_406, %gt3A_757 : i32
        %convert_element_type3A_759 = arith.extui %gt3A_758 : i1 to i32
        %cond3A_760 = arith.constant 0 : i32
        %cond3A_761 = arith.cmpi ne, %convert_element_type3A_759, %cond3A_760 : i32
        scf.if %cond3A_761 {
          %dma_wait3A_833 = arith.constant 0 : i32
          %dma_wait3A_834 = arith.constant 0 : i32
          %dma_wait3A_835 = arith.constant 0 : i32
          %dma_wait3A_836 = arith.constant 0 : i32
          %dma_wait3A_837 = arith.constant 0 : i32
          %dma_wait3A_838 = tpu.memref_slice %arg16[%dma_wait3A_836, %dma_wait3A_837] : memref<32x137xf32, #tpu.memory_space<vmem>> -> memref<8x128xf32, #tpu.memory_space<vmem>>
          %dma_wait3A_839 = arith.constant 0 : i32
          %dma_wait3A_840 = arith.constant 0 : i32
          %dma_wait3A_841 = tpu.memref_slice %arg4[%dma_wait3A_833, %dma_wait3A_834, %dma_wait3A_835, %dma_wait3A_839, %dma_wait3A_840] : memref<50x4x128x8x128xf32, #tpu.memory_space<hbm>> -> memref<1x1x1x8x128xf32, #tpu.memory_space<hbm>>
          %dma_wait3A_842 = tpu.memref_squeeze %dma_wait3A_841 : memref<1x1x1x8x128xf32, #tpu.memory_space<hbm>> -> memref<8x128xf32, #tpu.memory_space<hbm>>
          %dma_wait3A_843 = arith.constant 0 : i32
          %dma_wait3A_844 = arith.constant 0 : i32
          %dma_wait3A_845 = tpu.memref_slice %arg4[%dma_wait3A_833, %dma_wait3A_834, %dma_wait3A_835, %dma_wait3A_843, %dma_wait3A_844] : memref<50x4x128x8x128xf32, #tpu.memory_space<hbm>> -> memref<1x1x1x8x128xf32, #tpu.memory_space<hbm>>
          %dma_wait3A_846 = tpu.memref_squeeze %dma_wait3A_845 : memref<1x1x1x8x128xf32, #tpu.memory_space<hbm>> -> memref<8x128xf32, #tpu.memory_space<hbm>>
          %dma_wait3A_847 = arith.constant 0 : i32
          %dma_wait3A_848 = arith.constant 0 : i32
          %dma_wait3A_849 = tpu.memref_slice %arg16[%dma_wait3A_847, %dma_wait3A_848] : memref<32x137xf32, #tpu.memory_space<vmem>> -> memref<8x128xf32, #tpu.memory_space<vmem>>
          tpu.wait_dma2 semaphore(%arg26 : memref<!tpu.dma_semaphore, #tpu.memory_space<semaphore_mem>>) src(%dma_wait3A_849 : memref<8x128xf32, #tpu.memory_space<vmem>>) dst(%dma_wait3A_846 : memref<8x128xf32, #tpu.memory_space<hbm>>)
          %dma_wait3A_850 = arith.constant 0 : i32
          %dma_wait3A_851 = arith.constant 1 : i32
          %dma_wait3A_852 = arith.constant 0 : i32
          %dma_wait3A_853 = arith.constant 8 : i32
          %dma_wait3A_854 = arith.constant 0 : i32
          %dma_wait3A_855 = tpu.memref_slice %arg16[%dma_wait3A_853, %dma_wait3A_854] : memref<32x137xf32, #tpu.memory_space<vmem>> -> memref<8x128xf32, #tpu.memory_space<vmem>>
          %dma_wait3A_856 = arith.constant 0 : i32
          %dma_wait3A_857 = arith.constant 0 : i32
          %dma_wait3A_858 = tpu.memref_slice %arg4[%dma_wait3A_850, %dma_wait3A_851, %dma_wait3A_852, %dma_wait3A_856, %dma_wait3A_857] : memref<50x4x128x8x128xf32, #tpu.memory_space<hbm>> -> memref<1x1x1x8x128xf32, #tpu.memory_space<hbm>>
          %dma_wait3A_859 = tpu.memref_squeeze %dma_wait3A_858 : memref<1x1x1x8x128xf32, #tpu.memory_space<hbm>> -> memref<8x128xf32, #tpu.memory_space<hbm>>
          %dma_wait3A_860 = arith.constant 0 : i32
          %dma_wait3A_861 = arith.constant 0 : i32
          %dma_wait3A_862 = tpu.memref_slice %arg4[%dma_wait3A_850, %dma_wait3A_851, %dma_wait3A_852, %dma_wait3A_860, %dma_wait3A_861] : memref<50x4x128x8x128xf32, #tpu.memory_space<hbm>> -> memref<1x1x1x8x128xf32, #tpu.memory_space<hbm>>
          %dma_wait3A_863 = tpu.memref_squeeze %dma_wait3A_862 : memref<1x1x1x8x128xf32, #tpu.memory_space<hbm>> -> memref<8x128xf32, #tpu.memory_space<hbm>>
          %dma_wait3A_864 = arith.constant 8 : i32
          %dma_wait3A_865 = arith.constant 0 : i32
          %dma_wait3A_866 = tpu.memref_slice %arg16[%dma_wait3A_864, %dma_wait3A_865] : memref<32x137xf32, #tpu.memory_space<vmem>> -> memref<8x128xf32, #tpu.memory_space<vmem>>
          tpu.wait_dma2 semaphore(%arg26 : memref<!tpu.dma_semaphore, #tpu.memory_space<semaphore_mem>>) src(%dma_wait3A_866 : memref<8x128xf32, #tpu.memory_space<vmem>>) dst(%dma_wait3A_863 : memref<8x128xf32, #tpu.memory_space<hbm>>)
          %dma_wait3A_867 = arith.constant 0 : i32
          %dma_wait3A_868 = arith.constant 2 : i32
          %dma_wait3A_869 = arith.constant 0 : i32
          %dma_wait3A_870 = arith.constant 16 : i32
          %dma_wait3A_871 = arith.constant 0 : i32
          %dma_wait3A_872 = tpu.memref_slice %arg16[%dma_wait3A_870, %dma_wait3A_871] : memref<32x137xf32, #tpu.memory_space<vmem>> -> memref<8x128xf32, #tpu.memory_space<vmem>>
          %dma_wait3A_873 = arith.constant 0 : i32
          %dma_wait3A_874 = arith.constant 0 : i32
          %dma_wait3A_875 = tpu.memref_slice %arg4[%dma_wait3A_867, %dma_wait3A_868, %dma_wait3A_869, %dma_wait3A_873, %dma_wait3A_874] : memref<50x4x128x8x128xf32, #tpu.memory_space<hbm>> -> memref<1x1x1x8x128xf32, #tpu.memory_space<hbm>>
          %dma_wait3A_876 = tpu.memref_squeeze %dma_wait3A_875 : memref<1x1x1x8x128xf32, #tpu.memory_space<hbm>> -> memref<8x128xf32, #tpu.memory_space<hbm>>
          %dma_wait3A_877 = arith.constant 0 : i32
          %dma_wait3A_878 = arith.constant 0 : i32
          %dma_wait3A_879 = tpu.memref_slice %arg4[%dma_wait3A_867, %dma_wait3A_868, %dma_wait3A_869, %dma_wait3A_877, %dma_wait3A_878] : memref<50x4x128x8x128xf32, #tpu.memory_space<hbm>> -> memref<1x1x1x8x128xf32, #tpu.memory_space<hbm>>
          %dma_wait3A_880 = tpu.memref_squeeze %dma_wait3A_879 : memref<1x1x1x8x128xf32, #tpu.memory_space<hbm>> -> memref<8x128xf32, #tpu.memory_space<hbm>>
          %dma_wait3A_881 = arith.constant 16 : i32
          %dma_wait3A_882 = arith.constant 0 : i32
          %dma_wait3A_883 = tpu.memref_slice %arg16[%dma_wait3A_881, %dma_wait3A_882] : memref<32x137xf32, #tpu.memory_space<vmem>> -> memref<8x128xf32, #tpu.memory_space<vmem>>
          tpu.wait_dma2 semaphore(%arg26 : memref<!tpu.dma_semaphore, #tpu.memory_space<semaphore_mem>>) src(%dma_wait3A_883 : memref<8x128xf32, #tpu.memory_space<vmem>>) dst(%dma_wait3A_880 : memref<8x128xf32, #tpu.memory_space<hbm>>)
          %dma_wait3A_884 = arith.constant 0 : i32
          %dma_wait3A_885 = arith.constant 3 : i32
          %dma_wait3A_886 = arith.constant 0 : i32
          %dma_wait3A_887 = arith.constant 24 : i32
          %dma_wait3A_888 = arith.constant 0 : i32
          %dma_wait3A_889 = tpu.memref_slice %arg16[%dma_wait3A_887, %dma_wait3A_888] : memref<32x137xf32, #tpu.memory_space<vmem>> -> memref<8x128xf32, #tpu.memory_space<vmem>>
          %dma_wait3A_890 = arith.constant 0 : i32
          %dma_wait3A_891 = arith.constant 0 : i32
          %dma_wait3A_892 = tpu.memref_slice %arg4[%dma_wait3A_884, %dma_wait3A_885, %dma_wait3A_886, %dma_wait3A_890, %dma_wait3A_891] : memref<50x4x128x8x128xf32, #tpu.memory_space<hbm>> -> memref<1x1x1x8x128xf32, #tpu.memory_space<hbm>>
          %dma_wait3A_893 = tpu.memref_squeeze %dma_wait3A_892 : memref<1x1x1x8x128xf32, #tpu.memory_space<hbm>> -> memref<8x128xf32, #tpu.memory_space<hbm>>
          %dma_wait3A_894 = arith.constant 0 : i32
          %dma_wait3A_895 = arith.constant 0 : i32
          %dma_wait3A_896 = tpu.memref_slice %arg4[%dma_wait3A_884, %dma_wait3A_885, %dma_wait3A_886, %dma_wait3A_894, %dma_wait3A_895] : memref<50x4x128x8x128xf32, #tpu.memory_space<hbm>> -> memref<1x1x1x8x128xf32, #tpu.memory_space<hbm>>
          %dma_wait3A_897 = tpu.memref_squeeze %dma_wait3A_896 : memref<1x1x1x8x128xf32, #tpu.memory_space<hbm>> -> memref<8x128xf32, #tpu.memory_space<hbm>>
          %dma_wait3A_898 = arith.constant 24 : i32
          %dma_wait3A_899 = arith.constant 0 : i32
          %dma_wait3A_900 = tpu.memref_slice %arg16[%dma_wait3A_898, %dma_wait3A_899] : memref<32x137xf32, #tpu.memory_space<vmem>> -> memref<8x128xf32, #tpu.memory_space<vmem>>
          tpu.wait_dma2 semaphore(%arg26 : memref<!tpu.dma_semaphore, #tpu.memory_space<semaphore_mem>>) src(%dma_wait3A_900 : memref<8x128xf32, #tpu.memory_space<vmem>>) dst(%dma_wait3A_897 : memref<8x128xf32, #tpu.memory_space<hbm>>)
        } else {
        }
        %scan3A_762 = arith.constant 0 : i32
        %scan3A_763 = arith.constant 0 : i32
        %scan3A_764 = arith.constant 128 : i32
        %scan3A_765 = arith.addi %scan3A_763, %scan3A_764 : i32
        %scan3A_766 = arith.constant 8 : i32
        scf.for %scan3A_833 = %scan3A_763 to %scan3A_765 step %scan3A_766  : i32 {
          %add3A_834 = vector.broadcast %scan3A_833 : i32 to vector<16xi32>
          %add3A_835 = arith.addi %sub3A, %add3A_834 : vector<16xi32>
          %get3A = arith.index_cast %scan3A_833 : i32 to index
          %get3A_836 = arith.constant 0 : index
          %get3A_837 = tpu.vector_load %arg11[%get3A, %get3A_836] {strides = array<i32>} : memref<128x32xf32, #tpu.memory_space<vmem>>, vector<16xf32>,
          tpu.vector_store_idx %arg16[%add3A_3, %add3A_835], %get3A_837 : memref<32x137xf32, #tpu.memory_space<vmem>>[vector<16xi32>, vector<16xi32>], vector<16xf32>,
          %get3A_838 = arith.index_cast %scan3A_833 : i32 to index
          %get3A_839 = arith.constant 16 : index
          %get3A_840 = tpu.vector_load %arg11[%get3A_838, %get3A_839] {strides = array<i32>} : memref<128x32xf32, #tpu.memory_space<vmem>>, vector<16xf32>,
          tpu.vector_store_idx %arg16[%add3A_6, %add3A_835], %get3A_840 : memref<32x137xf32, #tpu.memory_space<vmem>>[vector<16xi32>, vector<16xi32>], vector<16xf32>,
          %scan3A_841 = arith.constant 1 : i32
          %scan3A_842 = arith.addi %scan3A_833, %scan3A_841 : i32
          %add3A_843 = vector.broadcast %scan3A_842 : i32 to vector<16xi32>
          %add3A_844 = arith.addi %sub3A, %add3A_843 : vector<16xi32>
          %get3A_845 = arith.index_cast %scan3A_842 : i32 to index
          %get3A_846 = arith.constant 0 : index
          %get3A_847 = tpu.vector_load %arg11[%get3A_845, %get3A_846] {strides = array<i32>} : memref<128x32xf32, #tpu.memory_space<vmem>>, vector<16xf32>,
          tpu.vector_store_idx %arg16[%add3A_3, %add3A_844], %get3A_847 : memref<32x137xf32, #tpu.memory_space<vmem>>[vector<16xi32>, vector<16xi32>], vector<16xf32>,
          %get3A_848 = arith.index_cast %scan3A_842 : i32 to index
          %get3A_849 = arith.constant 16 : index
          %get3A_850 = tpu.vector_load %arg11[%get3A_848, %get3A_849] {strides = array<i32>} : memref<128x32xf32, #tpu.memory_space<vmem>>, vector<16xf32>,
          tpu.vector_store_idx %arg16[%add3A_6, %add3A_844], %get3A_850 : memref<32x137xf32, #tpu.memory_space<vmem>>[vector<16xi32>, vector<16xi32>], vector<16xf32>,
          %scan3A_851 = arith.constant 2 : i32
          %scan3A_852 = arith.addi %scan3A_833, %scan3A_851 : i32
          %add3A_853 = vector.broadcast %scan3A_852 : i32 to vector<16xi32>
          %add3A_854 = arith.addi %sub3A, %add3A_853 : vector<16xi32>
          %get3A_855 = arith.index_cast %scan3A_852 : i32 to index
          %get3A_856 = arith.constant 0 : index
          %get3A_857 = tpu.vector_load %arg11[%get3A_855, %get3A_856] {strides = array<i32>} : memref<128x32xf32, #tpu.memory_space<vmem>>, vector<16xf32>,
          tpu.vector_store_idx %arg16[%add3A_3, %add3A_854], %get3A_857 : memref<32x137xf32, #tpu.memory_space<vmem>>[vector<16xi32>, vector<16xi32>], vector<16xf32>,
          %get3A_858 = arith.index_cast %scan3A_852 : i32 to index
          %get3A_859 = arith.constant 16 : index
          %get3A_860 = tpu.vector_load %arg11[%get3A_858, %get3A_859] {strides = array<i32>} : memref<128x32xf32, #tpu.memory_space<vmem>>, vector<16xf32>,
          tpu.vector_store_idx %arg16[%add3A_6, %add3A_854], %get3A_860 : memref<32x137xf32, #tpu.memory_space<vmem>>[vector<16xi32>, vector<16xi32>], vector<16xf32>,
          %scan3A_861 = arith.constant 3 : i32
          %scan3A_862 = arith.addi %scan3A_833, %scan3A_861 : i32
          %add3A_863 = vector.broadcast %scan3A_862 : i32 to vector<16xi32>
          %add3A_864 = arith.addi %sub3A, %add3A_863 : vector<16xi32>
          %get3A_865 = arith.index_cast %scan3A_862 : i32 to index
          %get3A_866 = arith.constant 0 : index
          %get3A_867 = tpu.vector_load %arg11[%get3A_865, %get3A_866] {strides = array<i32>} : memref<128x32xf32, #tpu.memory_space<vmem>>, vector<16xf32>,
          tpu.vector_store_idx %arg16[%add3A_3, %add3A_864], %get3A_867 : memref<32x137xf32, #tpu.memory_space<vmem>>[vector<16xi32>, vector<16xi32>], vector<16xf32>,
          %get3A_868 = arith.index_cast %scan3A_862 : i32 to index
          %get3A_869 = arith.constant 16 : index
          %get3A_870 = tpu.vector_load %arg11[%get3A_868, %get3A_869] {strides = array<i32>} : memref<128x32xf32, #tpu.memory_space<vmem>>, vector<16xf32>,
          tpu.vector_store_idx %arg16[%add3A_6, %add3A_864], %get3A_870 : memref<32x137xf32, #tpu.memory_space<vmem>>[vector<16xi32>, vector<16xi32>], vector<16xf32>,
          %scan3A_871 = arith.constant 4 : i32
          %scan3A_872 = arith.addi %scan3A_833, %scan3A_871 : i32
          %add3A_873 = vector.broadcast %scan3A_872 : i32 to vector<16xi32>
          %add3A_874 = arith.addi %sub3A, %add3A_873 : vector<16xi32>
          %get3A_875 = arith.index_cast %scan3A_872 : i32 to index
          %get3A_876 = arith.constant 0 : index
          %get3A_877 = tpu.vector_load %arg11[%get3A_875, %get3A_876] {strides = array<i32>} : memref<128x32xf32, #tpu.memory_space<vmem>>, vector<16xf32>,
          tpu.vector_store_idx %arg16[%add3A_3, %add3A_874], %get3A_877 : memref<32x137xf32, #tpu.memory_space<vmem>>[vector<16xi32>, vector<16xi32>], vector<16xf32>,
          %get3A_878 = arith.index_cast %scan3A_872 : i32 to index
          %get3A_879 = arith.constant 16 : index
          %get3A_880 = tpu.vector_load %arg11[%get3A_878, %get3A_879] {strides = array<i32>} : memref<128x32xf32, #tpu.memory_space<vmem>>, vector<16xf32>,
          tpu.vector_store_idx %arg16[%add3A_6, %add3A_874], %get3A_880 : memref<32x137xf32, #tpu.memory_space<vmem>>[vector<16xi32>, vector<16xi32>], vector<16xf32>,
          %scan3A_881 = arith.constant 5 : i32
          %scan3A_882 = arith.addi %scan3A_833, %scan3A_881 : i32
          %add3A_883 = vector.broadcast %scan3A_882 : i32 to vector<16xi32>
          %add3A_884 = arith.addi %sub3A, %add3A_883 : vector<16xi32>
          %get3A_885 = arith.index_cast %scan3A_882 : i32 to index
          %get3A_886 = arith.constant 0 : index
          %get3A_887 = tpu.vector_load %arg11[%get3A_885, %get3A_886] {strides = array<i32>} : memref<128x32xf32, #tpu.memory_space<vmem>>, vector<16xf32>,
          tpu.vector_store_idx %arg16[%add3A_3, %add3A_884], %get3A_887 : memref<32x137xf32, #tpu.memory_space<vmem>>[vector<16xi32>, vector<16xi32>], vector<16xf32>,
          %get3A_888 = arith.index_cast %scan3A_882 : i32 to index
          %get3A_889 = arith.constant 16 : index
          %get3A_890 = tpu.vector_load %arg11[%get3A_888, %get3A_889] {strides = array<i32>} : memref<128x32xf32, #tpu.memory_space<vmem>>, vector<16xf32>,
          tpu.vector_store_idx %arg16[%add3A_6, %add3A_884], %get3A_890 : memref<32x137xf32, #tpu.memory_space<vmem>>[vector<16xi32>, vector<16xi32>], vector<16xf32>,
          %scan3A_891 = arith.constant 6 : i32
          %scan3A_892 = arith.addi %scan3A_833, %scan3A_891 : i32
          %add3A_893 = vector.broadcast %scan3A_892 : i32 to vector<16xi32>
          %add3A_894 = arith.addi %sub3A, %add3A_893 : vector<16xi32>
          %get3A_895 = arith.index_cast %scan3A_892 : i32 to index
          %get3A_896 = arith.constant 0 : index
          %get3A_897 = tpu.vector_load %arg11[%get3A_895, %get3A_896] {strides = array<i32>} : memref<128x32xf32, #tpu.memory_space<vmem>>, vector<16xf32>,
          tpu.vector_store_idx %arg16[%add3A_3, %add3A_894], %get3A_897 : memref<32x137xf32, #tpu.memory_space<vmem>>[vector<16xi32>, vector<16xi32>], vector<16xf32>,
          %get3A_898 = arith.index_cast %scan3A_892 : i32 to index
          %get3A_899 = arith.constant 16 : index
          %get3A_900 = tpu.vector_load %arg11[%get3A_898, %get3A_899] {strides = array<i32>} : memref<128x32xf32, #tpu.memory_space<vmem>>, vector<16xf32>,
          tpu.vector_store_idx %arg16[%add3A_6, %add3A_894], %get3A_900 : memref<32x137xf32, #tpu.memory_space<vmem>>[vector<16xi32>, vector<16xi32>], vector<16xf32>,
          %scan3A_901 = arith.constant 7 : i32
          %scan3A_902 = arith.addi %scan3A_833, %scan3A_901 : i32
          %add3A_903 = vector.broadcast %scan3A_902 : i32 to vector<16xi32>
          %add3A_904 = arith.addi %sub3A, %add3A_903 : vector<16xi32>
          %get3A_905 = arith.index_cast %scan3A_902 : i32 to index
          %get3A_906 = arith.constant 0 : index
          %get3A_907 = tpu.vector_load %arg11[%get3A_905, %get3A_906] {strides = array<i32>} : memref<128x32xf32, #tpu.memory_space<vmem>>, vector<16xf32>,
          tpu.vector_store_idx %arg16[%add3A_3, %add3A_904], %get3A_907 : memref<32x137xf32, #tpu.memory_space<vmem>>[vector<16xi32>, vector<16xi32>], vector<16xf32>,
          %get3A_908 = arith.index_cast %scan3A_902 : i32 to index
          %get3A_909 = arith.constant 16 : index
          %get3A_910 = tpu.vector_load %arg11[%get3A_908, %get3A_909] {strides = array<i32>} : memref<128x32xf32, #tpu.memory_space<vmem>>, vector<16xf32>,
          tpu.vector_store_idx %arg16[%add3A_6, %add3A_904], %get3A_910 : memref<32x137xf32, #tpu.memory_space<vmem>>[vector<16xi32>, vector<16xi32>], vector<16xf32>,
        }
        %scan3A_767 = arith.constant 128 : i32
        %dma_start3A_768 = arith.constant 0 : i32
        %dma_start3A_769 = arith.constant 0 : i32
        %dma_start3A_770 = arith.constant 0 : i32
        %dma_start3A_771 = tpu.memref_slice %arg16[%dma_start3A_769, %dma_start3A_770] : memref<32x137xf32, #tpu.memory_space<vmem>> -> memref<8x128xf32, #tpu.memory_space<vmem>>
        %dma_start3A_772 = arith.constant 0 : i32
        %dma_start3A_773 = arith.constant 0 : i32
        %dma_start3A_774 = tpu.memref_slice %arg4[%add3A_750, %dma_start3A_768, %add3A_20, %dma_start3A_772, %dma_start3A_773] : memref<50x4x128x8x128xf32, #tpu.memory_space<hbm>> -> memref<1x1x1x8x128xf32, #tpu.memory_space<hbm>>
        %dma_start3A_775 = tpu.memref_squeeze %dma_start3A_774 : memref<1x1x1x8x128xf32, #tpu.memory_space<hbm>> -> memref<8x128xf32, #tpu.memory_space<hbm>>
        %dma_start3A_776 = arith.constant 0 : i32
        %dma_start3A_777 = arith.constant 0 : i32
        %dma_start3A_778 = tpu.memref_slice %arg4[%add3A_750, %dma_start3A_768, %add3A_20, %dma_start3A_776, %dma_start3A_777] : memref<50x4x128x8x128xf32, #tpu.memory_space<hbm>> -> memref<1x1x1x8x128xf32, #tpu.memory_space<hbm>>
        %dma_start3A_779 = tpu.memref_squeeze %dma_start3A_778 : memref<1x1x1x8x128xf32, #tpu.memory_space<hbm>> -> memref<8x128xf32, #tpu.memory_space<hbm>>
        %dma_start3A_780 = arith.constant 0 : i32
        %dma_start3A_781 = arith.constant 0 : i32
        %dma_start3A_782 = tpu.memref_slice %arg16[%dma_start3A_780, %dma_start3A_781] : memref<32x137xf32, #tpu.memory_space<vmem>> -> memref<8x128xf32, #tpu.memory_space<vmem>>
        tpu.enqueue_dma source(%dma_start3A_782 : memref<8x128xf32, #tpu.memory_space<vmem>>) target(%dma_start3A_779 : memref<8x128xf32, #tpu.memory_space<hbm>>) target_semaphore(%arg26 : memref<!tpu.dma_semaphore, #tpu.memory_space<semaphore_mem>>)
        %dma_start3A_783 = arith.constant 1 : i32
        %dma_start3A_784 = arith.constant 8 : i32
        %dma_start3A_785 = arith.constant 0 : i32
        %dma_start3A_786 = tpu.memref_slice %arg16[%dma_start3A_784, %dma_start3A_785] : memref<32x137xf32, #tpu.memory_space<vmem>> -> memref<8x128xf32, #tpu.memory_space<vmem>>
        %dma_start3A_787 = arith.constant 0 : i32
        %dma_start3A_788 = arith.constant 0 : i32
        %dma_start3A_789 = tpu.memref_slice %arg4[%add3A_750, %dma_start3A_783, %add3A_20, %dma_start3A_787, %dma_start3A_788] : memref<50x4x128x8x128xf32, #tpu.memory_space<hbm>> -> memref<1x1x1x8x128xf32, #tpu.memory_space<hbm>>
        %dma_start3A_790 = tpu.memref_squeeze %dma_start3A_789 : memref<1x1x1x8x128xf32, #tpu.memory_space<hbm>> -> memref<8x128xf32, #tpu.memory_space<hbm>>
        %dma_start3A_791 = arith.constant 0 : i32
        %dma_start3A_792 = arith.constant 0 : i32
        %dma_start3A_793 = tpu.memref_slice %arg4[%add3A_750, %dma_start3A_783, %add3A_20, %dma_start3A_791, %dma_start3A_792] : memref<50x4x128x8x128xf32, #tpu.memory_space<hbm>> -> memref<1x1x1x8x128xf32, #tpu.memory_space<hbm>>
        %dma_start3A_794 = tpu.memref_squeeze %dma_start3A_793 : memref<1x1x1x8x128xf32, #tpu.memory_space<hbm>> -> memref<8x128xf32, #tpu.memory_space<hbm>>
        %dma_start3A_795 = arith.constant 8 : i32
        %dma_start3A_796 = arith.constant 0 : i32
        %dma_start3A_797 = tpu.memref_slice %arg16[%dma_start3A_795, %dma_start3A_796] : memref<32x137xf32, #tpu.memory_space<vmem>> -> memref<8x128xf32, #tpu.memory_space<vmem>>
        tpu.enqueue_dma source(%dma_start3A_797 : memref<8x128xf32, #tpu.memory_space<vmem>>) target(%dma_start3A_794 : memref<8x128xf32, #tpu.memory_space<hbm>>) target_semaphore(%arg26 : memref<!tpu.dma_semaphore, #tpu.memory_space<semaphore_mem>>)
        %dma_start3A_798 = arith.constant 2 : i32
        %dma_start3A_799 = arith.constant 16 : i32
        %dma_start3A_800 = arith.constant 0 : i32
        %dma_start3A_801 = tpu.memref_slice %arg16[%dma_start3A_799, %dma_start3A_800] : memref<32x137xf32, #tpu.memory_space<vmem>> -> memref<8x128xf32, #tpu.memory_space<vmem>>
        %dma_start3A_802 = arith.constant 0 : i32
        %dma_start3A_803 = arith.constant 0 : i32
        %dma_start3A_804 = tpu.memref_slice %arg4[%add3A_750, %dma_start3A_798, %add3A_20, %dma_start3A_802, %dma_start3A_803] : memref<50x4x128x8x128xf32, #tpu.memory_space<hbm>> -> memref<1x1x1x8x128xf32, #tpu.memory_space<hbm>>
        %dma_start3A_805 = tpu.memref_squeeze %dma_start3A_804 : memref<1x1x1x8x128xf32, #tpu.memory_space<hbm>> -> memref<8x128xf32, #tpu.memory_space<hbm>>
        %dma_start3A_806 = arith.constant 0 : i32
        %dma_start3A_807 = arith.constant 0 : i32
        %dma_start3A_808 = tpu.memref_slice %arg4[%add3A_750, %dma_start3A_798, %add3A_20, %dma_start3A_806, %dma_start3A_807] : memref<50x4x128x8x128xf32, #tpu.memory_space<hbm>> -> memref<1x1x1x8x128xf32, #tpu.memory_space<hbm>>
        %dma_start3A_809 = tpu.memref_squeeze %dma_start3A_808 : memref<1x1x1x8x128xf32, #tpu.memory_space<hbm>> -> memref<8x128xf32, #tpu.memory_space<hbm>>
        %dma_start3A_810 = arith.constant 16 : i32
        %dma_start3A_811 = arith.constant 0 : i32
        %dma_start3A_812 = tpu.memref_slice %arg16[%dma_start3A_810, %dma_start3A_811] : memref<32x137xf32, #tpu.memory_space<vmem>> -> memref<8x128xf32, #tpu.memory_space<vmem>>
        tpu.enqueue_dma source(%dma_start3A_812 : memref<8x128xf32, #tpu.memory_space<vmem>>) target(%dma_start3A_809 : memref<8x128xf32, #tpu.memory_space<hbm>>) target_semaphore(%arg26 : memref<!tpu.dma_semaphore, #tpu.memory_space<semaphore_mem>>)
        %dma_start3A_813 = arith.constant 3 : i32
        %dma_start3A_814 = arith.constant 24 : i32
        %dma_start3A_815 = arith.constant 0 : i32
        %dma_start3A_816 = tpu.memref_slice %arg16[%dma_start3A_814, %dma_start3A_815] : memref<32x137xf32, #tpu.memory_space<vmem>> -> memref<8x128xf32, #tpu.memory_space<vmem>>
        %dma_start3A_817 = arith.constant 0 : i32
        %dma_start3A_818 = arith.constant 0 : i32
        %dma_start3A_819 = tpu.memref_slice %arg4[%add3A_750, %dma_start3A_813, %add3A_20, %dma_start3A_817, %dma_start3A_818] : memref<50x4x128x8x128xf32, #tpu.memory_space<hbm>> -> memref<1x1x1x8x128xf32, #tpu.memory_space<hbm>>
        %dma_start3A_820 = tpu.memref_squeeze %dma_start3A_819 : memref<1x1x1x8x128xf32, #tpu.memory_space<hbm>> -> memref<8x128xf32, #tpu.memory_space<hbm>>
        %dma_start3A_821 = arith.constant 0 : i32
        %dma_start3A_822 = arith.constant 0 : i32
        %dma_start3A_823 = tpu.memref_slice %arg4[%add3A_750, %dma_start3A_813, %add3A_20, %dma_start3A_821, %dma_start3A_822] : memref<50x4x128x8x128xf32, #tpu.memory_space<hbm>> -> memref<1x1x1x8x128xf32, #tpu.memory_space<hbm>>
        %dma_start3A_824 = tpu.memref_squeeze %dma_start3A_823 : memref<1x1x1x8x128xf32, #tpu.memory_space<hbm>> -> memref<8x128xf32, #tpu.memory_space<hbm>>
        %dma_start3A_825 = arith.constant 24 : i32
        %dma_start3A_826 = arith.constant 0 : i32
        %dma_start3A_827 = tpu.memref_slice %arg16[%dma_start3A_825, %dma_start3A_826] : memref<32x137xf32, #tpu.memory_space<vmem>> -> memref<8x128xf32, #tpu.memory_space<vmem>>
        tpu.enqueue_dma source(%dma_start3A_827 : memref<8x128xf32, #tpu.memory_space<vmem>>) target(%dma_start3A_824 : memref<8x128xf32, #tpu.memory_space<hbm>>) target_semaphore(%arg26 : memref<!tpu.dma_semaphore, #tpu.memory_space<semaphore_mem>>)
        %lt3A_828 = arith.constant 9 : i32
        %lt3A_829 = arith.cmpi slt, %scan3A_406, %lt3A_828 : i32
        %convert_element_type3A_830 = arith.extui %lt3A_829 : i1 to i32
        %cond3A_831 = arith.constant 0 : i32
        %cond3A_832 = arith.cmpi ne, %convert_element_type3A_830, %cond3A_831 : i32
        scf.if %cond3A_832 {
          %add3A_833 = arith.constant 5 : i32
          %add3A_834 = arith.addi %add3A_750, %add3A_833 : i32
          %dma_start3A_835 = arith.constant 0 : i32
          %dma_start3A_836 = tpu.memref_slice %arg6[%add3A_834, %dma_start3A_835] : memref<50x128xi32, #tpu.memory_space<vmem>> -> memref<1x128xi32, #tpu.memory_space<vmem>>
          %dma_start3A_837 = tpu.memref_squeeze %dma_start3A_836 : memref<1x128xi32, #tpu.memory_space<vmem>> -> memref<128xi32, #tpu.memory_space<vmem>>
          %dma_start3A_838 = arith.constant 0 : i32
          %dma_start3A_839 = arith.constant 0 : i32
          %dma_start3A_840 = tpu.memref_slice %arg3[%dma_start3A_838, %dma_start3A_839] : memref<1000000x32xf32, #tpu.memory_space<hbm>> -> memref<1000000x32xf32, #tpu.memory_space<hbm>>
          tpu.enqueue_indirect_dma source(%dma_start3A_840 : memref<1000000x32xf32, #tpu.memory_space<hbm>>) target(%arg11 : memref<128x32xf32, #tpu.memory_space<vmem>>) offsets(%dma_start3A_837 : memref<128xi32, #tpu.memory_space<vmem>>) semaphore(%arg21 : memref<!tpu.dma_semaphore, #tpu.memory_space<semaphore_mem>>)
        } else {
        }
      }
      %scan3A_66 = arith.constant 10 : i32
      %dma_wait3A = arith.constant 0 : i32
      %dma_wait3A_67 = arith.constant 0 : i32
      %dma_wait3A_68 = arith.constant 0 : i32
      %dma_wait3A_69 = arith.constant 0 : i32
      %dma_wait3A_70 = arith.constant 0 : i32
      %dma_wait3A_71 = tpu.memref_slice %arg12[%dma_wait3A_69, %dma_wait3A_70] : memref<32x137xf32, #tpu.memory_space<vmem>> -> memref<8x128xf32, #tpu.memory_space<vmem>>
      %dma_wait3A_72 = arith.constant 0 : i32
      %dma_wait3A_73 = arith.constant 0 : i32
      %dma_wait3A_74 = tpu.memref_slice %arg4[%dma_wait3A, %dma_wait3A_67, %dma_wait3A_68, %dma_wait3A_72, %dma_wait3A_73] : memref<50x4x128x8x128xf32, #tpu.memory_space<hbm>> -> memref<1x1x1x8x128xf32, #tpu.memory_space<hbm>>
      %dma_wait3A_75 = tpu.memref_squeeze %dma_wait3A_74 : memref<1x1x1x8x128xf32, #tpu.memory_space<hbm>> -> memref<8x128xf32, #tpu.memory_space<hbm>>
      %dma_wait3A_76 = arith.constant 0 : i32
      %dma_wait3A_77 = arith.constant 0 : i32
      %dma_wait3A_78 = tpu.memref_slice %arg4[%dma_wait3A, %dma_wait3A_67, %dma_wait3A_68, %dma_wait3A_76, %dma_wait3A_77] : memref<50x4x128x8x128xf32, #tpu.memory_space<hbm>> -> memref<1x1x1x8x128xf32, #tpu.memory_space<hbm>>
      %dma_wait3A_79 = tpu.memref_squeeze %dma_wait3A_78 : memref<1x1x1x8x128xf32, #tpu.memory_space<hbm>> -> memref<8x128xf32, #tpu.memory_space<hbm>>
      %dma_wait3A_80 = arith.constant 0 : i32
      %dma_wait3A_81 = arith.constant 0 : i32
      %dma_wait3A_82 = tpu.memref_slice %arg12[%dma_wait3A_80, %dma_wait3A_81] : memref<32x137xf32, #tpu.memory_space<vmem>> -> memref<8x128xf32, #tpu.memory_space<vmem>>
      tpu.wait_dma2 semaphore(%arg22 : memref<!tpu.dma_semaphore, #tpu.memory_space<semaphore_mem>>) src(%dma_wait3A_82 : memref<8x128xf32, #tpu.memory_space<vmem>>) dst(%dma_wait3A_79 : memref<8x128xf32, #tpu.memory_space<hbm>>)
      %dma_wait3A_83 = arith.constant 0 : i32
      %dma_wait3A_84 = arith.constant 1 : i32
      %dma_wait3A_85 = arith.constant 0 : i32
      %dma_wait3A_86 = arith.constant 8 : i32
      %dma_wait3A_87 = arith.constant 0 : i32
      %dma_wait3A_88 = tpu.memref_slice %arg12[%dma_wait3A_86, %dma_wait3A_87] : memref<32x137xf32, #tpu.memory_space<vmem>> -> memref<8x128xf32, #tpu.memory_space<vmem>>
      %dma_wait3A_89 = arith.constant 0 : i32
      %dma_wait3A_90 = arith.constant 0 : i32
      %dma_wait3A_91 = tpu.memref_slice %arg4[%dma_wait3A_83, %dma_wait3A_84, %dma_wait3A_85, %dma_wait3A_89, %dma_wait3A_90] : memref<50x4x128x8x128xf32, #tpu.memory_space<hbm>> -> memref<1x1x1x8x128xf32, #tpu.memory_space<hbm>>
      %dma_wait3A_92 = tpu.memref_squeeze %dma_wait3A_91 : memref<1x1x1x8x128xf32, #tpu.memory_space<hbm>> -> memref<8x128xf32, #tpu.memory_space<hbm>>
      %dma_wait3A_93 = arith.constant 0 : i32
      %dma_wait3A_94 = arith.constant 0 : i32
      %dma_wait3A_95 = tpu.memref_slice %arg4[%dma_wait3A_83, %dma_wait3A_84, %dma_wait3A_85, %dma_wait3A_93, %dma_wait3A_94] : memref<50x4x128x8x128xf32, #tpu.memory_space<hbm>> -> memref<1x1x1x8x128xf32, #tpu.memory_space<hbm>>
      %dma_wait3A_96 = tpu.memref_squeeze %dma_wait3A_95 : memref<1x1x1x8x128xf32, #tpu.memory_space<hbm>> -> memref<8x128xf32, #tpu.memory_space<hbm>>
      %dma_wait3A_97 = arith.constant 8 : i32
      %dma_wait3A_98 = arith.constant 0 : i32
      %dma_wait3A_99 = tpu.memref_slice %arg12[%dma_wait3A_97, %dma_wait3A_98] : memref<32x137xf32, #tpu.memory_space<vmem>> -> memref<8x128xf32, #tpu.memory_space<vmem>>
      tpu.wait_dma2 semaphore(%arg22 : memref<!tpu.dma_semaphore, #tpu.memory_space<semaphore_mem>>) src(%dma_wait3A_99 : memref<8x128xf32, #tpu.memory_space<vmem>>) dst(%dma_wait3A_96 : memref<8x128xf32, #tpu.memory_space<hbm>>)
      %dma_wait3A_100 = arith.constant 0 : i32
      %dma_wait3A_101 = arith.constant 2 : i32
      %dma_wait3A_102 = arith.constant 0 : i32
      %dma_wait3A_103 = arith.constant 16 : i32
      %dma_wait3A_104 = arith.constant 0 : i32
      %dma_wait3A_105 = tpu.memref_slice %arg12[%dma_wait3A_103, %dma_wait3A_104] : memref<32x137xf32, #tpu.memory_space<vmem>> -> memref<8x128xf32, #tpu.memory_space<vmem>>
      %dma_wait3A_106 = arith.constant 0 : i32
      %dma_wait3A_107 = arith.constant 0 : i32
      %dma_wait3A_108 = tpu.memref_slice %arg4[%dma_wait3A_100, %dma_wait3A_101, %dma_wait3A_102, %dma_wait3A_106, %dma_wait3A_107] : memref<50x4x128x8x128xf32, #tpu.memory_space<hbm>> -> memref<1x1x1x8x128xf32, #tpu.memory_space<hbm>>
      %dma_wait3A_109 = tpu.memref_squeeze %dma_wait3A_108 : memref<1x1x1x8x128xf32, #tpu.memory_space<hbm>> -> memref<8x128xf32, #tpu.memory_space<hbm>>
      %dma_wait3A_110 = arith.constant 0 : i32
      %dma_wait3A_111 = arith.constant 0 : i32
      %dma_wait3A_112 = tpu.memref_slice %arg4[%dma_wait3A_100, %dma_wait3A_101, %dma_wait3A_102, %dma_wait3A_110, %dma_wait3A_111] : memref<50x4x128x8x128xf32, #tpu.memory_space<hbm>> -> memref<1x1x1x8x128xf32, #tpu.memory_space<hbm>>
      %dma_wait3A_113 = tpu.memref_squeeze %dma_wait3A_112 : memref<1x1x1x8x128xf32, #tpu.memory_space<hbm>> -> memref<8x128xf32, #tpu.memory_space<hbm>>
      %dma_wait3A_114 = arith.constant 16 : i32
      %dma_wait3A_115 = arith.constant 0 : i32
      %dma_wait3A_116 = tpu.memref_slice %arg12[%dma_wait3A_114, %dma_wait3A_115] : memref<32x137xf32, #tpu.memory_space<vmem>> -> memref<8x128xf32, #tpu.memory_space<vmem>>
      tpu.wait_dma2 semaphore(%arg22 : memref<!tpu.dma_semaphore, #tpu.memory_space<semaphore_mem>>) src(%dma_wait3A_116 : memref<8x128xf32, #tpu.memory_space<vmem>>) dst(%dma_wait3A_113 : memref<8x128xf32, #tpu.memory_space<hbm>>)
      %dma_wait3A_117 = arith.constant 0 : i32
      %dma_wait3A_118 = arith.constant 3 : i32
      %dma_wait3A_119 = arith.constant 0 : i32
      %dma_wait3A_120 = arith.constant 24 : i32
      %dma_wait3A_121 = arith.constant 0 : i32
      %dma_wait3A_122 = tpu.memref_slice %arg12[%dma_wait3A_120, %dma_wait3A_121] : memref<32x137xf32, #tpu.memory_space<vmem>> -> memref<8x128xf32, #tpu.memory_space<vmem>>
      %dma_wait3A_123 = arith.constant 0 : i32
      %dma_wait3A_124 = arith.constant 0 : i32
      %dma_wait3A_125 = tpu.memref_slice %arg4[%dma_wait3A_117, %dma_wait3A_118, %dma_wait3A_119, %dma_wait3A_123, %dma_wait3A_124] : memref<50x4x128x8x128xf32, #tpu.memory_space<hbm>> -> memref<1x1x1x8x128xf32, #tpu.memory_space<hbm>>
      %dma_wait3A_126 = tpu.memref_squeeze %dma_wait3A_125 : memref<1x1x1x8x128xf32, #tpu.memory_space<hbm>> -> memref<8x128xf32, #tpu.memory_space<hbm>>
      %dma_wait3A_127 = arith.constant 0 : i32
      %dma_wait3A_128 = arith.constant 0 : i32
      %dma_wait3A_129 = tpu.memref_slice %arg4[%dma_wait3A_117, %dma_wait3A_118, %dma_wait3A_119, %dma_wait3A_127, %dma_wait3A_128] : memref<50x4x128x8x128xf32, #tpu.memory_space<hbm>> -> memref<1x1x1x8x128xf32, #tpu.memory_space<hbm>>
      %dma_wait3A_130 = tpu.memref_squeeze %dma_wait3A_129 : memref<1x1x1x8x128xf32, #tpu.memory_space<hbm>> -> memref<8x128xf32, #tpu.memory_space<hbm>>
      %dma_wait3A_131 = arith.constant 24 : i32
      %dma_wait3A_132 = arith.constant 0 : i32
      %dma_wait3A_133 = tpu.memref_slice %arg12[%dma_wait3A_131, %dma_wait3A_132] : memref<32x137xf32, #tpu.memory_space<vmem>> -> memref<8x128xf32, #tpu.memory_space<vmem>>
      tpu.wait_dma2 semaphore(%arg22 : memref<!tpu.dma_semaphore, #tpu.memory_space<semaphore_mem>>) src(%dma_wait3A_133 : memref<8x128xf32, #tpu.memory_space<vmem>>) dst(%dma_wait3A_130 : memref<8x128xf32, #tpu.memory_space<hbm>>)
      %dma_wait3A_134 = arith.constant 0 : i32
      %dma_wait3A_135 = arith.constant 0 : i32
      %dma_wait3A_136 = arith.constant 0 : i32
      %dma_wait3A_137 = arith.constant 0 : i32
      %dma_wait3A_138 = arith.constant 0 : i32
      %dma_wait3A_139 = tpu.memref_slice %arg13[%dma_wait3A_137, %dma_wait3A_138] : memref<32x137xf32, #tpu.memory_space<vmem>> -> memref<8x128xf32, #tpu.memory_space<vmem>>
      %dma_wait3A_140 = arith.constant 0 : i32
      %dma_wait3A_141 = arith.constant 0 : i32
      %dma_wait3A_142 = tpu.memref_slice %arg4[%dma_wait3A_134, %dma_wait3A_135, %dma_wait3A_136, %dma_wait3A_140, %dma_wait3A_141] : memref<50x4x128x8x128xf32, #tpu.memory_space<hbm>> -> memref<1x1x1x8x128xf32, #tpu.memory_space<hbm>>
      %dma_wait3A_143 = tpu.memref_squeeze %dma_wait3A_142 : memref<1x1x1x8x128xf32, #tpu.memory_space<hbm>> -> memref<8x128xf32, #tpu.memory_space<hbm>>
      %dma_wait3A_144 = arith.constant 0 : i32
      %dma_wait3A_145 = arith.constant 0 : i32
      %dma_wait3A_146 = tpu.memref_slice %arg4[%dma_wait3A_134, %dma_wait3A_135, %dma_wait3A_136, %dma_wait3A_144, %dma_wait3A_145] : memref<50x4x128x8x128xf32, #tpu.memory_space<hbm>> -> memref<1x1x1x8x128xf32, #tpu.memory_space<hbm>>
      %dma_wait3A_147 = tpu.memref_squeeze %dma_wait3A_146 : memref<1x1x1x8x128xf32, #tpu.memory_space<hbm>> -> memref<8x128xf32, #tpu.memory_space<hbm>>
      %dma_wait3A_148 = arith.constant 0 : i32
      %dma_wait3A_149 = arith.constant 0 : i32
      %dma_wait3A_150 = tpu.memref_slice %arg13[%dma_wait3A_148, %dma_wait3A_149] : memref<32x137xf32, #tpu.memory_space<vmem>> -> memref<8x128xf32, #tpu.memory_space<vmem>>
      tpu.wait_dma2 semaphore(%arg23 : memref<!tpu.dma_semaphore, #tpu.memory_space<semaphore_mem>>) src(%dma_wait3A_150 : memref<8x128xf32, #tpu.memory_space<vmem>>) dst(%dma_wait3A_147 : memref<8x128xf32, #tpu.memory_space<hbm>>)
      %dma_wait3A_151 = arith.constant 0 : i32
      %dma_wait3A_152 = arith.constant 1 : i32
      %dma_wait3A_153 = arith.constant 0 : i32
      %dma_wait3A_154 = arith.constant 8 : i32
      %dma_wait3A_155 = arith.constant 0 : i32
      %dma_wait3A_156 = tpu.memref_slice %arg13[%dma_wait3A_154, %dma_wait3A_155] : memref<32x137xf32, #tpu.memory_space<vmem>> -> memref<8x128xf32, #tpu.memory_space<vmem>>
      %dma_wait3A_157 = arith.constant 0 : i32
      %dma_wait3A_158 = arith.constant 0 : i32
      %dma_wait3A_159 = tpu.memref_slice %arg4[%dma_wait3A_151, %dma_wait3A_152, %dma_wait3A_153, %dma_wait3A_157, %dma_wait3A_158] : memref<50x4x128x8x128xf32, #tpu.memory_space<hbm>> -> memref<1x1x1x8x128xf32, #tpu.memory_space<hbm>>
      %dma_wait3A_160 = tpu.memref_squeeze %dma_wait3A_159 : memref<1x1x1x8x128xf32, #tpu.memory_space<hbm>> -> memref<8x128xf32, #tpu.memory_space<hbm>>
      %dma_wait3A_161 = arith.constant 0 : i32
      %dma_wait3A_162 = arith.constant 0 : i32
      %dma_wait3A_163 = tpu.memref_slice %arg4[%dma_wait3A_151, %dma_wait3A_152, %dma_wait3A_153, %dma_wait3A_161, %dma_wait3A_162] : memref<50x4x128x8x128xf32, #tpu.memory_space<hbm>> -> memref<1x1x1x8x128xf32, #tpu.memory_space<hbm>>
      %dma_wait3A_164 = tpu.memref_squeeze %dma_wait3A_163 : memref<1x1x1x8x128xf32, #tpu.memory_space<hbm>> -> memref<8x128xf32, #tpu.memory_space<hbm>>
      %dma_wait3A_165 = arith.constant 8 : i32
      %dma_wait3A_166 = arith.constant 0 : i32
      %dma_wait3A_167 = tpu.memref_slice %arg13[%dma_wait3A_165, %dma_wait3A_166] : memref<32x137xf32, #tpu.memory_space<vmem>> -> memref<8x128xf32, #tpu.memory_space<vmem>>
      tpu.wait_dma2 semaphore(%arg23 : memref<!tpu.dma_semaphore, #tpu.memory_space<semaphore_mem>>) src(%dma_wait3A_167 : memref<8x128xf32, #tpu.memory_space<vmem>>) dst(%dma_wait3A_164 : memref<8x128xf32, #tpu.memory_space<hbm>>)
      %dma_wait3A_168 = arith.constant 0 : i32
      %dma_wait3A_169 = arith.constant 2 : i32
      %dma_wait3A_170 = arith.constant 0 : i32
      %dma_wait3A_171 = arith.constant 16 : i32
      %dma_wait3A_172 = arith.constant 0 : i32
      %dma_wait3A_173 = tpu.memref_slice %arg13[%dma_wait3A_171, %dma_wait3A_172] : memref<32x137xf32, #tpu.memory_space<vmem>> -> memref<8x128xf32, #tpu.memory_space<vmem>>
      %dma_wait3A_174 = arith.constant 0 : i32
      %dma_wait3A_175 = arith.constant 0 : i32
      %dma_wait3A_176 = tpu.memref_slice %arg4[%dma_wait3A_168, %dma_wait3A_169, %dma_wait3A_170, %dma_wait3A_174, %dma_wait3A_175] : memref<50x4x128x8x128xf32, #tpu.memory_space<hbm>> -> memref<1x1x1x8x128xf32, #tpu.memory_space<hbm>>
      %dma_wait3A_177 = tpu.memref_squeeze %dma_wait3A_176 : memref<1x1x1x8x128xf32, #tpu.memory_space<hbm>> -> memref<8x128xf32, #tpu.memory_space<hbm>>
      %dma_wait3A_178 = arith.constant 0 : i32
      %dma_wait3A_179 = arith.constant 0 : i32
      %dma_wait3A_180 = tpu.memref_slice %arg4[%dma_wait3A_168, %dma_wait3A_169, %dma_wait3A_170, %dma_wait3A_178, %dma_wait3A_179] : memref<50x4x128x8x128xf32, #tpu.memory_space<hbm>> -> memref<1x1x1x8x128xf32, #tpu.memory_space<hbm>>
      %dma_wait3A_181 = tpu.memref_squeeze %dma_wait3A_180 : memref<1x1x1x8x128xf32, #tpu.memory_space<hbm>> -> memref<8x128xf32, #tpu.memory_space<hbm>>
      %dma_wait3A_182 = arith.constant 16 : i32
      %dma_wait3A_183 = arith.constant 0 : i32
      %dma_wait3A_184 = tpu.memref_slice %arg13[%dma_wait3A_182, %dma_wait3A_183] : memref<32x137xf32, #tpu.memory_space<vmem>> -> memref<8x128xf32, #tpu.memory_space<vmem>>
      tpu.wait_dma2 semaphore(%arg23 : memref<!tpu.dma_semaphore, #tpu.memory_space<semaphore_mem>>) src(%dma_wait3A_184 : memref<8x128xf32, #tpu.memory_space<vmem>>) dst(%dma_wait3A_181 : memref<8x128xf32, #tpu.memory_space<hbm>>)
      %dma_wait3A_185 = arith.constant 0 : i32
      %dma_wait3A_186 = arith.constant 3 : i32
      %dma_wait3A_187 = arith.constant 0 : i32
      %dma_wait3A_188 = arith.constant 24 : i32
      %dma_wait3A_189 = arith.constant 0 : i32
      %dma_wait3A_190 = tpu.memref_slice %arg13[%dma_wait3A_188, %dma_wait3A_189] : memref<32x137xf32, #tpu.memory_space<vmem>> -> memref<8x128xf32, #tpu.memory_space<vmem>>
      %dma_wait3A_191 = arith.constant 0 : i32
      %dma_wait3A_192 = arith.constant 0 : i32
      %dma_wait3A_193 = tpu.memref_slice %arg4[%dma_wait3A_185, %dma_wait3A_186, %dma_wait3A_187, %dma_wait3A_191, %dma_wait3A_192] : memref<50x4x128x8x128xf32, #tpu.memory_space<hbm>> -> memref<1x1x1x8x128xf32, #tpu.memory_space<hbm>>
      %dma_wait3A_194 = tpu.memref_squeeze %dma_wait3A_193 : memref<1x1x1x8x128xf32, #tpu.memory_space<hbm>> -> memref<8x128xf32, #tpu.memory_space<hbm>>
      %dma_wait3A_195 = arith.constant 0 : i32
      %dma_wait3A_196 = arith.constant 0 : i32
      %dma_wait3A_197 = tpu.memref_slice %arg4[%dma_wait3A_185, %dma_wait3A_186, %dma_wait3A_187, %dma_wait3A_195, %dma_wait3A_196] : memref<50x4x128x8x128xf32, #tpu.memory_space<hbm>> -> memref<1x1x1x8x128xf32, #tpu.memory_space<hbm>>
      %dma_wait3A_198 = tpu.memref_squeeze %dma_wait3A_197 : memref<1x1x1x8x128xf32, #tpu.memory_space<hbm>> -> memref<8x128xf32, #tpu.memory_space<hbm>>
      %dma_wait3A_199 = arith.constant 24 : i32
      %dma_wait3A_200 = arith.constant 0 : i32
      %dma_wait3A_201 = tpu.memref_slice %arg13[%dma_wait3A_199, %dma_wait3A_200] : memref<32x137xf32, #tpu.memory_space<vmem>> -> memref<8x128xf32, #tpu.memory_space<vmem>>
      tpu.wait_dma2 semaphore(%arg23 : memref<!tpu.dma_semaphore, #tpu.memory_space<semaphore_mem>>) src(%dma_wait3A_201 : memref<8x128xf32, #tpu.memory_space<vmem>>) dst(%dma_wait3A_198 : memref<8x128xf32, #tpu.memory_space<hbm>>)
      %dma_wait3A_202 = arith.constant 0 : i32
      %dma_wait3A_203 = arith.constant 0 : i32
      %dma_wait3A_204 = arith.constant 0 : i32
      %dma_wait3A_205 = arith.constant 0 : i32
      %dma_wait3A_206 = arith.constant 0 : i32
      %dma_wait3A_207 = tpu.memref_slice %arg14[%dma_wait3A_205, %dma_wait3A_206] : memref<32x137xf32, #tpu.memory_space<vmem>> -> memref<8x128xf32, #tpu.memory_space<vmem>>
      %dma_wait3A_208 = arith.constant 0 : i32
      %dma_wait3A_209 = arith.constant 0 : i32
      %dma_wait3A_210 = tpu.memref_slice %arg4[%dma_wait3A_202, %dma_wait3A_203, %dma_wait3A_204, %dma_wait3A_208, %dma_wait3A_209] : memref<50x4x128x8x128xf32, #tpu.memory_space<hbm>> -> memref<1x1x1x8x128xf32, #tpu.memory_space<hbm>>
      %dma_wait3A_211 = tpu.memref_squeeze %dma_wait3A_210 : memref<1x1x1x8x128xf32, #tpu.memory_space<hbm>> -> memref<8x128xf32, #tpu.memory_space<hbm>>
      %dma_wait3A_212 = arith.constant 0 : i32
      %dma_wait3A_213 = arith.constant 0 : i32
      %dma_wait3A_214 = tpu.memref_slice %arg4[%dma_wait3A_202, %dma_wait3A_203, %dma_wait3A_204, %dma_wait3A_212, %dma_wait3A_213] : memref<50x4x128x8x128xf32, #tpu.memory_space<hbm>> -> memref<1x1x1x8x128xf32, #tpu.memory_space<hbm>>
      %dma_wait3A_215 = tpu.memref_squeeze %dma_wait3A_214 : memref<1x1x1x8x128xf32, #tpu.memory_space<hbm>> -> memref<8x128xf32, #tpu.memory_space<hbm>>
      %dma_wait3A_216 = arith.constant 0 : i32
      %dma_wait3A_217 = arith.constant 0 : i32
      %dma_wait3A_218 = tpu.memref_slice %arg14[%dma_wait3A_216, %dma_wait3A_217] : memref<32x137xf32, #tpu.memory_space<vmem>> -> memref<8x128xf32, #tpu.memory_space<vmem>>
      tpu.wait_dma2 semaphore(%arg24 : memref<!tpu.dma_semaphore, #tpu.memory_space<semaphore_mem>>) src(%dma_wait3A_218 : memref<8x128xf32, #tpu.memory_space<vmem>>) dst(%dma_wait3A_215 : memref<8x128xf32, #tpu.memory_space<hbm>>)
      %dma_wait3A_219 = arith.constant 0 : i32
      %dma_wait3A_220 = arith.constant 1 : i32
      %dma_wait3A_221 = arith.constant 0 : i32
      %dma_wait3A_222 = arith.constant 8 : i32
      %dma_wait3A_223 = arith.constant 0 : i32
      %dma_wait3A_224 = tpu.memref_slice %arg14[%dma_wait3A_222, %dma_wait3A_223] : memref<32x137xf32, #tpu.memory_space<vmem>> -> memref<8x128xf32, #tpu.memory_space<vmem>>
      %dma_wait3A_225 = arith.constant 0 : i32
      %dma_wait3A_226 = arith.constant 0 : i32
      %dma_wait3A_227 = tpu.memref_slice %arg4[%dma_wait3A_219, %dma_wait3A_220, %dma_wait3A_221, %dma_wait3A_225, %dma_wait3A_226] : memref<50x4x128x8x128xf32, #tpu.memory_space<hbm>> -> memref<1x1x1x8x128xf32, #tpu.memory_space<hbm>>
      %dma_wait3A_228 = tpu.memref_squeeze %dma_wait3A_227 : memref<1x1x1x8x128xf32, #tpu.memory_space<hbm>> -> memref<8x128xf32, #tpu.memory_space<hbm>>
      %dma_wait3A_229 = arith.constant 0 : i32
      %dma_wait3A_230 = arith.constant 0 : i32
      %dma_wait3A_231 = tpu.memref_slice %arg4[%dma_wait3A_219, %dma_wait3A_220, %dma_wait3A_221, %dma_wait3A_229, %dma_wait3A_230] : memref<50x4x128x8x128xf32, #tpu.memory_space<hbm>> -> memref<1x1x1x8x128xf32, #tpu.memory_space<hbm>>
      %dma_wait3A_232 = tpu.memref_squeeze %dma_wait3A_231 : memref<1x1x1x8x128xf32, #tpu.memory_space<hbm>> -> memref<8x128xf32, #tpu.memory_space<hbm>>
      %dma_wait3A_233 = arith.constant 8 : i32
      %dma_wait3A_234 = arith.constant 0 : i32
      %dma_wait3A_235 = tpu.memref_slice %arg14[%dma_wait3A_233, %dma_wait3A_234] : memref<32x137xf32, #tpu.memory_space<vmem>> -> memref<8x128xf32, #tpu.memory_space<vmem>>
      tpu.wait_dma2 semaphore(%arg24 : memref<!tpu.dma_semaphore, #tpu.memory_space<semaphore_mem>>) src(%dma_wait3A_235 : memref<8x128xf32, #tpu.memory_space<vmem>>) dst(%dma_wait3A_232 : memref<8x128xf32, #tpu.memory_space<hbm>>)
      %dma_wait3A_236 = arith.constant 0 : i32
      %dma_wait3A_237 = arith.constant 2 : i32
      %dma_wait3A_238 = arith.constant 0 : i32
      %dma_wait3A_239 = arith.constant 16 : i32
      %dma_wait3A_240 = arith.constant 0 : i32
      %dma_wait3A_241 = tpu.memref_slice %arg14[%dma_wait3A_239, %dma_wait3A_240] : memref<32x137xf32, #tpu.memory_space<vmem>> -> memref<8x128xf32, #tpu.memory_space<vmem>>
      %dma_wait3A_242 = arith.constant 0 : i32
      %dma_wait3A_243 = arith.constant 0 : i32
      %dma_wait3A_244 = tpu.memref_slice %arg4[%dma_wait3A_236, %dma_wait3A_237, %dma_wait3A_238, %dma_wait3A_242, %dma_wait3A_243] : memref<50x4x128x8x128xf32, #tpu.memory_space<hbm>> -> memref<1x1x1x8x128xf32, #tpu.memory_space<hbm>>
      %dma_wait3A_245 = tpu.memref_squeeze %dma_wait3A_244 : memref<1x1x1x8x128xf32, #tpu.memory_space<hbm>> -> memref<8x128xf32, #tpu.memory_space<hbm>>
      %dma_wait3A_246 = arith.constant 0 : i32
      %dma_wait3A_247 = arith.constant 0 : i32
      %dma_wait3A_248 = tpu.memref_slice %arg4[%dma_wait3A_236, %dma_wait3A_237, %dma_wait3A_238, %dma_wait3A_246, %dma_wait3A_247] : memref<50x4x128x8x128xf32, #tpu.memory_space<hbm>> -> memref<1x1x1x8x128xf32, #tpu.memory_space<hbm>>
      %dma_wait3A_249 = tpu.memref_squeeze %dma_wait3A_248 : memref<1x1x1x8x128xf32, #tpu.memory_space<hbm>> -> memref<8x128xf32, #tpu.memory_space<hbm>>
      %dma_wait3A_250 = arith.constant 16 : i32
      %dma_wait3A_251 = arith.constant 0 : i32
      %dma_wait3A_252 = tpu.memref_slice %arg14[%dma_wait3A_250, %dma_wait3A_251] : memref<32x137xf32, #tpu.memory_space<vmem>> -> memref<8x128xf32, #tpu.memory_space<vmem>>
      tpu.wait_dma2 semaphore(%arg24 : memref<!tpu.dma_semaphore, #tpu.memory_space<semaphore_mem>>) src(%dma_wait3A_252 : memref<8x128xf32, #tpu.memory_space<vmem>>) dst(%dma_wait3A_249 : memref<8x128xf32, #tpu.memory_space<hbm>>)
      %dma_wait3A_253 = arith.constant 0 : i32
      %dma_wait3A_254 = arith.constant 3 : i32
      %dma_wait3A_255 = arith.constant 0 : i32
      %dma_wait3A_256 = arith.constant 24 : i32
      %dma_wait3A_257 = arith.constant 0 : i32
      %dma_wait3A_258 = tpu.memref_slice %arg14[%dma_wait3A_256, %dma_wait3A_257] : memref<32x137xf32, #tpu.memory_space<vmem>> -> memref<8x128xf32, #tpu.memory_space<vmem>>
      %dma_wait3A_259 = arith.constant 0 : i32
      %dma_wait3A_260 = arith.constant 0 : i32
      %dma_wait3A_261 = tpu.memref_slice %arg4[%dma_wait3A_253, %dma_wait3A_254, %dma_wait3A_255, %dma_wait3A_259, %dma_wait3A_260] : memref<50x4x128x8x128xf32, #tpu.memory_space<hbm>> -> memref<1x1x1x8x128xf32, #tpu.memory_space<hbm>>
      %dma_wait3A_262 = tpu.memref_squeeze %dma_wait3A_261 : memref<1x1x1x8x128xf32, #tpu.memory_space<hbm>> -> memref<8x128xf32, #tpu.memory_space<hbm>>
      %dma_wait3A_263 = arith.constant 0 : i32
      %dma_wait3A_264 = arith.constant 0 : i32
      %dma_wait3A_265 = tpu.memref_slice %arg4[%dma_wait3A_253, %dma_wait3A_254, %dma_wait3A_255, %dma_wait3A_263, %dma_wait3A_264] : memref<50x4x128x8x128xf32, #tpu.memory_space<hbm>> -> memref<1x1x1x8x128xf32, #tpu.memory_space<hbm>>
      %dma_wait3A_266 = tpu.memref_squeeze %dma_wait3A_265 : memref<1x1x1x8x128xf32, #tpu.memory_space<hbm>> -> memref<8x128xf32, #tpu.memory_space<hbm>>
      %dma_wait3A_267 = arith.constant 24 : i32
      %dma_wait3A_268 = arith.constant 0 : i32
      %dma_wait3A_269 = tpu.memref_slice %arg14[%dma_wait3A_267, %dma_wait3A_268] : memref<32x137xf32, #tpu.memory_space<vmem>> -> memref<8x128xf32, #tpu.memory_space<vmem>>
      tpu.wait_dma2 semaphore(%arg24 : memref<!tpu.dma_semaphore, #tpu.memory_space<semaphore_mem>>) src(%dma_wait3A_269 : memref<8x128xf32, #tpu.memory_space<vmem>>) dst(%dma_wait3A_266 : memref<8x128xf32, #tpu.memory_space<hbm>>)
      %dma_wait3A_270 = arith.constant 0 : i32
      %dma_wait3A_271 = arith.constant 0 : i32
      %dma_wait3A_272 = arith.constant 0 : i32
      %dma_wait3A_273 = arith.constant 0 : i32
      %dma_wait3A_274 = arith.constant 0 : i32
      %dma_wait3A_275 = tpu.memref_slice %arg15[%dma_wait3A_273, %dma_wait3A_274] : memref<32x137xf32, #tpu.memory_space<vmem>> -> memref<8x128xf32, #tpu.memory_space<vmem>>
      %dma_wait3A_276 = arith.constant 0 : i32
      %dma_wait3A_277 = arith.constant 0 : i32
      %dma_wait3A_278 = tpu.memref_slice %arg4[%dma_wait3A_270, %dma_wait3A_271, %dma_wait3A_272, %dma_wait3A_276, %dma_wait3A_277] : memref<50x4x128x8x128xf32, #tpu.memory_space<hbm>> -> memref<1x1x1x8x128xf32, #tpu.memory_space<hbm>>
      %dma_wait3A_279 = tpu.memref_squeeze %dma_wait3A_278 : memref<1x1x1x8x128xf32, #tpu.memory_space<hbm>> -> memref<8x128xf32, #tpu.memory_space<hbm>>
      %dma_wait3A_280 = arith.constant 0 : i32
      %dma_wait3A_281 = arith.constant 0 : i32
      %dma_wait3A_282 = tpu.memref_slice %arg4[%dma_wait3A_270, %dma_wait3A_271, %dma_wait3A_272, %dma_wait3A_280, %dma_wait3A_281] : memref<50x4x128x8x128xf32, #tpu.memory_space<hbm>> -> memref<1x1x1x8x128xf32, #tpu.memory_space<hbm>>
      %dma_wait3A_283 = tpu.memref_squeeze %dma_wait3A_282 : memref<1x1x1x8x128xf32, #tpu.memory_space<hbm>> -> memref<8x128xf32, #tpu.memory_space<hbm>>
      %dma_wait3A_284 = arith.constant 0 : i32
      %dma_wait3A_285 = arith.constant 0 : i32
      %dma_wait3A_286 = tpu.memref_slice %arg15[%dma_wait3A_284, %dma_wait3A_285] : memref<32x137xf32, #tpu.memory_space<vmem>> -> memref<8x128xf32, #tpu.memory_space<vmem>>
      tpu.wait_dma2 semaphore(%arg25 : memref<!tpu.dma_semaphore, #tpu.memory_space<semaphore_mem>>) src(%dma_wait3A_286 : memref<8x128xf32, #tpu.memory_space<vmem>>) dst(%dma_wait3A_283 : memref<8x128xf32, #tpu.memory_space<hbm>>)
      %dma_wait3A_287 = arith.constant 0 : i32
      %dma_wait3A_288 = arith.constant 1 : i32
      %dma_wait3A_289 = arith.constant 0 : i32
      %dma_wait3A_290 = arith.constant 8 : i32
      %dma_wait3A_291 = arith.constant 0 : i32
      %dma_wait3A_292 = tpu.memref_slice %arg15[%dma_wait3A_290, %dma_wait3A_291] : memref<32x137xf32, #tpu.memory_space<vmem>> -> memref<8x128xf32, #tpu.memory_space<vmem>>
      %dma_wait3A_293 = arith.constant 0 : i32
      %dma_wait3A_294 = arith.constant 0 : i32
      %dma_wait3A_295 = tpu.memref_slice %arg4[%dma_wait3A_287, %dma_wait3A_288, %dma_wait3A_289, %dma_wait3A_293, %dma_wait3A_294] : memref<50x4x128x8x128xf32, #tpu.memory_space<hbm>> -> memref<1x1x1x8x128xf32, #tpu.memory_space<hbm>>
      %dma_wait3A_296 = tpu.memref_squeeze %dma_wait3A_295 : memref<1x1x1x8x128xf32, #tpu.memory_space<hbm>> -> memref<8x128xf32, #tpu.memory_space<hbm>>
      %dma_wait3A_297 = arith.constant 0 : i32
      %dma_wait3A_298 = arith.constant 0 : i32
      %dma_wait3A_299 = tpu.memref_slice %arg4[%dma_wait3A_287, %dma_wait3A_288, %dma_wait3A_289, %dma_wait3A_297, %dma_wait3A_298] : memref<50x4x128x8x128xf32, #tpu.memory_space<hbm>> -> memref<1x1x1x8x128xf32, #tpu.memory_space<hbm>>
      %dma_wait3A_300 = tpu.memref_squeeze %dma_wait3A_299 : memref<1x1x1x8x128xf32, #tpu.memory_space<hbm>> -> memref<8x128xf32, #tpu.memory_space<hbm>>
      %dma_wait3A_301 = arith.constant 8 : i32
      %dma_wait3A_302 = arith.constant 0 : i32
      %dma_wait3A_303 = tpu.memref_slice %arg15[%dma_wait3A_301, %dma_wait3A_302] : memref<32x137xf32, #tpu.memory_space<vmem>> -> memref<8x128xf32, #tpu.memory_space<vmem>>
      tpu.wait_dma2 semaphore(%arg25 : memref<!tpu.dma_semaphore, #tpu.memory_space<semaphore_mem>>) src(%dma_wait3A_303 : memref<8x128xf32, #tpu.memory_space<vmem>>) dst(%dma_wait3A_300 : memref<8x128xf32, #tpu.memory_space<hbm>>)
      %dma_wait3A_304 = arith.constant 0 : i32
      %dma_wait3A_305 = arith.constant 2 : i32
      %dma_wait3A_306 = arith.constant 0 : i32
      %dma_wait3A_307 = arith.constant 16 : i32
      %dma_wait3A_308 = arith.constant 0 : i32
      %dma_wait3A_309 = tpu.memref_slice %arg15[%dma_wait3A_307, %dma_wait3A_308] : memref<32x137xf32, #tpu.memory_space<vmem>> -> memref<8x128xf32, #tpu.memory_space<vmem>>
      %dma_wait3A_310 = arith.constant 0 : i32
      %dma_wait3A_311 = arith.constant 0 : i32
      %dma_wait3A_312 = tpu.memref_slice %arg4[%dma_wait3A_304, %dma_wait3A_305, %dma_wait3A_306, %dma_wait3A_310, %dma_wait3A_311] : memref<50x4x128x8x128xf32, #tpu.memory_space<hbm>> -> memref<1x1x1x8x128xf32, #tpu.memory_space<hbm>>
      %dma_wait3A_313 = tpu.memref_squeeze %dma_wait3A_312 : memref<1x1x1x8x128xf32, #tpu.memory_space<hbm>> -> memref<8x128xf32, #tpu.memory_space<hbm>>
      %dma_wait3A_314 = arith.constant 0 : i32
      %dma_wait3A_315 = arith.constant 0 : i32
      %dma_wait3A_316 = tpu.memref_slice %arg4[%dma_wait3A_304, %dma_wait3A_305, %dma_wait3A_306, %dma_wait3A_314, %dma_wait3A_315] : memref<50x4x128x8x128xf32, #tpu.memory_space<hbm>> -> memref<1x1x1x8x128xf32, #tpu.memory_space<hbm>>
      %dma_wait3A_317 = tpu.memref_squeeze %dma_wait3A_316 : memref<1x1x1x8x128xf32, #tpu.memory_space<hbm>> -> memref<8x128xf32, #tpu.memory_space<hbm>>
      %dma_wait3A_318 = arith.constant 16 : i32
      %dma_wait3A_319 = arith.constant 0 : i32
      %dma_wait3A_320 = tpu.memref_slice %arg15[%dma_wait3A_318, %dma_wait3A_319] : memref<32x137xf32, #tpu.memory_space<vmem>> -> memref<8x128xf32, #tpu.memory_space<vmem>>
      tpu.wait_dma2 semaphore(%arg25 : memref<!tpu.dma_semaphore, #tpu.memory_space<semaphore_mem>>) src(%dma_wait3A_320 : memref<8x128xf32, #tpu.memory_space<vmem>>) dst(%dma_wait3A_317 : memref<8x128xf32, #tpu.memory_space<hbm>>)
      %dma_wait3A_321 = arith.constant 0 : i32
      %dma_wait3A_322 = arith.constant 3 : i32
      %dma_wait3A_323 = arith.constant 0 : i32
      %dma_wait3A_324 = arith.constant 24 : i32
      %dma_wait3A_325 = arith.constant 0 : i32
      %dma_wait3A_326 = tpu.memref_slice %arg15[%dma_wait3A_324, %dma_wait3A_325] : memref<32x137xf32, #tpu.memory_space<vmem>> -> memref<8x128xf32, #tpu.memory_space<vmem>>
      %dma_wait3A_327 = arith.constant 0 : i32
      %dma_wait3A_328 = arith.constant 0 : i32
      %dma_wait3A_329 = tpu.memref_slice %arg4[%dma_wait3A_321, %dma_wait3A_322, %dma_wait3A_323, %dma_wait3A_327, %dma_wait3A_328] : memref<50x4x128x8x128xf32, #tpu.memory_space<hbm>> -> memref<1x1x1x8x128xf32, #tpu.memory_space<hbm>>
      %dma_wait3A_330 = tpu.memref_squeeze %dma_wait3A_329 : memref<1x1x1x8x128xf32, #tpu.memory_space<hbm>> -> memref<8x128xf32, #tpu.memory_space<hbm>>
      %dma_wait3A_331 = arith.constant 0 : i32
      %dma_wait3A_332 = arith.constant 0 : i32
      %dma_wait3A_333 = tpu.memref_slice %arg4[%dma_wait3A_321, %dma_wait3A_322, %dma_wait3A_323, %dma_wait3A_331, %dma_wait3A_332] : memref<50x4x128x8x128xf32, #tpu.memory_space<hbm>> -> memref<1x1x1x8x128xf32, #tpu.memory_space<hbm>>
      %dma_wait3A_334 = tpu.memref_squeeze %dma_wait3A_333 : memref<1x1x1x8x128xf32, #tpu.memory_space<hbm>> -> memref<8x128xf32, #tpu.memory_space<hbm>>
      %dma_wait3A_335 = arith.constant 24 : i32
      %dma_wait3A_336 = arith.constant 0 : i32
      %dma_wait3A_337 = tpu.memref_slice %arg15[%dma_wait3A_335, %dma_wait3A_336] : memref<32x137xf32, #tpu.memory_space<vmem>> -> memref<8x128xf32, #tpu.memory_space<vmem>>
      tpu.wait_dma2 semaphore(%arg25 : memref<!tpu.dma_semaphore, #tpu.memory_space<semaphore_mem>>) src(%dma_wait3A_337 : memref<8x128xf32, #tpu.memory_space<vmem>>) dst(%dma_wait3A_334 : memref<8x128xf32, #tpu.memory_space<hbm>>)
      %dma_wait3A_338 = arith.constant 0 : i32
      %dma_wait3A_339 = arith.constant 0 : i32
      %dma_wait3A_340 = arith.constant 0 : i32
      %dma_wait3A_341 = arith.constant 0 : i32
      %dma_wait3A_342 = arith.constant 0 : i32
      %dma_wait3A_343 = tpu.memref_slice %arg16[%dma_wait3A_341, %dma_wait3A_342] : memref<32x137xf32, #tpu.memory_space<vmem>> -> memref<8x128xf32, #tpu.memory_space<vmem>>
      %dma_wait3A_344 = arith.constant 0 : i32
      %dma_wait3A_345 = arith.constant 0 : i32
      %dma_wait3A_346 = tpu.memref_slice %arg4[%dma_wait3A_338, %dma_wait3A_339, %dma_wait3A_340, %dma_wait3A_344, %dma_wait3A_345] : memref<50x4x128x8x128xf32, #tpu.memory_space<hbm>> -> memref<1x1x1x8x128xf32, #tpu.memory_space<hbm>>
      %dma_wait3A_347 = tpu.memref_squeeze %dma_wait3A_346 : memref<1x1x1x8x128xf32, #tpu.memory_space<hbm>> -> memref<8x128xf32, #tpu.memory_space<hbm>>
      %dma_wait3A_348 = arith.constant 0 : i32
      %dma_wait3A_349 = arith.constant 0 : i32
      %dma_wait3A_350 = tpu.memref_slice %arg4[%dma_wait3A_338, %dma_wait3A_339, %dma_wait3A_340, %dma_wait3A_348, %dma_wait3A_349] : memref<50x4x128x8x128xf32, #tpu.memory_space<hbm>> -> memref<1x1x1x8x128xf32, #tpu.memory_space<hbm>>
      %dma_wait3A_351 = tpu.memref_squeeze %dma_wait3A_350 : memref<1x1x1x8x128xf32, #tpu.memory_space<hbm>> -> memref<8x128xf32, #tpu.memory_space<hbm>>
      %dma_wait3A_352 = arith.constant 0 : i32
      %dma_wait3A_353 = arith.constant 0 : i32
      %dma_wait3A_354 = tpu.memref_slice %arg16[%dma_wait3A_352, %dma_wait3A_353] : memref<32x137xf32, #tpu.memory_space<vmem>> -> memref<8x128xf32, #tpu.memory_space<vmem>>
      tpu.wait_dma2 semaphore(%arg26 : memref<!tpu.dma_semaphore, #tpu.memory_space<semaphore_mem>>) src(%dma_wait3A_354 : memref<8x128xf32, #tpu.memory_space<vmem>>) dst(%dma_wait3A_351 : memref<8x128xf32, #tpu.memory_space<hbm>>)
      %dma_wait3A_355 = arith.constant 0 : i32
      %dma_wait3A_356 = arith.constant 1 : i32
      %dma_wait3A_357 = arith.constant 0 : i32
      %dma_wait3A_358 = arith.constant 8 : i32
      %dma_wait3A_359 = arith.constant 0 : i32
      %dma_wait3A_360 = tpu.memref_slice %arg16[%dma_wait3A_358, %dma_wait3A_359] : memref<32x137xf32, #tpu.memory_space<vmem>> -> memref<8x128xf32, #tpu.memory_space<vmem>>
      %dma_wait3A_361 = arith.constant 0 : i32
      %dma_wait3A_362 = arith.constant 0 : i32
      %dma_wait3A_363 = tpu.memref_slice %arg4[%dma_wait3A_355, %dma_wait3A_356, %dma_wait3A_357, %dma_wait3A_361, %dma_wait3A_362] : memref<50x4x128x8x128xf32, #tpu.memory_space<hbm>> -> memref<1x1x1x8x128xf32, #tpu.memory_space<hbm>>
      %dma_wait3A_364 = tpu.memref_squeeze %dma_wait3A_363 : memref<1x1x1x8x128xf32, #tpu.memory_space<hbm>> -> memref<8x128xf32, #tpu.memory_space<hbm>>
      %dma_wait3A_365 = arith.constant 0 : i32
      %dma_wait3A_366 = arith.constant 0 : i32
      %dma_wait3A_367 = tpu.memref_slice %arg4[%dma_wait3A_355, %dma_wait3A_356, %dma_wait3A_357, %dma_wait3A_365, %dma_wait3A_366] : memref<50x4x128x8x128xf32, #tpu.memory_space<hbm>> -> memref<1x1x1x8x128xf32, #tpu.memory_space<hbm>>
      %dma_wait3A_368 = tpu.memref_squeeze %dma_wait3A_367 : memref<1x1x1x8x128xf32, #tpu.memory_space<hbm>> -> memref<8x128xf32, #tpu.memory_space<hbm>>
      %dma_wait3A_369 = arith.constant 8 : i32
      %dma_wait3A_370 = arith.constant 0 : i32
      %dma_wait3A_371 = tpu.memref_slice %arg16[%dma_wait3A_369, %dma_wait3A_370] : memref<32x137xf32, #tpu.memory_space<vmem>> -> memref<8x128xf32, #tpu.memory_space<vmem>>
      tpu.wait_dma2 semaphore(%arg26 : memref<!tpu.dma_semaphore, #tpu.memory_space<semaphore_mem>>) src(%dma_wait3A_371 : memref<8x128xf32, #tpu.memory_space<vmem>>) dst(%dma_wait3A_368 : memref<8x128xf32, #tpu.memory_space<hbm>>)
      %dma_wait3A_372 = arith.constant 0 : i32
      %dma_wait3A_373 = arith.constant 2 : i32
      %dma_wait3A_374 = arith.constant 0 : i32
      %dma_wait3A_375 = arith.constant 16 : i32
      %dma_wait3A_376 = arith.constant 0 : i32
      %dma_wait3A_377 = tpu.memref_slice %arg16[%dma_wait3A_375, %dma_wait3A_376] : memref<32x137xf32, #tpu.memory_space<vmem>> -> memref<8x128xf32, #tpu.memory_space<vmem>>
      %dma_wait3A_378 = arith.constant 0 : i32
      %dma_wait3A_379 = arith.constant 0 : i32
      %dma_wait3A_380 = tpu.memref_slice %arg4[%dma_wait3A_372, %dma_wait3A_373, %dma_wait3A_374, %dma_wait3A_378, %dma_wait3A_379] : memref<50x4x128x8x128xf32, #tpu.memory_space<hbm>> -> memref<1x1x1x8x128xf32, #tpu.memory_space<hbm>>
      %dma_wait3A_381 = tpu.memref_squeeze %dma_wait3A_380 : memref<1x1x1x8x128xf32, #tpu.memory_space<hbm>> -> memref<8x128xf32, #tpu.memory_space<hbm>>
      %dma_wait3A_382 = arith.constant 0 : i32
      %dma_wait3A_383 = arith.constant 0 : i32
      %dma_wait3A_384 = tpu.memref_slice %arg4[%dma_wait3A_372, %dma_wait3A_373, %dma_wait3A_374, %dma_wait3A_382, %dma_wait3A_383] : memref<50x4x128x8x128xf32, #tpu.memory_space<hbm>> -> memref<1x1x1x8x128xf32, #tpu.memory_space<hbm>>
      %dma_wait3A_385 = tpu.memref_squeeze %dma_wait3A_384 : memref<1x1x1x8x128xf32, #tpu.memory_space<hbm>> -> memref<8x128xf32, #tpu.memory_space<hbm>>
      %dma_wait3A_386 = arith.constant 16 : i32
      %dma_wait3A_387 = arith.constant 0 : i32
      %dma_wait3A_388 = tpu.memref_slice %arg16[%dma_wait3A_386, %dma_wait3A_387] : memref<32x137xf32, #tpu.memory_space<vmem>> -> memref<8x128xf32, #tpu.memory_space<vmem>>
      tpu.wait_dma2 semaphore(%arg26 : memref<!tpu.dma_semaphore, #tpu.memory_space<semaphore_mem>>) src(%dma_wait3A_388 : memref<8x128xf32, #tpu.memory_space<vmem>>) dst(%dma_wait3A_385 : memref<8x128xf32, #tpu.memory_space<hbm>>)
      %dma_wait3A_389 = arith.constant 0 : i32
      %dma_wait3A_390 = arith.constant 3 : i32
      %dma_wait3A_391 = arith.constant 0 : i32
      %dma_wait3A_392 = arith.constant 24 : i32
      %dma_wait3A_393 = arith.constant 0 : i32
      %dma_wait3A_394 = tpu.memref_slice %arg16[%dma_wait3A_392, %dma_wait3A_393] : memref<32x137xf32, #tpu.memory_space<vmem>> -> memref<8x128xf32, #tpu.memory_space<vmem>>
      %dma_wait3A_395 = arith.constant 0 : i32
      %dma_wait3A_396 = arith.constant 0 : i32
      %dma_wait3A_397 = tpu.memref_slice %arg4[%dma_wait3A_389, %dma_wait3A_390, %dma_wait3A_391, %dma_wait3A_395, %dma_wait3A_396] : memref<50x4x128x8x128xf32, #tpu.memory_space<hbm>> -> memref<1x1x1x8x128xf32, #tpu.memory_space<hbm>>
      %dma_wait3A_398 = tpu.memref_squeeze %dma_wait3A_397 : memref<1x1x1x8x128xf32, #tpu.memory_space<hbm>> -> memref<8x128xf32, #tpu.memory_space<hbm>>
      %dma_wait3A_399 = arith.constant 0 : i32
      %dma_wait3A_400 = arith.constant 0 : i32
      %dma_wait3A_401 = tpu.memref_slice %arg4[%dma_wait3A_389, %dma_wait3A_390, %dma_wait3A_391, %dma_wait3A_399, %dma_wait3A_400] : memref<50x4x128x8x128xf32, #tpu.memory_space<hbm>> -> memref<1x1x1x8x128xf32, #tpu.memory_space<hbm>>
      %dma_wait3A_402 = tpu.memref_squeeze %dma_wait3A_401 : memref<1x1x1x8x128xf32, #tpu.memory_space<hbm>> -> memref<8x128xf32, #tpu.memory_space<hbm>>
      %dma_wait3A_403 = arith.constant 24 : i32
      %dma_wait3A_404 = arith.constant 0 : i32
      %dma_wait3A_405 = tpu.memref_slice %arg16[%dma_wait3A_403, %dma_wait3A_404] : memref<32x137xf32, #tpu.memory_space<vmem>> -> memref<8x128xf32, #tpu.memory_space<vmem>>
      tpu.wait_dma2 semaphore(%arg26 : memref<!tpu.dma_semaphore, #tpu.memory_space<semaphore_mem>>) src(%dma_wait3A_405 : memref<8x128xf32, #tpu.memory_space<vmem>>) dst(%dma_wait3A_402 : memref<8x128xf32, #tpu.memory_space<hbm>>)
    }
    %scan3A_11 = arith.constant 4 : i32
    return
  }
}

</mosaic_0001>

<sc_bundles>
// kernel: kernel.3.cloned.1.call-start
scs
__scs_entry_jumppad:
0x0: {  	(pc) =	sbr.rel $0x88, $3  }
0x1: {  	(tag) =	ssettag $0x0;
	lr =	simm.s32 $0x1  }
0x2: {  	[smem:$0x3F9F] =	sst lr;
	_ =	strace $0xD0000000  }
0x3: {  	_ = 	snop  }
0x4: {  	_ = 	snop  }
0x5: {  	_ = 	snop  }
0x6: {  	_ = 	snop  }
0x7: {  	_ = 	snop  }
__scs_overlays_trampoline_lowered:
0x8: {  	[smem:$0x3FAE] =	sst s0  }
0x9: {  	[smem:$0x3FAF] =	sst s1  }
0xa: {  	[smem:$0x3FB0] =	sst s2  }
0xb: {  	[smem:$0x3FB1] =	sst s3  }
0xc: {  	[smem:$0x3FB2] =	sst s4  }
0xd: {  	[smem:$0x3FB3] =	sst s5  }
0xe: {  	[smem:$0x3FB4] =	sst s6  }
0xf: {  	[smem:$0x3FB5] =	sst s7  }
0x10: {  	[smem:$0x3FB6] =	sst s8  }
0x11: {  	[smem:$0x3FB7] =	sst s9;
	s0 =	simm.s32 @!p0 $0x0  }
0x12: {  	s1 =	sld [smem:$0x3F9D];
	s0 =	simm.s32 @p0 $0x1  }
0x13: {  	[smem:$0x3FB8] =	sst s0;
	s0 =	simm.s32 @!p1 $0x0  }
0x14: {  	s2 =	sld [smem:$0x3F9C];
	s0 =	simm.s32 @p1 $0x1  }
0x15: {  	[smem:$0x3FB9] =	sst s0;
	s0 =	simm.s32 @!p2 $0x0  }
0x16: {  	s3 =	sld [smem:$0x3FDB];
	s0 =	simm.s32 @p2 $0x1  }
0x17: {  	s4 =	simm.s32 $0x1BF5;
	[smem:$0x3FBB] =	sst s0  }
0x18: {  	s0 =	sld [smem:$0x3F9E];
	_ =	swait.ge [sflag:s4], $0x0  }
0x19: {  	s7 =	sld [smem:$0x3F9F]  }
0x1a: {  	s8 =	sadd.s32 $0xFFFFE003, lr  }
0x1b: {  	s9 =	sadd.s32 $0xFFFFFEF7, lr;
	s5 =	simm.s32 $0xFFFFFFFF;
	p2 =	slt.u32 s8, $0xFFFFF086  }
0x1c: {  	p1 =	slt.u32 s9, $0xF7A;
	s5 =	simm.s32 @!p2 $0x0  }
0x1d: {  	s5 =	simm.s32 @p1 $0x1;
	p0 =	seq.s32 s7, s2  }
0x1e: {  	s7 =	smul.u32 @!p0 $0xF7A, s2;
	p2 =	seq.s32 @!p0 s5, $0x0  }
0x1f: {  	s9 =	smul.u32 $0xF7A, s1;
	s8 =	simm.s32 @!p0 $0x1BF5;
	p2 =	por !p2, p0  }
0x20: {  	[sflag:s8] =	ssyncset.s32 @!p0 $0xFFFFF086;
	s6 =	sadd.s32 @!p0 s3, s7;
	s7 =	simm.s32 @!p0 $0x108  }
0x21: {  	s3 =	sadd.s32 s3, s9;
	s6 =	sadd.s32 @!p0 $0x88, s6;
	s7 =	simm.s32 @p2 $0x1082  }
0x22: {  	[simem:s7], [sflag:s8] =	dma.local @!p0 [hbm:s6], $0xF7A  }
0x23: {  	s9 =	sor.u32 $0xD0000000, s2;
	s6 =	simm.s32 $0x108;
	_ =	swait.ge @!p0 [sflag:s8], $0x0  }
0x24: {  	s3 =	sadd.s32 $0x88, s3;
	s6 =	simm.s32 @!p1 $0x1082;
	[sflag:s4] =	ssyncset.s32 $0xFFFFF086  }
0x25: {  	[simem:s6], [sflag:s4] =	dma.local [hbm:s3], $0xF7A  }
0x26: {  	[smem:$0x3F9F] =	sst s1;
	(tag) =	ssettag s2;
	_ =	strace s9  }
0x27: {  	s1 =	sld [smem:$0x3FAF]  }
0x28: {  	s2 =	sld [smem:$0x3FB0]  }
0x29: {  	s4 =	sld [smem:$0x3FB2]  }
0x2a: {  	p0 =	seq.s32 s5, $0x0;
	s5 =	sld [smem:$0x3FB3]  }
0x2b: {  	s6 =	sld [smem:$0x3FB4]  }
0x2c: {  	s7 =	sld [smem:$0x3FB5]  }
0x2d: {  	s3 =	simm.s32 $0x108;
	s8 =	sld [smem:$0x3FB6]  }
0x2e: {  	s3 =	simm.s32 @!p0 $0x1082;
	s9 =	sld [smem:$0x3FB7]  }
0x2f: {  	lr =	sadd.s32 s0, s3;
	s0 =	sld [smem:$0x3FAE]  }
0x30: {  	s3 =	sld [smem:$0x3FB1]  }
0x31: {  	[smem:$0x3FBA] =	sst s10  }
0x32: {  	s10 =	sld [smem:$0x3FB8];
	_ =	sdelay $0x3  }
0x33: {  	p0 =	seq.s32 s10, $0x1;
	s10 =	sld [smem:$0x3FBA];
	_ =	sdelay $0x3  }
0x34: {  	[smem:$0x3FBA] =	sst s10  }
0x35: {  	s10 =	sld [smem:$0x3FB9];
	_ =	sdelay $0x3  }
0x36: {  	p1 =	seq.s32 s10, $0x1;
	s10 =	sld [smem:$0x3FBA];
	_ =	sdelay $0x3  }
0x37: {  	[smem:$0x3FBA] =	sst s10  }
0x38: {  	s10 =	sld [smem:$0x3FBB]  }
0x39: {  	_ = 	snop;
	(pc) =	sbr.ind lr, $3  }
0x3a: {  	_ = 	snop  }
0x3b: {  	_ = 	snop  }
0x3c: {  	p2 =	seq.s32 s10, $0x1;
	s10 =	sld [smem:$0x3FBA]  }
0x3d: {  	_ =	shalt  }
0x3e: {  	_ =	shalt  }
0x3f: {  	_ =	shalt  }
0x40: {  	_ =	shalt  }
0x41: {  	_ =	shalt  }
0x42: {  	_ =	shalt  }
0x43: {  	_ =	shalt  }
0x44: {  	_ =	shalt  }
0x45: {  	_ =	shalt  }
0x46: {  	_ =	shalt  }
0x47: {  	_ =	shalt  }
0x48: {  	_ =	shalt  }
0x49: {  	_ =	shalt  }
0x4a: {  	_ =	shalt  }
0x4b: {  	_ =	shalt  }
0x4c: {  	_ =	shalt  }
0x4d: {  	_ =	shalt  }
0x4e: {  	_ =	shalt  }
0x4f: {  	_ =	shalt  }
0x50: {  	_ =	shalt  }
0x51: {  	_ =	shalt  }
0x52: {  	_ =	shalt  }
0x53: {  	_ =	shalt  }
0x54: {  	_ =	shalt  }
0x55: {  	_ =	shalt  }
0x56: {  	_ =	shalt  }
0x57: {  	_ =	shalt  }
0x58: {  	_ =	shalt  }
0x59: {  	_ =	shalt  }
0x5a: {  	_ =	shalt  }
0x5b: {  	_ =	shalt  }
0x5c: {  	_ =	shalt  }
0x5d: {  	_ =	shalt  }
0x5e: {  	_ =	shalt  }
0x5f: {  	_ =	shalt  }
0x60: {  	_ =	shalt  }
0x61: {  	_ =	shalt  }
0x62: {  	_ =	shalt  }
0x63: {  	_ =	shalt  }
0x64: {  	_ =	shalt  }
0x65: {  	_ =	shalt  }
0x66: {  	_ =	shalt  }
0x67: {  	_ =	shalt  }
0x68: {  	_ =	shalt  }
0x69: {  	_ =	shalt  }
0x6a: {  	_ =	shalt  }
0x6b: {  	_ =	shalt  }
0x6c: {  	_ =	shalt  }
0x6d: {  	_ =	shalt  }
0x6e: {  	_ =	shalt  }
0x6f: {  	_ =	shalt  }
0x70: {  	_ =	shalt  }
0x71: {  	_ =	shalt  }
0x72: {  	_ =	shalt  }
0x73: {  	_ =	shalt  }
0x74: {  	_ =	shalt  }
0x75: {  	_ =	shalt  }
0x76: {  	_ =	shalt  }
0x77: {  	_ =	shalt  }
0x78: {  	_ =	shalt  }
0x79: {  	_ =	shalt  }
0x7a: {  	_ =	shalt  }
0x7b: {  	_ =	shalt  }
0x7c: {  	_ =	shalt  }
0x7d: {  	_ =	shalt  }
0x7e: {  	_ =	shalt  }
0x7f: {  	_ =	shalt  }
0x80: {  	_ =	shalt  }
0x81: {  	_ =	shalt  }
0x82: {  	_ =	shalt  }
0x83: {  	_ =	shalt  }
0x84: {  	_ =	shalt  }
0x85: {  	_ =	shalt  }
0x86: {  	_ =	shalt  }
0x87: {  	_ =	shalt  }
.Lfunc_end0:
.L_simem_size_0:
called_computation_lowered:
.L_overlay_start_0:
0x88: {  	s2 =	sld [smem:$0x3FD9]  }
0x89: {  	s3 =	sld [smem:$0x3FFE];
	_ =	sdelay $0x1  }
0x8a: {  	s1 =	srdreg.scid  }
0x8b: {  	s0 =	sand.u32 $0x1, s1  }
0x8c: {  	s17 =	sshll.u32 s0, $0xA;
	s2 =	sadd.s32 s3, s2  }
0x8d: {  	s2 =	sadd.s32 s2, s17  }
0x8e: {  	[smem:$0x3FC6] =	sst s2  }
0x8f: {  	_ = 	snop  }
0x90: {  	s2 =	sld [smem:$0x3FD0];
	(tm) =	ssettm $0x1  }
0x91: {  	s18 =	sld [smem:$0x3FFB];
	_ =	sdelay $0x3  }
0x92: {  	_ =	strace s18  }
0x93: {  	s3 =	sld [smem:$0x3FFC];
	_ =	sdelay $0x3  }
0x94: {  	_ =	strace s3  }
0x95: {  	s3 =	sld [smem:$0x3FFD];
	_ =	sdelay $0x3  }
0x96: {  	_ =	strace s3  }
0x97: {  	_ =	strace $0x8FFFFFFF  }
0x98: {  	s19 =	sld [smem:$0x3FDB];
	_ =	sdelay $0x1  }
0x99: {  	s4 =	simm.s32 $_scs_section_size  }
0x9a: {  	s5 =	simm.s32 $_size__tile_overlayer_lowered;
	s6 =	simm.s32 $_tile_overlayer_lowered  }
0x9b: {  	s22 =	simm.s32 $0x1BFF;
	s21 =	sshll.u32 s6, $0x1;
	s3 =	sadd.s32 s4, s19  }
0x9c: {  	s7 =	simm.s32 $0x0;
	s20 =	sshll.u32 s5, $0x1;
	s5 =	sadd.s32 s21, s3  }
0x9d: {  	[timem:s7], [sflag:s22] =	dma.local [hbm:s5], s20  }
0x9e: {  	_ =	swait.ge [sflag:s22], s20  }
0x9f: {  	s4 =	ssub.s32 $0x0, s20;
	[sflag:s22] =	ssyncset.done $0x0  }
0xa0: {  	[sflag:s22] =	ssyncadd.s32 s4;
	_ =	sdelay $0x1  }
0xa1: {  	s23 =	simm.s32 $0x1B8B  }
0xa2: {  	_ =	swait.ge [sflag:s23], $0x1  }
0xa3: {  	[sflag:s23] =	ssyncset.done $0x0  }
0xa4: {  	s25 =	simm.s32 $0x1B8E;
	s24 =	sld [smem:$0x3FFE];
	[sflag:s23] =	ssyncadd.s32 $0xFFFFFFFF  }
0xa5: {  	s26 =	simm.s32 $execute0_lowered;
	[smem:$0x3FD2] =	sst s25  }
0xa6: {  	s5 =	sshll.u32 s26, $0x1;
	_ =	strace $0x80000046;
	[dreg:$0x1] =	wrdreg $0xFFFFFFFF  }
0xa7: {  	s28 =	simm.s32 $_size_execute0_lowered;
	s3 =	sadd.s32 s3, s5;
	[dreg:$0x0] =	wrdreg $0x0  }
0xa8: {  	s5 =	sshll.u32 s28, $0x1;
	[dreg:$0x2] =	wrdreg s3  }
0xa9: {  	[dreg:$0x3] =	wrdreg s5  }
0xaa: {  	[dreg:$0x4] =	wrdreg $0xC0  }
0xab: {  	_ =	task [dreg:s7], $0x5FFFF  }
0xac: {  	[dreg:$0x1] =	wrdreg $0xFFFFFFFF  }
0xad: {  	[dreg:$0x0] =	wrdreg $0x60  }
0xae: {  	[dreg:$0x2] =	wrdreg s24  }
0xaf: {  	[dreg:$0x3] =	wrdreg s2  }
0xb0: {  	[dreg:$0x4] =	wrdreg $0x9  }
0xb1: {  	_ =	task.clear_ibuf [dreg:s7], $0x5FFFF;
	_ =	strace $0x90000046  }
0xb2: {  	s29 =	simm.s32 $0x9;
	_ =	strace $0x80000048  }
0xb3: {  	_ =	swait.ge [sflag:s29], $0x1  }
0xb4: {  	[sflag:s29] =	ssyncadd.s32 $0xFFFFFFFF  }
0xb5: {  	_ =	strace $0x90000048  }
0xb6: {  	_ =	sfence  }
0xb7: {  	s30 =	sld [smem:$0x0];
	_ =	sdelay $0x2  }
0xb8: {  	s31 =	sshll.u32 s1, $0xD;
	s1 =	sshrl.u32 s1, $0x2  }
0xb9: {  	s3 =	sand.u32 $0x4000, s31;
	s1 =	sadd.s32 s1, s30  }
0xba: {  	s0 =	sor.u32 s3, s0;
	s1 =	sshll.u32 s1, $0x11  }
0xbb: {  	s0 =	sor.u32 s1, s0  }
0xbc: {  	s0 =	sadd.s32 $0x8F2B, s0  }
0xbd: {  	[sflag:s0] =	ssyncadd.remote.s32 $0x1  }
0xbe: {  	_ =	sfence.sel $0xFFFF  }
0xbf: {  	[dreg:$0x0] =	wrdreg $0xFFFFFFFF;
	(pc) =	sbr.abs _section_cstart, $3  }
0xc0: {  	[dreg:$0x1] =	wrdreg $0xFFFFFFFF  }
0xc1: {  	_ =	task.clear_ibuf [dreg:s7], $0x2FFFF;
	_ =	strace $0x9FFFFFFF  }
0xc2: {  	(tm) =	ssettm $0x7FFFFFFF  }
0xc3: {  	_ =	shalt  }
tec
execute0_lowered:
.L_overlay_start_1:
0x0: {  	(tag) =	ssettag $0x1  }
0x1: {  	s0 =	rddreg [dreg:$0x0]  }
0x2: {  	s1 =	rddreg [dreg:$0x1];
	s2 =	simm.s32 $0x0  }
0x3: {  	s3 =	srdreg.scid;
	s6 =	stileid.u32;
	s9 =	simm.s32 $0x80  }
0x4: {  	s20 =	simm.s32 $0x1;
	s21 =	simm.s32 $0x8500;
	s29 =	simm.s32 $0x2;
	v6 =	vlaneseq.u32  }
0x5: {  	s30 =	simm.s32 $0x7;
	s31 =	simm.s32 $0x9700;
	s8 =	simm.s32 $0x8;
	v0 =	vmul.u32 $0x38, v6  }
0x6: {  	s11 =	simm.s32 $0xA900;
	s7 =	simm.s32 $0x4;
	s10 =	simm.s32 $0x9;
	v9 =	vimm.s32 $0x0;
	vm0 =	vcmask $0x300  }
0x7: {  	s12 =	simm.s32 $0xBB00;
	s14 =	simm.s32 $0xA;
	s16 =	simm.s32 $0xCD00;
	v6 =	vmul.u32 $0x90, v6;
	v9 =	vsel vm0, $0x3, v9;
	v1 =	vadd.s32 $0x380, v0  }
0x8: {  	s17 =	simm.s32 $0xDE70;
	[smem:$0x7FF] =	sst s2;
	s3 =	sand.u32 $0x1, s3;
	v2 =	vadd.s32 $0x700, v0;
	v3 =	vadd.s32 $0xA80, v0;
	v4 =	vadd.s32 $0xE00, v0  }
0x9: {  	s5 =	sadd.s32 $0x600, s0;
	s6 =	sshll.u32 s6, $0x3;
	_ =	strace $0x80000047;
	v5 =	vadd.s32 $0x1180, v0;
	v7 =	vadd.s32 $0x1500, v0;
	v8 =	vadd.s32 $0x1880, v0  }
.Ltmp0:
0xa: {  	s4 =	ssub.s32 $0x2, s3;
	[dreg:$0x3] =	wrdreg s5;
	v10 =	vadd.s32 $0x900, v6;
	v11 =	vor.u32 $0x1, v6;
	v12 =	vadd.s32 $0x901, v6;
	(pc) =	sbr.rel .LBB2_1-.Ltmp0, $4  }
0xb: {  	s3 =	sshll.u32 s3, $0x2;
	s5 =	sadd.s32 $0xF42A00, s0;
	s25 =	sshrl.u32 s4, $0x1;
	v13 =	vor.u32 $0x2, v6;
	v14 =	vadd.s32 $0x902, v6;
	v15 =	vor.u32 $0x3, v6  }
0xc: {  	s26 =	sor.u32 s3, s6;
	s6 =	simm.s32 $0x3;
	v16 =	vadd.s32 $0x903, v6;
	v17 =	vor.u32 $0x4, v6;
	v18 =	vadd.s32 $0x904, v6;
	s4 =	ssub.s32 s4, s25  }
0xd: {  	s3 =	simm.s32 $0x5;
	v19 =	vor.u32 $0x5, v6;
	v20 =	vadd.s32 $0x905, v6;
	v21 =	vor.u32 $0x6, v6;
	[dreg:$0x4] =	wrdreg s26;
	s28 =	smax.u32 s4, $0x1  }
0xe: {  	v22 =	vadd.s32 $0x906, v6;
	v23 =	vor.u32 $0x7, v6;
	v24 =	vadd.s32 $0x907, v6;
	s26 =	simm.s32 $0x0;
	s4 =	simm.s32 $0x0;
	[dreg:$0x5] =	wrdreg s28  }
.LBB2_34:
0xf: {  	s4 =	rddreg [dreg:$0x6]  }
0x10: {  	s0 =	rddreg [dreg:$0x5];
	s4 =	sadd.s32 $0x1, s4  }
0x11: {  	p0 =	sne.s32 s4, s0  }
.Ltmp1:
0x12: {  	_ = 	snop;
	(pc) =	sbr.rel @!p0 .LBB2_35-.Ltmp1, $1  }
0x13: {  	_ =	sdelay $0x3  }
.LBB2_1:
.Ltmp2:
0x14: {  	(pc) =	sbr.rel .LBB2_2-.Ltmp2, $2  }
0x15: {  	_ =	sdelay $0x2  }
0x16: {  	[dreg:$0x6] =	wrdreg s4;
	s4 =	simm.s32 $0x0  }
.LBB2_33:
0x17: {  	s0 =	simm.s32 $0x6  }
0x18: {  	_ =	swait.ge [sflag:s0], $0x400  }
0x19: {  	[sflag:s0] =	ssyncset.done $0x0  }
0x1a: {  	[sflag:s0] =	ssyncadd.s32 $0xFFFFFC00  }
0x1b: {  	_ =	swait.ge [sflag:s0], $0x400  }
0x1c: {  	[sflag:s0] =	ssyncset.done $0x0  }
0x1d: {  	[sflag:s0] =	ssyncadd.s32 $0xFFFFFC00  }
0x1e: {  	_ =	swait.ge [sflag:s0], $0x400  }
0x1f: {  	[sflag:s0] =	ssyncset.done $0x0  }
0x20: {  	[sflag:s0] =	ssyncadd.s32 $0xFFFFFC00  }
0x21: {  	_ =	swait.ge [sflag:s0], $0x400  }
0x22: {  	[sflag:s0] =	ssyncset.done $0x0  }
0x23: {  	[sflag:s0] =	ssyncadd.s32 $0xFFFFFC00  }
0x24: {  	_ =	swait.ge [sflag:s30], $0x400  }
0x25: {  	[sflag:s30] =	ssyncset.done $0x0  }
0x26: {  	[sflag:s30] =	ssyncadd.s32 $0xFFFFFC00  }
0x27: {  	_ =	swait.ge [sflag:s30], $0x400  }
0x28: {  	[sflag:s30] =	ssyncset.done $0x0  }
0x29: {  	[sflag:s30] =	ssyncadd.s32 $0xFFFFFC00  }
0x2a: {  	_ =	swait.ge [sflag:s30], $0x400  }
0x2b: {  	[sflag:s30] =	ssyncset.done $0x0  }
0x2c: {  	[sflag:s30] =	ssyncadd.s32 $0xFFFFFC00  }
0x2d: {  	_ =	swait.ge [sflag:s30], $0x400  }
0x2e: {  	[sflag:s30] =	ssyncset.done $0x0  }
0x2f: {  	[sflag:s30] =	ssyncadd.s32 $0xFFFFFC00  }
0x30: {  	_ =	swait.ge [sflag:s8], $0x400  }
0x31: {  	[sflag:s8] =	ssyncset.done $0x0  }
0x32: {  	[sflag:s8] =	ssyncadd.s32 $0xFFFFFC00  }
0x33: {  	_ =	swait.ge [sflag:s8], $0x400  }
0x34: {  	[sflag:s8] =	ssyncset.done $0x0  }
0x35: {  	[sflag:s8] =	ssyncadd.s32 $0xFFFFFC00  }
0x36: {  	_ =	swait.ge [sflag:s8], $0x400  }
0x37: {  	[sflag:s8] =	ssyncset.done $0x0  }
0x38: {  	[sflag:s8] =	ssyncadd.s32 $0xFFFFFC00  }
0x39: {  	_ =	swait.ge [sflag:s8], $0x400  }
0x3a: {  	[sflag:s8] =	ssyncset.done $0x0  }
0x3b: {  	[sflag:s8] =	ssyncadd.s32 $0xFFFFFC00  }
0x3c: {  	_ =	swait.ge [sflag:s10], $0x400  }
0x3d: {  	[sflag:s10] =	ssyncset.done $0x0  }
0x3e: {  	[sflag:s10] =	ssyncadd.s32 $0xFFFFFC00  }
0x3f: {  	_ =	swait.ge [sflag:s10], $0x400  }
0x40: {  	[sflag:s10] =	ssyncset.done $0x0  }
0x41: {  	[sflag:s10] =	ssyncadd.s32 $0xFFFFFC00  }
0x42: {  	_ =	swait.ge [sflag:s10], $0x400  }
0x43: {  	[sflag:s10] =	ssyncset.done $0x0  }
0x44: {  	[sflag:s10] =	ssyncadd.s32 $0xFFFFFC00  }
0x45: {  	_ =	swait.ge [sflag:s10], $0x400  }
0x46: {  	[sflag:s10] =	ssyncset.done $0x0  }
0x47: {  	[sflag:s10] =	ssyncadd.s32 $0xFFFFFC00  }
0x48: {  	_ =	swait.ge [sflag:s14], $0x400  }
0x49: {  	[sflag:s14] =	ssyncset.done $0x0  }
0x4a: {  	[sflag:s14] =	ssyncadd.s32 $0xFFFFFC00  }
0x4b: {  	_ =	swait.ge [sflag:s14], $0x400  }
0x4c: {  	[sflag:s14] =	ssyncset.done $0x0  }
0x4d: {  	[sflag:s14] =	ssyncadd.s32 $0xFFFFFC00  }
0x4e: {  	_ =	swait.ge [sflag:s14], $0x400  }
0x4f: {  	[sflag:s14] =	ssyncset.done $0x0  }
0x50: {  	[sflag:s14] =	ssyncadd.s32 $0xFFFFFC00  }
0x51: {  	_ =	swait.ge [sflag:s14], $0x400  }
0x52: {  	s4 =	rddreg [dreg:$0x7]  }
0x53: {  	s4 =	sadd.s32 $0x1, s4  }
0x54: {  	p0 =	sne.s32 s4, $0x4  }
.Ltmp3:
0x55: {  	_ = 	snop;
	(pc) =	sbr.rel @!p0 .LBB2_34-.Ltmp3, $3  }
0x56: {  	_ =	sdelay $0x1  }
0x57: {  	[sflag:s14] =	ssyncset.done $0x0  }
0x58: {  	[sflag:s14] =	ssyncadd.s32 $0xFFFFFC00  }
.LBB2_2:
0x59: {  	s0 =	rddreg [dreg:$0x4]  }
0x5a: {  	s24 =	simm.s32 $0x0;
	s0 =	sadd.s32 s0, s4  }
0x5b: {  	v25 =	vmov s24;
	s13 =	smul.u32 $0x380, s0  }
0x5c: {  	s15 =	rddreg [dreg:$0x3];
	v25 =	vand.u32 $0x3F, v25  }
0x5d: {  	[dreg:$0x7] =	wrdreg s4;
	s25 =	simm.s32 $0xB;
	v26 =	vadd.s32 v0, v25;
	s13 =	sadd.s32 s15, s13  }
0x5e: {  	[tilespmem:s24], [sflag:$0xB] =	stream.linear.gather [hbm4b:s13+s24], $0x1C00, $0x38;
	[tilespmem:$0xDF00] =	vst v63  }
0x5f: {  	_ =	swait.ge [sflag:s25], $0x1C00  }
0x60: {  	[sflag:s25] =	ssyncset.done $0x0  }
0x61: {  	[sflag:s25] =	ssyncadd.s32 $0xFFFFE400  }
0x62: {  	v26 =	vld.idx.msk [tilespmem:v26+s2+$0x0], $0xffff  }
0x63: {  	v27 =	vadd.s32 v1, v25;
	_ =	sdelay $0x2  }
0x64: {  	s4 =	simm.s32 $0x1C40  }
0x65: {  	[tilespmem:s4+$0xFFFFFFC0] =	vst v26  }
0x66: {  	v26 =	vld.idx.msk [tilespmem:v27+s2+$0x0], $0xffff  }
0x67: {  	v27 =	vadd.s32 v2, v25;
	_ =	sdelay $0x3  }
0x68: {  	[tilespmem:s4+$0xFFFFFFD0] =	vst v26  }
0x69: {  	v26 =	vld.idx.msk [tilespmem:v27+s2+$0x0], $0xffff  }
0x6a: {  	v27 =	vadd.s32 v3, v25;
	_ =	sdelay $0x3  }
0x6b: {  	[tilespmem:s4+$0xFFFFFFE0] =	vst v26  }
0x6c: {  	v26 =	vld.idx.msk [tilespmem:v27+s2+$0x0], $0xffff  }
0x6d: {  	v27 =	vadd.s32 v4, v25;
	_ =	sdelay $0x3  }
0x6e: {  	[tilespmem:s4+$0xFFFFFFF0] =	vst v26  }
0x6f: {  	v26 =	vld.idx.msk [tilespmem:v27+s2+$0x0], $0xffff  }
0x70: {  	v27 =	vadd.s32 v5, v25;
	_ =	sdelay $0x3  }
0x71: {  	[tilespmem:s4+$0x0] =	vst v26  }
0x72: {  	v26 =	vld.idx.msk [tilespmem:v27+s2+$0x0], $0xffff  }
0x73: {  	v27 =	vadd.s32 v7, v25;
	_ =	sdelay $0x3  }
0x74: {  	[tilespmem:s4+$0x10] =	vst v26  }
0x75: {  	v26 =	vld.idx.msk [tilespmem:v27+s2+$0x0], $0xffff  }
0x76: {  	v25 =	vadd.s32 v8, v25;
	_ =	sdelay $0x3  }
0x77: {  	s28 =	simm.s32 $0x1;
	[tilespmem:s4+$0x20] =	vst v26  }
0x78: {  	s13 =	simm.s32 $0x2;
	v26 =	vmov s28;
	v25 =	vld.idx.msk [tilespmem:v25+s2+$0x0], $0xffff  }
.LBB2_3:
0x79: {  	p0 =	sne.s32 s13, $0x31;
	v26 =	vand.u32 $0x3F, v26  }
0x7a: {  	v27 =	vadd.s32 v0, v26;
	_ =	sdelay $0x3  }
0x7b: {  	[tilespmem:s4+$0x30] =	vst v25  }
0x7c: {  	v25 =	vld.idx.msk [tilespmem:v27+s2+$0x0], $0xffff;
	_ =	sdelay $0x1  }
0x7d: {  	v27 =	vadd.s32 v1, v26;
	_ =	sdelay $0x2  }
0x7e: {  	s4 =	sadd.s32 $0x80, s4  }
0x7f: {  	[tilespmem:s4+$0xFFFFFFC0] =	vst v25  }
0x80: {  	v25 =	vld.idx.msk [tilespmem:v27+s2+$0x0], $0xffff;
	_ =	sdelay $0x1  }
0x81: {  	v27 =	vadd.s32 v2, v26;
	_ =	sdelay $0x3  }
0x82: {  	[tilespmem:s4+$0xFFFFFFD0] =	vst v25  }
0x83: {  	v25 =	vld.idx.msk [tilespmem:v27+s2+$0x0], $0xffff;
	_ =	sdelay $0x1  }
0x84: {  	v27 =	vadd.s32 v3, v26;
	_ =	sdelay $0x3  }
0x85: {  	[tilespmem:s4+$0xFFFFFFE0] =	vst v25  }
0x86: {  	v25 =	vld.idx.msk [tilespmem:v27+s2+$0x0], $0xffff;
	_ =	sdelay $0x1  }
0x87: {  	v27 =	vadd.s32 v4, v26;
	_ =	sdelay $0x3  }
0x88: {  	[tilespmem:s4+$0xFFFFFFF0] =	vst v25  }
0x89: {  	v25 =	vld.idx.msk [tilespmem:v27+s2+$0x0], $0xffff;
	_ =	sdelay $0x1  }
0x8a: {  	v27 =	vadd.s32 v5, v26;
	_ =	sdelay $0x3  }
0x8b: {  	[tilespmem:s4+$0x0] =	vst v25  }
0x8c: {  	v25 =	vld.idx.msk [tilespmem:v27+s2+$0x0], $0xffff;
	_ =	sdelay $0x1  }
0x8d: {  	v27 =	vadd.s32 v7, v26;
	_ =	sdelay $0x3  }
0x8e: {  	[tilespmem:s4+$0x10] =	vst v25  }
0x8f: {  	v25 =	vld.idx.msk [tilespmem:v27+s2+$0x0], $0xffff;
	_ =	sdelay $0x1  }
0x90: {  	v27 =	vadd.s32 v8, v26  }
.Ltmp4:
0x91: {  	(pc) =	sbr.rel @p0 .LBB2_3-.Ltmp4, $3  }
0x92: {  	_ =	sdelay $0x1  }
0x93: {  	[tilespmem:s4+$0x20] =	vst v25  }
0x94: {  	v26 =	vmov s13;
	s13 =	sadd.s32 $0x1, s13;
	v25 =	vld.idx.msk [tilespmem:v27+s2+$0x0], $0xffff  }
0x95: {  	v26 =	vand.u32 $0x3F, v26  }
0x96: {  	v27 =	vadd.s32 v0, v26;
	_ =	sdelay $0x3  }
0x97: {  	[tilespmem:s4+$0x30] =	vst v25  }
0x98: {  	v25 =	vld.idx.msk [tilespmem:v27+s2+$0x0], $0xffff  }
0x99: {  	v27 =	vadd.s32 v1, v26;
	_ =	sdelay $0x2  }
0x9a: {  	s24 =	sadd.s32 $0x80, s4  }
0x9b: {  	[tilespmem:s24+$0xFFFFFFC0] =	vst v25  }
0x9c: {  	v25 =	vld.idx.msk [tilespmem:v27+s2+$0x0], $0xffff  }
0x9d: {  	v27 =	vadd.s32 v2, v26;
	_ =	sdelay $0x3  }
0x9e: {  	[tilespmem:s24+$0xFFFFFFD0] =	vst v25  }
0x9f: {  	v25 =	vld.idx.msk [tilespmem:v27+s2+$0x0], $0xffff  }
0xa0: {  	v27 =	vadd.s32 v3, v26;
	_ =	sdelay $0x3  }
0xa1: {  	[tilespmem:s24+$0xFFFFFFE0] =	vst v25  }
0xa2: {  	v25 =	vld.idx.msk [tilespmem:v27+s2+$0x0], $0xffff  }
0xa3: {  	v27 =	vadd.s32 v4, v26;
	_ =	sdelay $0x3  }
0xa4: {  	[tilespmem:s24+$0xFFFFFFF0] =	vst v25  }
0xa5: {  	v25 =	vld.idx.msk [tilespmem:v27+s2+$0x0], $0xffff  }
0xa6: {  	v27 =	vadd.s32 v5, v26;
	_ =	sdelay $0x3  }
0xa7: {  	[tilespmem:s24+$0x0] =	vst v25  }
0xa8: {  	v25 =	vld.idx.msk [tilespmem:v27+s2+$0x0], $0xffff  }
0xa9: {  	v27 =	vadd.s32 v7, v26;
	_ =	sdelay $0x3  }
0xaa: {  	[tilespmem:s24+$0x10] =	vst v25  }
0xab: {  	v25 =	vld.idx.msk [tilespmem:v27+s2+$0x0], $0xffff  }
0xac: {  	v26 =	vadd.s32 v8, v26;
	_ =	sdelay $0x3  }
0xad: {  	[tilespmem:s24+$0x20] =	vst v25  }
0xae: {  	v25 =	vld.idx.msk [tilespmem:v26+s2+$0x0], $0xffff;
	_ =	sdelay $0x4  }
0xaf: {  	s25 =	simm.s32 $0x1C00;
	s13 =	simm.s32 $0x3500;
	[tilespmem:s24+$0x30] =	vst v25  }
0xb0: {  	[tilespmem:s13], [sflag:$0x1] =	stream.indirect.gather [hbm4b:s5+s9], $0x20, s25, s9, $0xb8;
	[tilespmem:$0xDF00] =	vst v63  }
0xb1: {  	s15 =	simm.s32 $0x4500;
	s13 =	simm.s32 $0x1C80  }
0xb2: {  	[tilespmem:s15], [sflag:$0x2] =	stream.indirect.gather [hbm4b:s5+s9], $0x20, s13, s9, $0xb8;
	[tilespmem:$0xDF00] =	vst v63  }
0xb3: {  	s18 =	simm.s32 $0x1D00;
	s19 =	simm.s32 $0x5500;
	s22 =	simm.s32 $0x1D80  }
0xb4: {  	[tilespmem:s19], [sflag:$0x3] =	stream.indirect.gather [hbm4b:s5+s9], $0x20, s18, s9, $0xb8;
	[tilespmem:$0xDF00] =	vst v63  }
0xb5: {  	s23 =	simm.s32 $0x6500;
	s28 =	simm.s32 $0x0;
	s19 =	sshll.u32 s0, $0xA  }
0xb6: {  	[tilespmem:s23], [sflag:$0x4] =	stream.indirect.gather [hbm4b:s5+s9], $0x20, s22, s9, $0xb8;
	[tilespmem:$0xDF00] =	vst v63  }
0xb7: {  	s24 =	simm.s32 $0x1E00;
	s25 =	simm.s32 $0x7500;
	s22 =	sadd.s32 $0x80000, s19  }
0xb8: {  	[tilespmem:s25], [sflag:$0x5] =	stream.indirect.gather [hbm4b:s5+s9], $0x20, s24, s9, $0xb8;
	[tilespmem:$0xDF00] =	vst v63  }
0xb9: {  	s23 =	sadd.s32 $0x100000, s19;
	s24 =	sadd.s32 $0x180000, s19;
	s25 =	sadd.s32 $0x200000, s19  }
.LBB2_5:
0xba: {  	_ =	swait.ge [sflag:s20], $0x1000  }
0xbb: {  	p0 =	seq.s32 s28, $0x0;
	[sflag:s20] =	ssyncset.done $0x0  }
0xbc: {  	s0 =	simm.s32 @!p0 $0x6;
	[sflag:s20] =	ssyncadd.s32 $0xFFFFF000  }
0xbd: {  	_ =	swait.ge @!p0 [sflag:s0], $0x400  }
0xbe: {  	[sflag:s0] =	ssyncset.done @!p0 $0x0  }
0xbf: {  	[sflag:s0] =	ssyncadd.s32 @!p0 $0xFFFFFC00  }
0xc0: {  	_ =	swait.ge @!p0 [sflag:s0], $0x400  }
0xc1: {  	[sflag:s0] =	ssyncset.done @!p0 $0x0  }
0xc2: {  	[sflag:s0] =	ssyncadd.s32 @!p0 $0xFFFFFC00  }
0xc3: {  	_ =	swait.ge @!p0 [sflag:s0], $0x400  }
0xc4: {  	v25 =	vmov s26;
	[sflag:s0] =	ssyncset.done @!p0 $0x0  }
0xc5: {  	v25 =	vshrl.u32 v25, $0x3;
	[sflag:s0] =	ssyncadd.s32 @!p0 $0xFFFFFC00  }
0xc6: {  	v25 =	vshll.u32 v25, v9;
	_ =	swait.ge @!p0 [sflag:s0], $0x400  }
0xc7: {  	v25 =	vbroadcast v25, $0x0;
	[sflag:s0] =	ssyncset.done @!p0 $0x0  }
0xc8: {  	[sflag:s0] =	ssyncadd.s32 @!p0 $0xFFFFFC00;
	s0 =	simm.s32 $0x3580  }
0xc9: {  	v27 =	vadd.s32 v6, v25;
	v26 =	vld [tilespmem:s0+$0xFFFFFF80];
	_ =	sdelay $0x4  }
0xca: {  	[tilespmem:v27+s21+$0x0] =	vst.idx.msk $0xffff, v26  }
0xcb: {  	s4 =	simm.s32 $0x1;
	v25 =	vadd.s32 v10, v25;
	v26 =	vld [tilespmem:s0+$0xFFFFFF90]  }
0xcc: {  	v27 =	vmov s4  }
0xcd: {  	v27 =	vshrl.u32 v27, $0x3  }
0xce: {  	v27 =	vshll.u32 v27, v9  }
0xcf: {  	v27 =	vbroadcast v27, $0x0  }
0xd0: {  	[tilespmem:v25+s21+$0x0] =	vst.idx.msk $0xffff, v26  }
0xd1: {  	v26 =	vadd.s32 v11, v27;
	v25 =	vld [tilespmem:s0+$0xFFFFFFA0];
	_ =	sdelay $0x4  }
0xd2: {  	[tilespmem:v26+s21+$0x0] =	vst.idx.msk $0xffff, v25  }
0xd3: {  	s13 =	simm.s32 $0x2;
	v26 =	vadd.s32 v12, v27;
	v25 =	vld [tilespmem:s0+$0xFFFFFFB0]  }
0xd4: {  	v27 =	vmov s13  }
0xd5: {  	v27 =	vshrl.u32 v27, $0x3  }
0xd6: {  	v27 =	vshll.u32 v27, v9  }
0xd7: {  	v27 =	vbroadcast v27, $0x0  }
0xd8: {  	[tilespmem:v26+s21+$0x0] =	vst.idx.msk $0xffff, v25  }
0xd9: {  	v26 =	vadd.s32 v13, v27;
	v25 =	vld [tilespmem:s0+$0xFFFFFFC0];
	_ =	sdelay $0x4  }
0xda: {  	[tilespmem:v26+s21+$0x0] =	vst.idx.msk $0xffff, v25  }
0xdb: {  	s15 =	simm.s32 $0x3;
	v26 =	vadd.s32 v14, v27;
	v25 =	vld [tilespmem:s0+$0xFFFFFFD0]  }
0xdc: {  	v27 =	vmov s15  }
0xdd: {  	v27 =	vshrl.u32 v27, $0x3  }
0xde: {  	v27 =	vshll.u32 v27, v9  }
0xdf: {  	v27 =	vbroadcast v27, $0x0  }
0xe0: {  	[tilespmem:v26+s21+$0x0] =	vst.idx.msk $0xffff, v25  }
0xe1: {  	v26 =	vadd.s32 v15, v27;
	v25 =	vld [tilespmem:s0+$0xFFFFFFE0];
	_ =	sdelay $0x4  }
0xe2: {  	[tilespmem:v26+s21+$0x0] =	vst.idx.msk $0xffff, v25  }
0xe3: {  	s18 =	simm.s32 $0x4;
	v26 =	vadd.s32 v16, v27;
	v25 =	vld [tilespmem:s0+$0xFFFFFFF0]  }
0xe4: {  	v27 =	vmov s18  }
0xe5: {  	v27 =	vshrl.u32 v27, $0x3  }
0xe6: {  	v27 =	vshll.u32 v27, v9  }
0xe7: {  	v27 =	vbroadcast v27, $0x0  }
0xe8: {  	[tilespmem:v26+s21+$0x0] =	vst.idx.msk $0xffff, v25  }
0xe9: {  	v26 =	vadd.s32 v17, v27;
	v25 =	vld [tilespmem:s0+$0x0];
	_ =	sdelay $0x4  }
0xea: {  	[tilespmem:v26+s21+$0x0] =	vst.idx.msk $0xffff, v25  }
0xeb: {  	s13 =	simm.s32 $0x5;
	v26 =	vadd.s32 v18, v27;
	v25 =	vld [tilespmem:s0+$0x10]  }
0xec: {  	v27 =	vmov s13  }
0xed: {  	v27 =	vshrl.u32 v27, $0x3  }
0xee: {  	v27 =	vshll.u32 v27, v9  }
0xef: {  	v27 =	vbroadcast v27, $0x0  }
0xf0: {  	[tilespmem:v26+s21+$0x0] =	vst.idx.msk $0xffff, v25  }
0xf1: {  	v26 =	vadd.s32 v19, v27;
	v25 =	vld [tilespmem:s0+$0x20];
	_ =	sdelay $0x4  }
0xf2: {  	[tilespmem:v26+s21+$0x0] =	vst.idx.msk $0xffff, v25  }
0xf3: {  	s15 =	simm.s32 $0x6;
	v26 =	vadd.s32 v20, v27;
	v25 =	vld [tilespmem:s0+$0x30]  }
0xf4: {  	v27 =	vmov s15  }
0xf5: {  	v27 =	vshrl.u32 v27, $0x3  }
0xf6: {  	v27 =	vshll.u32 v27, v9  }
0xf7: {  	v27 =	vbroadcast v27, $0x0  }
0xf8: {  	[tilespmem:v26+s21+$0x0] =	vst.idx.msk $0xffff, v25  }
0xf9: {  	v26 =	vadd.s32 v21, v27;
	v25 =	vld [tilespmem:s0+$0x40];
	_ =	sdelay $0x4  }
0xfa: {  	[tilespmem:v26+s21+$0x0] =	vst.idx.msk $0xffff, v25  }
0xfb: {  	s18 =	simm.s32 $0x7;
	v26 =	vadd.s32 v22, v27;
	v25 =	vld [tilespmem:s0+$0x50]  }
0xfc: {  	v27 =	vmov s18  }
0xfd: {  	v27 =	vshrl.u32 v27, $0x3  }
0xfe: {  	v27 =	vshll.u32 v27, v9  }
0xff: {  	v27 =	vbroadcast v27, $0x0  }
0x100: {  	[tilespmem:v26+s21+$0x0] =	vst.idx.msk $0xffff, v25  }
0x101: {  	v26 =	vadd.s32 v23, v27;
	v25 =	vld [tilespmem:s0+$0x60];
	_ =	sdelay $0x4  }
0x102: {  	[tilespmem:v26+s21+$0x0] =	vst.idx.msk $0xffff, v25  }
0x103: {  	s18 =	simm.s32 $0x8;
	v26 =	vadd.s32 v24, v27;
	v25 =	vld [tilespmem:s0+$0x70]  }
0x104: {  	s4 =	simm.s32 $0x10;
	v27 =	vmov s18  }
.LBB2_6:
0x105: {  	p1 =	slt.u32 s4, $0x78;
	v27 =	vshrl.u32 v27, $0x3  }
0x106: {  	v27 =	vshll.u32 v27, v9  }
0x107: {  	v27 =	vbroadcast v27, $0x0  }
0x108: {  	s0 =	sadd.s32 $0x100, s0;
	[tilespmem:v26+s21+$0x0] =	vst.idx.msk $0xffff, v25  }
0x109: {  	v25 =	vld [tilespmem:s0+$0xFFFFFF80];
	v26 =	vadd.s32 v6, v27;
	_ =	sdelay $0x4  }
0x10a: {  	[tilespmem:v26+s21+$0x0] =	vst.idx.msk $0xffff, v25  }
0x10b: {  	s13 =	sadd.s32 $0x1, s18;
	v26 =	vadd.s32 v10, v27;
	v25 =	vld [tilespmem:s0+$0xFFFFFF90]  }
0x10c: {  	v27 =	vmov s13  }
0x10d: {  	v27 =	vshrl.u32 v27, $0x3  }
0x10e: {  	v27 =	vshll.u32 v27, v9  }
0x10f: {  	v27 =	vbroadcast v27, $0x0  }
0x110: {  	[tilespmem:v26+s21+$0x0] =	vst.idx.msk $0xffff, v25  }
0x111: {  	v26 =	vadd.s32 v11, v27;
	v25 =	vld [tilespmem:s0+$0xFFFFFFA0];
	_ =	sdelay $0x4  }
0x112: {  	[tilespmem:v26+s21+$0x0] =	vst.idx.msk $0xffff, v25  }
0x113: {  	s13 =	sadd.s32 $0x2, s18;
	v26 =	vadd.s32 v12, v27;
	v25 =	vld [tilespmem:s0+$0xFFFFFFB0]  }
0x114: {  	v27 =	vmov s13  }
0x115: {  	v27 =	vshrl.u32 v27, $0x3  }
0x116: {  	v27 =	vshll.u32 v27, v9  }
0x117: {  	v27 =	vbroadcast v27, $0x0  }
0x118: {  	[tilespmem:v26+s21+$0x0] =	vst.idx.msk $0xffff, v25  }
0x119: {  	v26 =	vadd.s32 v13, v27;
	v25 =	vld [tilespmem:s0+$0xFFFFFFC0];
	_ =	sdelay $0x4  }
0x11a: {  	[tilespmem:v26+s21+$0x0] =	vst.idx.msk $0xffff, v25  }
0x11b: {  	s13 =	sadd.s32 $0x3, s18;
	v26 =	vadd.s32 v14, v27;
	v25 =	vld [tilespmem:s0+$0xFFFFFFD0]  }
0x11c: {  	v27 =	vmov s13  }
0x11d: {  	v27 =	vshrl.u32 v27, $0x3  }
0x11e: {  	v27 =	vshll.u32 v27, v9  }
0x11f: {  	v27 =	vbroadcast v27, $0x0  }
0x120: {  	[tilespmem:v26+s21+$0x0] =	vst.idx.msk $0xffff, v25  }
0x121: {  	v26 =	vadd.s32 v15, v27;
	v25 =	vld [tilespmem:s0+$0xFFFFFFE0];
	_ =	sdelay $0x4  }
0x122: {  	[tilespmem:v26+s21+$0x0] =	vst.idx.msk $0xffff, v25  }
0x123: {  	s13 =	sadd.s32 $0x4, s18;
	v26 =	vadd.s32 v16, v27;
	v25 =	vld [tilespmem:s0+$0xFFFFFFF0]  }
0x124: {  	v27 =	vmov s13  }
0x125: {  	v27 =	vshrl.u32 v27, $0x3  }
0x126: {  	v27 =	vshll.u32 v27, v9  }
0x127: {  	v27 =	vbroadcast v27, $0x0  }
0x128: {  	[tilespmem:v26+s21+$0x0] =	vst.idx.msk $0xffff, v25  }
0x129: {  	v26 =	vadd.s32 v17, v27;
	v25 =	vld [tilespmem:s0+$0x0];
	_ =	sdelay $0x4  }
0x12a: {  	[tilespmem:v26+s21+$0x0] =	vst.idx.msk $0xffff, v25  }
0x12b: {  	s13 =	sadd.s32 $0x5, s18;
	v26 =	vadd.s32 v18, v27;
	v25 =	vld [tilespmem:s0+$0x10]  }
0x12c: {  	v27 =	vmov s13  }
0x12d: {  	v27 =	vshrl.u32 v27, $0x3  }
0x12e: {  	v27 =	vshll.u32 v27, v9  }
0x12f: {  	v27 =	vbroadcast v27, $0x0  }
0x130: {  	[tilespmem:v26+s21+$0x0] =	vst.idx.msk $0xffff, v25  }
0x131: {  	v26 =	vadd.s32 v19, v27;
	v25 =	vld [tilespmem:s0+$0x20];
	_ =	sdelay $0x4  }
0x132: {  	[tilespmem:v26+s21+$0x0] =	vst.idx.msk $0xffff, v25  }
0x133: {  	s13 =	sadd.s32 $0x6, s18;
	v26 =	vadd.s32 v20, v27;
	v25 =	vld [tilespmem:s0+$0x30]  }
0x134: {  	v27 =	vmov s13  }
0x135: {  	v27 =	vshrl.u32 v27, $0x3  }
0x136: {  	v27 =	vshll.u32 v27, v9  }
0x137: {  	v27 =	vbroadcast v27, $0x0  }
0x138: {  	[tilespmem:v26+s21+$0x0] =	vst.idx.msk $0xffff, v25  }
0x139: {  	v26 =	vadd.s32 v21, v27;
	v25 =	vld [tilespmem:s0+$0x40];
	_ =	sdelay $0x4  }
0x13a: {  	[tilespmem:v26+s21+$0x0] =	vst.idx.msk $0xffff, v25  }
0x13b: {  	s13 =	sadd.s32 $0x7, s18;
	s18 =	smov.u32 s4;
	v26 =	vadd.s32 v22, v27;
	v25 =	vld [tilespmem:s0+$0x50]  }
0x13c: {  	v27 =	vmov s13  }
0x13d: {  	v27 =	vshrl.u32 v27, $0x3  }
0x13e: {  	v27 =	vshll.u32 v27, v9  }
0x13f: {  	v27 =	vbroadcast v27, $0x0  }
0x140: {  	[tilespmem:v26+s21+$0x0] =	vst.idx.msk $0xffff, v25  }
0x141: {  	v26 =	vadd.s32 v23, v27;
	v25 =	vld [tilespmem:s0+$0x60];
	_ =	sdelay $0x2  }
.Ltmp5:
0x142: {  	(pc) =	sbr.rel @p1 .LBB2_6-.Ltmp5, $4  }
0x143: {  	_ = 	snop  }
0x144: {  	[tilespmem:v26+s21+$0x0] =	vst.idx.msk $0xffff, v25  }
0x145: {  	v26 =	vadd.s32 v24, v27;
	v25 =	vld [tilespmem:s0+$0x70]  }
0x146: {  	s4 =	sadd.s32 $0x8, s4;
	v27 =	vmov s18  }
0x147: {  	_ = 	snop  }
0x148: {  	v27 =	vshrl.u32 v27, $0x3  }
0x149: {  	v27 =	vshll.u32 v27, v9  }
0x14a: {  	v27 =	vbroadcast v27, $0x0  }
0x14b: {  	s0 =	sadd.s32 $0x100, s0;
	[tilespmem:v26+s21+$0x0] =	vst.idx.msk $0xffff, v25  }
0x14c: {  	v25 =	vld [tilespmem:s0+$0xFFFFFF80];
	v26 =	vadd.s32 v6, v27;
	_ =	sdelay $0x4  }
0x14d: {  	[tilespmem:v26+s21+$0x0] =	vst.idx.msk $0xffff, v25  }
0x14e: {  	s4 =	sadd.s32 $0x1, s18;
	v26 =	vadd.s32 v10, v27;
	v25 =	vld [tilespmem:s0+$0xFFFFFF90]  }
0x14f: {  	v27 =	vmov s4  }
0x150: {  	v27 =	vshrl.u32 v27, $0x3  }
0x151: {  	v27 =	vshll.u32 v27, v9  }
0x152: {  	v27 =	vbroadcast v27, $0x0  }
0x153: {  	[tilespmem:v26+s21+$0x0] =	vst.idx.msk $0xffff, v25  }
0x154: {  	v26 =	vadd.s32 v11, v27;
	v25 =	vld [tilespmem:s0+$0xFFFFFFA0];
	_ =	sdelay $0x4  }
0x155: {  	[tilespmem:v26+s21+$0x0] =	vst.idx.msk $0xffff, v25  }
0x156: {  	s15 =	sadd.s32 $0x2, s18;
	v26 =	vadd.s32 v12, v27;
	v25 =	vld [tilespmem:s0+$0xFFFFFFB0]  }
0x157: {  	v27 =	vmov s15  }
0x158: {  	v27 =	vshrl.u32 v27, $0x3  }
0x159: {  	v27 =	vshll.u32 v27, v9  }
0x15a: {  	v27 =	vbroadcast v27, $0x0  }
0x15b: {  	[tilespmem:v26+s21+$0x0] =	vst.idx.msk $0xffff, v25  }
0x15c: {  	v26 =	vadd.s32 v13, v27;
	v25 =	vld [tilespmem:s0+$0xFFFFFFC0];
	_ =	sdelay $0x4  }
0x15d: {  	[tilespmem:v26+s21+$0x0] =	vst.idx.msk $0xffff, v25  }
0x15e: {  	s13 =	sadd.s32 $0x3, s18;
	v26 =	vadd.s32 v14, v27;
	v25 =	vld [tilespmem:s0+$0xFFFFFFD0]  }
0x15f: {  	v27 =	vmov s13  }
0x160: {  	v27 =	vshrl.u32 v27, $0x3  }
0x161: {  	v27 =	vshll.u32 v27, v9  }
0x162: {  	v27 =	vbroadcast v27, $0x0  }
0x163: {  	[tilespmem:v26+s21+$0x0] =	vst.idx.msk $0xffff, v25  }
0x164: {  	v26 =	vadd.s32 v15, v27;
	v25 =	vld [tilespmem:s0+$0xFFFFFFE0];
	_ =	sdelay $0x4  }
0x165: {  	[tilespmem:v26+s21+$0x0] =	vst.idx.msk $0xffff, v25  }
0x166: {  	s15 =	sadd.s32 $0x4, s18;
	v26 =	vadd.s32 v16, v27;
	v25 =	vld [tilespmem:s0+$0xFFFFFFF0]  }
0x167: {  	v27 =	vmov s15  }
0x168: {  	v27 =	vshrl.u32 v27, $0x3  }
0x169: {  	v27 =	vshll.u32 v27, v9  }
0x16a: {  	v27 =	vbroadcast v27, $0x0  }
0x16b: {  	[tilespmem:v26+s21+$0x0] =	vst.idx.msk $0xffff, v25  }
0x16c: {  	v26 =	vadd.s32 v17, v27;
	v25 =	vld [tilespmem:s0+$0x0];
	_ =	sdelay $0x4  }
0x16d: {  	[tilespmem:v26+s21+$0x0] =	vst.idx.msk $0xffff, v25  }
0x16e: {  	s13 =	sadd.s32 $0x5, s18;
	v26 =	vadd.s32 v18, v27;
	v25 =	vld [tilespmem:s0+$0x10]  }
0x16f: {  	v27 =	vmov s13  }
0x170: {  	v27 =	vshrl.u32 v27, $0x3  }
0x171: {  	v27 =	vshll.u32 v27, v9  }
0x172: {  	v27 =	vbroadcast v27, $0x0  }
0x173: {  	[tilespmem:v26+s21+$0x0] =	vst.idx.msk $0xffff, v25  }
0x174: {  	v26 =	vadd.s32 v19, v27;
	v25 =	vld [tilespmem:s0+$0x20];
	_ =	sdelay $0x4  }
0x175: {  	[tilespmem:v26+s21+$0x0] =	vst.idx.msk $0xffff, v25  }
0x176: {  	s15 =	sadd.s32 $0x6, s18;
	v26 =	vadd.s32 v20, v27;
	v25 =	vld [tilespmem:s0+$0x30]  }
0x177: {  	v27 =	vmov s15  }
0x178: {  	v27 =	vshrl.u32 v27, $0x3  }
0x179: {  	v27 =	vshll.u32 v27, v9  }
0x17a: {  	v27 =	vbroadcast v27, $0x0  }
0x17b: {  	[tilespmem:v26+s21+$0x0] =	vst.idx.msk $0xffff, v25  }
0x17c: {  	v26 =	vadd.s32 v21, v27;
	v25 =	vld [tilespmem:s0+$0x40];
	_ =	sdelay $0x4  }
0x17d: {  	[tilespmem:v26+s21+$0x0] =	vst.idx.msk $0xffff, v25  }
0x17e: {  	s13 =	sadd.s32 $0x7, s18;
	v26 =	vadd.s32 v22, v27;
	v25 =	vld [tilespmem:s0+$0x50]  }
0x17f: {  	v27 =	vmov s13  }
0x180: {  	v27 =	vshrl.u32 v27, $0x3  }
0x181: {  	v27 =	vshll.u32 v27, v9  }
0x182: {  	v27 =	vbroadcast v27, $0x0  }
0x183: {  	[tilespmem:v26+s21+$0x0] =	vst.idx.msk $0xffff, v25  }
0x184: {  	v26 =	vadd.s32 v23, v27;
	v25 =	vld [tilespmem:s0+$0x60];
	_ =	sdelay $0x4  }
0x185: {  	[tilespmem:v26+s21+$0x0] =	vst.idx.msk $0xffff, v25  }
0x186: {  	v26 =	vadd.s32 v24, v27;
	v25 =	vld [tilespmem:s0+$0x70]  }
0x187: {  	s0 =	smul.u32 $0x280000, s28;
	_ =	sdelay $0x1  }
0x188: {  	s15 =	sor.u32 s19, s0  }
0x189: {  	s4 =	sshrl.u32 s15, $0x3  }
0x18a: {  	s13 =	sadd.s32 s1, s4;
	[tilespmem:v26+s21+$0x0] =	vst.idx.msk $0xffff, v25  }
0x18b: {  	[hbm4b:s13+s2] =	stream.linear.scatter [tilespmem:s21], [sflag:$0x6], $0x80, $0x38;
	[tilespmem:$0xDF00] =	vst v63  }
0x18c: {  	s15 =	simm.s32 $0x8590;
	s18 =	sadd.s32 $0x10, s13  }
0x18d: {  	[hbm4b:s18+s2] =	stream.linear.scatter [tilespmem:s15], [sflag:$0x6], $0x80, $0x38;
	[tilespmem:$0xDF00] =	vst v63  }
0x18e: {  	s18 =	sadd.s32 $0x20, s13;
	s15 =	simm.s32 $0x8620  }
0x18f: {  	[hbm4b:s18+s2] =	stream.linear.scatter [tilespmem:s15], [sflag:$0x6], $0x80, $0x38;
	[tilespmem:$0xDF00] =	vst v63  }
0x190: {  	s18 =	sadd.s32 $0x30, s13;
	s15 =	simm.s32 $0x86B0  }
0x191: {  	[hbm4b:s18+s2] =	stream.linear.scatter [tilespmem:s15], [sflag:$0x6], $0x80, $0x38;
	[tilespmem:$0xDF00] =	vst v63  }
0x192: {  	s18 =	sadd.s32 $0x40, s13;
	s15 =	simm.s32 $0x8740  }
0x193: {  	[hbm4b:s18+s2] =	stream.linear.scatter [tilespmem:s15], [sflag:$0x6], $0x80, $0x38;
	[tilespmem:$0xDF00] =	vst v63  }
0x194: {  	s18 =	sadd.s32 $0x50, s13;
	s15 =	simm.s32 $0x87D0  }
0x195: {  	[hbm4b:s18+s2] =	stream.linear.scatter [tilespmem:s15], [sflag:$0x6], $0x80, $0x38;
	[tilespmem:$0xDF00] =	vst v63  }
0x196: {  	s18 =	sadd.s32 $0x60, s13;
	s15 =	simm.s32 $0x8860  }
0x197: {  	[hbm4b:s18+s2] =	stream.linear.scatter [tilespmem:s15], [sflag:$0x6], $0x80, $0x38;
	[tilespmem:$0xDF00] =	vst v63  }
0x198: {  	s13 =	sadd.s32 $0x70, s13;
	s18 =	simm.s32 $0x88F0;
	s15 =	sor.u32 $0x4000, s4  }
0x199: {  	[hbm4b:s13+s2] =	stream.linear.scatter [tilespmem:s18], [sflag:$0x6], $0x80, $0x38;
	[tilespmem:$0xDF00] =	vst v63  }
0x19a: {  	s13 =	sadd.s32 s1, s15;
	s18 =	simm.s32 $0x8980  }
0x19b: {  	[hbm4b:s13+s2] =	stream.linear.scatter [tilespmem:s18], [sflag:$0x6], $0x80, $0x38;
	[tilespmem:$0xDF00] =	vst v63  }
0x19c: {  	s15 =	simm.s32 $0x8A10;
	s18 =	sadd.s32 $0x10, s13  }
0x19d: {  	[hbm4b:s18+s2] =	stream.linear.scatter [tilespmem:s15], [sflag:$0x6], $0x80, $0x38;
	[tilespmem:$0xDF00] =	vst v63  }
0x19e: {  	s18 =	sadd.s32 $0x20, s13;
	s15 =	simm.s32 $0x8AA0  }
0x19f: {  	[hbm4b:s18+s2] =	stream.linear.scatter [tilespmem:s15], [sflag:$0x6], $0x80, $0x38;
	[tilespmem:$0xDF00] =	vst v63  }
0x1a0: {  	s18 =	sadd.s32 $0x30, s13;
	s15 =	simm.s32 $0x8B30  }
0x1a1: {  	[hbm4b:s18+s2] =	stream.linear.scatter [tilespmem:s15], [sflag:$0x6], $0x80, $0x38;
	[tilespmem:$0xDF00] =	vst v63  }
0x1a2: {  	s18 =	sadd.s32 $0x40, s13;
	s15 =	simm.s32 $0x8BC0  }
0x1a3: {  	[hbm4b:s18+s2] =	stream.linear.scatter [tilespmem:s15], [sflag:$0x6], $0x80, $0x38;
	[tilespmem:$0xDF00] =	vst v63  }
0x1a4: {  	s18 =	sadd.s32 $0x50, s13;
	s15 =	simm.s32 $0x8C50  }
0x1a5: {  	[hbm4b:s18+s2] =	stream.linear.scatter [tilespmem:s15], [sflag:$0x6], $0x80, $0x38;
	[tilespmem:$0xDF00] =	vst v63  }
0x1a6: {  	s18 =	sadd.s32 $0x60, s13;
	s15 =	simm.s32 $0x8CE0  }
0x1a7: {  	[hbm4b:s18+s2] =	stream.linear.scatter [tilespmem:s15], [sflag:$0x6], $0x80, $0x38;
	[tilespmem:$0xDF00] =	vst v63  }
0x1a8: {  	s13 =	sadd.s32 $0x70, s13;
	s18 =	simm.s32 $0x8D70;
	s15 =	sor.u32 $0x8000, s4  }
0x1a9: {  	[hbm4b:s13+s2] =	stream.linear.scatter [tilespmem:s18], [sflag:$0x6], $0x80, $0x38;
	[tilespmem:$0xDF00] =	vst v63  }
0x1aa: {  	s13 =	sadd.s32 s1, s15;
	s18 =	simm.s32 $0x8E00  }
0x1ab: {  	[hbm4b:s13+s2] =	stream.linear.scatter [tilespmem:s18], [sflag:$0x6], $0x80, $0x38;
	[tilespmem:$0xDF00] =	vst v63  }
0x1ac: {  	s15 =	simm.s32 $0x8E90;
	s18 =	sadd.s32 $0x10, s13  }
0x1ad: {  	[hbm4b:s18+s2] =	stream.linear.scatter [tilespmem:s15], [sflag:$0x6], $0x80, $0x38;
	[tilespmem:$0xDF00] =	vst v63  }
0x1ae: {  	s18 =	sadd.s32 $0x20, s13;
	s15 =	simm.s32 $0x8F20  }
0x1af: {  	[hbm4b:s18+s2] =	stream.linear.scatter [tilespmem:s15], [sflag:$0x6], $0x80, $0x38;
	[tilespmem:$0xDF00] =	vst v63  }
0x1b0: {  	s18 =	sadd.s32 $0x30, s13;
	s15 =	simm.s32 $0x8FB0  }
0x1b1: {  	[hbm4b:s18+s2] =	stream.linear.scatter [tilespmem:s15], [sflag:$0x6], $0x80, $0x38;
	[tilespmem:$0xDF00] =	vst v63  }
0x1b2: {  	s18 =	sadd.s32 $0x40, s13;
	s15 =	simm.s32 $0x9040  }
0x1b3: {  	[hbm4b:s18+s2] =	stream.linear.scatter [tilespmem:s15], [sflag:$0x6], $0x80, $0x38;
	[tilespmem:$0xDF00] =	vst v63  }
0x1b4: {  	s18 =	sadd.s32 $0x50, s13;
	s15 =	simm.s32 $0x90D0  }
0x1b5: {  	[hbm4b:s18+s2] =	stream.linear.scatter [tilespmem:s15], [sflag:$0x6], $0x80, $0x38;
	[tilespmem:$0xDF00] =	vst v63  }
0x1b6: {  	s18 =	sadd.s32 $0x60, s13;
	s15 =	simm.s32 $0x9160  }
0x1b7: {  	[hbm4b:s18+s2] =	stream.linear.scatter [tilespmem:s15], [sflag:$0x6], $0x80, $0x38;
	[tilespmem:$0xDF00] =	vst v63  }
0x1b8: {  	s4 =	sor.u32 $0xC000, s4;
	s13 =	sadd.s32 $0x70, s13;
	s18 =	simm.s32 $0x91F0  }
0x1b9: {  	[hbm4b:s13+s2] =	stream.linear.scatter [tilespmem:s18], [sflag:$0x6], $0x80, $0x38;
	[tilespmem:$0xDF00] =	vst v63  }
0x1ba: {  	s4 =	sadd.s32 s1, s4;
	s18 =	simm.s32 $0x9280  }
0x1bb: {  	[hbm4b:s4+s2] =	stream.linear.scatter [tilespmem:s18], [sflag:$0x6], $0x80, $0x38;
	[tilespmem:$0xDF00] =	vst v63  }
0x1bc: {  	s15 =	sadd.s32 $0x10, s4;
	s18 =	simm.s32 $0x9310  }
0x1bd: {  	[hbm4b:s15+s2] =	stream.linear.scatter [tilespmem:s18], [sflag:$0x6], $0x80, $0x38;
	[tilespmem:$0xDF00] =	vst v63  }
0x1be: {  	s15 =	sadd.s32 $0x20, s4;
	s18 =	simm.s32 $0x93A0  }
0x1bf: {  	[hbm4b:s15+s2] =	stream.linear.scatter [tilespmem:s18], [sflag:$0x6], $0x80, $0x38;
	[tilespmem:$0xDF00] =	vst v63  }
0x1c0: {  	s15 =	sadd.s32 $0x30, s4;
	s18 =	simm.s32 $0x9430  }
0x1c1: {  	[hbm4b:s15+s2] =	stream.linear.scatter [tilespmem:s18], [sflag:$0x6], $0x80, $0x38;
	[tilespmem:$0xDF00] =	vst v63  }
0x1c2: {  	s15 =	sadd.s32 $0x40, s4;
	s18 =	simm.s32 $0x94C0  }
0x1c3: {  	[hbm4b:s15+s2] =	stream.linear.scatter [tilespmem:s18], [sflag:$0x6], $0x80, $0x38;
	[tilespmem:$0xDF00] =	vst v63  }
0x1c4: {  	p1 =	sne.s32 s28, $0x9;
	s15 =	sadd.s32 $0x50, s4;
	s18 =	simm.s32 $0x9550  }
0x1c5: {  	[hbm4b:s15+s2] =	stream.linear.scatter [tilespmem:s18], [sflag:$0x6], $0x80, $0x38;
	[tilespmem:$0xDF00] =	vst v63  }
.Ltmp6:
0x1c6: {  	_ = 	snop;
	(pc) =	sbr.rel @p1 .LBB2_9-.Ltmp6, $4  }
0x1c7: {  	s15 =	sadd.s32 $0x60, s4;
	s18 =	simm.s32 $0x95E0  }
0x1c8: {  	[hbm4b:s15+s2] =	stream.linear.scatter [tilespmem:s18], [sflag:$0x6], $0x80, $0x38;
	[tilespmem:$0xDF00] =	vst v63  }
0x1c9: {  	s4 =	sadd.s32 $0x70, s4;
	s18 =	simm.s32 $0x9670  }
0x1ca: {  	[hbm4b:s4+s2] =	stream.linear.scatter [tilespmem:s18], [sflag:$0x6], $0x80, $0x38;
	[tilespmem:$0xDF00] =	vst v63  }
.Ltmp7:
0x1cb: {  	(pc) =	sbr.rel .LBB2_10-.Ltmp7, $4  }
0x1cc: {  	_ = 	snop  }
0x1cd: {  	_ =	swait.ge [sflag:s29], $0x1000  }
0x1ce: {  	[sflag:s29] =	ssyncset.done $0x0  }
0x1cf: {  	[sflag:s29] =	ssyncadd.s32 $0xFFFFF000  }
.LBB2_9:
0x1d0: {  	s4 =	smul.u32 $0xA00, s28;
	_ =	sdelay $0x1  }
0x1d1: {  	s4 =	sshra.s32 s4, $0x2  }
.Ltmp8:
0x1d2: {  	s13 =	simm.s32 $0x3500;
	s4 =	sadd.s32 $0x1E80, s4;
	(pc) =	sbr.rel @p0 .LBB2_11-.Ltmp8, $4  }
0x1d3: {  	[tilespmem:s13], [sflag:$0x1] =	stream.indirect.gather [hbm4b:s5+s9], $0x20, s4, s9, $0xb8;
	[tilespmem:$0xDF00] =	vst v63  }
0x1d4: {  	_ =	swait.ge [sflag:s29], $0x1000  }
0x1d5: {  	[sflag:s29] =	ssyncset.done $0x0  }
0x1d6: {  	[sflag:s29] =	ssyncadd.s32 $0xFFFFF000  }
.LBB2_10:
0x1d7: {  	_ =	swait.ge [sflag:s30], $0x400  }
0x1d8: {  	[sflag:s30] =	ssyncset.done $0x0  }
0x1d9: {  	[sflag:s30] =	ssyncadd.s32 $0xFFFFFC00  }
0x1da: {  	_ =	swait.ge [sflag:s30], $0x400  }
0x1db: {  	[sflag:s30] =	ssyncset.done $0x0  }
0x1dc: {  	[sflag:s30] =	ssyncadd.s32 $0xFFFFFC00  }
0x1dd: {  	_ =	swait.ge [sflag:s30], $0x400  }
0x1de: {  	[sflag:s30] =	ssyncset.done $0x0  }
0x1df: {  	[sflag:s30] =	ssyncadd.s32 $0xFFFFFC00  }
0x1e0: {  	_ =	swait.ge [sflag:s30], $0x400  }
0x1e1: {  	[sflag:s30] =	ssyncset.done $0x0  }
0x1e2: {  	[sflag:s30] =	ssyncadd.s32 $0xFFFFFC00  }
.LBB2_11:
0x1e3: {  	s4 =	simm.s32 $0x0  }
0x1e4: {  	v25 =	vmov s4  }
0x1e5: {  	v25 =	vshrl.u32 v25, $0x3  }
0x1e6: {  	v25 =	vshll.u32 v25, v9  }
0x1e7: {  	v25 =	vbroadcast v25, $0x0  }
0x1e8: {  	s18 =	simm.s32 $0x4580  }
0x1e9: {  	v26 =	vld [tilespmem:s18+$0xFFFFFF80];
	v27 =	vadd.s32 v6, v25;
	_ =	sdelay $0x4  }
0x1ea: {  	[tilespmem:v27+s31+$0x0] =	vst.idx.msk $0xffff, v26  }
0x1eb: {  	s15 =	simm.s32 $0x1;
	v25 =	vadd.s32 v10, v25;
	v26 =	vld [tilespmem:s18+$0xFFFFFF90]  }
0x1ec: {  	v27 =	vmov s15  }
0x1ed: {  	v27 =	vshrl.u32 v27, $0x3  }
0x1ee: {  	v27 =	vshll.u32 v27, v9  }
0x1ef: {  	v27 =	vbroadcast v27, $0x0  }
0x1f0: {  	[tilespmem:v25+s31+$0x0] =	vst.idx.msk $0xffff, v26  }
0x1f1: {  	v26 =	vadd.s32 v11, v27;
	v25 =	vld [tilespmem:s18+$0xFFFFFFA0];
	_ =	sdelay $0x4  }
0x1f2: {  	[tilespmem:v26+s31+$0x0] =	vst.idx.msk $0xffff, v25  }
0x1f3: {  	s13 =	simm.s32 $0x2;
	v26 =	vadd.s32 v12, v27;
	v25 =	vld [tilespmem:s18+$0xFFFFFFB0]  }
0x1f4: {  	v27 =	vmov s13  }
0x1f5: {  	v27 =	vshrl.u32 v27, $0x3  }
0x1f6: {  	v27 =	vshll.u32 v27, v9  }
0x1f7: {  	v27 =	vbroadcast v27, $0x0  }
0x1f8: {  	[tilespmem:v26+s31+$0x0] =	vst.idx.msk $0xffff, v25  }
0x1f9: {  	v26 =	vadd.s32 v13, v27;
	v25 =	vld [tilespmem:s18+$0xFFFFFFC0];
	_ =	sdelay $0x4  }
0x1fa: {  	[tilespmem:v26+s31+$0x0] =	vst.idx.msk $0xffff, v25  }
0x1fb: {  	s15 =	simm.s32 $0x3;
	v26 =	vadd.s32 v14, v27;
	v25 =	vld [tilespmem:s18+$0xFFFFFFD0]  }
0x1fc: {  	v27 =	vmov s15  }
0x1fd: {  	v27 =	vshrl.u32 v27, $0x3  }
0x1fe: {  	v27 =	vshll.u32 v27, v9  }
0x1ff: {  	v27 =	vbroadcast v27, $0x0  }
0x200: {  	[tilespmem:v26+s31+$0x0] =	vst.idx.msk $0xffff, v25  }
0x201: {  	v26 =	vadd.s32 v15, v27;
	v25 =	vld [tilespmem:s18+$0xFFFFFFE0];
	_ =	sdelay $0x4  }
0x202: {  	[tilespmem:v26+s31+$0x0] =	vst.idx.msk $0xffff, v25  }
0x203: {  	s13 =	simm.s32 $0x4;
	v26 =	vadd.s32 v16, v27;
	v25 =	vld [tilespmem:s18+$0xFFFFFFF0]  }
0x204: {  	v27 =	vmov s13  }
0x205: {  	v27 =	vshrl.u32 v27, $0x3  }
0x206: {  	v27 =	vshll.u32 v27, v9  }
0x207: {  	v27 =	vbroadcast v27, $0x0  }
0x208: {  	[tilespmem:v26+s31+$0x0] =	vst.idx.msk $0xffff, v25  }
0x209: {  	v26 =	vadd.s32 v17, v27;
	v25 =	vld [tilespmem:s18+$0x0];
	_ =	sdelay $0x4  }
0x20a: {  	[tilespmem:v26+s31+$0x0] =	vst.idx.msk $0xffff, v25  }
0x20b: {  	s15 =	simm.s32 $0x5;
	v26 =	vadd.s32 v18, v27;
	v25 =	vld [tilespmem:s18+$0x10]  }
0x20c: {  	v27 =	vmov s15  }
0x20d: {  	v27 =	vshrl.u32 v27, $0x3  }
0x20e: {  	v27 =	vshll.u32 v27, v9  }
0x20f: {  	v27 =	vbroadcast v27, $0x0  }
0x210: {  	[tilespmem:v26+s31+$0x0] =	vst.idx.msk $0xffff, v25  }
0x211: {  	v26 =	vadd.s32 v19, v27;
	v25 =	vld [tilespmem:s18+$0x20];
	_ =	sdelay $0x4  }
0x212: {  	[tilespmem:v26+s31+$0x0] =	vst.idx.msk $0xffff, v25  }
0x213: {  	s13 =	simm.s32 $0x6;
	v26 =	vadd.s32 v20, v27;
	v25 =	vld [tilespmem:s18+$0x30]  }
0x214: {  	v27 =	vmov s13  }
0x215: {  	v27 =	vshrl.u32 v27, $0x3  }
0x216: {  	v27 =	vshll.u32 v27, v9  }
0x217: {  	v27 =	vbroadcast v27, $0x0  }
0x218: {  	[tilespmem:v26+s31+$0x0] =	vst.idx.msk $0xffff, v25  }
0x219: {  	v26 =	vadd.s32 v21, v27;
	v25 =	vld [tilespmem:s18+$0x40];
	_ =	sdelay $0x4  }
0x21a: {  	[tilespmem:v26+s31+$0x0] =	vst.idx.msk $0xffff, v25  }
0x21b: {  	s15 =	simm.s32 $0x7;
	v26 =	vadd.s32 v22, v27;
	v25 =	vld [tilespmem:s18+$0x50]  }
0x21c: {  	v27 =	vmov s15  }
0x21d: {  	v27 =	vshrl.u32 v27, $0x3  }
0x21e: {  	v27 =	vshll.u32 v27, v9  }
0x21f: {  	v27 =	vbroadcast v27, $0x0  }
0x220: {  	[tilespmem:v26+s31+$0x0] =	vst.idx.msk $0xffff, v25  }
0x221: {  	v26 =	vadd.s32 v23, v27;
	v25 =	vld [tilespmem:s18+$0x60];
	_ =	sdelay $0x4  }
0x222: {  	[tilespmem:v26+s31+$0x0] =	vst.idx.msk $0xffff, v25  }
0x223: {  	s4 =	simm.s32 $0x8;
	v26 =	vadd.s32 v24, v27;
	v25 =	vld [tilespmem:s18+$0x70]  }
0x224: {  	s13 =	simm.s32 $0x10;
	v27 =	vmov s4  }
.LBB2_12:
0x225: {  	p2 =	slt.u32 s13, $0x78;
	v27 =	vshrl.u32 v27, $0x3  }
0x226: {  	v27 =	vshll.u32 v27, v9  }
0x227: {  	v27 =	vbroadcast v27, $0x0  }
0x228: {  	s18 =	sadd.s32 $0x100, s18;
	[tilespmem:v26+s31+$0x0] =	vst.idx.msk $0xffff, v25  }
0x229: {  	v25 =	vld [tilespmem:s18+$0xFFFFFF80];
	v26 =	vadd.s32 v6, v27;
	_ =	sdelay $0x4  }
0x22a: {  	[tilespmem:v26+s31+$0x0] =	vst.idx.msk $0xffff, v25  }
0x22b: {  	s15 =	sadd.s32 $0x1, s4;
	v26 =	vadd.s32 v10, v27;
	v25 =	vld [tilespmem:s18+$0xFFFFFF90]  }
0x22c: {  	v27 =	vmov s15  }
0x22d: {  	v27 =	vshrl.u32 v27, $0x3  }
0x22e: {  	v27 =	vshll.u32 v27, v9  }
0x22f: {  	v27 =	vbroadcast v27, $0x0  }
0x230: {  	[tilespmem:v26+s31+$0x0] =	vst.idx.msk $0xffff, v25  }
0x231: {  	v26 =	vadd.s32 v11, v27;
	v25 =	vld [tilespmem:s18+$0xFFFFFFA0];
	_ =	sdelay $0x4  }
0x232: {  	[tilespmem:v26+s31+$0x0] =	vst.idx.msk $0xffff, v25  }
0x233: {  	s15 =	sadd.s32 $0x2, s4;
	v26 =	vadd.s32 v12, v27;
	v25 =	vld [tilespmem:s18+$0xFFFFFFB0]  }
0x234: {  	v27 =	vmov s15  }
0x235: {  	v27 =	vshrl.u32 v27, $0x3  }
0x236: {  	v27 =	vshll.u32 v27, v9  }
0x237: {  	v27 =	vbroadcast v27, $0x0  }
0x238: {  	[tilespmem:v26+s31+$0x0] =	vst.idx.msk $0xffff, v25  }
0x239: {  	v26 =	vadd.s32 v13, v27;
	v25 =	vld [tilespmem:s18+$0xFFFFFFC0];
	_ =	sdelay $0x4  }
0x23a: {  	[tilespmem:v26+s31+$0x0] =	vst.idx.msk $0xffff, v25  }
0x23b: {  	s15 =	sadd.s32 $0x3, s4;
	v26 =	vadd.s32 v14, v27;
	v25 =	vld [tilespmem:s18+$0xFFFFFFD0]  }
0x23c: {  	v27 =	vmov s15  }
0x23d: {  	v27 =	vshrl.u32 v27, $0x3  }
0x23e: {  	v27 =	vshll.u32 v27, v9  }
0x23f: {  	v27 =	vbroadcast v27, $0x0  }
0x240: {  	[tilespmem:v26+s31+$0x0] =	vst.idx.msk $0xffff, v25  }
0x241: {  	v26 =	vadd.s32 v15, v27;
	v25 =	vld [tilespmem:s18+$0xFFFFFFE0];
	_ =	sdelay $0x4  }
0x242: {  	[tilespmem:v26+s31+$0x0] =	vst.idx.msk $0xffff, v25  }
0x243: {  	s15 =	sadd.s32 $0x4, s4;
	v26 =	vadd.s32 v16, v27;
	v25 =	vld [tilespmem:s18+$0xFFFFFFF0]  }
0x244: {  	v27 =	vmov s15  }
0x245: {  	v27 =	vshrl.u32 v27, $0x3  }
0x246: {  	v27 =	vshll.u32 v27, v9  }
0x247: {  	v27 =	vbroadcast v27, $0x0  }
0x248: {  	[tilespmem:v26+s31+$0x0] =	vst.idx.msk $0xffff, v25  }
0x249: {  	v26 =	vadd.s32 v17, v27;
	v25 =	vld [tilespmem:s18+$0x0];
	_ =	sdelay $0x4  }
0x24a: {  	[tilespmem:v26+s31+$0x0] =	vst.idx.msk $0xffff, v25  }
0x24b: {  	s15 =	sadd.s32 $0x5, s4;
	v26 =	vadd.s32 v18, v27;
	v25 =	vld [tilespmem:s18+$0x10]  }
0x24c: {  	v27 =	vmov s15  }
0x24d: {  	v27 =	vshrl.u32 v27, $0x3  }
0x24e: {  	v27 =	vshll.u32 v27, v9  }
0x24f: {  	v27 =	vbroadcast v27, $0x0  }
0x250: {  	[tilespmem:v26+s31+$0x0] =	vst.idx.msk $0xffff, v25  }
0x251: {  	v26 =	vadd.s32 v19, v27;
	v25 =	vld [tilespmem:s18+$0x20];
	_ =	sdelay $0x4  }
0x252: {  	[tilespmem:v26+s31+$0x0] =	vst.idx.msk $0xffff, v25  }
0x253: {  	s15 =	sadd.s32 $0x6, s4;
	v26 =	vadd.s32 v20, v27;
	v25 =	vld [tilespmem:s18+$0x30]  }
0x254: {  	v27 =	vmov s15  }
0x255: {  	v27 =	vshrl.u32 v27, $0x3  }
0x256: {  	v27 =	vshll.u32 v27, v9  }
0x257: {  	v27 =	vbroadcast v27, $0x0  }
0x258: {  	[tilespmem:v26+s31+$0x0] =	vst.idx.msk $0xffff, v25  }
0x259: {  	v26 =	vadd.s32 v21, v27;
	v25 =	vld [tilespmem:s18+$0x40];
	_ =	sdelay $0x4  }
0x25a: {  	[tilespmem:v26+s31+$0x0] =	vst.idx.msk $0xffff, v25  }
0x25b: {  	s15 =	sadd.s32 $0x7, s4;
	s4 =	smov.u32 s13;
	v26 =	vadd.s32 v22, v27;
	v25 =	vld [tilespmem:s18+$0x50]  }
0x25c: {  	v27 =	vmov s15  }
0x25d: {  	v27 =	vshrl.u32 v27, $0x3  }
0x25e: {  	v27 =	vshll.u32 v27, v9  }
0x25f: {  	v27 =	vbroadcast v27, $0x0  }
0x260: {  	[tilespmem:v26+s31+$0x0] =	vst.idx.msk $0xffff, v25  }
0x261: {  	v26 =	vadd.s32 v23, v27;
	v25 =	vld [tilespmem:s18+$0x60];
	_ =	sdelay $0x2  }
.Ltmp9:
0x262: {  	(pc) =	sbr.rel @p2 .LBB2_12-.Ltmp9, $4  }
0x263: {  	_ = 	snop  }
0x264: {  	[tilespmem:v26+s31+$0x0] =	vst.idx.msk $0xffff, v25  }
0x265: {  	v26 =	vadd.s32 v24, v27;
	v25 =	vld [tilespmem:s18+$0x70]  }
0x266: {  	s13 =	sadd.s32 $0x8, s13;
	v27 =	vmov s4  }
0x267: {  	_ = 	snop  }
0x268: {  	v27 =	vshrl.u32 v27, $0x3  }
0x269: {  	v27 =	vshll.u32 v27, v9  }
0x26a: {  	v27 =	vbroadcast v27, $0x0  }
0x26b: {  	s13 =	sadd.s32 $0x100, s18;
	[tilespmem:v26+s31+$0x0] =	vst.idx.msk $0xffff, v25  }
0x26c: {  	v25 =	vld [tilespmem:s13+$0xFFFFFF80];
	v26 =	vadd.s32 v6, v27;
	_ =	sdelay $0x4  }
0x26d: {  	[tilespmem:v26+s31+$0x0] =	vst.idx.msk $0xffff, v25  }
0x26e: {  	s15 =	sadd.s32 $0x1, s4;
	v26 =	vadd.s32 v10, v27;
	v25 =	vld [tilespmem:s13+$0xFFFFFF90]  }
0x26f: {  	v27 =	vmov s15  }
0x270: {  	v27 =	vshrl.u32 v27, $0x3  }
0x271: {  	v27 =	vshll.u32 v27, v9  }
0x272: {  	v27 =	vbroadcast v27, $0x0  }
0x273: {  	[tilespmem:v26+s31+$0x0] =	vst.idx.msk $0xffff, v25  }
0x274: {  	v26 =	vadd.s32 v11, v27;
	v25 =	vld [tilespmem:s13+$0xFFFFFFA0];
	_ =	sdelay $0x4  }
0x275: {  	[tilespmem:v26+s31+$0x0] =	vst.idx.msk $0xffff, v25  }
0x276: {  	s18 =	sadd.s32 $0x2, s4;
	v26 =	vadd.s32 v12, v27;
	v25 =	vld [tilespmem:s13+$0xFFFFFFB0]  }
0x277: {  	v27 =	vmov s18  }
0x278: {  	v27 =	vshrl.u32 v27, $0x3  }
0x279: {  	v27 =	vshll.u32 v27, v9  }
0x27a: {  	v27 =	vbroadcast v27, $0x0  }
0x27b: {  	[tilespmem:v26+s31+$0x0] =	vst.idx.msk $0xffff, v25  }
0x27c: {  	v26 =	vadd.s32 v13, v27;
	v25 =	vld [tilespmem:s13+$0xFFFFFFC0];
	_ =	sdelay $0x4  }
0x27d: {  	[tilespmem:v26+s31+$0x0] =	vst.idx.msk $0xffff, v25  }
0x27e: {  	s18 =	sadd.s32 $0x3, s4;
	v26 =	vadd.s32 v14, v27;
	v25 =	vld [tilespmem:s13+$0xFFFFFFD0]  }
0x27f: {  	v27 =	vmov s18  }
0x280: {  	v27 =	vshrl.u32 v27, $0x3  }
0x281: {  	v27 =	vshll.u32 v27, v9  }
0x282: {  	v27 =	vbroadcast v27, $0x0  }
0x283: {  	[tilespmem:v26+s31+$0x0] =	vst.idx.msk $0xffff, v25  }
0x284: {  	v26 =	vadd.s32 v15, v27;
	v25 =	vld [tilespmem:s13+$0xFFFFFFE0];
	_ =	sdelay $0x4  }
0x285: {  	[tilespmem:v26+s31+$0x0] =	vst.idx.msk $0xffff, v25  }
0x286: {  	s18 =	sadd.s32 $0x4, s4;
	v26 =	vadd.s32 v16, v27;
	v25 =	vld [tilespmem:s13+$0xFFFFFFF0]  }
0x287: {  	v27 =	vmov s18  }
0x288: {  	v27 =	vshrl.u32 v27, $0x3  }
0x289: {  	v27 =	vshll.u32 v27, v9  }
0x28a: {  	v27 =	vbroadcast v27, $0x0  }
0x28b: {  	[tilespmem:v26+s31+$0x0] =	vst.idx.msk $0xffff, v25  }
0x28c: {  	v26 =	vadd.s32 v17, v27;
	v25 =	vld [tilespmem:s13+$0x0];
	_ =	sdelay $0x4  }
0x28d: {  	[tilespmem:v26+s31+$0x0] =	vst.idx.msk $0xffff, v25  }
0x28e: {  	s18 =	sadd.s32 $0x5, s4;
	v26 =	vadd.s32 v18, v27;
	v25 =	vld [tilespmem:s13+$0x10]  }
0x28f: {  	v27 =	vmov s18  }
0x290: {  	v27 =	vshrl.u32 v27, $0x3  }
0x291: {  	v27 =	vshll.u32 v27, v9  }
0x292: {  	v27 =	vbroadcast v27, $0x0  }
0x293: {  	[tilespmem:v26+s31+$0x0] =	vst.idx.msk $0xffff, v25  }
0x294: {  	v26 =	vadd.s32 v19, v27;
	v25 =	vld [tilespmem:s13+$0x20];
	_ =	sdelay $0x4  }
0x295: {  	[tilespmem:v26+s31+$0x0] =	vst.idx.msk $0xffff, v25  }
0x296: {  	s18 =	sadd.s32 $0x6, s4;
	v26 =	vadd.s32 v20, v27;
	v25 =	vld [tilespmem:s13+$0x30]  }
0x297: {  	v27 =	vmov s18  }
0x298: {  	v27 =	vshrl.u32 v27, $0x3  }
0x299: {  	v27 =	vshll.u32 v27, v9  }
0x29a: {  	v27 =	vbroadcast v27, $0x0  }
0x29b: {  	[tilespmem:v26+s31+$0x0] =	vst.idx.msk $0xffff, v25  }
0x29c: {  	v26 =	vadd.s32 v21, v27;
	v25 =	vld [tilespmem:s13+$0x40];
	_ =	sdelay $0x4  }
0x29d: {  	[tilespmem:v26+s31+$0x0] =	vst.idx.msk $0xffff, v25  }
0x29e: {  	s18 =	sadd.s32 $0x7, s4;
	v26 =	vadd.s32 v22, v27;
	v25 =	vld [tilespmem:s13+$0x50]  }
0x29f: {  	v27 =	vmov s18  }
0x2a0: {  	v27 =	vshrl.u32 v27, $0x3  }
0x2a1: {  	v27 =	vshll.u32 v27, v9  }
0x2a2: {  	v27 =	vbroadcast v27, $0x0  }
0x2a3: {  	[tilespmem:v26+s31+$0x0] =	vst.idx.msk $0xffff, v25  }
0x2a4: {  	v26 =	vadd.s32 v23, v27;
	v25 =	vld [tilespmem:s13+$0x60];
	_ =	sdelay $0x4  }
0x2a5: {  	[tilespmem:v26+s31+$0x0] =	vst.idx.msk $0xffff, v25  }
0x2a6: {  	v26 =	vadd.s32 v24, v27;
	v25 =	vld [tilespmem:s13+$0x70];
	_ =	sdelay $0x2  }
0x2a7: {  	s15 =	sadd.s32 s22, s0  }
0x2a8: {  	s4 =	sshrl.u32 s15, $0x3  }
0x2a9: {  	s13 =	sadd.s32 s1, s4;
	[tilespmem:v26+s31+$0x0] =	vst.idx.msk $0xffff, v25  }
0x2aa: {  	[hbm4b:s13+s2] =	stream.linear.scatter [tilespmem:s31], [sflag:$0x7], $0x80, $0x38;
	[tilespmem:$0xDF00] =	vst v63  }
0x2ab: {  	s18 =	simm.s32 $0x9790;
	s15 =	sadd.s32 $0x10, s13  }
0x2ac: {  	[hbm4b:s15+s2] =	stream.linear.scatter [tilespmem:s18], [sflag:$0x7], $0x80, $0x38;
	[tilespmem:$0xDF00] =	vst v63  }
0x2ad: {  	s15 =	sadd.s32 $0x20, s13;
	s18 =	simm.s32 $0x9820  }
0x2ae: {  	[hbm4b:s15+s2] =	stream.linear.scatter [tilespmem:s18], [sflag:$0x7], $0x80, $0x38;
	[tilespmem:$0xDF00] =	vst v63  }
0x2af: {  	s15 =	sadd.s32 $0x30, s13;
	s18 =	simm.s32 $0x98B0  }
0x2b0: {  	[hbm4b:s15+s2] =	stream.linear.scatter [tilespmem:s18], [sflag:$0x7], $0x80, $0x38;
	[tilespmem:$0xDF00] =	vst v63  }
0x2b1: {  	s15 =	sadd.s32 $0x40, s13;
	s18 =	simm.s32 $0x9940  }
0x2b2: {  	[hbm4b:s15+s2] =	stream.linear.scatter [tilespmem:s18], [sflag:$0x7], $0x80, $0x38;
	[tilespmem:$0xDF00] =	vst v63  }
0x2b3: {  	s15 =	sadd.s32 $0x50, s13;
	s18 =	simm.s32 $0x99D0  }
0x2b4: {  	[hbm4b:s15+s2] =	stream.linear.scatter [tilespmem:s18], [sflag:$0x7], $0x80, $0x38;
	[tilespmem:$0xDF00] =	vst v63  }
0x2b5: {  	s15 =	sadd.s32 $0x60, s13;
	s18 =	simm.s32 $0x9A60  }
0x2b6: {  	[hbm4b:s15+s2] =	stream.linear.scatter [tilespmem:s18], [sflag:$0x7], $0x80, $0x38;
	[tilespmem:$0xDF00] =	vst v63  }
0x2b7: {  	s13 =	sadd.s32 $0x70, s13;
	s18 =	simm.s32 $0x9AF0;
	s15 =	sor.u32 $0x4000, s4  }
0x2b8: {  	[hbm4b:s13+s2] =	stream.linear.scatter [tilespmem:s18], [sflag:$0x7], $0x80, $0x38;
	[tilespmem:$0xDF00] =	vst v63  }
0x2b9: {  	s13 =	sadd.s32 s1, s15;
	s18 =	simm.s32 $0x9B80  }
0x2ba: {  	[hbm4b:s13+s2] =	stream.linear.scatter [tilespmem:s18], [sflag:$0x7], $0x80, $0x38;
	[tilespmem:$0xDF00] =	vst v63  }
0x2bb: {  	s15 =	sadd.s32 $0x10, s13;
	s18 =	simm.s32 $0x9C10  }
0x2bc: {  	[hbm4b:s15+s2] =	stream.linear.scatter [tilespmem:s18], [sflag:$0x7], $0x80, $0x38;
	[tilespmem:$0xDF00] =	vst v63  }
0x2bd: {  	s15 =	sadd.s32 $0x20, s13;
	s18 =	simm.s32 $0x9CA0  }
0x2be: {  	[hbm4b:s15+s2] =	stream.linear.scatter [tilespmem:s18], [sflag:$0x7], $0x80, $0x38;
	[tilespmem:$0xDF00] =	vst v63  }
0x2bf: {  	s15 =	sadd.s32 $0x30, s13;
	s18 =	simm.s32 $0x9D30  }
0x2c0: {  	[hbm4b:s15+s2] =	stream.linear.scatter [tilespmem:s18], [sflag:$0x7], $0x80, $0x38;
	[tilespmem:$0xDF00] =	vst v63  }
0x2c1: {  	s15 =	sadd.s32 $0x40, s13;
	s18 =	simm.s32 $0x9DC0  }
0x2c2: {  	[hbm4b:s15+s2] =	stream.linear.scatter [tilespmem:s18], [sflag:$0x7], $0x80, $0x38;
	[tilespmem:$0xDF00] =	vst v63  }
0x2c3: {  	s15 =	sadd.s32 $0x50, s13;
	s18 =	simm.s32 $0x9E50  }
0x2c4: {  	[hbm4b:s15+s2] =	stream.linear.scatter [tilespmem:s18], [sflag:$0x7], $0x80, $0x38;
	[tilespmem:$0xDF00] =	vst v63  }
0x2c5: {  	s15 =	sadd.s32 $0x60, s13;
	s18 =	simm.s32 $0x9EE0  }
0x2c6: {  	[hbm4b:s15+s2] =	stream.linear.scatter [tilespmem:s18], [sflag:$0x7], $0x80, $0x38;
	[tilespmem:$0xDF00] =	vst v63  }
0x2c7: {  	s13 =	sadd.s32 $0x70, s13;
	s18 =	simm.s32 $0x9F70;
	s15 =	sor.u32 $0x8000, s4  }
0x2c8: {  	[hbm4b:s13+s2] =	stream.linear.scatter [tilespmem:s18], [sflag:$0x7], $0x80, $0x38;
	[tilespmem:$0xDF00] =	vst v63  }
0x2c9: {  	s13 =	sadd.s32 s1, s15;
	s18 =	simm.s32 $0xA000  }
0x2ca: {  	[hbm4b:s13+s2] =	stream.linear.scatter [tilespmem:s18], [sflag:$0x7], $0x80, $0x38;
	[tilespmem:$0xDF00] =	vst v63  }
0x2cb: {  	s15 =	sadd.s32 $0x10, s13;
	s18 =	simm.s32 $0xA090  }
0x2cc: {  	[hbm4b:s15+s2] =	stream.linear.scatter [tilespmem:s18], [sflag:$0x7], $0x80, $0x38;
	[tilespmem:$0xDF00] =	vst v63  }
0x2cd: {  	s15 =	sadd.s32 $0x20, s13;
	s18 =	simm.s32 $0xA120  }
0x2ce: {  	[hbm4b:s15+s2] =	stream.linear.scatter [tilespmem:s18], [sflag:$0x7], $0x80, $0x38;
	[tilespmem:$0xDF00] =	vst v63  }
0x2cf: {  	s15 =	sadd.s32 $0x30, s13;
	s18 =	simm.s32 $0xA1B0  }
0x2d0: {  	[hbm4b:s15+s2] =	stream.linear.scatter [tilespmem:s18], [sflag:$0x7], $0x80, $0x38;
	[tilespmem:$0xDF00] =	vst v63  }
0x2d1: {  	s15 =	sadd.s32 $0x40, s13;
	s18 =	simm.s32 $0xA240  }
0x2d2: {  	[hbm4b:s15+s2] =	stream.linear.scatter [tilespmem:s18], [sflag:$0x7], $0x80, $0x38;
	[tilespmem:$0xDF00] =	vst v63  }
0x2d3: {  	s15 =	sadd.s32 $0x50, s13;
	s18 =	simm.s32 $0xA2D0  }
0x2d4: {  	[hbm4b:s15+s2] =	stream.linear.scatter [tilespmem:s18], [sflag:$0x7], $0x80, $0x38;
	[tilespmem:$0xDF00] =	vst v63  }
0x2d5: {  	s15 =	sadd.s32 $0x60, s13;
	s18 =	simm.s32 $0xA360  }
0x2d6: {  	[hbm4b:s15+s2] =	stream.linear.scatter [tilespmem:s18], [sflag:$0x7], $0x80, $0x38;
	[tilespmem:$0xDF00] =	vst v63  }
0x2d7: {  	s4 =	sor.u32 $0xC000, s4;
	s13 =	sadd.s32 $0x70, s13;
	s18 =	simm.s32 $0xA3F0  }
0x2d8: {  	[hbm4b:s13+s2] =	stream.linear.scatter [tilespmem:s18], [sflag:$0x7], $0x80, $0x38;
	[tilespmem:$0xDF00] =	vst v63  }
0x2d9: {  	s4 =	sadd.s32 s1, s4;
	s18 =	simm.s32 $0xA480  }
0x2da: {  	[hbm4b:s4+s2] =	stream.linear.scatter [tilespmem:s18], [sflag:$0x7], $0x80, $0x38;
	[tilespmem:$0xDF00] =	vst v63  }
0x2db: {  	s15 =	sadd.s32 $0x10, s4;
	s18 =	simm.s32 $0xA510  }
0x2dc: {  	[hbm4b:s15+s2] =	stream.linear.scatter [tilespmem:s18], [sflag:$0x7], $0x80, $0x38;
	[tilespmem:$0xDF00] =	vst v63  }
0x2dd: {  	s15 =	sadd.s32 $0x20, s4;
	s18 =	simm.s32 $0xA5A0  }
0x2de: {  	[hbm4b:s15+s2] =	stream.linear.scatter [tilespmem:s18], [sflag:$0x7], $0x80, $0x38;
	[tilespmem:$0xDF00] =	vst v63  }
0x2df: {  	s15 =	sadd.s32 $0x30, s4;
	s18 =	simm.s32 $0xA630  }
0x2e0: {  	[hbm4b:s15+s2] =	stream.linear.scatter [tilespmem:s18], [sflag:$0x7], $0x80, $0x38;
	[tilespmem:$0xDF00] =	vst v63  }
0x2e1: {  	s15 =	sadd.s32 $0x40, s4;
	s18 =	simm.s32 $0xA6C0  }
0x2e2: {  	[hbm4b:s15+s2] =	stream.linear.scatter [tilespmem:s18], [sflag:$0x7], $0x80, $0x38;
	[tilespmem:$0xDF00] =	vst v63  }
0x2e3: {  	s15 =	sadd.s32 $0x50, s4;
	s18 =	simm.s32 $0xA750  }
0x2e4: {  	[hbm4b:s15+s2] =	stream.linear.scatter [tilespmem:s18], [sflag:$0x7], $0x80, $0x38;
	[tilespmem:$0xDF00] =	vst v63  }
.Ltmp10:
0x2e5: {  	_ = 	snop;
	(pc) =	sbr.rel @p1 .LBB2_15-.Ltmp10, $4  }
0x2e6: {  	s15 =	sadd.s32 $0x60, s4;
	s18 =	simm.s32 $0xA7E0  }
0x2e7: {  	[hbm4b:s15+s2] =	stream.linear.scatter [tilespmem:s18], [sflag:$0x7], $0x80, $0x38;
	[tilespmem:$0xDF00] =	vst v63  }
0x2e8: {  	s4 =	sadd.s32 $0x70, s4;
	s18 =	simm.s32 $0xA870  }
0x2e9: {  	[hbm4b:s4+s2] =	stream.linear.scatter [tilespmem:s18], [sflag:$0x7], $0x80, $0x38;
	[tilespmem:$0xDF00] =	vst v63  }
.Ltmp11:
0x2ea: {  	(pc) =	sbr.rel .LBB2_16-.Ltmp11, $4  }
0x2eb: {  	_ = 	snop  }
0x2ec: {  	_ =	swait.ge [sflag:s6], $0x1000  }
0x2ed: {  	[sflag:s6] =	ssyncset.done $0x0  }
0x2ee: {  	[sflag:s6] =	ssyncadd.s32 $0xFFFFF000  }
.LBB2_15:
0x2ef: {  	s4 =	smul.u32 $0xA00, s28;
	_ =	sdelay $0x1  }
0x2f0: {  	s4 =	sshra.s32 s4, $0x2  }
.Ltmp12:
0x2f1: {  	s13 =	simm.s32 $0x4500;
	s4 =	sadd.s32 $0x1F00, s4;
	(pc) =	sbr.rel @p0 .LBB2_17-.Ltmp12, $4  }
0x2f2: {  	[tilespmem:s13], [sflag:$0x2] =	stream.indirect.gather [hbm4b:s5+s9], $0x20, s4, s9, $0xb8;
	[tilespmem:$0xDF00] =	vst v63  }
0x2f3: {  	_ =	swait.ge [sflag:s6], $0x1000  }
0x2f4: {  	[sflag:s6] =	ssyncset.done $0x0  }
0x2f5: {  	[sflag:s6] =	ssyncadd.s32 $0xFFFFF000  }
.LBB2_16:
0x2f6: {  	_ =	swait.ge [sflag:s8], $0x400  }
0x2f7: {  	[sflag:s8] =	ssyncset.done $0x0  }
0x2f8: {  	[sflag:s8] =	ssyncadd.s32 $0xFFFFFC00  }
0x2f9: {  	_ =	swait.ge [sflag:s8], $0x400  }
0x2fa: {  	[sflag:s8] =	ssyncset.done $0x0  }
0x2fb: {  	[sflag:s8] =	ssyncadd.s32 $0xFFFFFC00  }
0x2fc: {  	_ =	swait.ge [sflag:s8], $0x400  }
0x2fd: {  	[sflag:s8] =	ssyncset.done $0x0  }
0x2fe: {  	[sflag:s8] =	ssyncadd.s32 $0xFFFFFC00  }
0x2ff: {  	_ =	swait.ge [sflag:s8], $0x400  }
0x300: {  	[sflag:s8] =	ssyncset.done $0x0  }
0x301: {  	[sflag:s8] =	ssyncadd.s32 $0xFFFFFC00  }
.LBB2_17:
0x302: {  	s4 =	simm.s32 $0x0  }
0x303: {  	v25 =	vmov s4  }
0x304: {  	v25 =	vshrl.u32 v25, $0x3  }
0x305: {  	v25 =	vshll.u32 v25, v9  }
0x306: {  	v25 =	vbroadcast v25, $0x0  }
0x307: {  	s18 =	simm.s32 $0x5580  }
0x308: {  	v26 =	vld [tilespmem:s18+$0xFFFFFF80];
	v27 =	vadd.s32 v6, v25;
	_ =	sdelay $0x4  }
0x309: {  	[tilespmem:v27+s11+$0x0] =	vst.idx.msk $0xffff, v26  }
0x30a: {  	s15 =	simm.s32 $0x1;
	v25 =	vadd.s32 v10, v25;
	v26 =	vld [tilespmem:s18+$0xFFFFFF90]  }
0x30b: {  	v27 =	vmov s15  }
0x30c: {  	v27 =	vshrl.u32 v27, $0x3  }
0x30d: {  	v27 =	vshll.u32 v27, v9  }
0x30e: {  	v27 =	vbroadcast v27, $0x0  }
0x30f: {  	[tilespmem:v25+s11+$0x0] =	vst.idx.msk $0xffff, v26  }
0x310: {  	v26 =	vadd.s32 v11, v27;
	v25 =	vld [tilespmem:s18+$0xFFFFFFA0];
	_ =	sdelay $0x4  }
0x311: {  	[tilespmem:v26+s11+$0x0] =	vst.idx.msk $0xffff, v25  }
0x312: {  	s13 =	simm.s32 $0x2;
	v26 =	vadd.s32 v12, v27;
	v25 =	vld [tilespmem:s18+$0xFFFFFFB0]  }
0x313: {  	v27 =	vmov s13  }
0x314: {  	v27 =	vshrl.u32 v27, $0x3  }
0x315: {  	v27 =	vshll.u32 v27, v9  }
0x316: {  	v27 =	vbroadcast v27, $0x0  }
0x317: {  	[tilespmem:v26+s11+$0x0] =	vst.idx.msk $0xffff, v25  }
0x318: {  	v26 =	vadd.s32 v13, v27;
	v25 =	vld [tilespmem:s18+$0xFFFFFFC0];
	_ =	sdelay $0x4  }
0x319: {  	[tilespmem:v26+s11+$0x0] =	vst.idx.msk $0xffff, v25  }
0x31a: {  	s15 =	simm.s32 $0x3;
	v26 =	vadd.s32 v14, v27;
	v25 =	vld [tilespmem:s18+$0xFFFFFFD0]  }
0x31b: {  	v27 =	vmov s15  }
0x31c: {  	v27 =	vshrl.u32 v27, $0x3  }
0x31d: {  	v27 =	vshll.u32 v27, v9  }
0x31e: {  	v27 =	vbroadcast v27, $0x0  }
0x31f: {  	[tilespmem:v26+s11+$0x0] =	vst.idx.msk $0xffff, v25  }
0x320: {  	v26 =	vadd.s32 v15, v27;
	v25 =	vld [tilespmem:s18+$0xFFFFFFE0];
	_ =	sdelay $0x4  }
0x321: {  	[tilespmem:v26+s11+$0x0] =	vst.idx.msk $0xffff, v25  }
0x322: {  	s13 =	simm.s32 $0x4;
	v26 =	vadd.s32 v16, v27;
	v25 =	vld [tilespmem:s18+$0xFFFFFFF0]  }
0x323: {  	v27 =	vmov s13  }
0x324: {  	v27 =	vshrl.u32 v27, $0x3  }
0x325: {  	v27 =	vshll.u32 v27, v9  }
0x326: {  	v27 =	vbroadcast v27, $0x0  }
0x327: {  	[tilespmem:v26+s11+$0x0] =	vst.idx.msk $0xffff, v25  }
0x328: {  	v26 =	vadd.s32 v17, v27;
	v25 =	vld [tilespmem:s18+$0x0];
	_ =	sdelay $0x4  }
0x329: {  	[tilespmem:v26+s11+$0x0] =	vst.idx.msk $0xffff, v25  }
0x32a: {  	s15 =	simm.s32 $0x5;
	v26 =	vadd.s32 v18, v27;
	v25 =	vld [tilespmem:s18+$0x10]  }
0x32b: {  	v27 =	vmov s15  }
0x32c: {  	v27 =	vshrl.u32 v27, $0x3  }
0x32d: {  	v27 =	vshll.u32 v27, v9  }
0x32e: {  	v27 =	vbroadcast v27, $0x0  }
0x32f: {  	[tilespmem:v26+s11+$0x0] =	vst.idx.msk $0xffff, v25  }
0x330: {  	v26 =	vadd.s32 v19, v27;
	v25 =	vld [tilespmem:s18+$0x20];
	_ =	sdelay $0x4  }
0x331: {  	[tilespmem:v26+s11+$0x0] =	vst.idx.msk $0xffff, v25  }
0x332: {  	s13 =	simm.s32 $0x6;
	v26 =	vadd.s32 v20, v27;
	v25 =	vld [tilespmem:s18+$0x30]  }
0x333: {  	v27 =	vmov s13  }
0x334: {  	v27 =	vshrl.u32 v27, $0x3  }
0x335: {  	v27 =	vshll.u32 v27, v9  }
0x336: {  	v27 =	vbroadcast v27, $0x0  }
0x337: {  	[tilespmem:v26+s11+$0x0] =	vst.idx.msk $0xffff, v25  }
0x338: {  	v26 =	vadd.s32 v21, v27;
	v25 =	vld [tilespmem:s18+$0x40];
	_ =	sdelay $0x4  }
0x339: {  	[tilespmem:v26+s11+$0x0] =	vst.idx.msk $0xffff, v25  }
0x33a: {  	s15 =	simm.s32 $0x7;
	v26 =	vadd.s32 v22, v27;
	v25 =	vld [tilespmem:s18+$0x50]  }
0x33b: {  	v27 =	vmov s15  }
0x33c: {  	v27 =	vshrl.u32 v27, $0x3  }
0x33d: {  	v27 =	vshll.u32 v27, v9  }
0x33e: {  	v27 =	vbroadcast v27, $0x0  }
0x33f: {  	[tilespmem:v26+s11+$0x0] =	vst.idx.msk $0xffff, v25  }
0x340: {  	v26 =	vadd.s32 v23, v27;
	v25 =	vld [tilespmem:s18+$0x60];
	_ =	sdelay $0x4  }
0x341: {  	[tilespmem:v26+s11+$0x0] =	vst.idx.msk $0xffff, v25  }
0x342: {  	s4 =	simm.s32 $0x8;
	v26 =	vadd.s32 v24, v27;
	v25 =	vld [tilespmem:s18+$0x70]  }
0x343: {  	s13 =	simm.s32 $0x10;
	v27 =	vmov s4  }
.LBB2_18:
0x344: {  	p2 =	slt.u32 s13, $0x78;
	v27 =	vshrl.u32 v27, $0x3  }
0x345: {  	v27 =	vshll.u32 v27, v9  }
0x346: {  	v27 =	vbroadcast v27, $0x0  }
0x347: {  	s18 =	sadd.s32 $0x100, s18;
	[tilespmem:v26+s11+$0x0] =	vst.idx.msk $0xffff, v25  }
0x348: {  	v25 =	vld [tilespmem:s18+$0xFFFFFF80];
	v26 =	vadd.s32 v6, v27;
	_ =	sdelay $0x4  }
0x349: {  	[tilespmem:v26+s11+$0x0] =	vst.idx.msk $0xffff, v25  }
0x34a: {  	s15 =	sadd.s32 $0x1, s4;
	v26 =	vadd.s32 v10, v27;
	v25 =	vld [tilespmem:s18+$0xFFFFFF90]  }
0x34b: {  	v27 =	vmov s15  }
0x34c: {  	v27 =	vshrl.u32 v27, $0x3  }
0x34d: {  	v27 =	vshll.u32 v27, v9  }
0x34e: {  	v27 =	vbroadcast v27, $0x0  }
0x34f: {  	[tilespmem:v26+s11+$0x0] =	vst.idx.msk $0xffff, v25  }
0x350: {  	v26 =	vadd.s32 v11, v27;
	v25 =	vld [tilespmem:s18+$0xFFFFFFA0];
	_ =	sdelay $0x4  }
0x351: {  	[tilespmem:v26+s11+$0x0] =	vst.idx.msk $0xffff, v25  }
0x352: {  	s15 =	sadd.s32 $0x2, s4;
	v26 =	vadd.s32 v12, v27;
	v25 =	vld [tilespmem:s18+$0xFFFFFFB0]  }
0x353: {  	v27 =	vmov s15  }
0x354: {  	v27 =	vshrl.u32 v27, $0x3  }
0x355: {  	v27 =	vshll.u32 v27, v9  }
0x356: {  	v27 =	vbroadcast v27, $0x0  }
0x357: {  	[tilespmem:v26+s11+$0x0] =	vst.idx.msk $0xffff, v25  }
0x358: {  	v26 =	vadd.s32 v13, v27;
	v25 =	vld [tilespmem:s18+$0xFFFFFFC0];
	_ =	sdelay $0x4  }
0x359: {  	[tilespmem:v26+s11+$0x0] =	vst.idx.msk $0xffff, v25  }
0x35a: {  	s15 =	sadd.s32 $0x3, s4;
	v26 =	vadd.s32 v14, v27;
	v25 =	vld [tilespmem:s18+$0xFFFFFFD0]  }
0x35b: {  	v27 =	vmov s15  }
0x35c: {  	v27 =	vshrl.u32 v27, $0x3  }
0x35d: {  	v27 =	vshll.u32 v27, v9  }
0x35e: {  	v27 =	vbroadcast v27, $0x0  }
0x35f: {  	[tilespmem:v26+s11+$0x0] =	vst.idx.msk $0xffff, v25  }
0x360: {  	v26 =	vadd.s32 v15, v27;
	v25 =	vld [tilespmem:s18+$0xFFFFFFE0];
	_ =	sdelay $0x4  }
0x361: {  	[tilespmem:v26+s11+$0x0] =	vst.idx.msk $0xffff, v25  }
0x362: {  	s15 =	sadd.s32 $0x4, s4;
	v26 =	vadd.s32 v16, v27;
	v25 =	vld [tilespmem:s18+$0xFFFFFFF0]  }
0x363: {  	v27 =	vmov s15  }
0x364: {  	v27 =	vshrl.u32 v27, $0x3  }
0x365: {  	v27 =	vshll.u32 v27, v9  }
0x366: {  	v27 =	vbroadcast v27, $0x0  }
0x367: {  	[tilespmem:v26+s11+$0x0] =	vst.idx.msk $0xffff, v25  }
0x368: {  	v26 =	vadd.s32 v17, v27;
	v25 =	vld [tilespmem:s18+$0x0];
	_ =	sdelay $0x4  }
0x369: {  	[tilespmem:v26+s11+$0x0] =	vst.idx.msk $0xffff, v25  }
0x36a: {  	s15 =	sadd.s32 $0x5, s4;
	v26 =	vadd.s32 v18, v27;
	v25 =	vld [tilespmem:s18+$0x10]  }
0x36b: {  	v27 =	vmov s15  }
0x36c: {  	v27 =	vshrl.u32 v27, $0x3  }
0x36d: {  	v27 =	vshll.u32 v27, v9  }
0x36e: {  	v27 =	vbroadcast v27, $0x0  }
0x36f: {  	[tilespmem:v26+s11+$0x0] =	vst.idx.msk $0xffff, v25  }
0x370: {  	v26 =	vadd.s32 v19, v27;
	v25 =	vld [tilespmem:s18+$0x20];
	_ =	sdelay $0x4  }
0x371: {  	[tilespmem:v26+s11+$0x0] =	vst.idx.msk $0xffff, v25  }
0x372: {  	s15 =	sadd.s32 $0x6, s4;
	v26 =	vadd.s32 v20, v27;
	v25 =	vld [tilespmem:s18+$0x30]  }
0x373: {  	v27 =	vmov s15  }
0x374: {  	v27 =	vshrl.u32 v27, $0x3  }
0x375: {  	v27 =	vshll.u32 v27, v9  }
0x376: {  	v27 =	vbroadcast v27, $0x0  }
0x377: {  	[tilespmem:v26+s11+$0x0] =	vst.idx.msk $0xffff, v25  }
0x378: {  	v26 =	vadd.s32 v21, v27;
	v25 =	vld [tilespmem:s18+$0x40];
	_ =	sdelay $0x4  }
0x379: {  	[tilespmem:v26+s11+$0x0] =	vst.idx.msk $0xffff, v25  }
0x37a: {  	s15 =	sadd.s32 $0x7, s4;
	s4 =	smov.u32 s13;
	v26 =	vadd.s32 v22, v27;
	v25 =	vld [tilespmem:s18+$0x50]  }
0x37b: {  	v27 =	vmov s15  }
0x37c: {  	v27 =	vshrl.u32 v27, $0x3  }
0x37d: {  	v27 =	vshll.u32 v27, v9  }
0x37e: {  	v27 =	vbroadcast v27, $0x0  }
0x37f: {  	[tilespmem:v26+s11+$0x0] =	vst.idx.msk $0xffff, v25  }
0x380: {  	v26 =	vadd.s32 v23, v27;
	v25 =	vld [tilespmem:s18+$0x60];
	_ =	sdelay $0x2  }
.Ltmp13:
0x381: {  	(pc) =	sbr.rel @p2 .LBB2_18-.Ltmp13, $4  }
0x382: {  	_ = 	snop  }
0x383: {  	[tilespmem:v26+s11+$0x0] =	vst.idx.msk $0xffff, v25  }
0x384: {  	v26 =	vadd.s32 v24, v27;
	v25 =	vld [tilespmem:s18+$0x70]  }
0x385: {  	s13 =	sadd.s32 $0x8, s13;
	v27 =	vmov s4  }
0x386: {  	_ = 	snop  }
0x387: {  	v27 =	vshrl.u32 v27, $0x3  }
0x388: {  	v27 =	vshll.u32 v27, v9  }
0x389: {  	v27 =	vbroadcast v27, $0x0  }
0x38a: {  	s13 =	sadd.s32 $0x100, s18;
	[tilespmem:v26+s11+$0x0] =	vst.idx.msk $0xffff, v25  }
0x38b: {  	v25 =	vld [tilespmem:s13+$0xFFFFFF80];
	v26 =	vadd.s32 v6, v27;
	_ =	sdelay $0x4  }
0x38c: {  	[tilespmem:v26+s11+$0x0] =	vst.idx.msk $0xffff, v25  }
0x38d: {  	s15 =	sadd.s32 $0x1, s4;
	v26 =	vadd.s32 v10, v27;
	v25 =	vld [tilespmem:s13+$0xFFFFFF90]  }
0x38e: {  	v27 =	vmov s15  }
0x38f: {  	v27 =	vshrl.u32 v27, $0x3  }
0x390: {  	v27 =	vshll.u32 v27, v9  }
0x391: {  	v27 =	vbroadcast v27, $0x0  }
0x392: {  	[tilespmem:v26+s11+$0x0] =	vst.idx.msk $0xffff, v25  }
0x393: {  	v26 =	vadd.s32 v11, v27;
	v25 =	vld [tilespmem:s13+$0xFFFFFFA0];
	_ =	sdelay $0x4  }
0x394: {  	[tilespmem:v26+s11+$0x0] =	vst.idx.msk $0xffff, v25  }
0x395: {  	s18 =	sadd.s32 $0x2, s4;
	v26 =	vadd.s32 v12, v27;
	v25 =	vld [tilespmem:s13+$0xFFFFFFB0]  }
0x396: {  	v27 =	vmov s18  }
0x397: {  	v27 =	vshrl.u32 v27, $0x3  }
0x398: {  	v27 =	vshll.u32 v27, v9  }
0x399: {  	v27 =	vbroadcast v27, $0x0  }
0x39a: {  	[tilespmem:v26+s11+$0x0] =	vst.idx.msk $0xffff, v25  }
0x39b: {  	v26 =	vadd.s32 v13, v27;
	v25 =	vld [tilespmem:s13+$0xFFFFFFC0];
	_ =	sdelay $0x4  }
0x39c: {  	[tilespmem:v26+s11+$0x0] =	vst.idx.msk $0xffff, v25  }
0x39d: {  	s18 =	sadd.s32 $0x3, s4;
	v26 =	vadd.s32 v14, v27;
	v25 =	vld [tilespmem:s13+$0xFFFFFFD0]  }
0x39e: {  	v27 =	vmov s18  }
0x39f: {  	v27 =	vshrl.u32 v27, $0x3  }
0x3a0: {  	v27 =	vshll.u32 v27, v9  }
0x3a1: {  	v27 =	vbroadcast v27, $0x0  }
0x3a2: {  	[tilespmem:v26+s11+$0x0] =	vst.idx.msk $0xffff, v25  }
0x3a3: {  	v26 =	vadd.s32 v15, v27;
	v25 =	vld [tilespmem:s13+$0xFFFFFFE0];
	_ =	sdelay $0x4  }
0x3a4: {  	[tilespmem:v26+s11+$0x0] =	vst.idx.msk $0xffff, v25  }
0x3a5: {  	s18 =	sadd.s32 $0x4, s4;
	v26 =	vadd.s32 v16, v27;
	v25 =	vld [tilespmem:s13+$0xFFFFFFF0]  }
0x3a6: {  	v27 =	vmov s18  }
0x3a7: {  	v27 =	vshrl.u32 v27, $0x3  }
0x3a8: {  	v27 =	vshll.u32 v27, v9  }
0x3a9: {  	v27 =	vbroadcast v27, $0x0  }
0x3aa: {  	[tilespmem:v26+s11+$0x0] =	vst.idx.msk $0xffff, v25  }
0x3ab: {  	v26 =	vadd.s32 v17, v27;
	v25 =	vld [tilespmem:s13+$0x0];
	_ =	sdelay $0x4  }
0x3ac: {  	[tilespmem:v26+s11+$0x0] =	vst.idx.msk $0xffff, v25  }
0x3ad: {  	s18 =	sadd.s32 $0x5, s4;
	v26 =	vadd.s32 v18, v27;
	v25 =	vld [tilespmem:s13+$0x10]  }
0x3ae: {  	v27 =	vmov s18  }
0x3af: {  	v27 =	vshrl.u32 v27, $0x3  }
0x3b0: {  	v27 =	vshll.u32 v27, v9  }
0x3b1: {  	v27 =	vbroadcast v27, $0x0  }
0x3b2: {  	[tilespmem:v26+s11+$0x0] =	vst.idx.msk $0xffff, v25  }
0x3b3: {  	v26 =	vadd.s32 v19, v27;
	v25 =	vld [tilespmem:s13+$0x20];
	_ =	sdelay $0x4  }
0x3b4: {  	[tilespmem:v26+s11+$0x0] =	vst.idx.msk $0xffff, v25  }
0x3b5: {  	s18 =	sadd.s32 $0x6, s4;
	v26 =	vadd.s32 v20, v27;
	v25 =	vld [tilespmem:s13+$0x30]  }
0x3b6: {  	v27 =	vmov s18  }
0x3b7: {  	v27 =	vshrl.u32 v27, $0x3  }
0x3b8: {  	v27 =	vshll.u32 v27, v9  }
0x3b9: {  	v27 =	vbroadcast v27, $0x0  }
0x3ba: {  	[tilespmem:v26+s11+$0x0] =	vst.idx.msk $0xffff, v25  }
0x3bb: {  	v26 =	vadd.s32 v21, v27;
	v25 =	vld [tilespmem:s13+$0x40];
	_ =	sdelay $0x4  }
0x3bc: {  	[tilespmem:v26+s11+$0x0] =	vst.idx.msk $0xffff, v25  }
0x3bd: {  	s18 =	sadd.s32 $0x7, s4;
	v26 =	vadd.s32 v22, v27;
	v25 =	vld [tilespmem:s13+$0x50]  }
0x3be: {  	v27 =	vmov s18  }
0x3bf: {  	v27 =	vshrl.u32 v27, $0x3  }
0x3c0: {  	v27 =	vshll.u32 v27, v9  }
0x3c1: {  	v27 =	vbroadcast v27, $0x0  }
0x3c2: {  	[tilespmem:v26+s11+$0x0] =	vst.idx.msk $0xffff, v25  }
0x3c3: {  	v26 =	vadd.s32 v23, v27;
	v25 =	vld [tilespmem:s13+$0x60];
	_ =	sdelay $0x4  }
0x3c4: {  	[tilespmem:v26+s11+$0x0] =	vst.idx.msk $0xffff, v25  }
0x3c5: {  	v26 =	vadd.s32 v24, v27;
	v25 =	vld [tilespmem:s13+$0x70];
	_ =	sdelay $0x2  }
0x3c6: {  	s15 =	sadd.s32 s23, s0  }
0x3c7: {  	s4 =	sshrl.u32 s15, $0x3  }
0x3c8: {  	s13 =	sadd.s32 s1, s4;
	[tilespmem:v26+s11+$0x0] =	vst.idx.msk $0xffff, v25  }
0x3c9: {  	[hbm4b:s13+s2] =	stream.linear.scatter [tilespmem:s11], [sflag:$0x8], $0x80, $0x38;
	[tilespmem:$0xDF00] =	vst v63  }
0x3ca: {  	s18 =	simm.s32 $0xA990;
	s15 =	sadd.s32 $0x10, s13  }
0x3cb: {  	[hbm4b:s15+s2] =	stream.linear.scatter [tilespmem:s18], [sflag:$0x8], $0x80, $0x38;
	[tilespmem:$0xDF00] =	vst v63  }
0x3cc: {  	s15 =	sadd.s32 $0x20, s13;
	s18 =	simm.s32 $0xAA20  }
0x3cd: {  	[hbm4b:s15+s2] =	stream.linear.scatter [tilespmem:s18], [sflag:$0x8], $0x80, $0x38;
	[tilespmem:$0xDF00] =	vst v63  }
0x3ce: {  	s15 =	sadd.s32 $0x30, s13;
	s18 =	simm.s32 $0xAAB0  }
0x3cf: {  	[hbm4b:s15+s2] =	stream.linear.scatter [tilespmem:s18], [sflag:$0x8], $0x80, $0x38;
	[tilespmem:$0xDF00] =	vst v63  }
0x3d0: {  	s15 =	sadd.s32 $0x40, s13;
	s18 =	simm.s32 $0xAB40  }
0x3d1: {  	[hbm4b:s15+s2] =	stream.linear.scatter [tilespmem:s18], [sflag:$0x8], $0x80, $0x38;
	[tilespmem:$0xDF00] =	vst v63  }
0x3d2: {  	s15 =	sadd.s32 $0x50, s13;
	s18 =	simm.s32 $0xABD0  }
0x3d3: {  	[hbm4b:s15+s2] =	stream.linear.scatter [tilespmem:s18], [sflag:$0x8], $0x80, $0x38;
	[tilespmem:$0xDF00] =	vst v63  }
0x3d4: {  	s15 =	sadd.s32 $0x60, s13;
	s18 =	simm.s32 $0xAC60  }
0x3d5: {  	[hbm4b:s15+s2] =	stream.linear.scatter [tilespmem:s18], [sflag:$0x8], $0x80, $0x38;
	[tilespmem:$0xDF00] =	vst v63  }
0x3d6: {  	s13 =	sadd.s32 $0x70, s13;
	s18 =	simm.s32 $0xACF0;
	s15 =	sor.u32 $0x4000, s4  }
0x3d7: {  	[hbm4b:s13+s2] =	stream.linear.scatter [tilespmem:s18], [sflag:$0x8], $0x80, $0x38;
	[tilespmem:$0xDF00] =	vst v63  }
0x3d8: {  	s13 =	sadd.s32 s1, s15;
	s18 =	simm.s32 $0xAD80  }
0x3d9: {  	[hbm4b:s13+s2] =	stream.linear.scatter [tilespmem:s18], [sflag:$0x8], $0x80, $0x38;
	[tilespmem:$0xDF00] =	vst v63  }
0x3da: {  	s15 =	sadd.s32 $0x10, s13;
	s18 =	simm.s32 $0xAE10  }
0x3db: {  	[hbm4b:s15+s2] =	stream.linear.scatter [tilespmem:s18], [sflag:$0x8], $0x80, $0x38;
	[tilespmem:$0xDF00] =	vst v63  }
0x3dc: {  	s15 =	sadd.s32 $0x20, s13;
	s18 =	simm.s32 $0xAEA0  }
0x3dd: {  	[hbm4b:s15+s2] =	stream.linear.scatter [tilespmem:s18], [sflag:$0x8], $0x80, $0x38;
	[tilespmem:$0xDF00] =	vst v63  }
0x3de: {  	s15 =	sadd.s32 $0x30, s13;
	s18 =	simm.s32 $0xAF30  }
0x3df: {  	[hbm4b:s15+s2] =	stream.linear.scatter [tilespmem:s18], [sflag:$0x8], $0x80, $0x38;
	[tilespmem:$0xDF00] =	vst v63  }
0x3e0: {  	s15 =	sadd.s32 $0x40, s13;
	s18 =	simm.s32 $0xAFC0  }
0x3e1: {  	[hbm4b:s15+s2] =	stream.linear.scatter [tilespmem:s18], [sflag:$0x8], $0x80, $0x38;
	[tilespmem:$0xDF00] =	vst v63  }
0x3e2: {  	s15 =	sadd.s32 $0x50, s13;
	s18 =	simm.s32 $0xB050  }
0x3e3: {  	[hbm4b:s15+s2] =	stream.linear.scatter [tilespmem:s18], [sflag:$0x8], $0x80, $0x38;
	[tilespmem:$0xDF00] =	vst v63  }
0x3e4: {  	s15 =	sadd.s32 $0x60, s13;
	s18 =	simm.s32 $0xB0E0  }
0x3e5: {  	[hbm4b:s15+s2] =	stream.linear.scatter [tilespmem:s18], [sflag:$0x8], $0x80, $0x38;
	[tilespmem:$0xDF00] =	vst v63  }
0x3e6: {  	s13 =	sadd.s32 $0x70, s13;
	s18 =	simm.s32 $0xB170;
	s15 =	sor.u32 $0x8000, s4  }
0x3e7: {  	[hbm4b:s13+s2] =	stream.linear.scatter [tilespmem:s18], [sflag:$0x8], $0x80, $0x38;
	[tilespmem:$0xDF00] =	vst v63  }
0x3e8: {  	s13 =	sadd.s32 s1, s15;
	s18 =	simm.s32 $0xB200  }
0x3e9: {  	[hbm4b:s13+s2] =	stream.linear.scatter [tilespmem:s18], [sflag:$0x8], $0x80, $0x38;
	[tilespmem:$0xDF00] =	vst v63  }
0x3ea: {  	s15 =	sadd.s32 $0x10, s13;
	s18 =	simm.s32 $0xB290  }
0x3eb: {  	[hbm4b:s15+s2] =	stream.linear.scatter [tilespmem:s18], [sflag:$0x8], $0x80, $0x38;
	[tilespmem:$0xDF00] =	vst v63  }
0x3ec: {  	s15 =	sadd.s32 $0x20, s13;
	s18 =	simm.s32 $0xB320  }
0x3ed: {  	[hbm4b:s15+s2] =	stream.linear.scatter [tilespmem:s18], [sflag:$0x8], $0x80, $0x38;
	[tilespmem:$0xDF00] =	vst v63  }
0x3ee: {  	s15 =	sadd.s32 $0x30, s13;
	s18 =	simm.s32 $0xB3B0  }
0x3ef: {  	[hbm4b:s15+s2] =	stream.linear.scatter [tilespmem:s18], [sflag:$0x8], $0x80, $0x38;
	[tilespmem:$0xDF00] =	vst v63  }
0x3f0: {  	s15 =	sadd.s32 $0x40, s13;
	s18 =	simm.s32 $0xB440  }
0x3f1: {  	[hbm4b:s15+s2] =	stream.linear.scatter [tilespmem:s18], [sflag:$0x8], $0x80, $0x38;
	[tilespmem:$0xDF00] =	vst v63  }
0x3f2: {  	s15 =	sadd.s32 $0x50, s13;
	s18 =	simm.s32 $0xB4D0  }
0x3f3: {  	[hbm4b:s15+s2] =	stream.linear.scatter [tilespmem:s18], [sflag:$0x8], $0x80, $0x38;
	[tilespmem:$0xDF00] =	vst v63  }
0x3f4: {  	s15 =	sadd.s32 $0x60, s13;
	s18 =	simm.s32 $0xB560  }
0x3f5: {  	[hbm4b:s15+s2] =	stream.linear.scatter [tilespmem:s18], [sflag:$0x8], $0x80, $0x38;
	[tilespmem:$0xDF00] =	vst v63  }
0x3f6: {  	s4 =	sor.u32 $0xC000, s4;
	s13 =	sadd.s32 $0x70, s13;
	s18 =	simm.s32 $0xB5F0  }
0x3f7: {  	[hbm4b:s13+s2] =	stream.linear.scatter [tilespmem:s18], [sflag:$0x8], $0x80, $0x38;
	[tilespmem:$0xDF00] =	vst v63  }
0x3f8: {  	s4 =	sadd.s32 s1, s4;
	s18 =	simm.s32 $0xB680  }
0x3f9: {  	[hbm4b:s4+s2] =	stream.linear.scatter [tilespmem:s18], [sflag:$0x8], $0x80, $0x38;
	[tilespmem:$0xDF00] =	vst v63  }
0x3fa: {  	s15 =	sadd.s32 $0x10, s4;
	s18 =	simm.s32 $0xB710  }
0x3fb: {  	[hbm4b:s15+s2] =	stream.linear.scatter [tilespmem:s18], [sflag:$0x8], $0x80, $0x38;
	[tilespmem:$0xDF00] =	vst v63  }
0x3fc: {  	s15 =	sadd.s32 $0x20, s4;
	s18 =	simm.s32 $0xB7A0  }
0x3fd: {  	[hbm4b:s15+s2] =	stream.linear.scatter [tilespmem:s18], [sflag:$0x8], $0x80, $0x38;
	[tilespmem:$0xDF00] =	vst v63  }
0x3fe: {  	s15 =	sadd.s32 $0x30, s4;
	s18 =	simm.s32 $0xB830  }
0x3ff: {  	[hbm4b:s15+s2] =	stream.linear.scatter [tilespmem:s18], [sflag:$0x8], $0x80, $0x38;
	[tilespmem:$0xDF00] =	vst v63  }
0x400: {  	s15 =	sadd.s32 $0x40, s4;
	s18 =	simm.s32 $0xB8C0  }
0x401: {  	[hbm4b:s15+s2] =	stream.linear.scatter [tilespmem:s18], [sflag:$0x8], $0x80, $0x38;
	[tilespmem:$0xDF00] =	vst v63  }
0x402: {  	s15 =	sadd.s32 $0x50, s4;
	s18 =	simm.s32 $0xB950  }
0x403: {  	[hbm4b:s15+s2] =	stream.linear.scatter [tilespmem:s18], [sflag:$0x8], $0x80, $0x38;
	[tilespmem:$0xDF00] =	vst v63  }
.Ltmp14:
0x404: {  	_ = 	snop;
	(pc) =	sbr.rel @p1 .LBB2_21-.Ltmp14, $4  }
0x405: {  	s15 =	sadd.s32 $0x60, s4;
	s18 =	simm.s32 $0xB9E0  }
0x406: {  	[hbm4b:s15+s2] =	stream.linear.scatter [tilespmem:s18], [sflag:$0x8], $0x80, $0x38;
	[tilespmem:$0xDF00] =	vst v63  }
0x407: {  	s4 =	sadd.s32 $0x70, s4;
	s18 =	simm.s32 $0xBA70  }
0x408: {  	[hbm4b:s4+s2] =	stream.linear.scatter [tilespmem:s18], [sflag:$0x8], $0x80, $0x38;
	[tilespmem:$0xDF00] =	vst v63  }
.Ltmp15:
0x409: {  	(pc) =	sbr.rel .LBB2_22-.Ltmp15, $4  }
0x40a: {  	_ = 	snop  }
0x40b: {  	_ =	swait.ge [sflag:s7], $0x1000  }
0x40c: {  	[sflag:s7] =	ssyncset.done $0x0  }
0x40d: {  	[sflag:s7] =	ssyncadd.s32 $0xFFFFF000  }
.LBB2_21:
0x40e: {  	s4 =	smul.u32 $0xA00, s28;
	_ =	sdelay $0x1  }
0x40f: {  	s4 =	sshra.s32 s4, $0x2  }
.Ltmp16:
0x410: {  	s13 =	simm.s32 $0x5500;
	s4 =	sadd.s32 $0x1F80, s4;
	(pc) =	sbr.rel @p0 .LBB2_23-.Ltmp16, $4  }
0x411: {  	[tilespmem:s13], [sflag:$0x3] =	stream.indirect.gather [hbm4b:s5+s9], $0x20, s4, s9, $0xb8;
	[tilespmem:$0xDF00] =	vst v63  }
0x412: {  	_ =	swait.ge [sflag:s7], $0x1000  }
0x413: {  	[sflag:s7] =	ssyncset.done $0x0  }
0x414: {  	[sflag:s7] =	ssyncadd.s32 $0xFFFFF000  }
.LBB2_22:
0x415: {  	_ =	swait.ge [sflag:s10], $0x400  }
0x416: {  	[sflag:s10] =	ssyncset.done $0x0  }
0x417: {  	[sflag:s10] =	ssyncadd.s32 $0xFFFFFC00  }
0x418: {  	_ =	swait.ge [sflag:s10], $0x400  }
0x419: {  	[sflag:s10] =	ssyncset.done $0x0  }
0x41a: {  	[sflag:s10] =	ssyncadd.s32 $0xFFFFFC00  }
0x41b: {  	_ =	swait.ge [sflag:s10], $0x400  }
0x41c: {  	[sflag:s10] =	ssyncset.done $0x0  }
0x41d: {  	[sflag:s10] =	ssyncadd.s32 $0xFFFFFC00  }
0x41e: {  	_ =	swait.ge [sflag:s10], $0x400  }
0x41f: {  	[sflag:s10] =	ssyncset.done $0x0  }
0x420: {  	[sflag:s10] =	ssyncadd.s32 $0xFFFFFC00  }
.LBB2_23:
0x421: {  	s4 =	simm.s32 $0x0  }
0x422: {  	v25 =	vmov s4  }
0x423: {  	v25 =	vshrl.u32 v25, $0x3  }
0x424: {  	v25 =	vshll.u32 v25, v9  }
0x425: {  	v25 =	vbroadcast v25, $0x0  }
0x426: {  	s18 =	simm.s32 $0x6580  }
0x427: {  	v26 =	vld [tilespmem:s18+$0xFFFFFF80];
	v27 =	vadd.s32 v6, v25;
	_ =	sdelay $0x4  }
0x428: {  	[tilespmem:v27+s12+$0x0] =	vst.idx.msk $0xffff, v26  }
0x429: {  	s15 =	simm.s32 $0x1;
	v25 =	vadd.s32 v10, v25;
	v26 =	vld [tilespmem:s18+$0xFFFFFF90]  }
0x42a: {  	v27 =	vmov s15  }
0x42b: {  	v27 =	vshrl.u32 v27, $0x3  }
0x42c: {  	v27 =	vshll.u32 v27, v9  }
0x42d: {  	v27 =	vbroadcast v27, $0x0  }
0x42e: {  	[tilespmem:v25+s12+$0x0] =	vst.idx.msk $0xffff, v26  }
0x42f: {  	v26 =	vadd.s32 v11, v27;
	v25 =	vld [tilespmem:s18+$0xFFFFFFA0];
	_ =	sdelay $0x4  }
0x430: {  	[tilespmem:v26+s12+$0x0] =	vst.idx.msk $0xffff, v25  }
0x431: {  	s13 =	simm.s32 $0x2;
	v26 =	vadd.s32 v12, v27;
	v25 =	vld [tilespmem:s18+$0xFFFFFFB0]  }
0x432: {  	v27 =	vmov s13  }
0x433: {  	v27 =	vshrl.u32 v27, $0x3  }
0x434: {  	v27 =	vshll.u32 v27, v9  }
0x435: {  	v27 =	vbroadcast v27, $0x0  }
0x436: {  	[tilespmem:v26+s12+$0x0] =	vst.idx.msk $0xffff, v25  }
0x437: {  	v26 =	vadd.s32 v13, v27;
	v25 =	vld [tilespmem:s18+$0xFFFFFFC0];
	_ =	sdelay $0x4  }
0x438: {  	[tilespmem:v26+s12+$0x0] =	vst.idx.msk $0xffff, v25  }
0x439: {  	s15 =	simm.s32 $0x3;
	v26 =	vadd.s32 v14, v27;
	v25 =	vld [tilespmem:s18+$0xFFFFFFD0]  }
0x43a: {  	v27 =	vmov s15  }
0x43b: {  	v27 =	vshrl.u32 v27, $0x3  }
0x43c: {  	v27 =	vshll.u32 v27, v9  }
0x43d: {  	v27 =	vbroadcast v27, $0x0  }
0x43e: {  	[tilespmem:v26+s12+$0x0] =	vst.idx.msk $0xffff, v25  }
0x43f: {  	v26 =	vadd.s32 v15, v27;
	v25 =	vld [tilespmem:s18+$0xFFFFFFE0];
	_ =	sdelay $0x4  }
0x440: {  	[tilespmem:v26+s12+$0x0] =	vst.idx.msk $0xffff, v25  }
0x441: {  	s13 =	simm.s32 $0x4;
	v26 =	vadd.s32 v16, v27;
	v25 =	vld [tilespmem:s18+$0xFFFFFFF0]  }
0x442: {  	v27 =	vmov s13  }
0x443: {  	v27 =	vshrl.u32 v27, $0x3  }
0x444: {  	v27 =	vshll.u32 v27, v9  }
0x445: {  	v27 =	vbroadcast v27, $0x0  }
0x446: {  	[tilespmem:v26+s12+$0x0] =	vst.idx.msk $0xffff, v25  }
0x447: {  	v26 =	vadd.s32 v17, v27;
	v25 =	vld [tilespmem:s18+$0x0];
	_ =	sdelay $0x4  }
0x448: {  	[tilespmem:v26+s12+$0x0] =	vst.idx.msk $0xffff, v25  }
0x449: {  	s15 =	simm.s32 $0x5;
	v26 =	vadd.s32 v18, v27;
	v25 =	vld [tilespmem:s18+$0x10]  }
0x44a: {  	v27 =	vmov s15  }
0x44b: {  	v27 =	vshrl.u32 v27, $0x3  }
0x44c: {  	v27 =	vshll.u32 v27, v9  }
0x44d: {  	v27 =	vbroadcast v27, $0x0  }
0x44e: {  	[tilespmem:v26+s12+$0x0] =	vst.idx.msk $0xffff, v25  }
0x44f: {  	v26 =	vadd.s32 v19, v27;
	v25 =	vld [tilespmem:s18+$0x20];
	_ =	sdelay $0x4  }
0x450: {  	[tilespmem:v26+s12+$0x0] =	vst.idx.msk $0xffff, v25  }
0x451: {  	s13 =	simm.s32 $0x6;
	v26 =	vadd.s32 v20, v27;
	v25 =	vld [tilespmem:s18+$0x30]  }
0x452: {  	v27 =	vmov s13  }
0x453: {  	v27 =	vshrl.u32 v27, $0x3  }
0x454: {  	v27 =	vshll.u32 v27, v9  }
0x455: {  	v27 =	vbroadcast v27, $0x0  }
0x456: {  	[tilespmem:v26+s12+$0x0] =	vst.idx.msk $0xffff, v25  }
0x457: {  	v26 =	vadd.s32 v21, v27;
	v25 =	vld [tilespmem:s18+$0x40];
	_ =	sdelay $0x4  }
0x458: {  	[tilespmem:v26+s12+$0x0] =	vst.idx.msk $0xffff, v25  }
0x459: {  	s15 =	simm.s32 $0x7;
	v26 =	vadd.s32 v22, v27;
	v25 =	vld [tilespmem:s18+$0x50]  }
0x45a: {  	v27 =	vmov s15  }
0x45b: {  	v27 =	vshrl.u32 v27, $0x3  }
0x45c: {  	v27 =	vshll.u32 v27, v9  }
0x45d: {  	v27 =	vbroadcast v27, $0x0  }
0x45e: {  	[tilespmem:v26+s12+$0x0] =	vst.idx.msk $0xffff, v25  }
0x45f: {  	v26 =	vadd.s32 v23, v27;
	v25 =	vld [tilespmem:s18+$0x60];
	_ =	sdelay $0x4  }
0x460: {  	[tilespmem:v26+s12+$0x0] =	vst.idx.msk $0xffff, v25  }
0x461: {  	s4 =	simm.s32 $0x8;
	v26 =	vadd.s32 v24, v27;
	v25 =	vld [tilespmem:s18+$0x70]  }
0x462: {  	s13 =	simm.s32 $0x10;
	v27 =	vmov s4  }
.LBB2_24:
0x463: {  	p2 =	slt.u32 s13, $0x78;
	v27 =	vshrl.u32 v27, $0x3  }
0x464: {  	v27 =	vshll.u32 v27, v9  }
0x465: {  	v27 =	vbroadcast v27, $0x0  }
0x466: {  	s18 =	sadd.s32 $0x100, s18;
	[tilespmem:v26+s12+$0x0] =	vst.idx.msk $0xffff, v25  }
0x467: {  	v25 =	vld [tilespmem:s18+$0xFFFFFF80];
	v26 =	vadd.s32 v6, v27;
	_ =	sdelay $0x4  }
0x468: {  	[tilespmem:v26+s12+$0x0] =	vst.idx.msk $0xffff, v25  }
0x469: {  	s15 =	sadd.s32 $0x1, s4;
	v26 =	vadd.s32 v10, v27;
	v25 =	vld [tilespmem:s18+$0xFFFFFF90]  }
0x46a: {  	v27 =	vmov s15  }
0x46b: {  	v27 =	vshrl.u32 v27, $0x3  }
0x46c: {  	v27 =	vshll.u32 v27, v9  }
0x46d: {  	v27 =	vbroadcast v27, $0x0  }
0x46e: {  	[tilespmem:v26+s12+$0x0] =	vst.idx.msk $0xffff, v25  }
0x46f: {  	v26 =	vadd.s32 v11, v27;
	v25 =	vld [tilespmem:s18+$0xFFFFFFA0];
	_ =	sdelay $0x4  }
0x470: {  	[tilespmem:v26+s12+$0x0] =	vst.idx.msk $0xffff, v25  }
0x471: {  	s15 =	sadd.s32 $0x2, s4;
	v26 =	vadd.s32 v12, v27;
	v25 =	vld [tilespmem:s18+$0xFFFFFFB0]  }
0x472: {  	v27 =	vmov s15  }
0x473: {  	v27 =	vshrl.u32 v27, $0x3  }
0x474: {  	v27 =	vshll.u32 v27, v9  }
0x475: {  	v27 =	vbroadcast v27, $0x0  }
0x476: {  	[tilespmem:v26+s12+$0x0] =	vst.idx.msk $0xffff, v25  }
0x477: {  	v26 =	vadd.s32 v13, v27;
	v25 =	vld [tilespmem:s18+$0xFFFFFFC0];
	_ =	sdelay $0x4  }
0x478: {  	[tilespmem:v26+s12+$0x0] =	vst.idx.msk $0xffff, v25  }
0x479: {  	s15 =	sadd.s32 $0x3, s4;
	v26 =	vadd.s32 v14, v27;
	v25 =	vld [tilespmem:s18+$0xFFFFFFD0]  }
0x47a: {  	v27 =	vmov s15  }
0x47b: {  	v27 =	vshrl.u32 v27, $0x3  }
0x47c: {  	v27 =	vshll.u32 v27, v9  }
0x47d: {  	v27 =	vbroadcast v27, $0x0  }
0x47e: {  	[tilespmem:v26+s12+$0x0] =	vst.idx.msk $0xffff, v25  }
0x47f: {  	v26 =	vadd.s32 v15, v27;
	v25 =	vld [tilespmem:s18+$0xFFFFFFE0];
	_ =	sdelay $0x4  }
0x480: {  	[tilespmem:v26+s12+$0x0] =	vst.idx.msk $0xffff, v25  }
0x481: {  	s15 =	sadd.s32 $0x4, s4;
	v26 =	vadd.s32 v16, v27;
	v25 =	vld [tilespmem:s18+$0xFFFFFFF0]  }
0x482: {  	v27 =	vmov s15  }
0x483: {  	v27 =	vshrl.u32 v27, $0x3  }
0x484: {  	v27 =	vshll.u32 v27, v9  }
0x485: {  	v27 =	vbroadcast v27, $0x0  }
0x486: {  	[tilespmem:v26+s12+$0x0] =	vst.idx.msk $0xffff, v25  }
0x487: {  	v26 =	vadd.s32 v17, v27;
	v25 =	vld [tilespmem:s18+$0x0];
	_ =	sdelay $0x4  }
0x488: {  	[tilespmem:v26+s12+$0x0] =	vst.idx.msk $0xffff, v25  }
0x489: {  	s15 =	sadd.s32 $0x5, s4;
	v26 =	vadd.s32 v18, v27;
	v25 =	vld [tilespmem:s18+$0x10]  }
0x48a: {  	v27 =	vmov s15  }
0x48b: {  	v27 =	vshrl.u32 v27, $0x3  }
0x48c: {  	v27 =	vshll.u32 v27, v9  }
0x48d: {  	v27 =	vbroadcast v27, $0x0  }
0x48e: {  	[tilespmem:v26+s12+$0x0] =	vst.idx.msk $0xffff, v25  }
0x48f: {  	v26 =	vadd.s32 v19, v27;
	v25 =	vld [tilespmem:s18+$0x20];
	_ =	sdelay $0x4  }
0x490: {  	[tilespmem:v26+s12+$0x0] =	vst.idx.msk $0xffff, v25  }
0x491: {  	s15 =	sadd.s32 $0x6, s4;
	v26 =	vadd.s32 v20, v27;
	v25 =	vld [tilespmem:s18+$0x30]  }
0x492: {  	v27 =	vmov s15  }
0x493: {  	v27 =	vshrl.u32 v27, $0x3  }
0x494: {  	v27 =	vshll.u32 v27, v9  }
0x495: {  	v27 =	vbroadcast v27, $0x0  }
0x496: {  	[tilespmem:v26+s12+$0x0] =	vst.idx.msk $0xffff, v25  }
0x497: {  	v26 =	vadd.s32 v21, v27;
	v25 =	vld [tilespmem:s18+$0x40];
	_ =	sdelay $0x4  }
0x498: {  	[tilespmem:v26+s12+$0x0] =	vst.idx.msk $0xffff, v25  }
0x499: {  	s15 =	sadd.s32 $0x7, s4;
	s4 =	smov.u32 s13;
	v26 =	vadd.s32 v22, v27;
	v25 =	vld [tilespmem:s18+$0x50]  }
0x49a: {  	v27 =	vmov s15  }
0x49b: {  	v27 =	vshrl.u32 v27, $0x3  }
0x49c: {  	v27 =	vshll.u32 v27, v9  }
0x49d: {  	v27 =	vbroadcast v27, $0x0  }
0x49e: {  	[tilespmem:v26+s12+$0x0] =	vst.idx.msk $0xffff, v25  }
0x49f: {  	v26 =	vadd.s32 v23, v27;
	v25 =	vld [tilespmem:s18+$0x60];
	_ =	sdelay $0x2  }
.Ltmp17:
0x4a0: {  	(pc) =	sbr.rel @p2 .LBB2_24-.Ltmp17, $4  }
0x4a1: {  	_ = 	snop  }
0x4a2: {  	[tilespmem:v26+s12+$0x0] =	vst.idx.msk $0xffff, v25  }
0x4a3: {  	v26 =	vadd.s32 v24, v27;
	v25 =	vld [tilespmem:s18+$0x70]  }
0x4a4: {  	s13 =	sadd.s32 $0x8, s13;
	v27 =	vmov s4  }
0x4a5: {  	_ = 	snop  }
0x4a6: {  	v27 =	vshrl.u32 v27, $0x3  }
0x4a7: {  	v27 =	vshll.u32 v27, v9  }
0x4a8: {  	v27 =	vbroadcast v27, $0x0  }
0x4a9: {  	s13 =	sadd.s32 $0x100, s18;
	[tilespmem:v26+s12+$0x0] =	vst.idx.msk $0xffff, v25  }
0x4aa: {  	v25 =	vld [tilespmem:s13+$0xFFFFFF80];
	v26 =	vadd.s32 v6, v27;
	_ =	sdelay $0x4  }
0x4ab: {  	[tilespmem:v26+s12+$0x0] =	vst.idx.msk $0xffff, v25  }
0x4ac: {  	s15 =	sadd.s32 $0x1, s4;
	v26 =	vadd.s32 v10, v27;
	v25 =	vld [tilespmem:s13+$0xFFFFFF90]  }
0x4ad: {  	v27 =	vmov s15  }
0x4ae: {  	v27 =	vshrl.u32 v27, $0x3  }
0x4af: {  	v27 =	vshll.u32 v27, v9  }
0x4b0: {  	v27 =	vbroadcast v27, $0x0  }
0x4b1: {  	[tilespmem:v26+s12+$0x0] =	vst.idx.msk $0xffff, v25  }
0x4b2: {  	v26 =	vadd.s32 v11, v27;
	v25 =	vld [tilespmem:s13+$0xFFFFFFA0];
	_ =	sdelay $0x4  }
0x4b3: {  	[tilespmem:v26+s12+$0x0] =	vst.idx.msk $0xffff, v25  }
0x4b4: {  	s18 =	sadd.s32 $0x2, s4;
	v26 =	vadd.s32 v12, v27;
	v25 =	vld [tilespmem:s13+$0xFFFFFFB0]  }
0x4b5: {  	v27 =	vmov s18  }
0x4b6: {  	v27 =	vshrl.u32 v27, $0x3  }
0x4b7: {  	v27 =	vshll.u32 v27, v9  }
0x4b8: {  	v27 =	vbroadcast v27, $0x0  }
0x4b9: {  	[tilespmem:v26+s12+$0x0] =	vst.idx.msk $0xffff, v25  }
0x4ba: {  	v26 =	vadd.s32 v13, v27;
	v25 =	vld [tilespmem:s13+$0xFFFFFFC0];
	_ =	sdelay $0x4  }
0x4bb: {  	[tilespmem:v26+s12+$0x0] =	vst.idx.msk $0xffff, v25  }
0x4bc: {  	s18 =	sadd.s32 $0x3, s4;
	v26 =	vadd.s32 v14, v27;
	v25 =	vld [tilespmem:s13+$0xFFFFFFD0]  }
0x4bd: {  	v27 =	vmov s18  }
0x4be: {  	v27 =	vshrl.u32 v27, $0x3  }
0x4bf: {  	v27 =	vshll.u32 v27, v9  }
0x4c0: {  	v27 =	vbroadcast v27, $0x0  }
0x4c1: {  	[tilespmem:v26+s12+$0x0] =	vst.idx.msk $0xffff, v25  }
0x4c2: {  	v26 =	vadd.s32 v15, v27;
	v25 =	vld [tilespmem:s13+$0xFFFFFFE0];
	_ =	sdelay $0x4  }
0x4c3: {  	[tilespmem:v26+s12+$0x0] =	vst.idx.msk $0xffff, v25  }
0x4c4: {  	s18 =	sadd.s32 $0x4, s4;
	v26 =	vadd.s32 v16, v27;
	v25 =	vld [tilespmem:s13+$0xFFFFFFF0]  }
0x4c5: {  	v27 =	vmov s18  }
0x4c6: {  	v27 =	vshrl.u32 v27, $0x3  }
0x4c7: {  	v27 =	vshll.u32 v27, v9  }
0x4c8: {  	v27 =	vbroadcast v27, $0x0  }
0x4c9: {  	[tilespmem:v26+s12+$0x0] =	vst.idx.msk $0xffff, v25  }
0x4ca: {  	v26 =	vadd.s32 v17, v27;
	v25 =	vld [tilespmem:s13+$0x0];
	_ =	sdelay $0x4  }
0x4cb: {  	[tilespmem:v26+s12+$0x0] =	vst.idx.msk $0xffff, v25  }
0x4cc: {  	s18 =	sadd.s32 $0x5, s4;
	v26 =	vadd.s32 v18, v27;
	v25 =	vld [tilespmem:s13+$0x10]  }
0x4cd: {  	v27 =	vmov s18  }
0x4ce: {  	v27 =	vshrl.u32 v27, $0x3  }
0x4cf: {  	v27 =	vshll.u32 v27, v9  }
0x4d0: {  	v27 =	vbroadcast v27, $0x0  }
0x4d1: {  	[tilespmem:v26+s12+$0x0] =	vst.idx.msk $0xffff, v25  }
0x4d2: {  	v26 =	vadd.s32 v19, v27;
	v25 =	vld [tilespmem:s13+$0x20];
	_ =	sdelay $0x4  }
0x4d3: {  	[tilespmem:v26+s12+$0x0] =	vst.idx.msk $0xffff, v25  }
0x4d4: {  	s18 =	sadd.s32 $0x6, s4;
	v26 =	vadd.s32 v20, v27;
	v25 =	vld [tilespmem:s13+$0x30]  }
0x4d5: {  	v27 =	vmov s18  }
0x4d6: {  	v27 =	vshrl.u32 v27, $0x3  }
0x4d7: {  	v27 =	vshll.u32 v27, v9  }
0x4d8: {  	v27 =	vbroadcast v27, $0x0  }
0x4d9: {  	[tilespmem:v26+s12+$0x0] =	vst.idx.msk $0xffff, v25  }
0x4da: {  	v26 =	vadd.s32 v21, v27;
	v25 =	vld [tilespmem:s13+$0x40];
	_ =	sdelay $0x4  }
0x4db: {  	[tilespmem:v26+s12+$0x0] =	vst.idx.msk $0xffff, v25  }
0x4dc: {  	s18 =	sadd.s32 $0x7, s4;
	v26 =	vadd.s32 v22, v27;
	v25 =	vld [tilespmem:s13+$0x50]  }
0x4dd: {  	v27 =	vmov s18  }
0x4de: {  	v27 =	vshrl.u32 v27, $0x3  }
0x4df: {  	v27 =	vshll.u32 v27, v9  }
0x4e0: {  	v27 =	vbroadcast v27, $0x0  }
0x4e1: {  	[tilespmem:v26+s12+$0x0] =	vst.idx.msk $0xffff, v25  }
0x4e2: {  	v26 =	vadd.s32 v23, v27;
	v25 =	vld [tilespmem:s13+$0x60];
	_ =	sdelay $0x4  }
0x4e3: {  	[tilespmem:v26+s12+$0x0] =	vst.idx.msk $0xffff, v25  }
0x4e4: {  	v26 =	vadd.s32 v24, v27;
	v25 =	vld [tilespmem:s13+$0x70];
	_ =	sdelay $0x2  }
0x4e5: {  	s15 =	sadd.s32 s24, s0  }
0x4e6: {  	s4 =	sshrl.u32 s15, $0x3  }
0x4e7: {  	s13 =	sadd.s32 s1, s4;
	[tilespmem:v26+s12+$0x0] =	vst.idx.msk $0xffff, v25  }
0x4e8: {  	[hbm4b:s13+s2] =	stream.linear.scatter [tilespmem:s12], [sflag:$0x9], $0x80, $0x38;
	[tilespmem:$0xDF00] =	vst v63  }
0x4e9: {  	s18 =	simm.s32 $0xBB90;
	s15 =	sadd.s32 $0x10, s13  }
0x4ea: {  	[hbm4b:s15+s2] =	stream.linear.scatter [tilespmem:s18], [sflag:$0x9], $0x80, $0x38;
	[tilespmem:$0xDF00] =	vst v63  }
0x4eb: {  	s15 =	sadd.s32 $0x20, s13;
	s18 =	simm.s32 $0xBC20  }
0x4ec: {  	[hbm4b:s15+s2] =	stream.linear.scatter [tilespmem:s18], [sflag:$0x9], $0x80, $0x38;
	[tilespmem:$0xDF00] =	vst v63  }
0x4ed: {  	s15 =	sadd.s32 $0x30, s13;
	s18 =	simm.s32 $0xBCB0  }
0x4ee: {  	[hbm4b:s15+s2] =	stream.linear.scatter [tilespmem:s18], [sflag:$0x9], $0x80, $0x38;
	[tilespmem:$0xDF00] =	vst v63  }
0x4ef: {  	s15 =	sadd.s32 $0x40, s13;
	s18 =	simm.s32 $0xBD40  }
0x4f0: {  	[hbm4b:s15+s2] =	stream.linear.scatter [tilespmem:s18], [sflag:$0x9], $0x80, $0x38;
	[tilespmem:$0xDF00] =	vst v63  }
0x4f1: {  	s15 =	sadd.s32 $0x50, s13;
	s18 =	simm.s32 $0xBDD0  }
0x4f2: {  	[hbm4b:s15+s2] =	stream.linear.scatter [tilespmem:s18], [sflag:$0x9], $0x80, $0x38;
	[tilespmem:$0xDF00] =	vst v63  }
0x4f3: {  	s15 =	sadd.s32 $0x60, s13;
	s18 =	simm.s32 $0xBE60  }
0x4f4: {  	[hbm4b:s15+s2] =	stream.linear.scatter [tilespmem:s18], [sflag:$0x9], $0x80, $0x38;
	[tilespmem:$0xDF00] =	vst v63  }
0x4f5: {  	s13 =	sadd.s32 $0x70, s13;
	s18 =	simm.s32 $0xBEF0;
	s15 =	sor.u32 $0x4000, s4  }
0x4f6: {  	[hbm4b:s13+s2] =	stream.linear.scatter [tilespmem:s18], [sflag:$0x9], $0x80, $0x38;
	[tilespmem:$0xDF00] =	vst v63  }
0x4f7: {  	s13 =	sadd.s32 s1, s15;
	s18 =	simm.s32 $0xBF80  }
0x4f8: {  	[hbm4b:s13+s2] =	stream.linear.scatter [tilespmem:s18], [sflag:$0x9], $0x80, $0x38;
	[tilespmem:$0xDF00] =	vst v63  }
0x4f9: {  	s15 =	sadd.s32 $0x10, s13;
	s18 =	simm.s32 $0xC010  }
0x4fa: {  	[hbm4b:s15+s2] =	stream.linear.scatter [tilespmem:s18], [sflag:$0x9], $0x80, $0x38;
	[tilespmem:$0xDF00] =	vst v63  }
0x4fb: {  	s15 =	sadd.s32 $0x20, s13;
	s18 =	simm.s32 $0xC0A0  }
0x4fc: {  	[hbm4b:s15+s2] =	stream.linear.scatter [tilespmem:s18], [sflag:$0x9], $0x80, $0x38;
	[tilespmem:$0xDF00] =	vst v63  }
0x4fd: {  	s15 =	sadd.s32 $0x30, s13;
	s18 =	simm.s32 $0xC130  }
0x4fe: {  	[hbm4b:s15+s2] =	stream.linear.scatter [tilespmem:s18], [sflag:$0x9], $0x80, $0x38;
	[tilespmem:$0xDF00] =	vst v63  }
0x4ff: {  	s15 =	sadd.s32 $0x40, s13;
	s18 =	simm.s32 $0xC1C0  }
0x500: {  	[hbm4b:s15+s2] =	stream.linear.scatter [tilespmem:s18], [sflag:$0x9], $0x80, $0x38;
	[tilespmem:$0xDF00] =	vst v63  }
0x501: {  	s15 =	sadd.s32 $0x50, s13;
	s18 =	simm.s32 $0xC250  }
0x502: {  	[hbm4b:s15+s2] =	stream.linear.scatter [tilespmem:s18], [sflag:$0x9], $0x80, $0x38;
	[tilespmem:$0xDF00] =	vst v63  }
0x503: {  	s15 =	sadd.s32 $0x60, s13;
	s18 =	simm.s32 $0xC2E0  }
0x504: {  	[hbm4b:s15+s2] =	stream.linear.scatter [tilespmem:s18], [sflag:$0x9], $0x80, $0x38;
	[tilespmem:$0xDF00] =	vst v63  }
0x505: {  	s13 =	sadd.s32 $0x70, s13;
	s18 =	simm.s32 $0xC370;
	s15 =	sor.u32 $0x8000, s4  }
0x506: {  	[hbm4b:s13+s2] =	stream.linear.scatter [tilespmem:s18], [sflag:$0x9], $0x80, $0x38;
	[tilespmem:$0xDF00] =	vst v63  }
0x507: {  	s13 =	sadd.s32 s1, s15;
	s18 =	simm.s32 $0xC400  }
0x508: {  	[hbm4b:s13+s2] =	stream.linear.scatter [tilespmem:s18], [sflag:$0x9], $0x80, $0x38;
	[tilespmem:$0xDF00] =	vst v63  }
0x509: {  	s15 =	sadd.s32 $0x10, s13;
	s18 =	simm.s32 $0xC490  }
0x50a: {  	[hbm4b:s15+s2] =	stream.linear.scatter [tilespmem:s18], [sflag:$0x9], $0x80, $0x38;
	[tilespmem:$0xDF00] =	vst v63  }
0x50b: {  	s15 =	sadd.s32 $0x20, s13;
	s18 =	simm.s32 $0xC520  }
0x50c: {  	[hbm4b:s15+s2] =	stream.linear.scatter [tilespmem:s18], [sflag:$0x9], $0x80, $0x38;
	[tilespmem:$0xDF00] =	vst v63  }
0x50d: {  	s15 =	sadd.s32 $0x30, s13;
	s18 =	simm.s32 $0xC5B0  }
0x50e: {  	[hbm4b:s15+s2] =	stream.linear.scatter [tilespmem:s18], [sflag:$0x9], $0x80, $0x38;
	[tilespmem:$0xDF00] =	vst v63  }
0x50f: {  	s15 =	sadd.s32 $0x40, s13;
	s18 =	simm.s32 $0xC640  }
0x510: {  	[hbm4b:s15+s2] =	stream.linear.scatter [tilespmem:s18], [sflag:$0x9], $0x80, $0x38;
	[tilespmem:$0xDF00] =	vst v63  }
0x511: {  	s15 =	sadd.s32 $0x50, s13;
	s18 =	simm.s32 $0xC6D0  }
0x512: {  	[hbm4b:s15+s2] =	stream.linear.scatter [tilespmem:s18], [sflag:$0x9], $0x80, $0x38;
	[tilespmem:$0xDF00] =	vst v63  }
0x513: {  	s15 =	sadd.s32 $0x60, s13;
	s18 =	simm.s32 $0xC760  }
0x514: {  	[hbm4b:s15+s2] =	stream.linear.scatter [tilespmem:s18], [sflag:$0x9], $0x80, $0x38;
	[tilespmem:$0xDF00] =	vst v63  }
0x515: {  	s4 =	sor.u32 $0xC000, s4;
	s13 =	sadd.s32 $0x70, s13;
	s18 =	simm.s32 $0xC7F0  }
0x516: {  	[hbm4b:s13+s2] =	stream.linear.scatter [tilespmem:s18], [sflag:$0x9], $0x80, $0x38;
	[tilespmem:$0xDF00] =	vst v63  }
0x517: {  	s4 =	sadd.s32 s1, s4;
	s18 =	simm.s32 $0xC880  }
0x518: {  	[hbm4b:s4+s2] =	stream.linear.scatter [tilespmem:s18], [sflag:$0x9], $0x80, $0x38;
	[tilespmem:$0xDF00] =	vst v63  }
0x519: {  	s15 =	sadd.s32 $0x10, s4;
	s18 =	simm.s32 $0xC910  }
0x51a: {  	[hbm4b:s15+s2] =	stream.linear.scatter [tilespmem:s18], [sflag:$0x9], $0x80, $0x38;
	[tilespmem:$0xDF00] =	vst v63  }
0x51b: {  	s15 =	sadd.s32 $0x20, s4;
	s18 =	simm.s32 $0xC9A0  }
0x51c: {  	[hbm4b:s15+s2] =	stream.linear.scatter [tilespmem:s18], [sflag:$0x9], $0x80, $0x38;
	[tilespmem:$0xDF00] =	vst v63  }
0x51d: {  	s15 =	sadd.s32 $0x30, s4;
	s18 =	simm.s32 $0xCA30  }
0x51e: {  	[hbm4b:s15+s2] =	stream.linear.scatter [tilespmem:s18], [sflag:$0x9], $0x80, $0x38;
	[tilespmem:$0xDF00] =	vst v63  }
0x51f: {  	s15 =	sadd.s32 $0x40, s4;
	s18 =	simm.s32 $0xCAC0  }
0x520: {  	[hbm4b:s15+s2] =	stream.linear.scatter [tilespmem:s18], [sflag:$0x9], $0x80, $0x38;
	[tilespmem:$0xDF00] =	vst v63  }
0x521: {  	s15 =	sadd.s32 $0x50, s4;
	s18 =	simm.s32 $0xCB50  }
0x522: {  	[hbm4b:s15+s2] =	stream.linear.scatter [tilespmem:s18], [sflag:$0x9], $0x80, $0x38;
	[tilespmem:$0xDF00] =	vst v63  }
.Ltmp18:
0x523: {  	_ = 	snop;
	(pc) =	sbr.rel @p1 .LBB2_27-.Ltmp18, $4  }
0x524: {  	s15 =	sadd.s32 $0x60, s4;
	s18 =	simm.s32 $0xCBE0  }
0x525: {  	[hbm4b:s15+s2] =	stream.linear.scatter [tilespmem:s18], [sflag:$0x9], $0x80, $0x38;
	[tilespmem:$0xDF00] =	vst v63  }
0x526: {  	s4 =	sadd.s32 $0x70, s4;
	s18 =	simm.s32 $0xCC70  }
0x527: {  	[hbm4b:s4+s2] =	stream.linear.scatter [tilespmem:s18], [sflag:$0x9], $0x80, $0x38;
	[tilespmem:$0xDF00] =	vst v63  }
.Ltmp19:
0x528: {  	(pc) =	sbr.rel .LBB2_28-.Ltmp19, $4  }
0x529: {  	_ = 	snop  }
0x52a: {  	_ =	swait.ge [sflag:s3], $0x1000  }
0x52b: {  	[sflag:s3] =	ssyncset.done $0x0  }
0x52c: {  	[sflag:s3] =	ssyncadd.s32 $0xFFFFF000  }
.LBB2_27:
0x52d: {  	s4 =	smul.u32 $0xA00, s28;
	_ =	sdelay $0x1  }
0x52e: {  	s4 =	sshra.s32 s4, $0x2  }
.Ltmp20:
0x52f: {  	s13 =	simm.s32 $0x6500;
	s4 =	sadd.s32 $0x2000, s4;
	(pc) =	sbr.rel @p0 .LBB2_29-.Ltmp20, $4  }
0x530: {  	[tilespmem:s13], [sflag:$0x4] =	stream.indirect.gather [hbm4b:s5+s9], $0x20, s4, s9, $0xb8;
	[tilespmem:$0xDF00] =	vst v63  }
0x531: {  	_ =	swait.ge [sflag:s3], $0x1000  }
0x532: {  	[sflag:s3] =	ssyncset.done $0x0  }
0x533: {  	[sflag:s3] =	ssyncadd.s32 $0xFFFFF000  }
.LBB2_28:
0x534: {  	_ =	swait.ge [sflag:s14], $0x400  }
0x535: {  	[sflag:s14] =	ssyncset.done $0x0  }
0x536: {  	[sflag:s14] =	ssyncadd.s32 $0xFFFFFC00  }
0x537: {  	_ =	swait.ge [sflag:s14], $0x400  }
0x538: {  	[sflag:s14] =	ssyncset.done $0x0  }
0x539: {  	[sflag:s14] =	ssyncadd.s32 $0xFFFFFC00  }
0x53a: {  	_ =	swait.ge [sflag:s14], $0x400  }
0x53b: {  	[sflag:s14] =	ssyncset.done $0x0  }
0x53c: {  	[sflag:s14] =	ssyncadd.s32 $0xFFFFFC00  }
0x53d: {  	_ =	swait.ge [sflag:s14], $0x400  }
0x53e: {  	[sflag:s14] =	ssyncset.done $0x0  }
0x53f: {  	[sflag:s14] =	ssyncadd.s32 $0xFFFFFC00  }
.LBB2_29:
0x540: {  	s4 =	simm.s32 $0x0  }
0x541: {  	v25 =	vmov s4  }
0x542: {  	v25 =	vshrl.u32 v25, $0x3  }
0x543: {  	v25 =	vshll.u32 v25, v9  }
0x544: {  	v25 =	vbroadcast v25, $0x0  }
0x545: {  	s18 =	simm.s32 $0x7580  }
0x546: {  	v26 =	vld [tilespmem:s18+$0xFFFFFF80];
	v27 =	vadd.s32 v6, v25;
	_ =	sdelay $0x4  }
0x547: {  	[tilespmem:v27+s16+$0x0] =	vst.idx.msk $0xffff, v26  }
0x548: {  	s15 =	simm.s32 $0x1;
	v25 =	vadd.s32 v10, v25;
	v26 =	vld [tilespmem:s18+$0xFFFFFF90]  }
0x549: {  	v27 =	vmov s15  }
0x54a: {  	v27 =	vshrl.u32 v27, $0x3  }
0x54b: {  	v27 =	vshll.u32 v27, v9  }
0x54c: {  	v27 =	vbroadcast v27, $0x0  }
0x54d: {  	[tilespmem:v25+s16+$0x0] =	vst.idx.msk $0xffff, v26  }
0x54e: {  	v26 =	vadd.s32 v11, v27;
	v25 =	vld [tilespmem:s18+$0xFFFFFFA0];
	_ =	sdelay $0x4  }
0x54f: {  	[tilespmem:v26+s16+$0x0] =	vst.idx.msk $0xffff, v25  }
0x550: {  	s13 =	simm.s32 $0x2;
	v26 =	vadd.s32 v12, v27;
	v25 =	vld [tilespmem:s18+$0xFFFFFFB0]  }
0x551: {  	v27 =	vmov s13  }
0x552: {  	v27 =	vshrl.u32 v27, $0x3  }
0x553: {  	v27 =	vshll.u32 v27, v9  }
0x554: {  	v27 =	vbroadcast v27, $0x0  }
0x555: {  	[tilespmem:v26+s16+$0x0] =	vst.idx.msk $0xffff, v25  }
0x556: {  	v26 =	vadd.s32 v13, v27;
	v25 =	vld [tilespmem:s18+$0xFFFFFFC0];
	_ =	sdelay $0x4  }
0x557: {  	[tilespmem:v26+s16+$0x0] =	vst.idx.msk $0xffff, v25  }
0x558: {  	s15 =	simm.s32 $0x3;
	v26 =	vadd.s32 v14, v27;
	v25 =	vld [tilespmem:s18+$0xFFFFFFD0]  }
0x559: {  	v27 =	vmov s15  }
0x55a: {  	v27 =	vshrl.u32 v27, $0x3  }
0x55b: {  	v27 =	vshll.u32 v27, v9  }
0x55c: {  	v27 =	vbroadcast v27, $0x0  }
0x55d: {  	[tilespmem:v26+s16+$0x0] =	vst.idx.msk $0xffff, v25  }
0x55e: {  	v26 =	vadd.s32 v15, v27;
	v25 =	vld [tilespmem:s18+$0xFFFFFFE0];
	_ =	sdelay $0x4  }
0x55f: {  	[tilespmem:v26+s16+$0x0] =	vst.idx.msk $0xffff, v25  }
0x560: {  	s13 =	simm.s32 $0x4;
	v26 =	vadd.s32 v16, v27;
	v25 =	vld [tilespmem:s18+$0xFFFFFFF0]  }
0x561: {  	v27 =	vmov s13  }
0x562: {  	v27 =	vshrl.u32 v27, $0x3  }
0x563: {  	v27 =	vshll.u32 v27, v9  }
0x564: {  	v27 =	vbroadcast v27, $0x0  }
0x565: {  	[tilespmem:v26+s16+$0x0] =	vst.idx.msk $0xffff, v25  }
0x566: {  	v26 =	vadd.s32 v17, v27;
	v25 =	vld [tilespmem:s18+$0x0];
	_ =	sdelay $0x4  }
0x567: {  	[tilespmem:v26+s16+$0x0] =	vst.idx.msk $0xffff, v25  }
0x568: {  	s15 =	simm.s32 $0x5;
	v26 =	vadd.s32 v18, v27;
	v25 =	vld [tilespmem:s18+$0x10]  }
0x569: {  	v27 =	vmov s15  }
0x56a: {  	v27 =	vshrl.u32 v27, $0x3  }
0x56b: {  	v27 =	vshll.u32 v27, v9  }
0x56c: {  	v27 =	vbroadcast v27, $0x0  }
0x56d: {  	[tilespmem:v26+s16+$0x0] =	vst.idx.msk $0xffff, v25  }
0x56e: {  	v26 =	vadd.s32 v19, v27;
	v25 =	vld [tilespmem:s18+$0x20];
	_ =	sdelay $0x4  }
0x56f: {  	[tilespmem:v26+s16+$0x0] =	vst.idx.msk $0xffff, v25  }
0x570: {  	s13 =	simm.s32 $0x6;
	v26 =	vadd.s32 v20, v27;
	v25 =	vld [tilespmem:s18+$0x30]  }
0x571: {  	v27 =	vmov s13  }
0x572: {  	v27 =	vshrl.u32 v27, $0x3  }
0x573: {  	v27 =	vshll.u32 v27, v9  }
0x574: {  	v27 =	vbroadcast v27, $0x0  }
0x575: {  	[tilespmem:v26+s16+$0x0] =	vst.idx.msk $0xffff, v25  }
0x576: {  	v26 =	vadd.s32 v21, v27;
	v25 =	vld [tilespmem:s18+$0x40];
	_ =	sdelay $0x4  }
0x577: {  	[tilespmem:v26+s16+$0x0] =	vst.idx.msk $0xffff, v25  }
0x578: {  	s15 =	simm.s32 $0x7;
	v26 =	vadd.s32 v22, v27;
	v25 =	vld [tilespmem:s18+$0x50]  }
0x579: {  	v27 =	vmov s15  }
0x57a: {  	v27 =	vshrl.u32 v27, $0x3  }
0x57b: {  	v27 =	vshll.u32 v27, v9  }
0x57c: {  	v27 =	vbroadcast v27, $0x0  }
0x57d: {  	[tilespmem:v26+s16+$0x0] =	vst.idx.msk $0xffff, v25  }
0x57e: {  	v26 =	vadd.s32 v23, v27;
	v25 =	vld [tilespmem:s18+$0x60];
	_ =	sdelay $0x4  }
0x57f: {  	[tilespmem:v26+s16+$0x0] =	vst.idx.msk $0xffff, v25  }
0x580: {  	s4 =	simm.s32 $0x8;
	v26 =	vadd.s32 v24, v27;
	v25 =	vld [tilespmem:s18+$0x70]  }
0x581: {  	s13 =	simm.s32 $0x10;
	v27 =	vmov s4  }
.LBB2_30:
0x582: {  	p0 =	slt.u32 s13, $0x78;
	v27 =	vshrl.u32 v27, $0x3  }
0x583: {  	v27 =	vshll.u32 v27, v9  }
0x584: {  	v27 =	vbroadcast v27, $0x0  }
0x585: {  	s18 =	sadd.s32 $0x100, s18;
	[tilespmem:v26+s16+$0x0] =	vst.idx.msk $0xffff, v25  }
0x586: {  	v25 =	vld [tilespmem:s18+$0xFFFFFF80];
	v26 =	vadd.s32 v6, v27;
	_ =	sdelay $0x4  }
0x587: {  	[tilespmem:v26+s16+$0x0] =	vst.idx.msk $0xffff, v25  }
0x588: {  	s15 =	sadd.s32 $0x1, s4;
	v26 =	vadd.s32 v10, v27;
	v25 =	vld [tilespmem:s18+$0xFFFFFF90]  }
0x589: {  	v27 =	vmov s15  }
0x58a: {  	v27 =	vshrl.u32 v27, $0x3  }
0x58b: {  	v27 =	vshll.u32 v27, v9  }
0x58c: {  	v27 =	vbroadcast v27, $0x0  }
0x58d: {  	[tilespmem:v26+s16+$0x0] =	vst.idx.msk $0xffff, v25  }
0x58e: {  	v26 =	vadd.s32 v11, v27;
	v25 =	vld [tilespmem:s18+$0xFFFFFFA0];
	_ =	sdelay $0x4  }
0x58f: {  	[tilespmem:v26+s16+$0x0] =	vst.idx.msk $0xffff, v25  }
0x590: {  	s15 =	sadd.s32 $0x2, s4;
	v26 =	vadd.s32 v12, v27;
	v25 =	vld [tilespmem:s18+$0xFFFFFFB0]  }
0x591: {  	v27 =	vmov s15  }
0x592: {  	v27 =	vshrl.u32 v27, $0x3  }
0x593: {  	v27 =	vshll.u32 v27, v9  }
0x594: {  	v27 =	vbroadcast v27, $0x0  }
0x595: {  	[tilespmem:v26+s16+$0x0] =	vst.idx.msk $0xffff, v25  }
0x596: {  	v26 =	vadd.s32 v13, v27;
	v25 =	vld [tilespmem:s18+$0xFFFFFFC0];
	_ =	sdelay $0x4  }
0x597: {  	[tilespmem:v26+s16+$0x0] =	vst.idx.msk $0xffff, v25  }
0x598: {  	s15 =	sadd.s32 $0x3, s4;
	v26 =	vadd.s32 v14, v27;
	v25 =	vld [tilespmem:s18+$0xFFFFFFD0]  }
0x599: {  	v27 =	vmov s15  }
0x59a: {  	v27 =	vshrl.u32 v27, $0x3  }
0x59b: {  	v27 =	vshll.u32 v27, v9  }
0x59c: {  	v27 =	vbroadcast v27, $0x0  }
0x59d: {  	[tilespmem:v26+s16+$0x0] =	vst.idx.msk $0xffff, v25  }
0x59e: {  	v26 =	vadd.s32 v15, v27;
	v25 =	vld [tilespmem:s18+$0xFFFFFFE0];
	_ =	sdelay $0x4  }
0x59f: {  	[tilespmem:v26+s16+$0x0] =	vst.idx.msk $0xffff, v25  }
0x5a0: {  	s15 =	sadd.s32 $0x4, s4;
	v26 =	vadd.s32 v16, v27;
	v25 =	vld [tilespmem:s18+$0xFFFFFFF0]  }
0x5a1: {  	v27 =	vmov s15  }
0x5a2: {  	v27 =	vshrl.u32 v27, $0x3  }
0x5a3: {  	v27 =	vshll.u32 v27, v9  }
0x5a4: {  	v27 =	vbroadcast v27, $0x0  }
0x5a5: {  	[tilespmem:v26+s16+$0x0] =	vst.idx.msk $0xffff, v25  }
0x5a6: {  	v26 =	vadd.s32 v17, v27;
	v25 =	vld [tilespmem:s18+$0x0];
	_ =	sdelay $0x4  }
0x5a7: {  	[tilespmem:v26+s16+$0x0] =	vst.idx.msk $0xffff, v25  }
0x5a8: {  	s15 =	sadd.s32 $0x5, s4;
	v26 =	vadd.s32 v18, v27;
	v25 =	vld [tilespmem:s18+$0x10]  }
0x5a9: {  	v27 =	vmov s15  }
0x5aa: {  	v27 =	vshrl.u32 v27, $0x3  }
0x5ab: {  	v27 =	vshll.u32 v27, v9  }
0x5ac: {  	v27 =	vbroadcast v27, $0x0  }
0x5ad: {  	[tilespmem:v26+s16+$0x0] =	vst.idx.msk $0xffff, v25  }
0x5ae: {  	v26 =	vadd.s32 v19, v27;
	v25 =	vld [tilespmem:s18+$0x20];
	_ =	sdelay $0x4  }
0x5af: {  	[tilespmem:v26+s16+$0x0] =	vst.idx.msk $0xffff, v25  }
0x5b0: {  	s15 =	sadd.s32 $0x6, s4;
	v26 =	vadd.s32 v20, v27;
	v25 =	vld [tilespmem:s18+$0x30]  }
0x5b1: {  	v27 =	vmov s15  }
0x5b2: {  	v27 =	vshrl.u32 v27, $0x3  }
0x5b3: {  	v27 =	vshll.u32 v27, v9  }
0x5b4: {  	v27 =	vbroadcast v27, $0x0  }
0x5b5: {  	[tilespmem:v26+s16+$0x0] =	vst.idx.msk $0xffff, v25  }
0x5b6: {  	v26 =	vadd.s32 v21, v27;
	v25 =	vld [tilespmem:s18+$0x40];
	_ =	sdelay $0x4  }
0x5b7: {  	[tilespmem:v26+s16+$0x0] =	vst.idx.msk $0xffff, v25  }
0x5b8: {  	s15 =	sadd.s32 $0x7, s4;
	s4 =	smov.u32 s13;
	v26 =	vadd.s32 v22, v27;
	v25 =	vld [tilespmem:s18+$0x50]  }
0x5b9: {  	v27 =	vmov s15  }
0x5ba: {  	v27 =	vshrl.u32 v27, $0x3  }
0x5bb: {  	v27 =	vshll.u32 v27, v9  }
0x5bc: {  	v27 =	vbroadcast v27, $0x0  }
0x5bd: {  	[tilespmem:v26+s16+$0x0] =	vst.idx.msk $0xffff, v25  }
0x5be: {  	v26 =	vadd.s32 v23, v27;
	v25 =	vld [tilespmem:s18+$0x60];
	_ =	sdelay $0x2  }
.Ltmp21:
0x5bf: {  	(pc) =	sbr.rel @p0 .LBB2_30-.Ltmp21, $4  }
0x5c0: {  	_ = 	snop  }
0x5c1: {  	[tilespmem:v26+s16+$0x0] =	vst.idx.msk $0xffff, v25  }
0x5c2: {  	v26 =	vadd.s32 v24, v27;
	v25 =	vld [tilespmem:s18+$0x70]  }
0x5c3: {  	s13 =	sadd.s32 $0x8, s13;
	v27 =	vmov s4  }
0x5c4: {  	_ = 	snop  }
0x5c5: {  	v27 =	vshrl.u32 v27, $0x3  }
0x5c6: {  	v27 =	vshll.u32 v27, v9  }
0x5c7: {  	v27 =	vbroadcast v27, $0x0  }
0x5c8: {  	s13 =	sadd.s32 $0x100, s18;
	[tilespmem:v26+s16+$0x0] =	vst.idx.msk $0xffff, v25  }
0x5c9: {  	v25 =	vld [tilespmem:s13+$0xFFFFFF80];
	v26 =	vadd.s32 v6, v27;
	_ =	sdelay $0x4  }
0x5ca: {  	[tilespmem:v26+s16+$0x0] =	vst.idx.msk $0xffff, v25  }
0x5cb: {  	s15 =	sadd.s32 $0x1, s4;
	v26 =	vadd.s32 v10, v27;
	v25 =	vld [tilespmem:s13+$0xFFFFFF90]  }
0x5cc: {  	v27 =	vmov s15  }
0x5cd: {  	v27 =	vshrl.u32 v27, $0x3  }
0x5ce: {  	v27 =	vshll.u32 v27, v9  }
0x5cf: {  	v27 =	vbroadcast v27, $0x0  }
0x5d0: {  	[tilespmem:v26+s16+$0x0] =	vst.idx.msk $0xffff, v25  }
0x5d1: {  	v26 =	vadd.s32 v11, v27;
	v25 =	vld [tilespmem:s13+$0xFFFFFFA0];
	_ =	sdelay $0x4  }
0x5d2: {  	[tilespmem:v26+s16+$0x0] =	vst.idx.msk $0xffff, v25  }
0x5d3: {  	s18 =	sadd.s32 $0x2, s4;
	v26 =	vadd.s32 v12, v27;
	v25 =	vld [tilespmem:s13+$0xFFFFFFB0]  }
0x5d4: {  	v27 =	vmov s18  }
0x5d5: {  	v27 =	vshrl.u32 v27, $0x3  }
0x5d6: {  	v27 =	vshll.u32 v27, v9  }
0x5d7: {  	v27 =	vbroadcast v27, $0x0  }
0x5d8: {  	[tilespmem:v26+s16+$0x0] =	vst.idx.msk $0xffff, v25  }
0x5d9: {  	v26 =	vadd.s32 v13, v27;
	v25 =	vld [tilespmem:s13+$0xFFFFFFC0];
	_ =	sdelay $0x4  }
0x5da: {  	[tilespmem:v26+s16+$0x0] =	vst.idx.msk $0xffff, v25  }
0x5db: {  	s18 =	sadd.s32 $0x3, s4;
	v26 =	vadd.s32 v14, v27;
	v25 =	vld [tilespmem:s13+$0xFFFFFFD0]  }
0x5dc: {  	v27 =	vmov s18  }
0x5dd: {  	v27 =	vshrl.u32 v27, $0x3  }
0x5de: {  	v27 =	vshll.u32 v27, v9  }
0x5df: {  	v27 =	vbroadcast v27, $0x0  }
0x5e0: {  	[tilespmem:v26+s16+$0x0] =	vst.idx.msk $0xffff, v25  }
0x5e1: {  	v26 =	vadd.s32 v15, v27;
	v25 =	vld [tilespmem:s13+$0xFFFFFFE0];
	_ =	sdelay $0x4  }
0x5e2: {  	[tilespmem:v26+s16+$0x0] =	vst.idx.msk $0xffff, v25  }
0x5e3: {  	s18 =	sadd.s32 $0x4, s4;
	v26 =	vadd.s32 v16, v27;
	v25 =	vld [tilespmem:s13+$0xFFFFFFF0]  }
0x5e4: {  	v27 =	vmov s18  }
0x5e5: {  	v27 =	vshrl.u32 v27, $0x3  }
0x5e6: {  	v27 =	vshll.u32 v27, v9  }
0x5e7: {  	v27 =	vbroadcast v27, $0x0  }
0x5e8: {  	[tilespmem:v26+s16+$0x0] =	vst.idx.msk $0xffff, v25  }
0x5e9: {  	v26 =	vadd.s32 v17, v27;
	v25 =	vld [tilespmem:s13+$0x0];
	_ =	sdelay $0x4  }
0x5ea: {  	[tilespmem:v26+s16+$0x0] =	vst.idx.msk $0xffff, v25  }
0x5eb: {  	s18 =	sadd.s32 $0x5, s4;
	v26 =	vadd.s32 v18, v27;
	v25 =	vld [tilespmem:s13+$0x10]  }
0x5ec: {  	v27 =	vmov s18  }
0x5ed: {  	v27 =	vshrl.u32 v27, $0x3  }
0x5ee: {  	v27 =	vshll.u32 v27, v9  }
0x5ef: {  	v27 =	vbroadcast v27, $0x0  }
0x5f0: {  	[tilespmem:v26+s16+$0x0] =	vst.idx.msk $0xffff, v25  }
0x5f1: {  	v26 =	vadd.s32 v19, v27;
	v25 =	vld [tilespmem:s13+$0x20];
	_ =	sdelay $0x4  }
0x5f2: {  	[tilespmem:v26+s16+$0x0] =	vst.idx.msk $0xffff, v25  }
0x5f3: {  	s18 =	sadd.s32 $0x6, s4;
	v26 =	vadd.s32 v20, v27;
	v25 =	vld [tilespmem:s13+$0x30]  }
0x5f4: {  	v27 =	vmov s18  }
0x5f5: {  	v27 =	vshrl.u32 v27, $0x3  }
0x5f6: {  	v27 =	vshll.u32 v27, v9  }
0x5f7: {  	v27 =	vbroadcast v27, $0x0  }
0x5f8: {  	[tilespmem:v26+s16+$0x0] =	vst.idx.msk $0xffff, v25  }
0x5f9: {  	v26 =	vadd.s32 v21, v27;
	v25 =	vld [tilespmem:s13+$0x40];
	_ =	sdelay $0x4  }
0x5fa: {  	[tilespmem:v26+s16+$0x0] =	vst.idx.msk $0xffff, v25  }
0x5fb: {  	s18 =	sadd.s32 $0x7, s4;
	v26 =	vadd.s32 v22, v27;
	v25 =	vld [tilespmem:s13+$0x50]  }
0x5fc: {  	v27 =	vmov s18  }
0x5fd: {  	v27 =	vshrl.u32 v27, $0x3  }
0x5fe: {  	v27 =	vshll.u32 v27, v9  }
0x5ff: {  	v27 =	vbroadcast v27, $0x0  }
0x600: {  	[tilespmem:v26+s16+$0x0] =	vst.idx.msk $0xffff, v25  }
0x601: {  	v26 =	vadd.s32 v23, v27;
	v25 =	vld [tilespmem:s13+$0x60];
	_ =	sdelay $0x4  }
0x602: {  	[tilespmem:v26+s16+$0x0] =	vst.idx.msk $0xffff, v25  }
0x603: {  	v26 =	vadd.s32 v24, v27;
	v25 =	vld [tilespmem:s13+$0x70];
	_ =	sdelay $0x2  }
0x604: {  	s0 =	sadd.s32 s25, s0  }
0x605: {  	s0 =	sshrl.u32 s0, $0x3  }
0x606: {  	s4 =	sadd.s32 s1, s0;
	[tilespmem:v26+s16+$0x0] =	vst.idx.msk $0xffff, v25  }
0x607: {  	[hbm4b:s4+s2] =	stream.linear.scatter [tilespmem:s16], [sflag:$0xA], $0x80, $0x38;
	[tilespmem:$0xDF00] =	vst v63  }
0x608: {  	s15 =	sadd.s32 $0x10, s4;
	s18 =	simm.s32 $0xCD90  }
0x609: {  	[hbm4b:s15+s2] =	stream.linear.scatter [tilespmem:s18], [sflag:$0xA], $0x80, $0x38;
	[tilespmem:$0xDF00] =	vst v63  }
0x60a: {  	s15 =	sadd.s32 $0x20, s4;
	s18 =	simm.s32 $0xCE20  }
0x60b: {  	[hbm4b:s15+s2] =	stream.linear.scatter [tilespmem:s18], [sflag:$0xA], $0x80, $0x38;
	[tilespmem:$0xDF00] =	vst v63  }
0x60c: {  	s15 =	sadd.s32 $0x30, s4;
	s18 =	simm.s32 $0xCEB0  }
0x60d: {  	[hbm4b:s15+s2] =	stream.linear.scatter [tilespmem:s18], [sflag:$0xA], $0x80, $0x38;
	[tilespmem:$0xDF00] =	vst v63  }
0x60e: {  	s15 =	sadd.s32 $0x40, s4;
	s18 =	simm.s32 $0xCF40  }
0x60f: {  	[hbm4b:s15+s2] =	stream.linear.scatter [tilespmem:s18], [sflag:$0xA], $0x80, $0x38;
	[tilespmem:$0xDF00] =	vst v63  }
0x610: {  	s15 =	sadd.s32 $0x50, s4;
	s18 =	simm.s32 $0xCFD0  }
0x611: {  	[hbm4b:s15+s2] =	stream.linear.scatter [tilespmem:s18], [sflag:$0xA], $0x80, $0x38;
	[tilespmem:$0xDF00] =	vst v63  }
0x612: {  	s15 =	sadd.s32 $0x60, s4;
	s18 =	simm.s32 $0xD060  }
0x613: {  	[hbm4b:s15+s2] =	stream.linear.scatter [tilespmem:s18], [sflag:$0xA], $0x80, $0x38;
	[tilespmem:$0xDF00] =	vst v63  }
0x614: {  	s4 =	sadd.s32 $0x70, s4;
	s18 =	simm.s32 $0xD0F0;
	s15 =	sor.u32 $0x4000, s0  }
0x615: {  	[hbm4b:s4+s2] =	stream.linear.scatter [tilespmem:s18], [sflag:$0xA], $0x80, $0x38;
	[tilespmem:$0xDF00] =	vst v63  }
0x616: {  	s4 =	sadd.s32 s1, s15;
	s18 =	simm.s32 $0xD180  }
0x617: {  	[hbm4b:s4+s2] =	stream.linear.scatter [tilespmem:s18], [sflag:$0xA], $0x80, $0x38;
	[tilespmem:$0xDF00] =	vst v63  }
0x618: {  	s15 =	sadd.s32 $0x10, s4;
	s18 =	simm.s32 $0xD210  }
0x619: {  	[hbm4b:s15+s2] =	stream.linear.scatter [tilespmem:s18], [sflag:$0xA], $0x80, $0x38;
	[tilespmem:$0xDF00] =	vst v63  }
0x61a: {  	s15 =	sadd.s32 $0x20, s4;
	s18 =	simm.s32 $0xD2A0  }
0x61b: {  	[hbm4b:s15+s2] =	stream.linear.scatter [tilespmem:s18], [sflag:$0xA], $0x80, $0x38;
	[tilespmem:$0xDF00] =	vst v63  }
0x61c: {  	s15 =	sadd.s32 $0x30, s4;
	s18 =	simm.s32 $0xD330  }
0x61d: {  	[hbm4b:s15+s2] =	stream.linear.scatter [tilespmem:s18], [sflag:$0xA], $0x80, $0x38;
	[tilespmem:$0xDF00] =	vst v63  }
0x61e: {  	s15 =	sadd.s32 $0x40, s4;
	s18 =	simm.s32 $0xD3C0  }
0x61f: {  	[hbm4b:s15+s2] =	stream.linear.scatter [tilespmem:s18], [sflag:$0xA], $0x80, $0x38;
	[tilespmem:$0xDF00] =	vst v63  }
0x620: {  	s15 =	sadd.s32 $0x50, s4;
	s18 =	simm.s32 $0xD450  }
0x621: {  	[hbm4b:s15+s2] =	stream.linear.scatter [tilespmem:s18], [sflag:$0xA], $0x80, $0x38;
	[tilespmem:$0xDF00] =	vst v63  }
0x622: {  	s15 =	sadd.s32 $0x60, s4;
	s18 =	simm.s32 $0xD4E0  }
0x623: {  	[hbm4b:s15+s2] =	stream.linear.scatter [tilespmem:s18], [sflag:$0xA], $0x80, $0x38;
	[tilespmem:$0xDF00] =	vst v63  }
0x624: {  	s4 =	sadd.s32 $0x70, s4;
	s18 =	simm.s32 $0xD570;
	s15 =	sor.u32 $0x8000, s0  }
0x625: {  	[hbm4b:s4+s2] =	stream.linear.scatter [tilespmem:s18], [sflag:$0xA], $0x80, $0x38;
	[tilespmem:$0xDF00] =	vst v63  }
0x626: {  	s4 =	sadd.s32 s1, s15;
	s18 =	simm.s32 $0xD600  }
0x627: {  	[hbm4b:s4+s2] =	stream.linear.scatter [tilespmem:s18], [sflag:$0xA], $0x80, $0x38;
	[tilespmem:$0xDF00] =	vst v63  }
0x628: {  	s15 =	sadd.s32 $0x10, s4;
	s18 =	simm.s32 $0xD690  }
0x629: {  	[hbm4b:s15+s2] =	stream.linear.scatter [tilespmem:s18], [sflag:$0xA], $0x80, $0x38;
	[tilespmem:$0xDF00] =	vst v63  }
0x62a: {  	s15 =	sadd.s32 $0x20, s4;
	s18 =	simm.s32 $0xD720  }
0x62b: {  	[hbm4b:s15+s2] =	stream.linear.scatter [tilespmem:s18], [sflag:$0xA], $0x80, $0x38;
	[tilespmem:$0xDF00] =	vst v63  }
0x62c: {  	s15 =	sadd.s32 $0x30, s4;
	s18 =	simm.s32 $0xD7B0  }
0x62d: {  	[hbm4b:s15+s2] =	stream.linear.scatter [tilespmem:s18], [sflag:$0xA], $0x80, $0x38;
	[tilespmem:$0xDF00] =	vst v63  }
0x62e: {  	s15 =	sadd.s32 $0x40, s4;
	s18 =	simm.s32 $0xD840  }
0x62f: {  	[hbm4b:s15+s2] =	stream.linear.scatter [tilespmem:s18], [sflag:$0xA], $0x80, $0x38;
	[tilespmem:$0xDF00] =	vst v63  }
0x630: {  	s15 =	sadd.s32 $0x50, s4;
	s18 =	simm.s32 $0xD8D0  }
0x631: {  	[hbm4b:s15+s2] =	stream.linear.scatter [tilespmem:s18], [sflag:$0xA], $0x80, $0x38;
	[tilespmem:$0xDF00] =	vst v63  }
0x632: {  	s15 =	sadd.s32 $0x60, s4;
	s18 =	simm.s32 $0xD960  }
0x633: {  	[hbm4b:s15+s2] =	stream.linear.scatter [tilespmem:s18], [sflag:$0xA], $0x80, $0x38;
	[tilespmem:$0xDF00] =	vst v63  }
0x634: {  	s0 =	sor.u32 $0xC000, s0;
	s4 =	sadd.s32 $0x70, s4;
	s18 =	simm.s32 $0xD9F0  }
0x635: {  	[hbm4b:s4+s2] =	stream.linear.scatter [tilespmem:s18], [sflag:$0xA], $0x80, $0x38;
	[tilespmem:$0xDF00] =	vst v63  }
0x636: {  	s13 =	simm.s32 $0xDA80;
	s0 =	sadd.s32 s1, s0  }
0x637: {  	[hbm4b:s0+s2] =	stream.linear.scatter [tilespmem:s13], [sflag:$0xA], $0x80, $0x38;
	[tilespmem:$0xDF00] =	vst v63  }
0x638: {  	s15 =	sadd.s32 $0x10, s0;
	s18 =	simm.s32 $0xDB10  }
0x639: {  	[hbm4b:s15+s2] =	stream.linear.scatter [tilespmem:s18], [sflag:$0xA], $0x80, $0x38;
	[tilespmem:$0xDF00] =	vst v63  }
0x63a: {  	s15 =	sadd.s32 $0x20, s0;
	s18 =	simm.s32 $0xDBA0  }
0x63b: {  	[hbm4b:s15+s2] =	stream.linear.scatter [tilespmem:s18], [sflag:$0xA], $0x80, $0x38;
	[tilespmem:$0xDF00] =	vst v63  }
0x63c: {  	s15 =	sadd.s32 $0x30, s0;
	s18 =	simm.s32 $0xDC30  }
0x63d: {  	[hbm4b:s15+s2] =	stream.linear.scatter [tilespmem:s18], [sflag:$0xA], $0x80, $0x38;
	[tilespmem:$0xDF00] =	vst v63  }
0x63e: {  	s15 =	sadd.s32 $0x40, s0;
	s18 =	simm.s32 $0xDCC0  }
0x63f: {  	[hbm4b:s15+s2] =	stream.linear.scatter [tilespmem:s18], [sflag:$0xA], $0x80, $0x38;
	[tilespmem:$0xDF00] =	vst v63  }
0x640: {  	p0 =	seq.s32 s28, $0x9;
	s15 =	sadd.s32 $0x50, s0;
	s18 =	simm.s32 $0xDD50  }
0x641: {  	[hbm4b:s15+s2] =	stream.linear.scatter [tilespmem:s18], [sflag:$0xA], $0x80, $0x38;
	[tilespmem:$0xDF00] =	vst v63  }
.Ltmp22:
0x642: {  	_ = 	snop;
	(pc) =	sbr.rel @p0 .LBB2_33-.Ltmp22, $4  }
0x643: {  	s15 =	sadd.s32 $0x60, s0;
	s18 =	simm.s32 $0xDDE0  }
0x644: {  	[hbm4b:s15+s2] =	stream.linear.scatter [tilespmem:s18], [sflag:$0xA], $0x80, $0x38;
	[tilespmem:$0xDF00] =	vst v63  }
0x645: {  	s0 =	sadd.s32 $0x70, s0  }
0x646: {  	[hbm4b:s0+s2] =	stream.linear.scatter [tilespmem:s17], [sflag:$0xA], $0x80, $0x38;
	[tilespmem:$0xDF00] =	vst v63  }
0x647: {  	s0 =	smul.u32 $0xA00, s28  }
.Ltmp23:
0x648: {  	_ = 	snop;
	(pc) =	sbr.rel .LBB2_5-.Ltmp23, $4  }
0x649: {  	_ = 	snop  }
0x64a: {  	s0 =	sshra.s32 s0, $0x2  }
0x64b: {  	s4 =	simm.s32 $0x7500;
	s28 =	sadd.s32 $0x1, s28;
	s0 =	sadd.s32 $0x2080, s0  }
0x64c: {  	[tilespmem:s4], [sflag:$0x5] =	stream.indirect.gather [hbm4b:s5+s9], $0x20, s0, s9, $0xb8;
	[tilespmem:$0xDF00] =	vst v63  }
.LBB2_35:
0x64d: {  	_ =	sfence.sel $0x180000  }
0x64e: {  	[bflag:$0x0] =	sbarrier.arrive $0xFFFF  }
0x64f: {  	_ =	strace $0x90000047  }
0x650: {  	s0 =	stileid.u32;
	[bflag:$0x2] =	sbarrier.arrive $0xFFFF  }
0x651: {  	p0 =	sne.s32 s0, $0x0;
	s0 =	rddreg [dreg:$0x2]  }
0x652: {  	s0 =	sadd.s32 @!p0 $0x100000, s0  }
0x653: {  	[sflag:s0] =	ssyncadd.tile.s32 @!p0 $0x1;
	_ =	shalt  }
.Lfunc_end2:
_tile_overlayer_lowered:
.L_overlay_start_2:
0x654: {  	(tag) =	ssettag $0x2  }
0x655: {  	s0 =	rddreg [dreg:$0x0];
	s2 =	stileid.u32  }
0x656: {  	s1 =	rddreg [dreg:$0x1];
	p0 =	sne.s32 s2, $0x0  }
0x657: {  	s3 =	rddreg [dreg:$0x2];
	[bflag:$0x3] =	sbarrier.arrive $0xFFFF;
	s2 =	simm.s32 @!p0 $0x1C0B  }
0x658: {  	[timem:s3], [sflag:s2] =	dma.local @!p0 [hbm:s0], s1  }
0x659: {  	s0 =	simm.s32 @!p0 $0xB  }
0x65a: {  	_ =	swait.ge @!p0 [sflag:s0], s1  }
0x65b: {  	s1 =	ssub.s32 @!p0 $0x0, s1;
	[sflag:s0] =	ssyncset.done @!p0 $0x0  }
0x65c: {  	[sflag:s0] =	ssyncadd.s32 @!p0 s1  }
0x65d: {  	[bflag:$0x3] =	sbarrier.arrive $0xFFFF  }
0x65e: {  	_ =	shalt  }

</sc_bundles>
